<compile_context>
chip_gen: v7x
topology: tpu7x:2x2x1
jax: 0.10.2.dev20260603
libtpu: 0.0.44.dev20260713+nightly
codegen_flags: <defaults>
</compile_context>

<pallas_src>
import jax
import jax.numpy as jnp
from jax import lax
from jax.experimental import pallas as pl
from jax.experimental.pallas import tpu as pltpu
from jax.experimental.pallas import tpu_sc as plsc

D = 128
NS = 16
NC = 2
GR = 2
EG = GR * 128
PAD_ROWS = 2560


def _sc_mesh():
    return plsc.VectorSubcoreMesh(core_axis_name="c", subcore_axis_name="s")


def _sc_params():
    return pltpu.CompilerParams(use_tc_tiling_on_sc=False)




def _counts_call(tpn, hpn, zc):
    n = zc.shape[0] * NS
    nper = n // NS
    nbatch = PAD_ROWS // 8 // NS

    def body(t_ref, h_ref, zc_ref, ct_ref, ch_ref, acc, idxb, ones, sem):
        cid = lax.axis_index("c")
        sid = lax.axis_index("s")

        def fill(i, _):
            for jj in range(8):
                ones[i, pl.ds(jj * 16, 16)] = jnp.full((16,), 1.0, jnp.float32)
            return 0

        lax.fori_loop(0, 128, fill, 0)
        pltpu.sync_copy(zc_ref, acc.at[pl.ds(sid * nper, nper)])
        plsc.subcore_barrier()

        def stream(idx_ref):
            def batch(b, _):
                r0 = (b * NS + sid) * 8
                pltpu.sync_copy(idx_ref.at[pl.ds(r0, 8)], idxb)
                cps = [
                    pltpu.async_copy(ones, acc.at[idxb.at[j]], sem, add=True)
                    for j in range(8)
                ]
                for cp in cps:
                    cp.wait()
                return 0

            lax.fori_loop(0, nbatch, batch, 0)

        @pl.when(cid == 0)
        def _():
            stream(t_ref)

        @pl.when(cid == 1)
        def _():
            stream(h_ref)

        plsc.subcore_barrier()

        @pl.when(cid == 0)
        def _():
            pltpu.sync_copy(
                acc.at[pl.ds(sid * nper, nper)], ct_ref.at[pl.ds(sid * nper, nper)]
            )

        @pl.when(cid == 1)
        def _():
            pltpu.sync_copy(
                acc.at[pl.ds(sid * nper, nper)], ch_ref.at[pl.ds(sid * nper, nper)]
            )

    out = jax.ShapeDtypeStruct((n, 128), jnp.float32)
    return pl.kernel(
        body,
        out_type=(out, out),
        mesh=_sc_mesh(),
        compiler_params=_sc_params(),
        scratch_types=[
            pltpu.VMEM_SHARED((n + 16, 128), jnp.float32),
            pltpu.VMEM((8, 128), jnp.int32),
            pltpu.VMEM((128, 128), jnp.float32),
            pltpu.SemaphoreType.DMA,
        ],
    )(tpn, hpn, zc)


def _gather_call(h, hp0, tp0, r_rows, prow):
    n, d = h.shape
    m = r_rows * 128
    ng = (r_rows + GR - 1) // GR
    nloop = prow // GR // NS

    def body(h_ref, hidx_ref, tidx_ref, hh_ref, ht_ref,
             idx0, idx1, rows0, rows1, sem0, sem1):
        cid = lax.axis_index("c")
        sid = lax.axis_index("s")

        def stream(idx_ref, out_ref):
            bufs = ((idx0, rows0, sem0), (idx1, rows1, sem1))

            def prep(i, pr):
                idxb, rows, sem = bufs[pr]
                g = i * NS + sid
                pltpu.sync_copy(idx_ref.at[pl.ds(g * GR, GR)], idxb)
                for j in range(GR):
                    pltpu.async_copy(
                        h_ref.at[idxb.at[j]],
                        rows.at[pl.ds(j * 128, 128)],
                        sem,
                    )

            def finish(i, pr):
                idxb, rows, sem = bufs[pr]
                g = i * NS + sid
                for j in range(GR):
                    pltpu.make_async_copy(
                        h_ref.at[idxb.at[j]],
                        rows.at[pl.ds(j * 128, 128)],
                        sem,
                    ).wait()

                @pl.when(g < ng)
                def _():
                    pltpu.sync_copy(rows, out_ref.at[pl.ds(g * EG, EG)])

            prep(0, 0)

            def it(k, _):
                i0 = k * 2
                prep(i0 + 1, 1)
                finish(i0, 0)

                @pl.when(i0 + 2 < nloop)
                def _():
                    prep(i0 + 2, 0)

                finish(i0 + 1, 1)
                return 0

            lax.fori_loop(0, nloop // 2, it, 0)

        @pl.when(cid == 0)
        def _():
            stream(hidx_ref, hh_ref)

        @pl.when(cid == 1)
        def _():
            stream(tidx_ref, ht_ref)

    out = jax.ShapeDtypeStruct((m, d), jnp.float32)
    return pl.kernel(
        body,
        out_type=(out, out),
        mesh=_sc_mesh(),
        compiler_params=_sc_params(),
        scratch_types=[
            pltpu.VMEM((GR, 128), jnp.int32),
            pltpu.VMEM((GR, 128), jnp.int32),
            pltpu.VMEM((EG, d), jnp.float32),
            pltpu.VMEM((EG, d), jnp.float32),
            pltpu.SemaphoreType.DMA,
            pltpu.SemaphoreType.DMA,
        ],
    )(h, hp0, tp0)


def _scatter_m_call(mf, mb, tpn, hpn, zrows, r_rows, prow):
    m, d = mf.shape
    n = zrows.shape[0] * NS
    nper = n // NS
    nloop = prow // NS
    t32 = tpn.reshape(prow * 4, 32)
    h32 = hpn.reshape(prow * 4, 32)

    def body(mf_ref, mb_ref, t_ref, h_ref, z_ref, af_ref, ab_ref,
             acc, idx0, idx1, rows0, rows1, lsem0, lsem1, ssem0, ssem1):
        cid = lax.axis_index("c")
        sid = lax.axis_index("s")
        pltpu.sync_copy(z_ref, acc.at[pl.ds(sid * nper, nper)])
        plsc.subcore_barrier()

        def stream(src_ref, idx_ref):
            g0_ = sid * nloop
            bufs = (
                (idx0, rows0, lsem0, ssem0),
                (idx1, rows1, lsem1, ssem1),
            )

            def prep(i, pr):
                ib, rows, lsem, _ = bufs[pr]
                g = g0_ + i
                r = jnp.where(g < r_rows, g, 0)
                pltpu.sync_copy(idx_ref.at[pl.ds(4 * g, 4)], ib)
                pltpu.async_copy(src_ref.at[pl.ds(r * 128, 128)], rows, lsem)

            def launch(i, pr):
                ib, rows, lsem, ssem = bufs[pr]
                pltpu.make_async_copy(
                    src_ref.at[pl.ds(0, 128)], rows, lsem
                ).wait()
                for j in range(4):
                    pltpu.async_copy(
                        rows.at[pl.ds(j * 32, 32)],
                        acc.at[ib.at[j]],
                        ssem,
                        add=True,
                    )

            def drain(pr):
                ib, rows, _, ssem = bufs[pr]
                for j in range(4):
                    pltpu.make_async_copy(
                        rows.at[pl.ds(j * 32, 32)], acc.at[ib.at[j]], ssem
                    ).wait()

            prep(0, 0)

            def it(k, _):
                i0 = k * 2
                launch(i0, 0)

                @pl.when(k > 0)
                def _():
                    drain(1)

                prep(i0 + 1, 1)
                drain(0)

                @pl.when(i0 + 2 < nloop)
                def _():
                    prep(i0 + 2, 0)

                launch(i0 + 1, 1)
                return 0

            lax.fori_loop(0, nloop // 2, it, 0)
            drain(1)

        @pl.when(cid == 0)
        def _():
            stream(mf_ref, t_ref)

        @pl.when(cid == 1)
        def _():
            stream(mb_ref, h_ref)

        plsc.subcore_barrier()

        @pl.when(cid == 0)
        def _():
            pltpu.sync_copy(
                acc.at[pl.ds(sid * nper, nper)], af_ref.at[pl.ds(sid * nper, nper)]
            )

        @pl.when(cid == 1)
        def _():
            pltpu.sync_copy(
                acc.at[pl.ds(sid * nper, nper)], ab_ref.at[pl.ds(sid * nper, nper)]
            )

    out = jax.ShapeDtypeStruct((n, d), jnp.float32)
    return pl.kernel(
        body,
        out_type=(out, out),
        mesh=_sc_mesh(),
        compiler_params=_sc_params(),
        scratch_types=[
            pltpu.VMEM_SHARED((n + 16, d), jnp.float32),
            pltpu.VMEM((4, 32), jnp.int32),
            pltpu.VMEM((4, 32), jnp.int32),
            pltpu.VMEM((128, d), jnp.float32),
            pltpu.VMEM((128, d), jnp.float32),
            pltpu.SemaphoreType.DMA,
            pltpu.SemaphoreType.DMA,
            pltpu.SemaphoreType.DMA,
            pltpu.SemaphoreType.DMA,
        ],
    )(mf, mb, t32, h32, zrows)




def _leaky(x):
    return jnp.where(x >= 0, x, 0.01 * x)


def _ln(x, g, b):
    mu = jnp.mean(x, axis=-1, keepdims=True)
    var = jnp.mean((x - mu) ** 2, axis=-1, keepdims=True)
    return (x - mu) * lax.rsqrt(var + 1e-5) * g + b


def _edge_msg_call(e, hh, ht, wpre, wf, wb, be, ge, bee, bf, bb):
    m, d = e.shape
    bm = 3200

    def body(e_ref, hh_ref, ht_ref, wpre_ref, wf_ref, wb_ref,
             be_ref, ge_ref, bee_ref, bf_ref, bb_ref,
             en_out, mf_out, mb_out):
        ev = e_ref[...]
        hhv = hh_ref[...]
        htv = ht_ref[...]
        x = jnp.concatenate([hhv, ev, htv], axis=-1)
        pre = jnp.dot(x, wpre_ref[...], preferred_element_type=jnp.float32)
        u = _leaky(pre + be_ref[...]) + ev
        en = _ln(u, ge_ref[...], bee_ref[...])
        en_out[...] = en
        xf = jnp.concatenate([hhv, en], axis=-1)
        mf_out[...] = (
            jnp.dot(xf, wf_ref[...], preferred_element_type=jnp.float32)
            + bf_ref[...]
        )
        xb = jnp.concatenate([htv, en], axis=-1)
        mb_out[...] = (
            jnp.dot(xb, wb_ref[...], preferred_element_type=jnp.float32)
            + bb_ref[...]
        )

    outs = [jax.ShapeDtypeStruct((m, d), jnp.float32)] * 3
    return pl.pallas_call(
        body,
        grid=(m // bm,),
        in_specs=[
            pl.BlockSpec((bm, d), lambda i: (i, 0)),
            pl.BlockSpec((bm, d), lambda i: (i, 0)),
            pl.BlockSpec((bm, d), lambda i: (i, 0)),
            pl.BlockSpec((3 * d, d), lambda i: (0, 0)),
            pl.BlockSpec((2 * d, d), lambda i: (0, 0)),
            pl.BlockSpec((2 * d, d), lambda i: (0, 0)),
            pl.BlockSpec((1, d), lambda i: (0, 0)),
            pl.BlockSpec((1, d), lambda i: (0, 0)),
            pl.BlockSpec((1, d), lambda i: (0, 0)),
            pl.BlockSpec((1, d), lambda i: (0, 0)),
            pl.BlockSpec((1, d), lambda i: (0, 0)),
        ],
        out_specs=[
            pl.BlockSpec((bm, d), lambda i: (i, 0)),
            pl.BlockSpec((bm, d), lambda i: (i, 0)),
            pl.BlockSpec((bm, d), lambda i: (i, 0)),
        ],
        out_shape=outs,
    )(e, hh, ht, wpre, wf, wb, be, ge, bee, bf, bb)


def _node_call(h, accs, ct, ch, gn, bn_):
    n, d = h.shape
    bn = 1000
    na = len(accs)

    def body(*refs):
        h_ref = refs[0]
        acc_refs = refs[1 : 1 + na]
        ct_ref, ch_ref, gn_ref, bn_ref, h_out = refs[1 + na :]
        agg = acc_refs[0][...]
        for r in acc_refs[1:]:
            agg = agg + r[...]
        cnt = ct_ref[...][:, :1] + ch_ref[...][:, :1]
        agg = agg / cnt
        u = _leaky(agg) + h_ref[...]
        h_out[...] = _ln(u, gn_ref[...], bn_ref[...])

    return pl.pallas_call(
        body,
        grid=(n // bn,),
        in_specs=[pl.BlockSpec((bn, d), lambda i: (i, 0))] * (1 + na)
        + [
            pl.BlockSpec((bn, d), lambda i: (i, 0)),
            pl.BlockSpec((bn, d), lambda i: (i, 0)),
            pl.BlockSpec((1, d), lambda i: (0, 0)),
            pl.BlockSpec((1, d), lambda i: (0, 0)),
        ],
        out_specs=pl.BlockSpec((bn, d), lambda i: (i, 0)),
        out_shape=jax.ShapeDtypeStruct((n, d), jnp.float32),
    )(h, *accs, ct, ch, gn, bn_)




def kernel(H, E, r_embed, ht, queries, layers):
    n, d = H.shape
    m = E.shape[0]
    r_rows = m // 128

    heads = ht[:, 0].astype(jnp.int32)
    tails = ht[:, 1].astype(jnp.int32)
    h2d = heads.reshape(r_rows, 128)
    t2d = tails.reshape(r_rows, 128)
    pad = PAD_ROWS - r_rows
    hpn = jnp.pad(h2d, ((0, pad), (0, 0)), constant_values=n)
    tpn = jnp.pad(t2d, ((0, pad), (0, 0)), constant_values=n)

    nch = 1
    crows = r_rows // nch
    prow = PAD_ROWS // nch
    cidx = []
    for c in range(nch):
        hc = h2d[c * crows : (c + 1) * crows]
        tc = t2d[c * crows : (c + 1) * crows]
        cpad = prow - crows
        cidx.append(
            dict(
                hp0=jnp.pad(hc, ((0, cpad), (0, 0))),
                tp0=jnp.pad(tc, ((0, cpad), (0, 0))),
                hpn=jnp.pad(hc, ((0, cpad), (0, 0)), constant_values=n),
                tpn=jnp.pad(tc, ((0, cpad), (0, 0)), constant_values=n),
            )
        )

    zrows = jnp.zeros((n // NS, d), jnp.float32)
    zc = jnp.zeros((n // NS, 128), jnp.float32)

    packed = []
    for lp in layers:
        packed.append(
            dict(
                wpre=lp["We"].T,
                wf=lp["Wf"].T,
                wb=lp["Wb"].T,
                be=lp["be"].reshape(1, d),
                ge=lp["ge"].reshape(1, d),
                bee=lp["bee"].reshape(1, d),
                bf=lp["bf"].reshape(1, d),
                bb=lp["bb"].reshape(1, d),
                gn=lp["gn"].reshape(1, d),
                bn=lp["bn"].reshape(1, d),
            )
        )

    ct, ch = _counts_call(tpn, hpn, zc)

    cm = crows * 128
    echunks = [E[c * cm : (c + 1) * cm] for c in range(nch)]
    for lp in packed:
        accs = []
        enchunks = []
        for c in range(nch):
            ci = cidx[c]
            hh, htg = _gather_call(H, ci["hp0"], ci["tp0"], crows, prow)
            en, mf, mb = _edge_msg_call(
                echunks[c], hh, htg,
                lp["wpre"], lp["wf"], lp["wb"],
                lp["be"], lp["ge"], lp["bee"], lp["bf"], lp["bb"],
            )
            af, ab = _scatter_m_call(
                mf, mb, ci["tpn"], ci["hpn"], zrows, crows, prow
            )
            accs += [af, ab]
            enchunks.append(en)
        H = _node_call(H, accs, ct, ch, lp["gn"], lp["bn"])
        echunks = enchunks
    return H

# --- scband reference (transcript-rebuilt; emitter-appended) ---
"""Pipeline reference for scband-kgcompletion-gnn-84963043049955 (READ-ONLY COPY).

The authoritative reference and input builder live on the scoring server;
editing this copy changes nothing except your own understanding.
"""

import jax, jax.numpy as jnp
import numpy as np


def _layer_norm(x, g, b, eps=1e-5):
    mu = jnp.mean(x, axis=-1, keepdims=True)
    var = jnp.mean((x - mu) ** 2, axis=-1, keepdims=True)
    return (x - mu) / jnp.sqrt(var + eps) * g + b


def _leaky_relu(x, slope=0.01):
    return jnp.where(x >= 0, x, slope * x)


def setup_inputs(seed: int = 0) -> dict:
    key = jax.random.key(seed)
    n, m, d, L = 10000, 320000, 128, 2
    ks = iter(jax.random.split(key, 64))
    H = jax.random.normal(next(ks), (n, d), dtype=jnp.float32)
    E = jax.random.normal(next(ks), (m, d), dtype=jnp.float32)
    r_embed = jax.random.normal(next(ks), (m, d), dtype=jnp.float32)
    ht = jax.random.randint(next(ks), (m, 2), 0, n, dtype=jnp.int32)
    queries = jax.random.randint(next(ks), (m,), 0, 2, dtype=jnp.int32)
    layers = []
    for _ in range(L):
        lp = {
            'We': jax.random.normal(next(ks), (d, 3 * d), dtype=jnp.float32) / np.sqrt(3 * d),
            'be': jnp.zeros((d,), jnp.float32),
            'ge': jnp.ones((d,), jnp.float32),
            'bee': jnp.zeros((d,), jnp.float32),
            'Wf': jax.random.normal(next(ks), (d, 2 * d), dtype=jnp.float32) / np.sqrt(2 * d),
            'bf': jnp.zeros((d,), jnp.float32),
            'Wb': jax.random.normal(next(ks), (d, 2 * d), dtype=jnp.float32) / np.sqrt(2 * d),
            'bb': jnp.zeros((d,), jnp.float32),
            'gn': jnp.ones((d,), jnp.float32),
            'bn': jnp.zeros((d,), jnp.float32),
        }
        layers.append(lp)
    return {'H': H, 'E': E, 'r_embed': r_embed, 'ht': ht, 'queries': queries, 'layers': layers}


def reference(H, E, r_embed, ht, queries, layers):
    # KGCompletionGNN forward: L stacked (EdgeUpdateLayer -> MessagePassingLayer)
    # message_weighting_function=None, so queries are carried but unused in MP.
    n, d = H.shape
    heads = ht[:, 0]
    tails = ht[:, 1]
    for lp in layers:
        # EdgeUpdateLayer
        head_rep = jnp.take(H, heads, axis=0)
        tail_rep = jnp.take(H, tails, axis=0)
        triple_rep = jnp.concatenate([head_rep, E, tail_rep], axis=1)
        edge_update = _leaky_relu(triple_rep @ lp['We'].T + lp['be'])
        E = _layer_norm(edge_update + E, lp['ge'], lp['bee'])
        # MessagePassingLayer: fwd + back message calculation
        mf = jnp.concatenate([jnp.take(H, heads, axis=0), E], axis=1) @ lp['Wf'].T + lp['bf']
        mb = jnp.concatenate([jnp.take(H, tails, axis=0), E], axis=1) @ lp['Wb'].T + lp['bb']
        # aggregate: scatter-add to destinations, then mean by message count
        msg_dst = jnp.concatenate([tails, heads], axis=0)
        messages = jnp.concatenate([mf, mb], axis=0)
        agg = jnp.zeros((n, d), dtype=H.dtype).at[msg_dst].add(messages)
        num_msgs = jnp.bincount(msg_dst, length=n).astype(jnp.float32)
        agg = agg / num_msgs[:, None]
        H = _layer_norm(_leaky_relu(agg) + H, lp['gn'], lp['bn'])
    return H

if __name__ == "__main__":
    import jax
    _d = setup_inputs()
    print(jax.jit(kernel)(*tuple(_d.values())))

</pallas_src>

<mosaic_0001>
#map = affine_map<(d0, d1) -> (0, 0)>
module attributes {stable_mosaic.version = 14 : i64} {
  func.func @body(%arg0: i32, %arg1: i32, %arg2: memref<320000x128xf32, #tpu.memory_space<hbm>>, %arg3: memref<320000x128xf32, #tpu.memory_space<hbm>>, %arg4: memref<10240x32xi32, #tpu.memory_space<hbm>>, %arg5: memref<10240x32xi32, #tpu.memory_space<hbm>>, %arg6: memref<625x128xf32, #tpu.memory_space<hbm>>, %arg7: memref<10000x128xf32, #tpu.memory_space<hbm>>, %arg8: memref<10000x128xf32, #tpu.memory_space<hbm>>, %arg9: memref<10016x128xf32, #tpu.memory_space<vmem_shared>>, %arg10: memref<4x32xi32, #tpu.memory_space<vmem>>, %arg11: memref<4x32xi32, #tpu.memory_space<vmem>>, %arg12: memref<128x128xf32, #tpu.memory_space<vmem>>, %arg13: memref<128x128xf32, #tpu.memory_space<vmem>>, %arg14: memref<!tpu.dma_semaphore, #tpu.memory_space<semaphore_mem>>, %arg15: memref<!tpu.dma_semaphore, #tpu.memory_space<semaphore_mem>>, %arg16: memref<!tpu.dma_semaphore, #tpu.memory_space<semaphore_mem>>, %arg17: memref<!tpu.dma_semaphore, #tpu.memory_space<semaphore_mem>>) attributes {dimension_semantics = [#tpu.dimension_semantics<core_parallel>, #tpu.dimension_semantics<subcore_parallel>], iteration_bounds = array<i64: 2, 16>, scalar_prefetch = 0 : i64, scratch_operands = 9 : i64, tpu.core_type = #tpu.core_type<sc_vector_subcore>, window_params = [{transform_indices = #map}, {transform_indices = #map}, {transform_indices = #map}, {transform_indices = #map}, {transform_indices = #map}, {transform_indices = #map}, {transform_indices = #map}]} {
    %mul3A = arith.constant 625 : i32
    %mul3A_0 = arith.muli %arg1, %mul3A : i32
    "tpu.region"() ({
      %run_scoped3A = tpu.sem_alloc : memref<!tpu.dma_semaphore, #tpu.memory_space<semaphore_mem>>
      %dma_start3A = arith.constant 0 : i32
      %dma_start3A_19 = tpu.memref_slice %arg9[%mul3A_0, %dma_start3A] : memref<10016x128xf32, #tpu.memory_space<vmem_shared>> -> memref<625x128xf32, #tpu.memory_space<vmem_shared>>
      tpu.enqueue_dma source(%arg6 : memref<625x128xf32, #tpu.memory_space<hbm>>) target(%dma_start3A_19 : memref<625x128xf32, #tpu.memory_space<vmem_shared>>) target_semaphore(%run_scoped3A : memref<!tpu.dma_semaphore, #tpu.memory_space<semaphore_mem>>)
      %dma_wait3A = arith.constant 0 : i32
      %dma_wait3A_20 = tpu.memref_slice %arg9[%mul3A_0, %dma_wait3A] : memref<10016x128xf32, #tpu.memory_space<vmem_shared>> -> memref<625x128xf32, #tpu.memory_space<vmem_shared>>
      tpu.wait_dma2 semaphore(%run_scoped3A : memref<!tpu.dma_semaphore, #tpu.memory_space<semaphore_mem>>) src(%arg6 : memref<625x128xf32, #tpu.memory_space<hbm>>) dst(%dma_wait3A_20 : memref<625x128xf32, #tpu.memory_space<vmem_shared>>)
      tpu.yield
    }) : () -> ()
    %barrier3A = arith.constant 0 : index
    tpu.barrier barrier_id(%barrier3A)
    %eq3A = arith.constant 0 : i32
    %eq3A_1 = arith.cmpi eq, %arg0, %eq3A : i32
    %convert_element_type3A = arith.extui %eq3A_1 : i1 to i32
    %cond3A = arith.constant 0 : i32
    %cond3A_2 = arith.cmpi ne, %convert_element_type3A, %cond3A : i32
    scf.if %cond3A_2 {
      %mul3A_19 = arith.constant 160 : i32
      %mul3A_20 = arith.muli %arg1, %mul3A_19 : i32
      %add3A = arith.constant 0 : i32
      %add3A_21 = arith.addi %mul3A_20, %add3A : i32
      %lt3A = arith.constant 2500 : i32
      %lt3A_22 = arith.cmpi slt, %add3A_21, %lt3A : i32
      %jit3A = arith.constant 0 : i32
      %select_n3A = arith.select %lt3A_22, %add3A_21, %jit3A : i32
      %mul3A_23 = arith.constant 4 : i32
      %mul3A_24 = arith.muli %mul3A_23, %add3A_21 : i32
      "tpu.region"() ({
        %run_scoped3A = tpu.sem_alloc : memref<!tpu.dma_semaphore, #tpu.memory_space<semaphore_mem>>
        %dma_start3A_75 = arith.constant 0 : i32
        %dma_start3A_76 = tpu.memref_slice %arg4[%mul3A_24, %dma_start3A_75] : memref<10240x32xi32, #tpu.memory_space<hbm>> -> memref<4x32xi32, #tpu.memory_space<hbm>>
        %dma_start3A_77 = arith.constant 0 : i32
        %dma_start3A_78 = tpu.memref_slice %arg4[%mul3A_24, %dma_start3A_77] : memref<10240x32xi32, #tpu.memory_space<hbm>> -> memref<4x32xi32, #tpu.memory_space<hbm>>
        tpu.enqueue_dma source(%dma_start3A_78 : memref<4x32xi32, #tpu.memory_space<hbm>>) target(%arg10 : memref<4x32xi32, #tpu.memory_space<vmem>>) target_semaphore(%run_scoped3A : memref<!tpu.dma_semaphore, #tpu.memory_space<semaphore_mem>>)
        %dma_wait3A_79 = arith.constant 0 : i32
        %dma_wait3A_80 = tpu.memref_slice %arg4[%mul3A_24, %dma_wait3A_79] : memref<10240x32xi32, #tpu.memory_space<hbm>> -> memref<4x32xi32, #tpu.memory_space<hbm>>
        %dma_wait3A_81 = arith.constant 0 : i32
        %dma_wait3A_82 = tpu.memref_slice %arg4[%mul3A_24, %dma_wait3A_81] : memref<10240x32xi32, #tpu.memory_space<hbm>> -> memref<4x32xi32, #tpu.memory_space<hbm>>
        tpu.wait_dma2 semaphore(%run_scoped3A : memref<!tpu.dma_semaphore, #tpu.memory_space<semaphore_mem>>) src(%dma_wait3A_82 : memref<4x32xi32, #tpu.memory_space<hbm>>) dst(%arg10 : memref<4x32xi32, #tpu.memory_space<vmem>>)
        tpu.yield
      }) : () -> ()
      %mul3A_25 = arith.constant 128 : i32
      %mul3A_26 = arith.muli %select_n3A, %mul3A_25 : i32
      %dma_start3A = arith.constant 0 : i32
      %dma_start3A_27 = tpu.memref_slice %arg2[%mul3A_26, %dma_start3A] : memref<320000x128xf32, #tpu.memory_space<hbm>> -> memref<128x128xf32, #tpu.memory_space<hbm>>
      %dma_start3A_28 = arith.constant 0 : i32
      %dma_start3A_29 = tpu.memref_slice %arg2[%mul3A_26, %dma_start3A_28] : memref<320000x128xf32, #tpu.memory_space<hbm>> -> memref<128x128xf32, #tpu.memory_space<hbm>>
      tpu.enqueue_dma source(%dma_start3A_29 : memref<128x128xf32, #tpu.memory_space<hbm>>) target(%arg12 : memref<128x128xf32, #tpu.memory_space<vmem>>) target_semaphore(%arg14 : memref<!tpu.dma_semaphore, #tpu.memory_space<semaphore_mem>>)
      %scan3A = arith.constant 0 : i32
      %scan3A_30 = arith.constant 0 : i32
      %scan3A_31 = arith.constant 80 : i32
      %scan3A_32 = arith.addi %scan3A_30, %scan3A_31 : i32
      %scan3A_33 = arith.constant 1 : i32
      %scan3A_34 = scf.for %scan3A_75 = %scan3A_30 to %scan3A_32 step %scan3A_33 iter_args(%scan3A_76 = %scan3A) -> (i32)  : i32 {
        %mul3A_77 = arith.constant 2 : i32
        %mul3A_78 = arith.muli %scan3A_75, %mul3A_77 : i32
        %dma_wait3A_79 = arith.constant 0 : i32
        %dma_wait3A_80 = arith.constant 0 : i32
        %dma_wait3A_81 = tpu.memref_slice %arg2[%dma_wait3A_79, %dma_wait3A_80] : memref<320000x128xf32, #tpu.memory_space<hbm>> -> memref<128x128xf32, #tpu.memory_space<hbm>>
        %dma_wait3A_82 = arith.constant 0 : i32
        %dma_wait3A_83 = arith.constant 0 : i32
        %dma_wait3A_84 = tpu.memref_slice %arg2[%dma_wait3A_82, %dma_wait3A_83] : memref<320000x128xf32, #tpu.memory_space<hbm>> -> memref<128x128xf32, #tpu.memory_space<hbm>>
        tpu.wait_dma2 semaphore(%arg14 : memref<!tpu.dma_semaphore, #tpu.memory_space<semaphore_mem>>) src(%dma_wait3A_84 : memref<128x128xf32, #tpu.memory_space<hbm>>) dst(%arg12 : memref<128x128xf32, #tpu.memory_space<vmem>>)
        %dma_start3A_85 = arith.constant 0 : i32
        %dma_start3A_86 = arith.constant 0 : i32
        %dma_start3A_87 = arith.constant 0 : i32
        %dma_start3A_88 = tpu.memref_slice %arg12[%dma_start3A_86, %dma_start3A_87] : memref<128x128xf32, #tpu.memory_space<vmem>> -> memref<32x128xf32, #tpu.memory_space<vmem>>
        %dma_start3A_89 = arith.constant 0 : i32
        %dma_start3A_90 = tpu.memref_slice %arg10[%dma_start3A_85, %dma_start3A_89] : memref<4x32xi32, #tpu.memory_space<vmem>> -> memref<1x32xi32, #tpu.memory_space<vmem>>
        %dma_start3A_91 = tpu.memref_squeeze %dma_start3A_90 : memref<1x32xi32, #tpu.memory_space<vmem>> -> memref<32xi32, #tpu.memory_space<vmem>>
        %dma_start3A_92 = arith.constant 0 : i32
        %dma_start3A_93 = arith.constant 0 : i32
        %dma_start3A_94 = tpu.memref_slice %arg9[%dma_start3A_92, %dma_start3A_93] : memref<10016x128xf32, #tpu.memory_space<vmem_shared>> -> memref<10016x128xf32, #tpu.memory_space<vmem_shared>>
        tpu.enqueue_indirect_dma source(%dma_start3A_88 : memref<32x128xf32, #tpu.memory_space<vmem>>) target(%dma_start3A_94 : memref<10016x128xf32, #tpu.memory_space<vmem_shared>>) offsets(%dma_start3A_91 : memref<32xi32, #tpu.memory_space<vmem>>) semaphore(%arg16 : memref<!tpu.dma_semaphore, #tpu.memory_space<semaphore_mem>>) {add = true}
        %dma_start3A_95 = arith.constant 1 : i32
        %dma_start3A_96 = arith.constant 32 : i32
        %dma_start3A_97 = arith.constant 0 : i32
        %dma_start3A_98 = tpu.memref_slice %arg12[%dma_start3A_96, %dma_start3A_97] : memref<128x128xf32, #tpu.memory_space<vmem>> -> memref<32x128xf32, #tpu.memory_space<vmem>>
        %dma_start3A_99 = arith.constant 0 : i32
        %dma_start3A_100 = tpu.memref_slice %arg10[%dma_start3A_95, %dma_start3A_99] : memref<4x32xi32, #tpu.memory_space<vmem>> -> memref<1x32xi32, #tpu.memory_space<vmem>>
        %dma_start3A_101 = tpu.memref_squeeze %dma_start3A_100 : memref<1x32xi32, #tpu.memory_space<vmem>> -> memref<32xi32, #tpu.memory_space<vmem>>
        %dma_start3A_102 = arith.constant 0 : i32
        %dma_start3A_103 = arith.constant 0 : i32
        %dma_start3A_104 = tpu.memref_slice %arg9[%dma_start3A_102, %dma_start3A_103] : memref<10016x128xf32, #tpu.memory_space<vmem_shared>> -> memref<10016x128xf32, #tpu.memory_space<vmem_shared>>
        tpu.enqueue_indirect_dma source(%dma_start3A_98 : memref<32x128xf32, #tpu.memory_space<vmem>>) target(%dma_start3A_104 : memref<10016x128xf32, #tpu.memory_space<vmem_shared>>) offsets(%dma_start3A_101 : memref<32xi32, #tpu.memory_space<vmem>>) semaphore(%arg16 : memref<!tpu.dma_semaphore, #tpu.memory_space<semaphore_mem>>) {add = true}
        %dma_start3A_105 = arith.constant 2 : i32
        %dma_start3A_106 = arith.constant 64 : i32
        %dma_start3A_107 = arith.constant 0 : i32
        %dma_start3A_108 = tpu.memref_slice %arg12[%dma_start3A_106, %dma_start3A_107] : memref<128x128xf32, #tpu.memory_space<vmem>> -> memref<32x128xf32, #tpu.memory_space<vmem>>
        %dma_start3A_109 = arith.constant 0 : i32
        %dma_start3A_110 = tpu.memref_slice %arg10[%dma_start3A_105, %dma_start3A_109] : memref<4x32xi32, #tpu.memory_space<vmem>> -> memref<1x32xi32, #tpu.memory_space<vmem>>
        %dma_start3A_111 = tpu.memref_squeeze %dma_start3A_110 : memref<1x32xi32, #tpu.memory_space<vmem>> -> memref<32xi32, #tpu.memory_space<vmem>>
        %dma_start3A_112 = arith.constant 0 : i32
        %dma_start3A_113 = arith.constant 0 : i32
        %dma_start3A_114 = tpu.memref_slice %arg9[%dma_start3A_112, %dma_start3A_113] : memref<10016x128xf32, #tpu.memory_space<vmem_shared>> -> memref<10016x128xf32, #tpu.memory_space<vmem_shared>>
        tpu.enqueue_indirect_dma source(%dma_start3A_108 : memref<32x128xf32, #tpu.memory_space<vmem>>) target(%dma_start3A_114 : memref<10016x128xf32, #tpu.memory_space<vmem_shared>>) offsets(%dma_start3A_111 : memref<32xi32, #tpu.memory_space<vmem>>) semaphore(%arg16 : memref<!tpu.dma_semaphore, #tpu.memory_space<semaphore_mem>>) {add = true}
        %dma_start3A_115 = arith.constant 3 : i32
        %dma_start3A_116 = arith.constant 96 : i32
        %dma_start3A_117 = arith.constant 0 : i32
        %dma_start3A_118 = tpu.memref_slice %arg12[%dma_start3A_116, %dma_start3A_117] : memref<128x128xf32, #tpu.memory_space<vmem>> -> memref<32x128xf32, #tpu.memory_space<vmem>>
        %dma_start3A_119 = arith.constant 0 : i32
        %dma_start3A_120 = tpu.memref_slice %arg10[%dma_start3A_115, %dma_start3A_119] : memref<4x32xi32, #tpu.memory_space<vmem>> -> memref<1x32xi32, #tpu.memory_space<vmem>>
        %dma_start3A_121 = tpu.memref_squeeze %dma_start3A_120 : memref<1x32xi32, #tpu.memory_space<vmem>> -> memref<32xi32, #tpu.memory_space<vmem>>
        %dma_start3A_122 = arith.constant 0 : i32
        %dma_start3A_123 = arith.constant 0 : i32
        %dma_start3A_124 = tpu.memref_slice %arg9[%dma_start3A_122, %dma_start3A_123] : memref<10016x128xf32, #tpu.memory_space<vmem_shared>> -> memref<10016x128xf32, #tpu.memory_space<vmem_shared>>
        tpu.enqueue_indirect_dma source(%dma_start3A_118 : memref<32x128xf32, #tpu.memory_space<vmem>>) target(%dma_start3A_124 : memref<10016x128xf32, #tpu.memory_space<vmem_shared>>) offsets(%dma_start3A_121 : memref<32xi32, #tpu.memory_space<vmem>>) semaphore(%arg16 : memref<!tpu.dma_semaphore, #tpu.memory_space<semaphore_mem>>) {add = true}
        %gt3A = arith.constant 0 : i32
        %gt3A_125 = arith.cmpi sgt, %scan3A_75, %gt3A : i32
        %convert_element_type3A_126 = arith.extui %gt3A_125 : i1 to i32
        %cond3A_127 = arith.constant 0 : i32
        %cond3A_128 = arith.cmpi ne, %convert_element_type3A_126, %cond3A_127 : i32
        scf.if %cond3A_128 {
          %dma_wait3A_240 = arith.constant 0 : i32
          %dma_wait3A_241 = arith.constant 0 : i32
          %dma_wait3A_242 = arith.constant 0 : i32
          %dma_wait3A_243 = tpu.memref_slice %arg13[%dma_wait3A_241, %dma_wait3A_242] : memref<128x128xf32, #tpu.memory_space<vmem>> -> memref<32x128xf32, #tpu.memory_space<vmem>>
          %dma_wait3A_244 = arith.constant 0 : i32
          %dma_wait3A_245 = tpu.memref_slice %arg11[%dma_wait3A_240, %dma_wait3A_244] : memref<4x32xi32, #tpu.memory_space<vmem>> -> memref<1x32xi32, #tpu.memory_space<vmem>>
          %dma_wait3A_246 = tpu.memref_squeeze %dma_wait3A_245 : memref<1x32xi32, #tpu.memory_space<vmem>> -> memref<32xi32, #tpu.memory_space<vmem>>
          %dma_wait3A_247 = arith.constant 0 : i32
          %dma_wait3A_248 = arith.constant 0 : i32
          %dma_wait3A_249 = tpu.memref_slice %arg9[%dma_wait3A_247, %dma_wait3A_248] : memref<10016x128xf32, #tpu.memory_space<vmem_shared>> -> memref<10016x128xf32, #tpu.memory_space<vmem_shared>>
          tpu.wait_indirect_dma semaphore(%arg17 : memref<!tpu.dma_semaphore, #tpu.memory_space<semaphore_mem>>) src(%dma_wait3A_243 : memref<32x128xf32, #tpu.memory_space<vmem>>) dst(%dma_wait3A_249 : memref<10016x128xf32, #tpu.memory_space<vmem_shared>>)
          %dma_wait3A_250 = arith.constant 1 : i32
          %dma_wait3A_251 = arith.constant 32 : i32
          %dma_wait3A_252 = arith.constant 0 : i32
          %dma_wait3A_253 = tpu.memref_slice %arg13[%dma_wait3A_251, %dma_wait3A_252] : memref<128x128xf32, #tpu.memory_space<vmem>> -> memref<32x128xf32, #tpu.memory_space<vmem>>
          %dma_wait3A_254 = arith.constant 0 : i32
          %dma_wait3A_255 = tpu.memref_slice %arg11[%dma_wait3A_250, %dma_wait3A_254] : memref<4x32xi32, #tpu.memory_space<vmem>> -> memref<1x32xi32, #tpu.memory_space<vmem>>
          %dma_wait3A_256 = tpu.memref_squeeze %dma_wait3A_255 : memref<1x32xi32, #tpu.memory_space<vmem>> -> memref<32xi32, #tpu.memory_space<vmem>>
          %dma_wait3A_257 = arith.constant 0 : i32
          %dma_wait3A_258 = arith.constant 0 : i32
          %dma_wait3A_259 = tpu.memref_slice %arg9[%dma_wait3A_257, %dma_wait3A_258] : memref<10016x128xf32, #tpu.memory_space<vmem_shared>> -> memref<10016x128xf32, #tpu.memory_space<vmem_shared>>
          tpu.wait_indirect_dma semaphore(%arg17 : memref<!tpu.dma_semaphore, #tpu.memory_space<semaphore_mem>>) src(%dma_wait3A_253 : memref<32x128xf32, #tpu.memory_space<vmem>>) dst(%dma_wait3A_259 : memref<10016x128xf32, #tpu.memory_space<vmem_shared>>)
          %dma_wait3A_260 = arith.constant 2 : i32
          %dma_wait3A_261 = arith.constant 64 : i32
          %dma_wait3A_262 = arith.constant 0 : i32
          %dma_wait3A_263 = tpu.memref_slice %arg13[%dma_wait3A_261, %dma_wait3A_262] : memref<128x128xf32, #tpu.memory_space<vmem>> -> memref<32x128xf32, #tpu.memory_space<vmem>>
          %dma_wait3A_264 = arith.constant 0 : i32
          %dma_wait3A_265 = tpu.memref_slice %arg11[%dma_wait3A_260, %dma_wait3A_264] : memref<4x32xi32, #tpu.memory_space<vmem>> -> memref<1x32xi32, #tpu.memory_space<vmem>>
          %dma_wait3A_266 = tpu.memref_squeeze %dma_wait3A_265 : memref<1x32xi32, #tpu.memory_space<vmem>> -> memref<32xi32, #tpu.memory_space<vmem>>
          %dma_wait3A_267 = arith.constant 0 : i32
          %dma_wait3A_268 = arith.constant 0 : i32
          %dma_wait3A_269 = tpu.memref_slice %arg9[%dma_wait3A_267, %dma_wait3A_268] : memref<10016x128xf32, #tpu.memory_space<vmem_shared>> -> memref<10016x128xf32, #tpu.memory_space<vmem_shared>>
          tpu.wait_indirect_dma semaphore(%arg17 : memref<!tpu.dma_semaphore, #tpu.memory_space<semaphore_mem>>) src(%dma_wait3A_263 : memref<32x128xf32, #tpu.memory_space<vmem>>) dst(%dma_wait3A_269 : memref<10016x128xf32, #tpu.memory_space<vmem_shared>>)
          %dma_wait3A_270 = arith.constant 3 : i32
          %dma_wait3A_271 = arith.constant 96 : i32
          %dma_wait3A_272 = arith.constant 0 : i32
          %dma_wait3A_273 = tpu.memref_slice %arg13[%dma_wait3A_271, %dma_wait3A_272] : memref<128x128xf32, #tpu.memory_space<vmem>> -> memref<32x128xf32, #tpu.memory_space<vmem>>
          %dma_wait3A_274 = arith.constant 0 : i32
          %dma_wait3A_275 = tpu.memref_slice %arg11[%dma_wait3A_270, %dma_wait3A_274] : memref<4x32xi32, #tpu.memory_space<vmem>> -> memref<1x32xi32, #tpu.memory_space<vmem>>
          %dma_wait3A_276 = tpu.memref_squeeze %dma_wait3A_275 : memref<1x32xi32, #tpu.memory_space<vmem>> -> memref<32xi32, #tpu.memory_space<vmem>>
          %dma_wait3A_277 = arith.constant 0 : i32
          %dma_wait3A_278 = arith.constant 0 : i32
          %dma_wait3A_279 = tpu.memref_slice %arg9[%dma_wait3A_277, %dma_wait3A_278] : memref<10016x128xf32, #tpu.memory_space<vmem_shared>> -> memref<10016x128xf32, #tpu.memory_space<vmem_shared>>
          tpu.wait_indirect_dma semaphore(%arg17 : memref<!tpu.dma_semaphore, #tpu.memory_space<semaphore_mem>>) src(%dma_wait3A_273 : memref<32x128xf32, #tpu.memory_space<vmem>>) dst(%dma_wait3A_279 : memref<10016x128xf32, #tpu.memory_space<vmem_shared>>)
        } else {
        }
        %add3A_129 = arith.constant 1 : i32
        %add3A_130 = arith.addi %mul3A_78, %add3A_129 : i32
        %add3A_131 = arith.addi %mul3A_20, %add3A_130 : i32
        %lt3A_132 = arith.constant 2500 : i32
        %lt3A_133 = arith.cmpi slt, %add3A_131, %lt3A_132 : i32
        %jit3A_134 = arith.constant 0 : i32
        %select_n3A_135 = arith.select %lt3A_133, %add3A_131, %jit3A_134 : i32
        %mul3A_136 = arith.constant 4 : i32
        %mul3A_137 = arith.muli %mul3A_136, %add3A_131 : i32
        "tpu.region"() ({
          %run_scoped3A = tpu.sem_alloc : memref<!tpu.dma_semaphore, #tpu.memory_space<semaphore_mem>>
          %dma_start3A_240 = arith.constant 0 : i32
          %dma_start3A_241 = tpu.memref_slice %arg4[%mul3A_137, %dma_start3A_240] : memref<10240x32xi32, #tpu.memory_space<hbm>> -> memref<4x32xi32, #tpu.memory_space<hbm>>
          %dma_start3A_242 = arith.constant 0 : i32
          %dma_start3A_243 = tpu.memref_slice %arg4[%mul3A_137, %dma_start3A_242] : memref<10240x32xi32, #tpu.memory_space<hbm>> -> memref<4x32xi32, #tpu.memory_space<hbm>>
          tpu.enqueue_dma source(%dma_start3A_243 : memref<4x32xi32, #tpu.memory_space<hbm>>) target(%arg11 : memref<4x32xi32, #tpu.memory_space<vmem>>) target_semaphore(%run_scoped3A : memref<!tpu.dma_semaphore, #tpu.memory_space<semaphore_mem>>)
          %dma_wait3A_244 = arith.constant 0 : i32
          %dma_wait3A_245 = tpu.memref_slice %arg4[%mul3A_137, %dma_wait3A_244] : memref<10240x32xi32, #tpu.memory_space<hbm>> -> memref<4x32xi32, #tpu.memory_space<hbm>>
          %dma_wait3A_246 = arith.constant 0 : i32
          %dma_wait3A_247 = tpu.memref_slice %arg4[%mul3A_137, %dma_wait3A_246] : memref<10240x32xi32, #tpu.memory_space<hbm>> -> memref<4x32xi32, #tpu.memory_space<hbm>>
          tpu.wait_dma2 semaphore(%run_scoped3A : memref<!tpu.dma_semaphore, #tpu.memory_space<semaphore_mem>>) src(%dma_wait3A_247 : memref<4x32xi32, #tpu.memory_space<hbm>>) dst(%arg11 : memref<4x32xi32, #tpu.memory_space<vmem>>)
          tpu.yield
        }) : () -> ()
        %mul3A_138 = arith.constant 128 : i32
        %mul3A_139 = arith.muli %select_n3A_135, %mul3A_138 : i32
        %dma_start3A_140 = arith.constant 0 : i32
        %dma_start3A_141 = tpu.memref_slice %arg2[%mul3A_139, %dma_start3A_140] : memref<320000x128xf32, #tpu.memory_space<hbm>> -> memref<128x128xf32, #tpu.memory_space<hbm>>
        %dma_start3A_142 = arith.constant 0 : i32
        %dma_start3A_143 = tpu.memref_slice %arg2[%mul3A_139, %dma_start3A_142] : memref<320000x128xf32, #tpu.memory_space<hbm>> -> memref<128x128xf32, #tpu.memory_space<hbm>>
        tpu.enqueue_dma source(%dma_start3A_143 : memref<128x128xf32, #tpu.memory_space<hbm>>) target(%arg13 : memref<128x128xf32, #tpu.memory_space<vmem>>) target_semaphore(%arg15 : memref<!tpu.dma_semaphore, #tpu.memory_space<semaphore_mem>>)
        %dma_wait3A_144 = arith.constant 0 : i32
        %dma_wait3A_145 = arith.constant 0 : i32
        %dma_wait3A_146 = arith.constant 0 : i32
        %dma_wait3A_147 = tpu.memref_slice %arg12[%dma_wait3A_145, %dma_wait3A_146] : memref<128x128xf32, #tpu.memory_space<vmem>> -> memref<32x128xf32, #tpu.memory_space<vmem>>
        %dma_wait3A_148 = arith.constant 0 : i32
        %dma_wait3A_149 = tpu.memref_slice %arg10[%dma_wait3A_144, %dma_wait3A_148] : memref<4x32xi32, #tpu.memory_space<vmem>> -> memref<1x32xi32, #tpu.memory_space<vmem>>
        %dma_wait3A_150 = tpu.memref_squeeze %dma_wait3A_149 : memref<1x32xi32, #tpu.memory_space<vmem>> -> memref<32xi32, #tpu.memory_space<vmem>>
        %dma_wait3A_151 = arith.constant 0 : i32
        %dma_wait3A_152 = arith.constant 0 : i32
        %dma_wait3A_153 = tpu.memref_slice %arg9[%dma_wait3A_151, %dma_wait3A_152] : memref<10016x128xf32, #tpu.memory_space<vmem_shared>> -> memref<10016x128xf32, #tpu.memory_space<vmem_shared>>
        tpu.wait_indirect_dma semaphore(%arg16 : memref<!tpu.dma_semaphore, #tpu.memory_space<semaphore_mem>>) src(%dma_wait3A_147 : memref<32x128xf32, #tpu.memory_space<vmem>>) dst(%dma_wait3A_153 : memref<10016x128xf32, #tpu.memory_space<vmem_shared>>)
        %dma_wait3A_154 = arith.constant 1 : i32
        %dma_wait3A_155 = arith.constant 32 : i32
        %dma_wait3A_156 = arith.constant 0 : i32
        %dma_wait3A_157 = tpu.memref_slice %arg12[%dma_wait3A_155, %dma_wait3A_156] : memref<128x128xf32, #tpu.memory_space<vmem>> -> memref<32x128xf32, #tpu.memory_space<vmem>>
        %dma_wait3A_158 = arith.constant 0 : i32
        %dma_wait3A_159 = tpu.memref_slice %arg10[%dma_wait3A_154, %dma_wait3A_158] : memref<4x32xi32, #tpu.memory_space<vmem>> -> memref<1x32xi32, #tpu.memory_space<vmem>>
        %dma_wait3A_160 = tpu.memref_squeeze %dma_wait3A_159 : memref<1x32xi32, #tpu.memory_space<vmem>> -> memref<32xi32, #tpu.memory_space<vmem>>
        %dma_wait3A_161 = arith.constant 0 : i32
        %dma_wait3A_162 = arith.constant 0 : i32
        %dma_wait3A_163 = tpu.memref_slice %arg9[%dma_wait3A_161, %dma_wait3A_162] : memref<10016x128xf32, #tpu.memory_space<vmem_shared>> -> memref<10016x128xf32, #tpu.memory_space<vmem_shared>>
        tpu.wait_indirect_dma semaphore(%arg16 : memref<!tpu.dma_semaphore, #tpu.memory_space<semaphore_mem>>) src(%dma_wait3A_157 : memref<32x128xf32, #tpu.memory_space<vmem>>) dst(%dma_wait3A_163 : memref<10016x128xf32, #tpu.memory_space<vmem_shared>>)
        %dma_wait3A_164 = arith.constant 2 : i32
        %dma_wait3A_165 = arith.constant 64 : i32
        %dma_wait3A_166 = arith.constant 0 : i32
        %dma_wait3A_167 = tpu.memref_slice %arg12[%dma_wait3A_165, %dma_wait3A_166] : memref<128x128xf32, #tpu.memory_space<vmem>> -> memref<32x128xf32, #tpu.memory_space<vmem>>
        %dma_wait3A_168 = arith.constant 0 : i32
        %dma_wait3A_169 = tpu.memref_slice %arg10[%dma_wait3A_164, %dma_wait3A_168] : memref<4x32xi32, #tpu.memory_space<vmem>> -> memref<1x32xi32, #tpu.memory_space<vmem>>
        %dma_wait3A_170 = tpu.memref_squeeze %dma_wait3A_169 : memref<1x32xi32, #tpu.memory_space<vmem>> -> memref<32xi32, #tpu.memory_space<vmem>>
        %dma_wait3A_171 = arith.constant 0 : i32
        %dma_wait3A_172 = arith.constant 0 : i32
        %dma_wait3A_173 = tpu.memref_slice %arg9[%dma_wait3A_171, %dma_wait3A_172] : memref<10016x128xf32, #tpu.memory_space<vmem_shared>> -> memref<10016x128xf32, #tpu.memory_space<vmem_shared>>
        tpu.wait_indirect_dma semaphore(%arg16 : memref<!tpu.dma_semaphore, #tpu.memory_space<semaphore_mem>>) src(%dma_wait3A_167 : memref<32x128xf32, #tpu.memory_space<vmem>>) dst(%dma_wait3A_173 : memref<10016x128xf32, #tpu.memory_space<vmem_shared>>)
        %dma_wait3A_174 = arith.constant 3 : i32
        %dma_wait3A_175 = arith.constant 96 : i32
        %dma_wait3A_176 = arith.constant 0 : i32
        %dma_wait3A_177 = tpu.memref_slice %arg12[%dma_wait3A_175, %dma_wait3A_176] : memref<128x128xf32, #tpu.memory_space<vmem>> -> memref<32x128xf32, #tpu.memory_space<vmem>>
        %dma_wait3A_178 = arith.constant 0 : i32
        %dma_wait3A_179 = tpu.memref_slice %arg10[%dma_wait3A_174, %dma_wait3A_178] : memref<4x32xi32, #tpu.memory_space<vmem>> -> memref<1x32xi32, #tpu.memory_space<vmem>>
        %dma_wait3A_180 = tpu.memref_squeeze %dma_wait3A_179 : memref<1x32xi32, #tpu.memory_space<vmem>> -> memref<32xi32, #tpu.memory_space<vmem>>
        %dma_wait3A_181 = arith.constant 0 : i32
        %dma_wait3A_182 = arith.constant 0 : i32
        %dma_wait3A_183 = tpu.memref_slice %arg9[%dma_wait3A_181, %dma_wait3A_182] : memref<10016x128xf32, #tpu.memory_space<vmem_shared>> -> memref<10016x128xf32, #tpu.memory_space<vmem_shared>>
        tpu.wait_indirect_dma semaphore(%arg16 : memref<!tpu.dma_semaphore, #tpu.memory_space<semaphore_mem>>) src(%dma_wait3A_177 : memref<32x128xf32, #tpu.memory_space<vmem>>) dst(%dma_wait3A_183 : memref<10016x128xf32, #tpu.memory_space<vmem_shared>>)
        %add3A_184 = arith.constant 2 : i32
        %add3A_185 = arith.addi %mul3A_78, %add3A_184 : i32
        %lt3A_186 = arith.constant 160 : i32
        %lt3A_187 = arith.cmpi slt, %add3A_185, %lt3A_186 : i32
        %convert_element_type3A_188 = arith.extui %lt3A_187 : i1 to i32
        %cond3A_189 = arith.constant 0 : i32
        %cond3A_190 = arith.cmpi ne, %convert_element_type3A_188, %cond3A_189 : i32
        scf.if %cond3A_190 {
          %add3A_240 = arith.constant 2 : i32
          %add3A_241 = arith.addi %mul3A_78, %add3A_240 : i32
          %add3A_242 = arith.addi %mul3A_20, %add3A_241 : i32
          %lt3A_243 = arith.constant 2500 : i32
          %lt3A_244 = arith.cmpi slt, %add3A_242, %lt3A_243 : i32
          %jit3A_245 = arith.constant 0 : i32
          %select_n3A_246 = arith.select %lt3A_244, %add3A_242, %jit3A_245 : i32
          %mul3A_247 = arith.constant 4 : i32
          %mul3A_248 = arith.muli %mul3A_247, %add3A_242 : i32
          "tpu.region"() ({
            %run_scoped3A = tpu.sem_alloc : memref<!tpu.dma_semaphore, #tpu.memory_space<semaphore_mem>>
            %dma_start3A_255 = arith.constant 0 : i32
            %dma_start3A_256 = tpu.memref_slice %arg4[%mul3A_248, %dma_start3A_255] : memref<10240x32xi32, #tpu.memory_space<hbm>> -> memref<4x32xi32, #tpu.memory_space<hbm>>
            %dma_start3A_257 = arith.constant 0 : i32
            %dma_start3A_258 = tpu.memref_slice %arg4[%mul3A_248, %dma_start3A_257] : memref<10240x32xi32, #tpu.memory_space<hbm>> -> memref<4x32xi32, #tpu.memory_space<hbm>>
            tpu.enqueue_dma source(%dma_start3A_258 : memref<4x32xi32, #tpu.memory_space<hbm>>) target(%arg10 : memref<4x32xi32, #tpu.memory_space<vmem>>) target_semaphore(%run_scoped3A : memref<!tpu.dma_semaphore, #tpu.memory_space<semaphore_mem>>)
            %dma_wait3A_259 = arith.constant 0 : i32
            %dma_wait3A_260 = tpu.memref_slice %arg4[%mul3A_248, %dma_wait3A_259] : memref<10240x32xi32, #tpu.memory_space<hbm>> -> memref<4x32xi32, #tpu.memory_space<hbm>>
            %dma_wait3A_261 = arith.constant 0 : i32
            %dma_wait3A_262 = tpu.memref_slice %arg4[%mul3A_248, %dma_wait3A_261] : memref<10240x32xi32, #tpu.memory_space<hbm>> -> memref<4x32xi32, #tpu.memory_space<hbm>>
            tpu.wait_dma2 semaphore(%run_scoped3A : memref<!tpu.dma_semaphore, #tpu.memory_space<semaphore_mem>>) src(%dma_wait3A_262 : memref<4x32xi32, #tpu.memory_space<hbm>>) dst(%arg10 : memref<4x32xi32, #tpu.memory_space<vmem>>)
            tpu.yield
          }) : () -> ()
          %mul3A_249 = arith.constant 128 : i32
          %mul3A_250 = arith.muli %select_n3A_246, %mul3A_249 : i32
          %dma_start3A_251 = arith.constant 0 : i32
          %dma_start3A_252 = tpu.memref_slice %arg2[%mul3A_250, %dma_start3A_251] : memref<320000x128xf32, #tpu.memory_space<hbm>> -> memref<128x128xf32, #tpu.memory_space<hbm>>
          %dma_start3A_253 = arith.constant 0 : i32
          %dma_start3A_254 = tpu.memref_slice %arg2[%mul3A_250, %dma_start3A_253] : memref<320000x128xf32, #tpu.memory_space<hbm>> -> memref<128x128xf32, #tpu.memory_space<hbm>>
          tpu.enqueue_dma source(%dma_start3A_254 : memref<128x128xf32, #tpu.memory_space<hbm>>) target(%arg12 : memref<128x128xf32, #tpu.memory_space<vmem>>) target_semaphore(%arg14 : memref<!tpu.dma_semaphore, #tpu.memory_space<semaphore_mem>>)
        } else {
        }
        %add3A_191 = arith.constant 1 : i32
        %add3A_192 = arith.addi %mul3A_78, %add3A_191 : i32
        %dma_wait3A_193 = arith.constant 0 : i32
        %dma_wait3A_194 = arith.constant 0 : i32
        %dma_wait3A_195 = tpu.memref_slice %arg2[%dma_wait3A_193, %dma_wait3A_194] : memref<320000x128xf32, #tpu.memory_space<hbm>> -> memref<128x128xf32, #tpu.memory_space<hbm>>
        %dma_wait3A_196 = arith.constant 0 : i32
        %dma_wait3A_197 = arith.constant 0 : i32
        %dma_wait3A_198 = tpu.memref_slice %arg2[%dma_wait3A_196, %dma_wait3A_197] : memref<320000x128xf32, #tpu.memory_space<hbm>> -> memref<128x128xf32, #tpu.memory_space<hbm>>
        tpu.wait_dma2 semaphore(%arg15 : memref<!tpu.dma_semaphore, #tpu.memory_space<semaphore_mem>>) src(%dma_wait3A_198 : memref<128x128xf32, #tpu.memory_space<hbm>>) dst(%arg13 : memref<128x128xf32, #tpu.memory_space<vmem>>)
        %dma_start3A_199 = arith.constant 0 : i32
        %dma_start3A_200 = arith.constant 0 : i32
        %dma_start3A_201 = arith.constant 0 : i32
        %dma_start3A_202 = tpu.memref_slice %arg13[%dma_start3A_200, %dma_start3A_201] : memref<128x128xf32, #tpu.memory_space<vmem>> -> memref<32x128xf32, #tpu.memory_space<vmem>>
        %dma_start3A_203 = arith.constant 0 : i32
        %dma_start3A_204 = tpu.memref_slice %arg11[%dma_start3A_199, %dma_start3A_203] : memref<4x32xi32, #tpu.memory_space<vmem>> -> memref<1x32xi32, #tpu.memory_space<vmem>>
        %dma_start3A_205 = tpu.memref_squeeze %dma_start3A_204 : memref<1x32xi32, #tpu.memory_space<vmem>> -> memref<32xi32, #tpu.memory_space<vmem>>
        %dma_start3A_206 = arith.constant 0 : i32
        %dma_start3A_207 = arith.constant 0 : i32
        %dma_start3A_208 = tpu.memref_slice %arg9[%dma_start3A_206, %dma_start3A_207] : memref<10016x128xf32, #tpu.memory_space<vmem_shared>> -> memref<10016x128xf32, #tpu.memory_space<vmem_shared>>
        tpu.enqueue_indirect_dma source(%dma_start3A_202 : memref<32x128xf32, #tpu.memory_space<vmem>>) target(%dma_start3A_208 : memref<10016x128xf32, #tpu.memory_space<vmem_shared>>) offsets(%dma_start3A_205 : memref<32xi32, #tpu.memory_space<vmem>>) semaphore(%arg17 : memref<!tpu.dma_semaphore, #tpu.memory_space<semaphore_mem>>) {add = true}
        %dma_start3A_209 = arith.constant 1 : i32
        %dma_start3A_210 = arith.constant 32 : i32
        %dma_start3A_211 = arith.constant 0 : i32
        %dma_start3A_212 = tpu.memref_slice %arg13[%dma_start3A_210, %dma_start3A_211] : memref<128x128xf32, #tpu.memory_space<vmem>> -> memref<32x128xf32, #tpu.memory_space<vmem>>
        %dma_start3A_213 = arith.constant 0 : i32
        %dma_start3A_214 = tpu.memref_slice %arg11[%dma_start3A_209, %dma_start3A_213] : memref<4x32xi32, #tpu.memory_space<vmem>> -> memref<1x32xi32, #tpu.memory_space<vmem>>
        %dma_start3A_215 = tpu.memref_squeeze %dma_start3A_214 : memref<1x32xi32, #tpu.memory_space<vmem>> -> memref<32xi32, #tpu.memory_space<vmem>>
        %dma_start3A_216 = arith.constant 0 : i32
        %dma_start3A_217 = arith.constant 0 : i32
        %dma_start3A_218 = tpu.memref_slice %arg9[%dma_start3A_216, %dma_start3A_217] : memref<10016x128xf32, #tpu.memory_space<vmem_shared>> -> memref<10016x128xf32, #tpu.memory_space<vmem_shared>>
        tpu.enqueue_indirect_dma source(%dma_start3A_212 : memref<32x128xf32, #tpu.memory_space<vmem>>) target(%dma_start3A_218 : memref<10016x128xf32, #tpu.memory_space<vmem_shared>>) offsets(%dma_start3A_215 : memref<32xi32, #tpu.memory_space<vmem>>) semaphore(%arg17 : memref<!tpu.dma_semaphore, #tpu.memory_space<semaphore_mem>>) {add = true}
        %dma_start3A_219 = arith.constant 2 : i32
        %dma_start3A_220 = arith.constant 64 : i32
        %dma_start3A_221 = arith.constant 0 : i32
        %dma_start3A_222 = tpu.memref_slice %arg13[%dma_start3A_220, %dma_start3A_221] : memref<128x128xf32, #tpu.memory_space<vmem>> -> memref<32x128xf32, #tpu.memory_space<vmem>>
        %dma_start3A_223 = arith.constant 0 : i32
        %dma_start3A_224 = tpu.memref_slice %arg11[%dma_start3A_219, %dma_start3A_223] : memref<4x32xi32, #tpu.memory_space<vmem>> -> memref<1x32xi32, #tpu.memory_space<vmem>>
        %dma_start3A_225 = tpu.memref_squeeze %dma_start3A_224 : memref<1x32xi32, #tpu.memory_space<vmem>> -> memref<32xi32, #tpu.memory_space<vmem>>
        %dma_start3A_226 = arith.constant 0 : i32
        %dma_start3A_227 = arith.constant 0 : i32
        %dma_start3A_228 = tpu.memref_slice %arg9[%dma_start3A_226, %dma_start3A_227] : memref<10016x128xf32, #tpu.memory_space<vmem_shared>> -> memref<10016x128xf32, #tpu.memory_space<vmem_shared>>
        tpu.enqueue_indirect_dma source(%dma_start3A_222 : memref<32x128xf32, #tpu.memory_space<vmem>>) target(%dma_start3A_228 : memref<10016x128xf32, #tpu.memory_space<vmem_shared>>) offsets(%dma_start3A_225 : memref<32xi32, #tpu.memory_space<vmem>>) semaphore(%arg17 : memref<!tpu.dma_semaphore, #tpu.memory_space<semaphore_mem>>) {add = true}
        %dma_start3A_229 = arith.constant 3 : i32
        %dma_start3A_230 = arith.constant 96 : i32
        %dma_start3A_231 = arith.constant 0 : i32
        %dma_start3A_232 = tpu.memref_slice %arg13[%dma_start3A_230, %dma_start3A_231] : memref<128x128xf32, #tpu.memory_space<vmem>> -> memref<32x128xf32, #tpu.memory_space<vmem>>
        %dma_start3A_233 = arith.constant 0 : i32
        %dma_start3A_234 = tpu.memref_slice %arg11[%dma_start3A_229, %dma_start3A_233] : memref<4x32xi32, #tpu.memory_space<vmem>> -> memref<1x32xi32, #tpu.memory_space<vmem>>
        %dma_start3A_235 = tpu.memref_squeeze %dma_start3A_234 : memref<1x32xi32, #tpu.memory_space<vmem>> -> memref<32xi32, #tpu.memory_space<vmem>>
        %dma_start3A_236 = arith.constant 0 : i32
        %dma_start3A_237 = arith.constant 0 : i32
        %dma_start3A_238 = tpu.memref_slice %arg9[%dma_start3A_236, %dma_start3A_237] : memref<10016x128xf32, #tpu.memory_space<vmem_shared>> -> memref<10016x128xf32, #tpu.memory_space<vmem_shared>>
        tpu.enqueue_indirect_dma source(%dma_start3A_232 : memref<32x128xf32, #tpu.memory_space<vmem>>) target(%dma_start3A_238 : memref<10016x128xf32, #tpu.memory_space<vmem_shared>>) offsets(%dma_start3A_235 : memref<32xi32, #tpu.memory_space<vmem>>) semaphore(%arg17 : memref<!tpu.dma_semaphore, #tpu.memory_space<semaphore_mem>>) {add = true}
        %scan3A_239 = arith.constant 0 : i32
        scf.yield %scan3A_239 : i32
      }
      %scan3A_35 = arith.constant 80 : i32
      %dma_wait3A = arith.constant 0 : i32
      %dma_wait3A_36 = arith.constant 0 : i32
      %dma_wait3A_37 = arith.constant 0 : i32
      %dma_wait3A_38 = tpu.memref_slice %arg13[%dma_wait3A_36, %dma_wait3A_37] : memref<128x128xf32, #tpu.memory_space<vmem>> -> memref<32x128xf32, #tpu.memory_space<vmem>>
      %dma_wait3A_39 = arith.constant 0 : i32
      %dma_wait3A_40 = tpu.memref_slice %arg11[%dma_wait3A, %dma_wait3A_39] : memref<4x32xi32, #tpu.memory_space<vmem>> -> memref<1x32xi32, #tpu.memory_space<vmem>>
      %dma_wait3A_41 = tpu.memref_squeeze %dma_wait3A_40 : memref<1x32xi32, #tpu.memory_space<vmem>> -> memref<32xi32, #tpu.memory_space<vmem>>
      %dma_wait3A_42 = arith.constant 0 : i32
      %dma_wait3A_43 = arith.constant 0 : i32
      %dma_wait3A_44 = tpu.memref_slice %arg9[%dma_wait3A_42, %dma_wait3A_43] : memref<10016x128xf32, #tpu.memory_space<vmem_shared>> -> memref<10016x128xf32, #tpu.memory_space<vmem_shared>>
      tpu.wait_indirect_dma semaphore(%arg17 : memref<!tpu.dma_semaphore, #tpu.memory_space<semaphore_mem>>) src(%dma_wait3A_38 : memref<32x128xf32, #tpu.memory_space<vmem>>) dst(%dma_wait3A_44 : memref<10016x128xf32, #tpu.memory_space<vmem_shared>>)
      %dma_wait3A_45 = arith.constant 1 : i32
      %dma_wait3A_46 = arith.constant 32 : i32
      %dma_wait3A_47 = arith.constant 0 : i32
      %dma_wait3A_48 = tpu.memref_slice %arg13[%dma_wait3A_46, %dma_wait3A_47] : memref<128x128xf32, #tpu.memory_space<vmem>> -> memref<32x128xf32, #tpu.memory_space<vmem>>
      %dma_wait3A_49 = arith.constant 0 : i32
      %dma_wait3A_50 = tpu.memref_slice %arg11[%dma_wait3A_45, %dma_wait3A_49] : memref<4x32xi32, #tpu.memory_space<vmem>> -> memref<1x32xi32, #tpu.memory_space<vmem>>
      %dma_wait3A_51 = tpu.memref_squeeze %dma_wait3A_50 : memref<1x32xi32, #tpu.memory_space<vmem>> -> memref<32xi32, #tpu.memory_space<vmem>>
      %dma_wait3A_52 = arith.constant 0 : i32
      %dma_wait3A_53 = arith.constant 0 : i32
      %dma_wait3A_54 = tpu.memref_slice %arg9[%dma_wait3A_52, %dma_wait3A_53] : memref<10016x128xf32, #tpu.memory_space<vmem_shared>> -> memref<10016x128xf32, #tpu.memory_space<vmem_shared>>
      tpu.wait_indirect_dma semaphore(%arg17 : memref<!tpu.dma_semaphore, #tpu.memory_space<semaphore_mem>>) src(%dma_wait3A_48 : memref<32x128xf32, #tpu.memory_space<vmem>>) dst(%dma_wait3A_54 : memref<10016x128xf32, #tpu.memory_space<vmem_shared>>)
      %dma_wait3A_55 = arith.constant 2 : i32
      %dma_wait3A_56 = arith.constant 64 : i32
      %dma_wait3A_57 = arith.constant 0 : i32
      %dma_wait3A_58 = tpu.memref_slice %arg13[%dma_wait3A_56, %dma_wait3A_57] : memref<128x128xf32, #tpu.memory_space<vmem>> -> memref<32x128xf32, #tpu.memory_space<vmem>>
      %dma_wait3A_59 = arith.constant 0 : i32
      %dma_wait3A_60 = tpu.memref_slice %arg11[%dma_wait3A_55, %dma_wait3A_59] : memref<4x32xi32, #tpu.memory_space<vmem>> -> memref<1x32xi32, #tpu.memory_space<vmem>>
      %dma_wait3A_61 = tpu.memref_squeeze %dma_wait3A_60 : memref<1x32xi32, #tpu.memory_space<vmem>> -> memref<32xi32, #tpu.memory_space<vmem>>
      %dma_wait3A_62 = arith.constant 0 : i32
      %dma_wait3A_63 = arith.constant 0 : i32
      %dma_wait3A_64 = tpu.memref_slice %arg9[%dma_wait3A_62, %dma_wait3A_63] : memref<10016x128xf32, #tpu.memory_space<vmem_shared>> -> memref<10016x128xf32, #tpu.memory_space<vmem_shared>>
      tpu.wait_indirect_dma semaphore(%arg17 : memref<!tpu.dma_semaphore, #tpu.memory_space<semaphore_mem>>) src(%dma_wait3A_58 : memref<32x128xf32, #tpu.memory_space<vmem>>) dst(%dma_wait3A_64 : memref<10016x128xf32, #tpu.memory_space<vmem_shared>>)
      %dma_wait3A_65 = arith.constant 3 : i32
      %dma_wait3A_66 = arith.constant 96 : i32
      %dma_wait3A_67 = arith.constant 0 : i32
      %dma_wait3A_68 = tpu.memref_slice %arg13[%dma_wait3A_66, %dma_wait3A_67] : memref<128x128xf32, #tpu.memory_space<vmem>> -> memref<32x128xf32, #tpu.memory_space<vmem>>
      %dma_wait3A_69 = arith.constant 0 : i32
      %dma_wait3A_70 = tpu.memref_slice %arg11[%dma_wait3A_65, %dma_wait3A_69] : memref<4x32xi32, #tpu.memory_space<vmem>> -> memref<1x32xi32, #tpu.memory_space<vmem>>
      %dma_wait3A_71 = tpu.memref_squeeze %dma_wait3A_70 : memref<1x32xi32, #tpu.memory_space<vmem>> -> memref<32xi32, #tpu.memory_space<vmem>>
      %dma_wait3A_72 = arith.constant 0 : i32
      %dma_wait3A_73 = arith.constant 0 : i32
      %dma_wait3A_74 = tpu.memref_slice %arg9[%dma_wait3A_72, %dma_wait3A_73] : memref<10016x128xf32, #tpu.memory_space<vmem_shared>> -> memref<10016x128xf32, #tpu.memory_space<vmem_shared>>
      tpu.wait_indirect_dma semaphore(%arg17 : memref<!tpu.dma_semaphore, #tpu.memory_space<semaphore_mem>>) src(%dma_wait3A_68 : memref<32x128xf32, #tpu.memory_space<vmem>>) dst(%dma_wait3A_74 : memref<10016x128xf32, #tpu.memory_space<vmem_shared>>)
    } else {
    }
    %eq3A_3 = arith.constant 1 : i32
    %eq3A_4 = arith.cmpi eq, %arg0, %eq3A_3 : i32
    %convert_element_type3A_5 = arith.extui %eq3A_4 : i1 to i32
    %cond3A_6 = arith.constant 0 : i32
    %cond3A_7 = arith.cmpi ne, %convert_element_type3A_5, %cond3A_6 : i32
    scf.if %cond3A_7 {
      %mul3A_19 = arith.constant 160 : i32
      %mul3A_20 = arith.muli %arg1, %mul3A_19 : i32
      %add3A = arith.constant 0 : i32
      %add3A_21 = arith.addi %mul3A_20, %add3A : i32
      %lt3A = arith.constant 2500 : i32
      %lt3A_22 = arith.cmpi slt, %add3A_21, %lt3A : i32
      %jit3A = arith.constant 0 : i32
      %select_n3A = arith.select %lt3A_22, %add3A_21, %jit3A : i32
      %mul3A_23 = arith.constant 4 : i32
      %mul3A_24 = arith.muli %mul3A_23, %add3A_21 : i32
      "tpu.region"() ({
        %run_scoped3A = tpu.sem_alloc : memref<!tpu.dma_semaphore, #tpu.memory_space<semaphore_mem>>
        %dma_start3A_75 = arith.constant 0 : i32
        %dma_start3A_76 = tpu.memref_slice %arg5[%mul3A_24, %dma_start3A_75] : memref<10240x32xi32, #tpu.memory_space<hbm>> -> memref<4x32xi32, #tpu.memory_space<hbm>>
        %dma_start3A_77 = arith.constant 0 : i32
        %dma_start3A_78 = tpu.memref_slice %arg5[%mul3A_24, %dma_start3A_77] : memref<10240x32xi32, #tpu.memory_space<hbm>> -> memref<4x32xi32, #tpu.memory_space<hbm>>
        tpu.enqueue_dma source(%dma_start3A_78 : memref<4x32xi32, #tpu.memory_space<hbm>>) target(%arg10 : memref<4x32xi32, #tpu.memory_space<vmem>>) target_semaphore(%run_scoped3A : memref<!tpu.dma_semaphore, #tpu.memory_space<semaphore_mem>>)
        %dma_wait3A_79 = arith.constant 0 : i32
        %dma_wait3A_80 = tpu.memref_slice %arg5[%mul3A_24, %dma_wait3A_79] : memref<10240x32xi32, #tpu.memory_space<hbm>> -> memref<4x32xi32, #tpu.memory_space<hbm>>
        %dma_wait3A_81 = arith.constant 0 : i32
        %dma_wait3A_82 = tpu.memref_slice %arg5[%mul3A_24, %dma_wait3A_81] : memref<10240x32xi32, #tpu.memory_space<hbm>> -> memref<4x32xi32, #tpu.memory_space<hbm>>
        tpu.wait_dma2 semaphore(%run_scoped3A : memref<!tpu.dma_semaphore, #tpu.memory_space<semaphore_mem>>) src(%dma_wait3A_82 : memref<4x32xi32, #tpu.memory_space<hbm>>) dst(%arg10 : memref<4x32xi32, #tpu.memory_space<vmem>>)
        tpu.yield
      }) : () -> ()
      %mul3A_25 = arith.constant 128 : i32
      %mul3A_26 = arith.muli %select_n3A, %mul3A_25 : i32
      %dma_start3A = arith.constant 0 : i32
      %dma_start3A_27 = tpu.memref_slice %arg3[%mul3A_26, %dma_start3A] : memref<320000x128xf32, #tpu.memory_space<hbm>> -> memref<128x128xf32, #tpu.memory_space<hbm>>
      %dma_start3A_28 = arith.constant 0 : i32
      %dma_start3A_29 = tpu.memref_slice %arg3[%mul3A_26, %dma_start3A_28] : memref<320000x128xf32, #tpu.memory_space<hbm>> -> memref<128x128xf32, #tpu.memory_space<hbm>>
      tpu.enqueue_dma source(%dma_start3A_29 : memref<128x128xf32, #tpu.memory_space<hbm>>) target(%arg12 : memref<128x128xf32, #tpu.memory_space<vmem>>) target_semaphore(%arg14 : memref<!tpu.dma_semaphore, #tpu.memory_space<semaphore_mem>>)
      %scan3A = arith.constant 0 : i32
      %scan3A_30 = arith.constant 0 : i32
      %scan3A_31 = arith.constant 80 : i32
      %scan3A_32 = arith.addi %scan3A_30, %scan3A_31 : i32
      %scan3A_33 = arith.constant 1 : i32
      %scan3A_34 = scf.for %scan3A_75 = %scan3A_30 to %scan3A_32 step %scan3A_33 iter_args(%scan3A_76 = %scan3A) -> (i32)  : i32 {
        %mul3A_77 = arith.constant 2 : i32
        %mul3A_78 = arith.muli %scan3A_75, %mul3A_77 : i32
        %dma_wait3A_79 = arith.constant 0 : i32
        %dma_wait3A_80 = arith.constant 0 : i32
        %dma_wait3A_81 = tpu.memref_slice %arg3[%dma_wait3A_79, %dma_wait3A_80] : memref<320000x128xf32, #tpu.memory_space<hbm>> -> memref<128x128xf32, #tpu.memory_space<hbm>>
        %dma_wait3A_82 = arith.constant 0 : i32
        %dma_wait3A_83 = arith.constant 0 : i32
        %dma_wait3A_84 = tpu.memref_slice %arg3[%dma_wait3A_82, %dma_wait3A_83] : memref<320000x128xf32, #tpu.memory_space<hbm>> -> memref<128x128xf32, #tpu.memory_space<hbm>>
        tpu.wait_dma2 semaphore(%arg14 : memref<!tpu.dma_semaphore, #tpu.memory_space<semaphore_mem>>) src(%dma_wait3A_84 : memref<128x128xf32, #tpu.memory_space<hbm>>) dst(%arg12 : memref<128x128xf32, #tpu.memory_space<vmem>>)
        %dma_start3A_85 = arith.constant 0 : i32
        %dma_start3A_86 = arith.constant 0 : i32
        %dma_start3A_87 = arith.constant 0 : i32
        %dma_start3A_88 = tpu.memref_slice %arg12[%dma_start3A_86, %dma_start3A_87] : memref<128x128xf32, #tpu.memory_space<vmem>> -> memref<32x128xf32, #tpu.memory_space<vmem>>
        %dma_start3A_89 = arith.constant 0 : i32
        %dma_start3A_90 = tpu.memref_slice %arg10[%dma_start3A_85, %dma_start3A_89] : memref<4x32xi32, #tpu.memory_space<vmem>> -> memref<1x32xi32, #tpu.memory_space<vmem>>
        %dma_start3A_91 = tpu.memref_squeeze %dma_start3A_90 : memref<1x32xi32, #tpu.memory_space<vmem>> -> memref<32xi32, #tpu.memory_space<vmem>>
        %dma_start3A_92 = arith.constant 0 : i32
        %dma_start3A_93 = arith.constant 0 : i32
        %dma_start3A_94 = tpu.memref_slice %arg9[%dma_start3A_92, %dma_start3A_93] : memref<10016x128xf32, #tpu.memory_space<vmem_shared>> -> memref<10016x128xf32, #tpu.memory_space<vmem_shared>>
        tpu.enqueue_indirect_dma source(%dma_start3A_88 : memref<32x128xf32, #tpu.memory_space<vmem>>) target(%dma_start3A_94 : memref<10016x128xf32, #tpu.memory_space<vmem_shared>>) offsets(%dma_start3A_91 : memref<32xi32, #tpu.memory_space<vmem>>) semaphore(%arg16 : memref<!tpu.dma_semaphore, #tpu.memory_space<semaphore_mem>>) {add = true}
        %dma_start3A_95 = arith.constant 1 : i32
        %dma_start3A_96 = arith.constant 32 : i32
        %dma_start3A_97 = arith.constant 0 : i32
        %dma_start3A_98 = tpu.memref_slice %arg12[%dma_start3A_96, %dma_start3A_97] : memref<128x128xf32, #tpu.memory_space<vmem>> -> memref<32x128xf32, #tpu.memory_space<vmem>>
        %dma_start3A_99 = arith.constant 0 : i32
        %dma_start3A_100 = tpu.memref_slice %arg10[%dma_start3A_95, %dma_start3A_99] : memref<4x32xi32, #tpu.memory_space<vmem>> -> memref<1x32xi32, #tpu.memory_space<vmem>>
        %dma_start3A_101 = tpu.memref_squeeze %dma_start3A_100 : memref<1x32xi32, #tpu.memory_space<vmem>> -> memref<32xi32, #tpu.memory_space<vmem>>
        %dma_start3A_102 = arith.constant 0 : i32
        %dma_start3A_103 = arith.constant 0 : i32
        %dma_start3A_104 = tpu.memref_slice %arg9[%dma_start3A_102, %dma_start3A_103] : memref<10016x128xf32, #tpu.memory_space<vmem_shared>> -> memref<10016x128xf32, #tpu.memory_space<vmem_shared>>
        tpu.enqueue_indirect_dma source(%dma_start3A_98 : memref<32x128xf32, #tpu.memory_space<vmem>>) target(%dma_start3A_104 : memref<10016x128xf32, #tpu.memory_space<vmem_shared>>) offsets(%dma_start3A_101 : memref<32xi32, #tpu.memory_space<vmem>>) semaphore(%arg16 : memref<!tpu.dma_semaphore, #tpu.memory_space<semaphore_mem>>) {add = true}
        %dma_start3A_105 = arith.constant 2 : i32
        %dma_start3A_106 = arith.constant 64 : i32
        %dma_start3A_107 = arith.constant 0 : i32
        %dma_start3A_108 = tpu.memref_slice %arg12[%dma_start3A_106, %dma_start3A_107] : memref<128x128xf32, #tpu.memory_space<vmem>> -> memref<32x128xf32, #tpu.memory_space<vmem>>
        %dma_start3A_109 = arith.constant 0 : i32
        %dma_start3A_110 = tpu.memref_slice %arg10[%dma_start3A_105, %dma_start3A_109] : memref<4x32xi32, #tpu.memory_space<vmem>> -> memref<1x32xi32, #tpu.memory_space<vmem>>
        %dma_start3A_111 = tpu.memref_squeeze %dma_start3A_110 : memref<1x32xi32, #tpu.memory_space<vmem>> -> memref<32xi32, #tpu.memory_space<vmem>>
        %dma_start3A_112 = arith.constant 0 : i32
        %dma_start3A_113 = arith.constant 0 : i32
        %dma_start3A_114 = tpu.memref_slice %arg9[%dma_start3A_112, %dma_start3A_113] : memref<10016x128xf32, #tpu.memory_space<vmem_shared>> -> memref<10016x128xf32, #tpu.memory_space<vmem_shared>>
        tpu.enqueue_indirect_dma source(%dma_start3A_108 : memref<32x128xf32, #tpu.memory_space<vmem>>) target(%dma_start3A_114 : memref<10016x128xf32, #tpu.memory_space<vmem_shared>>) offsets(%dma_start3A_111 : memref<32xi32, #tpu.memory_space<vmem>>) semaphore(%arg16 : memref<!tpu.dma_semaphore, #tpu.memory_space<semaphore_mem>>) {add = true}
        %dma_start3A_115 = arith.constant 3 : i32
        %dma_start3A_116 = arith.constant 96 : i32
        %dma_start3A_117 = arith.constant 0 : i32
        %dma_start3A_118 = tpu.memref_slice %arg12[%dma_start3A_116, %dma_start3A_117] : memref<128x128xf32, #tpu.memory_space<vmem>> -> memref<32x128xf32, #tpu.memory_space<vmem>>
        %dma_start3A_119 = arith.constant 0 : i32
        %dma_start3A_120 = tpu.memref_slice %arg10[%dma_start3A_115, %dma_start3A_119] : memref<4x32xi32, #tpu.memory_space<vmem>> -> memref<1x32xi32, #tpu.memory_space<vmem>>
        %dma_start3A_121 = tpu.memref_squeeze %dma_start3A_120 : memref<1x32xi32, #tpu.memory_space<vmem>> -> memref<32xi32, #tpu.memory_space<vmem>>
        %dma_start3A_122 = arith.constant 0 : i32
        %dma_start3A_123 = arith.constant 0 : i32
        %dma_start3A_124 = tpu.memref_slice %arg9[%dma_start3A_122, %dma_start3A_123] : memref<10016x128xf32, #tpu.memory_space<vmem_shared>> -> memref<10016x128xf32, #tpu.memory_space<vmem_shared>>
        tpu.enqueue_indirect_dma source(%dma_start3A_118 : memref<32x128xf32, #tpu.memory_space<vmem>>) target(%dma_start3A_124 : memref<10016x128xf32, #tpu.memory_space<vmem_shared>>) offsets(%dma_start3A_121 : memref<32xi32, #tpu.memory_space<vmem>>) semaphore(%arg16 : memref<!tpu.dma_semaphore, #tpu.memory_space<semaphore_mem>>) {add = true}
        %gt3A = arith.constant 0 : i32
        %gt3A_125 = arith.cmpi sgt, %scan3A_75, %gt3A : i32
        %convert_element_type3A_126 = arith.extui %gt3A_125 : i1 to i32
        %cond3A_127 = arith.constant 0 : i32
        %cond3A_128 = arith.cmpi ne, %convert_element_type3A_126, %cond3A_127 : i32
        scf.if %cond3A_128 {
          %dma_wait3A_240 = arith.constant 0 : i32
          %dma_wait3A_241 = arith.constant 0 : i32
          %dma_wait3A_242 = arith.constant 0 : i32
          %dma_wait3A_243 = tpu.memref_slice %arg13[%dma_wait3A_241, %dma_wait3A_242] : memref<128x128xf32, #tpu.memory_space<vmem>> -> memref<32x128xf32, #tpu.memory_space<vmem>>
          %dma_wait3A_244 = arith.constant 0 : i32
          %dma_wait3A_245 = tpu.memref_slice %arg11[%dma_wait3A_240, %dma_wait3A_244] : memref<4x32xi32, #tpu.memory_space<vmem>> -> memref<1x32xi32, #tpu.memory_space<vmem>>
          %dma_wait3A_246 = tpu.memref_squeeze %dma_wait3A_245 : memref<1x32xi32, #tpu.memory_space<vmem>> -> memref<32xi32, #tpu.memory_space<vmem>>
          %dma_wait3A_247 = arith.constant 0 : i32
          %dma_wait3A_248 = arith.constant 0 : i32
          %dma_wait3A_249 = tpu.memref_slice %arg9[%dma_wait3A_247, %dma_wait3A_248] : memref<10016x128xf32, #tpu.memory_space<vmem_shared>> -> memref<10016x128xf32, #tpu.memory_space<vmem_shared>>
          tpu.wait_indirect_dma semaphore(%arg17 : memref<!tpu.dma_semaphore, #tpu.memory_space<semaphore_mem>>) src(%dma_wait3A_243 : memref<32x128xf32, #tpu.memory_space<vmem>>) dst(%dma_wait3A_249 : memref<10016x128xf32, #tpu.memory_space<vmem_shared>>)
          %dma_wait3A_250 = arith.constant 1 : i32
          %dma_wait3A_251 = arith.constant 32 : i32
          %dma_wait3A_252 = arith.constant 0 : i32
          %dma_wait3A_253 = tpu.memref_slice %arg13[%dma_wait3A_251, %dma_wait3A_252] : memref<128x128xf32, #tpu.memory_space<vmem>> -> memref<32x128xf32, #tpu.memory_space<vmem>>
          %dma_wait3A_254 = arith.constant 0 : i32
          %dma_wait3A_255 = tpu.memref_slice %arg11[%dma_wait3A_250, %dma_wait3A_254] : memref<4x32xi32, #tpu.memory_space<vmem>> -> memref<1x32xi32, #tpu.memory_space<vmem>>
          %dma_wait3A_256 = tpu.memref_squeeze %dma_wait3A_255 : memref<1x32xi32, #tpu.memory_space<vmem>> -> memref<32xi32, #tpu.memory_space<vmem>>
          %dma_wait3A_257 = arith.constant 0 : i32
          %dma_wait3A_258 = arith.constant 0 : i32
          %dma_wait3A_259 = tpu.memref_slice %arg9[%dma_wait3A_257, %dma_wait3A_258] : memref<10016x128xf32, #tpu.memory_space<vmem_shared>> -> memref<10016x128xf32, #tpu.memory_space<vmem_shared>>
          tpu.wait_indirect_dma semaphore(%arg17 : memref<!tpu.dma_semaphore, #tpu.memory_space<semaphore_mem>>) src(%dma_wait3A_253 : memref<32x128xf32, #tpu.memory_space<vmem>>) dst(%dma_wait3A_259 : memref<10016x128xf32, #tpu.memory_space<vmem_shared>>)
          %dma_wait3A_260 = arith.constant 2 : i32
          %dma_wait3A_261 = arith.constant 64 : i32
          %dma_wait3A_262 = arith.constant 0 : i32
          %dma_wait3A_263 = tpu.memref_slice %arg13[%dma_wait3A_261, %dma_wait3A_262] : memref<128x128xf32, #tpu.memory_space<vmem>> -> memref<32x128xf32, #tpu.memory_space<vmem>>
          %dma_wait3A_264 = arith.constant 0 : i32
          %dma_wait3A_265 = tpu.memref_slice %arg11[%dma_wait3A_260, %dma_wait3A_264] : memref<4x32xi32, #tpu.memory_space<vmem>> -> memref<1x32xi32, #tpu.memory_space<vmem>>
          %dma_wait3A_266 = tpu.memref_squeeze %dma_wait3A_265 : memref<1x32xi32, #tpu.memory_space<vmem>> -> memref<32xi32, #tpu.memory_space<vmem>>
          %dma_wait3A_267 = arith.constant 0 : i32
          %dma_wait3A_268 = arith.constant 0 : i32
          %dma_wait3A_269 = tpu.memref_slice %arg9[%dma_wait3A_267, %dma_wait3A_268] : memref<10016x128xf32, #tpu.memory_space<vmem_shared>> -> memref<10016x128xf32, #tpu.memory_space<vmem_shared>>
          tpu.wait_indirect_dma semaphore(%arg17 : memref<!tpu.dma_semaphore, #tpu.memory_space<semaphore_mem>>) src(%dma_wait3A_263 : memref<32x128xf32, #tpu.memory_space<vmem>>) dst(%dma_wait3A_269 : memref<10016x128xf32, #tpu.memory_space<vmem_shared>>)
          %dma_wait3A_270 = arith.constant 3 : i32
          %dma_wait3A_271 = arith.constant 96 : i32
          %dma_wait3A_272 = arith.constant 0 : i32
          %dma_wait3A_273 = tpu.memref_slice %arg13[%dma_wait3A_271, %dma_wait3A_272] : memref<128x128xf32, #tpu.memory_space<vmem>> -> memref<32x128xf32, #tpu.memory_space<vmem>>
          %dma_wait3A_274 = arith.constant 0 : i32
          %dma_wait3A_275 = tpu.memref_slice %arg11[%dma_wait3A_270, %dma_wait3A_274] : memref<4x32xi32, #tpu.memory_space<vmem>> -> memref<1x32xi32, #tpu.memory_space<vmem>>
          %dma_wait3A_276 = tpu.memref_squeeze %dma_wait3A_275 : memref<1x32xi32, #tpu.memory_space<vmem>> -> memref<32xi32, #tpu.memory_space<vmem>>
          %dma_wait3A_277 = arith.constant 0 : i32
          %dma_wait3A_278 = arith.constant 0 : i32
          %dma_wait3A_279 = tpu.memref_slice %arg9[%dma_wait3A_277, %dma_wait3A_278] : memref<10016x128xf32, #tpu.memory_space<vmem_shared>> -> memref<10016x128xf32, #tpu.memory_space<vmem_shared>>
          tpu.wait_indirect_dma semaphore(%arg17 : memref<!tpu.dma_semaphore, #tpu.memory_space<semaphore_mem>>) src(%dma_wait3A_273 : memref<32x128xf32, #tpu.memory_space<vmem>>) dst(%dma_wait3A_279 : memref<10016x128xf32, #tpu.memory_space<vmem_shared>>)
        } else {
        }
        %add3A_129 = arith.constant 1 : i32
        %add3A_130 = arith.addi %mul3A_78, %add3A_129 : i32
        %add3A_131 = arith.addi %mul3A_20, %add3A_130 : i32
        %lt3A_132 = arith.constant 2500 : i32
        %lt3A_133 = arith.cmpi slt, %add3A_131, %lt3A_132 : i32
        %jit3A_134 = arith.constant 0 : i32
        %select_n3A_135 = arith.select %lt3A_133, %add3A_131, %jit3A_134 : i32
        %mul3A_136 = arith.constant 4 : i32
        %mul3A_137 = arith.muli %mul3A_136, %add3A_131 : i32
        "tpu.region"() ({
          %run_scoped3A = tpu.sem_alloc : memref<!tpu.dma_semaphore, #tpu.memory_space<semaphore_mem>>
          %dma_start3A_240 = arith.constant 0 : i32
          %dma_start3A_241 = tpu.memref_slice %arg5[%mul3A_137, %dma_start3A_240] : memref<10240x32xi32, #tpu.memory_space<hbm>> -> memref<4x32xi32, #tpu.memory_space<hbm>>
          %dma_start3A_242 = arith.constant 0 : i32
          %dma_start3A_243 = tpu.memref_slice %arg5[%mul3A_137, %dma_start3A_242] : memref<10240x32xi32, #tpu.memory_space<hbm>> -> memref<4x32xi32, #tpu.memory_space<hbm>>
          tpu.enqueue_dma source(%dma_start3A_243 : memref<4x32xi32, #tpu.memory_space<hbm>>) target(%arg11 : memref<4x32xi32, #tpu.memory_space<vmem>>) target_semaphore(%run_scoped3A : memref<!tpu.dma_semaphore, #tpu.memory_space<semaphore_mem>>)
          %dma_wait3A_244 = arith.constant 0 : i32
          %dma_wait3A_245 = tpu.memref_slice %arg5[%mul3A_137, %dma_wait3A_244] : memref<10240x32xi32, #tpu.memory_space<hbm>> -> memref<4x32xi32, #tpu.memory_space<hbm>>
          %dma_wait3A_246 = arith.constant 0 : i32
          %dma_wait3A_247 = tpu.memref_slice %arg5[%mul3A_137, %dma_wait3A_246] : memref<10240x32xi32, #tpu.memory_space<hbm>> -> memref<4x32xi32, #tpu.memory_space<hbm>>
          tpu.wait_dma2 semaphore(%run_scoped3A : memref<!tpu.dma_semaphore, #tpu.memory_space<semaphore_mem>>) src(%dma_wait3A_247 : memref<4x32xi32, #tpu.memory_space<hbm>>) dst(%arg11 : memref<4x32xi32, #tpu.memory_space<vmem>>)
          tpu.yield
        }) : () -> ()
        %mul3A_138 = arith.constant 128 : i32
        %mul3A_139 = arith.muli %select_n3A_135, %mul3A_138 : i32
        %dma_start3A_140 = arith.constant 0 : i32
        %dma_start3A_141 = tpu.memref_slice %arg3[%mul3A_139, %dma_start3A_140] : memref<320000x128xf32, #tpu.memory_space<hbm>> -> memref<128x128xf32, #tpu.memory_space<hbm>>
        %dma_start3A_142 = arith.constant 0 : i32
        %dma_start3A_143 = tpu.memref_slice %arg3[%mul3A_139, %dma_start3A_142] : memref<320000x128xf32, #tpu.memory_space<hbm>> -> memref<128x128xf32, #tpu.memory_space<hbm>>
        tpu.enqueue_dma source(%dma_start3A_143 : memref<128x128xf32, #tpu.memory_space<hbm>>) target(%arg13 : memref<128x128xf32, #tpu.memory_space<vmem>>) target_semaphore(%arg15 : memref<!tpu.dma_semaphore, #tpu.memory_space<semaphore_mem>>)
        %dma_wait3A_144 = arith.constant 0 : i32
        %dma_wait3A_145 = arith.constant 0 : i32
        %dma_wait3A_146 = arith.constant 0 : i32
        %dma_wait3A_147 = tpu.memref_slice %arg12[%dma_wait3A_145, %dma_wait3A_146] : memref<128x128xf32, #tpu.memory_space<vmem>> -> memref<32x128xf32, #tpu.memory_space<vmem>>
        %dma_wait3A_148 = arith.constant 0 : i32
        %dma_wait3A_149 = tpu.memref_slice %arg10[%dma_wait3A_144, %dma_wait3A_148] : memref<4x32xi32, #tpu.memory_space<vmem>> -> memref<1x32xi32, #tpu.memory_space<vmem>>
        %dma_wait3A_150 = tpu.memref_squeeze %dma_wait3A_149 : memref<1x32xi32, #tpu.memory_space<vmem>> -> memref<32xi32, #tpu.memory_space<vmem>>
        %dma_wait3A_151 = arith.constant 0 : i32
        %dma_wait3A_152 = arith.constant 0 : i32
        %dma_wait3A_153 = tpu.memref_slice %arg9[%dma_wait3A_151, %dma_wait3A_152] : memref<10016x128xf32, #tpu.memory_space<vmem_shared>> -> memref<10016x128xf32, #tpu.memory_space<vmem_shared>>
        tpu.wait_indirect_dma semaphore(%arg16 : memref<!tpu.dma_semaphore, #tpu.memory_space<semaphore_mem>>) src(%dma_wait3A_147 : memref<32x128xf32, #tpu.memory_space<vmem>>) dst(%dma_wait3A_153 : memref<10016x128xf32, #tpu.memory_space<vmem_shared>>)
        %dma_wait3A_154 = arith.constant 1 : i32
        %dma_wait3A_155 = arith.constant 32 : i32
        %dma_wait3A_156 = arith.constant 0 : i32
        %dma_wait3A_157 = tpu.memref_slice %arg12[%dma_wait3A_155, %dma_wait3A_156] : memref<128x128xf32, #tpu.memory_space<vmem>> -> memref<32x128xf32, #tpu.memory_space<vmem>>
        %dma_wait3A_158 = arith.constant 0 : i32
        %dma_wait3A_159 = tpu.memref_slice %arg10[%dma_wait3A_154, %dma_wait3A_158] : memref<4x32xi32, #tpu.memory_space<vmem>> -> memref<1x32xi32, #tpu.memory_space<vmem>>
        %dma_wait3A_160 = tpu.memref_squeeze %dma_wait3A_159 : memref<1x32xi32, #tpu.memory_space<vmem>> -> memref<32xi32, #tpu.memory_space<vmem>>
        %dma_wait3A_161 = arith.constant 0 : i32
        %dma_wait3A_162 = arith.constant 0 : i32
        %dma_wait3A_163 = tpu.memref_slice %arg9[%dma_wait3A_161, %dma_wait3A_162] : memref<10016x128xf32, #tpu.memory_space<vmem_shared>> -> memref<10016x128xf32, #tpu.memory_space<vmem_shared>>
        tpu.wait_indirect_dma semaphore(%arg16 : memref<!tpu.dma_semaphore, #tpu.memory_space<semaphore_mem>>) src(%dma_wait3A_157 : memref<32x128xf32, #tpu.memory_space<vmem>>) dst(%dma_wait3A_163 : memref<10016x128xf32, #tpu.memory_space<vmem_shared>>)
        %dma_wait3A_164 = arith.constant 2 : i32
        %dma_wait3A_165 = arith.constant 64 : i32
        %dma_wait3A_166 = arith.constant 0 : i32
        %dma_wait3A_167 = tpu.memref_slice %arg12[%dma_wait3A_165, %dma_wait3A_166] : memref<128x128xf32, #tpu.memory_space<vmem>> -> memref<32x128xf32, #tpu.memory_space<vmem>>
        %dma_wait3A_168 = arith.constant 0 : i32
        %dma_wait3A_169 = tpu.memref_slice %arg10[%dma_wait3A_164, %dma_wait3A_168] : memref<4x32xi32, #tpu.memory_space<vmem>> -> memref<1x32xi32, #tpu.memory_space<vmem>>
        %dma_wait3A_170 = tpu.memref_squeeze %dma_wait3A_169 : memref<1x32xi32, #tpu.memory_space<vmem>> -> memref<32xi32, #tpu.memory_space<vmem>>
        %dma_wait3A_171 = arith.constant 0 : i32
        %dma_wait3A_172 = arith.constant 0 : i32
        %dma_wait3A_173 = tpu.memref_slice %arg9[%dma_wait3A_171, %dma_wait3A_172] : memref<10016x128xf32, #tpu.memory_space<vmem_shared>> -> memref<10016x128xf32, #tpu.memory_space<vmem_shared>>
        tpu.wait_indirect_dma semaphore(%arg16 : memref<!tpu.dma_semaphore, #tpu.memory_space<semaphore_mem>>) src(%dma_wait3A_167 : memref<32x128xf32, #tpu.memory_space<vmem>>) dst(%dma_wait3A_173 : memref<10016x128xf32, #tpu.memory_space<vmem_shared>>)
        %dma_wait3A_174 = arith.constant 3 : i32
        %dma_wait3A_175 = arith.constant 96 : i32
        %dma_wait3A_176 = arith.constant 0 : i32
        %dma_wait3A_177 = tpu.memref_slice %arg12[%dma_wait3A_175, %dma_wait3A_176] : memref<128x128xf32, #tpu.memory_space<vmem>> -> memref<32x128xf32, #tpu.memory_space<vmem>>
        %dma_wait3A_178 = arith.constant 0 : i32
        %dma_wait3A_179 = tpu.memref_slice %arg10[%dma_wait3A_174, %dma_wait3A_178] : memref<4x32xi32, #tpu.memory_space<vmem>> -> memref<1x32xi32, #tpu.memory_space<vmem>>
        %dma_wait3A_180 = tpu.memref_squeeze %dma_wait3A_179 : memref<1x32xi32, #tpu.memory_space<vmem>> -> memref<32xi32, #tpu.memory_space<vmem>>
        %dma_wait3A_181 = arith.constant 0 : i32
        %dma_wait3A_182 = arith.constant 0 : i32
        %dma_wait3A_183 = tpu.memref_slice %arg9[%dma_wait3A_181, %dma_wait3A_182] : memref<10016x128xf32, #tpu.memory_space<vmem_shared>> -> memref<10016x128xf32, #tpu.memory_space<vmem_shared>>
        tpu.wait_indirect_dma semaphore(%arg16 : memref<!tpu.dma_semaphore, #tpu.memory_space<semaphore_mem>>) src(%dma_wait3A_177 : memref<32x128xf32, #tpu.memory_space<vmem>>) dst(%dma_wait3A_183 : memref<10016x128xf32, #tpu.memory_space<vmem_shared>>)
        %add3A_184 = arith.constant 2 : i32
        %add3A_185 = arith.addi %mul3A_78, %add3A_184 : i32
        %lt3A_186 = arith.constant 160 : i32
        %lt3A_187 = arith.cmpi slt, %add3A_185, %lt3A_186 : i32
        %convert_element_type3A_188 = arith.extui %lt3A_187 : i1 to i32
        %cond3A_189 = arith.constant 0 : i32
        %cond3A_190 = arith.cmpi ne, %convert_element_type3A_188, %cond3A_189 : i32
        scf.if %cond3A_190 {
          %add3A_240 = arith.constant 2 : i32
          %add3A_241 = arith.addi %mul3A_78, %add3A_240 : i32
          %add3A_242 = arith.addi %mul3A_20, %add3A_241 : i32
          %lt3A_243 = arith.constant 2500 : i32
          %lt3A_244 = arith.cmpi slt, %add3A_242, %lt3A_243 : i32
          %jit3A_245 = arith.constant 0 : i32
          %select_n3A_246 = arith.select %lt3A_244, %add3A_242, %jit3A_245 : i32
          %mul3A_247 = arith.constant 4 : i32
          %mul3A_248 = arith.muli %mul3A_247, %add3A_242 : i32
          "tpu.region"() ({
            %run_scoped3A = tpu.sem_alloc : memref<!tpu.dma_semaphore, #tpu.memory_space<semaphore_mem>>
            %dma_start3A_255 = arith.constant 0 : i32
            %dma_start3A_256 = tpu.memref_slice %arg5[%mul3A_248, %dma_start3A_255] : memref<10240x32xi32, #tpu.memory_space<hbm>> -> memref<4x32xi32, #tpu.memory_space<hbm>>
            %dma_start3A_257 = arith.constant 0 : i32
            %dma_start3A_258 = tpu.memref_slice %arg5[%mul3A_248, %dma_start3A_257] : memref<10240x32xi32, #tpu.memory_space<hbm>> -> memref<4x32xi32, #tpu.memory_space<hbm>>
            tpu.enqueue_dma source(%dma_start3A_258 : memref<4x32xi32, #tpu.memory_space<hbm>>) target(%arg10 : memref<4x32xi32, #tpu.memory_space<vmem>>) target_semaphore(%run_scoped3A : memref<!tpu.dma_semaphore, #tpu.memory_space<semaphore_mem>>)
            %dma_wait3A_259 = arith.constant 0 : i32
            %dma_wait3A_260 = tpu.memref_slice %arg5[%mul3A_248, %dma_wait3A_259] : memref<10240x32xi32, #tpu.memory_space<hbm>> -> memref<4x32xi32, #tpu.memory_space<hbm>>
            %dma_wait3A_261 = arith.constant 0 : i32
            %dma_wait3A_262 = tpu.memref_slice %arg5[%mul3A_248, %dma_wait3A_261] : memref<10240x32xi32, #tpu.memory_space<hbm>> -> memref<4x32xi32, #tpu.memory_space<hbm>>
            tpu.wait_dma2 semaphore(%run_scoped3A : memref<!tpu.dma_semaphore, #tpu.memory_space<semaphore_mem>>) src(%dma_wait3A_262 : memref<4x32xi32, #tpu.memory_space<hbm>>) dst(%arg10 : memref<4x32xi32, #tpu.memory_space<vmem>>)
            tpu.yield
          }) : () -> ()
          %mul3A_249 = arith.constant 128 : i32
          %mul3A_250 = arith.muli %select_n3A_246, %mul3A_249 : i32
          %dma_start3A_251 = arith.constant 0 : i32
          %dma_start3A_252 = tpu.memref_slice %arg3[%mul3A_250, %dma_start3A_251] : memref<320000x128xf32, #tpu.memory_space<hbm>> -> memref<128x128xf32, #tpu.memory_space<hbm>>
          %dma_start3A_253 = arith.constant 0 : i32
          %dma_start3A_254 = tpu.memref_slice %arg3[%mul3A_250, %dma_start3A_253] : memref<320000x128xf32, #tpu.memory_space<hbm>> -> memref<128x128xf32, #tpu.memory_space<hbm>>
          tpu.enqueue_dma source(%dma_start3A_254 : memref<128x128xf32, #tpu.memory_space<hbm>>) target(%arg12 : memref<128x128xf32, #tpu.memory_space<vmem>>) target_semaphore(%arg14 : memref<!tpu.dma_semaphore, #tpu.memory_space<semaphore_mem>>)
        } else {
        }
        %add3A_191 = arith.constant 1 : i32
        %add3A_192 = arith.addi %mul3A_78, %add3A_191 : i32
        %dma_wait3A_193 = arith.constant 0 : i32
        %dma_wait3A_194 = arith.constant 0 : i32
        %dma_wait3A_195 = tpu.memref_slice %arg3[%dma_wait3A_193, %dma_wait3A_194] : memref<320000x128xf32, #tpu.memory_space<hbm>> -> memref<128x128xf32, #tpu.memory_space<hbm>>
        %dma_wait3A_196 = arith.constant 0 : i32
        %dma_wait3A_197 = arith.constant 0 : i32
        %dma_wait3A_198 = tpu.memref_slice %arg3[%dma_wait3A_196, %dma_wait3A_197] : memref<320000x128xf32, #tpu.memory_space<hbm>> -> memref<128x128xf32, #tpu.memory_space<hbm>>
        tpu.wait_dma2 semaphore(%arg15 : memref<!tpu.dma_semaphore, #tpu.memory_space<semaphore_mem>>) src(%dma_wait3A_198 : memref<128x128xf32, #tpu.memory_space<hbm>>) dst(%arg13 : memref<128x128xf32, #tpu.memory_space<vmem>>)
        %dma_start3A_199 = arith.constant 0 : i32
        %dma_start3A_200 = arith.constant 0 : i32
        %dma_start3A_201 = arith.constant 0 : i32
        %dma_start3A_202 = tpu.memref_slice %arg13[%dma_start3A_200, %dma_start3A_201] : memref<128x128xf32, #tpu.memory_space<vmem>> -> memref<32x128xf32, #tpu.memory_space<vmem>>
        %dma_start3A_203 = arith.constant 0 : i32
        %dma_start3A_204 = tpu.memref_slice %arg11[%dma_start3A_199, %dma_start3A_203] : memref<4x32xi32, #tpu.memory_space<vmem>> -> memref<1x32xi32, #tpu.memory_space<vmem>>
        %dma_start3A_205 = tpu.memref_squeeze %dma_start3A_204 : memref<1x32xi32, #tpu.memory_space<vmem>> -> memref<32xi32, #tpu.memory_space<vmem>>
        %dma_start3A_206 = arith.constant 0 : i32
        %dma_start3A_207 = arith.constant 0 : i32
        %dma_start3A_208 = tpu.memref_slice %arg9[%dma_start3A_206, %dma_start3A_207] : memref<10016x128xf32, #tpu.memory_space<vmem_shared>> -> memref<10016x128xf32, #tpu.memory_space<vmem_shared>>
        tpu.enqueue_indirect_dma source(%dma_start3A_202 : memref<32x128xf32, #tpu.memory_space<vmem>>) target(%dma_start3A_208 : memref<10016x128xf32, #tpu.memory_space<vmem_shared>>) offsets(%dma_start3A_205 : memref<32xi32, #tpu.memory_space<vmem>>) semaphore(%arg17 : memref<!tpu.dma_semaphore, #tpu.memory_space<semaphore_mem>>) {add = true}
        %dma_start3A_209 = arith.constant 1 : i32
        %dma_start3A_210 = arith.constant 32 : i32
        %dma_start3A_211 = arith.constant 0 : i32
        %dma_start3A_212 = tpu.memref_slice %arg13[%dma_start3A_210, %dma_start3A_211] : memref<128x128xf32, #tpu.memory_space<vmem>> -> memref<32x128xf32, #tpu.memory_space<vmem>>
        %dma_start3A_213 = arith.constant 0 : i32
        %dma_start3A_214 = tpu.memref_slice %arg11[%dma_start3A_209, %dma_start3A_213] : memref<4x32xi32, #tpu.memory_space<vmem>> -> memref<1x32xi32, #tpu.memory_space<vmem>>
        %dma_start3A_215 = tpu.memref_squeeze %dma_start3A_214 : memref<1x32xi32, #tpu.memory_space<vmem>> -> memref<32xi32, #tpu.memory_space<vmem>>
        %dma_start3A_216 = arith.constant 0 : i32
        %dma_start3A_217 = arith.constant 0 : i32
        %dma_start3A_218 = tpu.memref_slice %arg9[%dma_start3A_216, %dma_start3A_217] : memref<10016x128xf32, #tpu.memory_space<vmem_shared>> -> memref<10016x128xf32, #tpu.memory_space<vmem_shared>>
        tpu.enqueue_indirect_dma source(%dma_start3A_212 : memref<32x128xf32, #tpu.memory_space<vmem>>) target(%dma_start3A_218 : memref<10016x128xf32, #tpu.memory_space<vmem_shared>>) offsets(%dma_start3A_215 : memref<32xi32, #tpu.memory_space<vmem>>) semaphore(%arg17 : memref<!tpu.dma_semaphore, #tpu.memory_space<semaphore_mem>>) {add = true}
        %dma_start3A_219 = arith.constant 2 : i32
        %dma_start3A_220 = arith.constant 64 : i32
        %dma_start3A_221 = arith.constant 0 : i32
        %dma_start3A_222 = tpu.memref_slice %arg13[%dma_start3A_220, %dma_start3A_221] : memref<128x128xf32, #tpu.memory_space<vmem>> -> memref<32x128xf32, #tpu.memory_space<vmem>>
        %dma_start3A_223 = arith.constant 0 : i32
        %dma_start3A_224 = tpu.memref_slice %arg11[%dma_start3A_219, %dma_start3A_223] : memref<4x32xi32, #tpu.memory_space<vmem>> -> memref<1x32xi32, #tpu.memory_space<vmem>>
        %dma_start3A_225 = tpu.memref_squeeze %dma_start3A_224 : memref<1x32xi32, #tpu.memory_space<vmem>> -> memref<32xi32, #tpu.memory_space<vmem>>
        %dma_start3A_226 = arith.constant 0 : i32
        %dma_start3A_227 = arith.constant 0 : i32
        %dma_start3A_228 = tpu.memref_slice %arg9[%dma_start3A_226, %dma_start3A_227] : memref<10016x128xf32, #tpu.memory_space<vmem_shared>> -> memref<10016x128xf32, #tpu.memory_space<vmem_shared>>
        tpu.enqueue_indirect_dma source(%dma_start3A_222 : memref<32x128xf32, #tpu.memory_space<vmem>>) target(%dma_start3A_228 : memref<10016x128xf32, #tpu.memory_space<vmem_shared>>) offsets(%dma_start3A_225 : memref<32xi32, #tpu.memory_space<vmem>>) semaphore(%arg17 : memref<!tpu.dma_semaphore, #tpu.memory_space<semaphore_mem>>) {add = true}
        %dma_start3A_229 = arith.constant 3 : i32
        %dma_start3A_230 = arith.constant 96 : i32
        %dma_start3A_231 = arith.constant 0 : i32
        %dma_start3A_232 = tpu.memref_slice %arg13[%dma_start3A_230, %dma_start3A_231] : memref<128x128xf32, #tpu.memory_space<vmem>> -> memref<32x128xf32, #tpu.memory_space<vmem>>
        %dma_start3A_233 = arith.constant 0 : i32
        %dma_start3A_234 = tpu.memref_slice %arg11[%dma_start3A_229, %dma_start3A_233] : memref<4x32xi32, #tpu.memory_space<vmem>> -> memref<1x32xi32, #tpu.memory_space<vmem>>
        %dma_start3A_235 = tpu.memref_squeeze %dma_start3A_234 : memref<1x32xi32, #tpu.memory_space<vmem>> -> memref<32xi32, #tpu.memory_space<vmem>>
        %dma_start3A_236 = arith.constant 0 : i32
        %dma_start3A_237 = arith.constant 0 : i32
        %dma_start3A_238 = tpu.memref_slice %arg9[%dma_start3A_236, %dma_start3A_237] : memref<10016x128xf32, #tpu.memory_space<vmem_shared>> -> memref<10016x128xf32, #tpu.memory_space<vmem_shared>>
        tpu.enqueue_indirect_dma source(%dma_start3A_232 : memref<32x128xf32, #tpu.memory_space<vmem>>) target(%dma_start3A_238 : memref<10016x128xf32, #tpu.memory_space<vmem_shared>>) offsets(%dma_start3A_235 : memref<32xi32, #tpu.memory_space<vmem>>) semaphore(%arg17 : memref<!tpu.dma_semaphore, #tpu.memory_space<semaphore_mem>>) {add = true}
        %scan3A_239 = arith.constant 0 : i32
        scf.yield %scan3A_239 : i32
      }
      %scan3A_35 = arith.constant 80 : i32
      %dma_wait3A = arith.constant 0 : i32
      %dma_wait3A_36 = arith.constant 0 : i32
      %dma_wait3A_37 = arith.constant 0 : i32
      %dma_wait3A_38 = tpu.memref_slice %arg13[%dma_wait3A_36, %dma_wait3A_37] : memref<128x128xf32, #tpu.memory_space<vmem>> -> memref<32x128xf32, #tpu.memory_space<vmem>>
      %dma_wait3A_39 = arith.constant 0 : i32
      %dma_wait3A_40 = tpu.memref_slice %arg11[%dma_wait3A, %dma_wait3A_39] : memref<4x32xi32, #tpu.memory_space<vmem>> -> memref<1x32xi32, #tpu.memory_space<vmem>>
      %dma_wait3A_41 = tpu.memref_squeeze %dma_wait3A_40 : memref<1x32xi32, #tpu.memory_space<vmem>> -> memref<32xi32, #tpu.memory_space<vmem>>
      %dma_wait3A_42 = arith.constant 0 : i32
      %dma_wait3A_43 = arith.constant 0 : i32
      %dma_wait3A_44 = tpu.memref_slice %arg9[%dma_wait3A_42, %dma_wait3A_43] : memref<10016x128xf32, #tpu.memory_space<vmem_shared>> -> memref<10016x128xf32, #tpu.memory_space<vmem_shared>>
      tpu.wait_indirect_dma semaphore(%arg17 : memref<!tpu.dma_semaphore, #tpu.memory_space<semaphore_mem>>) src(%dma_wait3A_38 : memref<32x128xf32, #tpu.memory_space<vmem>>) dst(%dma_wait3A_44 : memref<10016x128xf32, #tpu.memory_space<vmem_shared>>)
      %dma_wait3A_45 = arith.constant 1 : i32
      %dma_wait3A_46 = arith.constant 32 : i32
      %dma_wait3A_47 = arith.constant 0 : i32
      %dma_wait3A_48 = tpu.memref_slice %arg13[%dma_wait3A_46, %dma_wait3A_47] : memref<128x128xf32, #tpu.memory_space<vmem>> -> memref<32x128xf32, #tpu.memory_space<vmem>>
      %dma_wait3A_49 = arith.constant 0 : i32
      %dma_wait3A_50 = tpu.memref_slice %arg11[%dma_wait3A_45, %dma_wait3A_49] : memref<4x32xi32, #tpu.memory_space<vmem>> -> memref<1x32xi32, #tpu.memory_space<vmem>>
      %dma_wait3A_51 = tpu.memref_squeeze %dma_wait3A_50 : memref<1x32xi32, #tpu.memory_space<vmem>> -> memref<32xi32, #tpu.memory_space<vmem>>
      %dma_wait3A_52 = arith.constant 0 : i32
      %dma_wait3A_53 = arith.constant 0 : i32
      %dma_wait3A_54 = tpu.memref_slice %arg9[%dma_wait3A_52, %dma_wait3A_53] : memref<10016x128xf32, #tpu.memory_space<vmem_shared>> -> memref<10016x128xf32, #tpu.memory_space<vmem_shared>>
      tpu.wait_indirect_dma semaphore(%arg17 : memref<!tpu.dma_semaphore, #tpu.memory_space<semaphore_mem>>) src(%dma_wait3A_48 : memref<32x128xf32, #tpu.memory_space<vmem>>) dst(%dma_wait3A_54 : memref<10016x128xf32, #tpu.memory_space<vmem_shared>>)
      %dma_wait3A_55 = arith.constant 2 : i32
      %dma_wait3A_56 = arith.constant 64 : i32
      %dma_wait3A_57 = arith.constant 0 : i32
      %dma_wait3A_58 = tpu.memref_slice %arg13[%dma_wait3A_56, %dma_wait3A_57] : memref<128x128xf32, #tpu.memory_space<vmem>> -> memref<32x128xf32, #tpu.memory_space<vmem>>
      %dma_wait3A_59 = arith.constant 0 : i32
      %dma_wait3A_60 = tpu.memref_slice %arg11[%dma_wait3A_55, %dma_wait3A_59] : memref<4x32xi32, #tpu.memory_space<vmem>> -> memref<1x32xi32, #tpu.memory_space<vmem>>
      %dma_wait3A_61 = tpu.memref_squeeze %dma_wait3A_60 : memref<1x32xi32, #tpu.memory_space<vmem>> -> memref<32xi32, #tpu.memory_space<vmem>>
      %dma_wait3A_62 = arith.constant 0 : i32
      %dma_wait3A_63 = arith.constant 0 : i32
      %dma_wait3A_64 = tpu.memref_slice %arg9[%dma_wait3A_62, %dma_wait3A_63] : memref<10016x128xf32, #tpu.memory_space<vmem_shared>> -> memref<10016x128xf32, #tpu.memory_space<vmem_shared>>
      tpu.wait_indirect_dma semaphore(%arg17 : memref<!tpu.dma_semaphore, #tpu.memory_space<semaphore_mem>>) src(%dma_wait3A_58 : memref<32x128xf32, #tpu.memory_space<vmem>>) dst(%dma_wait3A_64 : memref<10016x128xf32, #tpu.memory_space<vmem_shared>>)
      %dma_wait3A_65 = arith.constant 3 : i32
      %dma_wait3A_66 = arith.constant 96 : i32
      %dma_wait3A_67 = arith.constant 0 : i32
      %dma_wait3A_68 = tpu.memref_slice %arg13[%dma_wait3A_66, %dma_wait3A_67] : memref<128x128xf32, #tpu.memory_space<vmem>> -> memref<32x128xf32, #tpu.memory_space<vmem>>
      %dma_wait3A_69 = arith.constant 0 : i32
      %dma_wait3A_70 = tpu.memref_slice %arg11[%dma_wait3A_65, %dma_wait3A_69] : memref<4x32xi32, #tpu.memory_space<vmem>> -> memref<1x32xi32, #tpu.memory_space<vmem>>
      %dma_wait3A_71 = tpu.memref_squeeze %dma_wait3A_70 : memref<1x32xi32, #tpu.memory_space<vmem>> -> memref<32xi32, #tpu.memory_space<vmem>>
      %dma_wait3A_72 = arith.constant 0 : i32
      %dma_wait3A_73 = arith.constant 0 : i32
      %dma_wait3A_74 = tpu.memref_slice %arg9[%dma_wait3A_72, %dma_wait3A_73] : memref<10016x128xf32, #tpu.memory_space<vmem_shared>> -> memref<10016x128xf32, #tpu.memory_space<vmem_shared>>
      tpu.wait_indirect_dma semaphore(%arg17 : memref<!tpu.dma_semaphore, #tpu.memory_space<semaphore_mem>>) src(%dma_wait3A_68 : memref<32x128xf32, #tpu.memory_space<vmem>>) dst(%dma_wait3A_74 : memref<10016x128xf32, #tpu.memory_space<vmem_shared>>)
    } else {
    }
    %barrier3A_8 = arith.constant 0 : index
    tpu.barrier barrier_id(%barrier3A_8)
    %eq3A_9 = arith.constant 0 : i32
    %eq3A_10 = arith.cmpi eq, %arg0, %eq3A_9 : i32
    %convert_element_type3A_11 = arith.extui %eq3A_10 : i1 to i32
    %cond3A_12 = arith.constant 0 : i32
    %cond3A_13 = arith.cmpi ne, %convert_element_type3A_11, %cond3A_12 : i32
    scf.if %cond3A_13 {
      %mul3A_19 = arith.constant 625 : i32
      %mul3A_20 = arith.muli %arg1, %mul3A_19 : i32
      %mul3A_21 = arith.constant 625 : i32
      %mul3A_22 = arith.muli %arg1, %mul3A_21 : i32
      "tpu.region"() ({
        %run_scoped3A = tpu.sem_alloc : memref<!tpu.dma_semaphore, #tpu.memory_space<semaphore_mem>>
        %dma_start3A = arith.constant 0 : i32
        %dma_start3A_23 = tpu.memref_slice %arg7[%mul3A_22, %dma_start3A] : memref<10000x128xf32, #tpu.memory_space<hbm>> -> memref<625x128xf32, #tpu.memory_space<hbm>>
        %dma_start3A_24 = arith.constant 0 : i32
        %dma_start3A_25 = tpu.memref_slice %arg9[%mul3A_20, %dma_start3A_24] : memref<10016x128xf32, #tpu.memory_space<vmem_shared>> -> memref<625x128xf32, #tpu.memory_space<vmem_shared>>
        tpu.enqueue_dma source(%dma_start3A_25 : memref<625x128xf32, #tpu.memory_space<vmem_shared>>) target(%dma_start3A_23 : memref<625x128xf32, #tpu.memory_space<hbm>>) target_semaphore(%run_scoped3A : memref<!tpu.dma_semaphore, #tpu.memory_space<semaphore_mem>>)
        %dma_wait3A = arith.constant 0 : i32
        %dma_wait3A_26 = tpu.memref_slice %arg7[%mul3A_22, %dma_wait3A] : memref<10000x128xf32, #tpu.memory_space<hbm>> -> memref<625x128xf32, #tpu.memory_space<hbm>>
        %dma_wait3A_27 = arith.constant 0 : i32
        %dma_wait3A_28 = tpu.memref_slice %arg9[%mul3A_20, %dma_wait3A_27] : memref<10016x128xf32, #tpu.memory_space<vmem_shared>> -> memref<625x128xf32, #tpu.memory_space<vmem_shared>>
        tpu.wait_dma2 semaphore(%run_scoped3A : memref<!tpu.dma_semaphore, #tpu.memory_space<semaphore_mem>>) src(%dma_wait3A_28 : memref<625x128xf32, #tpu.memory_space<vmem_shared>>) dst(%dma_wait3A_26 : memref<625x128xf32, #tpu.memory_space<hbm>>)
        tpu.yield
      }) : () -> ()
    } else {
    }
    %eq3A_14 = arith.constant 1 : i32
    %eq3A_15 = arith.cmpi eq, %arg0, %eq3A_14 : i32
    %convert_element_type3A_16 = arith.extui %eq3A_15 : i1 to i32
    %cond3A_17 = arith.constant 0 : i32
    %cond3A_18 = arith.cmpi ne, %convert_element_type3A_16, %cond3A_17 : i32
    scf.if %cond3A_18 {
      %mul3A_19 = arith.constant 625 : i32
      %mul3A_20 = arith.muli %arg1, %mul3A_19 : i32
      %mul3A_21 = arith.constant 625 : i32
      %mul3A_22 = arith.muli %arg1, %mul3A_21 : i32
      "tpu.region"() ({
        %run_scoped3A = tpu.sem_alloc : memref<!tpu.dma_semaphore, #tpu.memory_space<semaphore_mem>>
        %dma_start3A = arith.constant 0 : i32
        %dma_start3A_23 = tpu.memref_slice %arg8[%mul3A_22, %dma_start3A] : memref<10000x128xf32, #tpu.memory_space<hbm>> -> memref<625x128xf32, #tpu.memory_space<hbm>>
        %dma_start3A_24 = arith.constant 0 : i32
        %dma_start3A_25 = tpu.memref_slice %arg9[%mul3A_20, %dma_start3A_24] : memref<10016x128xf32, #tpu.memory_space<vmem_shared>> -> memref<625x128xf32, #tpu.memory_space<vmem_shared>>
        tpu.enqueue_dma source(%dma_start3A_25 : memref<625x128xf32, #tpu.memory_space<vmem_shared>>) target(%dma_start3A_23 : memref<625x128xf32, #tpu.memory_space<hbm>>) target_semaphore(%run_scoped3A : memref<!tpu.dma_semaphore, #tpu.memory_space<semaphore_mem>>)
        %dma_wait3A = arith.constant 0 : i32
        %dma_wait3A_26 = tpu.memref_slice %arg8[%mul3A_22, %dma_wait3A] : memref<10000x128xf32, #tpu.memory_space<hbm>> -> memref<625x128xf32, #tpu.memory_space<hbm>>
        %dma_wait3A_27 = arith.constant 0 : i32
        %dma_wait3A_28 = tpu.memref_slice %arg9[%mul3A_20, %dma_wait3A_27] : memref<10016x128xf32, #tpu.memory_space<vmem_shared>> -> memref<625x128xf32, #tpu.memory_space<vmem_shared>>
        tpu.wait_dma2 semaphore(%run_scoped3A : memref<!tpu.dma_semaphore, #tpu.memory_space<semaphore_mem>>) src(%dma_wait3A_28 : memref<625x128xf32, #tpu.memory_space<vmem_shared>>) dst(%dma_wait3A_26 : memref<625x128xf32, #tpu.memory_space<hbm>>)
        tpu.yield
      }) : () -> ()
    } else {
    }
    return
  }
}

#map = affine_map<(d0, d1) -> (0, 0)>
module attributes {stable_mosaic.version = 14 : i64} {
  func.func @body(%arg0: i32, %arg1: i32, %arg2: memref<10000x128xf32, #tpu.memory_space<hbm>>, %arg3: memref<2560x128xi32, #tpu.memory_space<hbm>>, %arg4: memref<2560x128xi32, #tpu.memory_space<hbm>>, %arg5: memref<320000x128xf32, #tpu.memory_space<hbm>>, %arg6: memref<320000x128xf32, #tpu.memory_space<hbm>>, %arg7: memref<2x128xi32, #tpu.memory_space<vmem>>, %arg8: memref<2x128xi32, #tpu.memory_space<vmem>>, %arg9: memref<256x128xf32, #tpu.memory_space<vmem>>, %arg10: memref<256x128xf32, #tpu.memory_space<vmem>>, %arg11: memref<!tpu.dma_semaphore, #tpu.memory_space<semaphore_mem>>, %arg12: memref<!tpu.dma_semaphore, #tpu.memory_space<semaphore_mem>>) attributes {dimension_semantics = [#tpu.dimension_semantics<core_parallel>, #tpu.dimension_semantics<subcore_parallel>], iteration_bounds = array<i64: 2, 16>, scalar_prefetch = 0 : i64, scratch_operands = 6 : i64, tpu.core_type = #tpu.core_type<sc_vector_subcore>, window_params = [{transform_indices = #map}, {transform_indices = #map}, {transform_indices = #map}, {transform_indices = #map}, {transform_indices = #map}]} {
    %eq3A = arith.constant 0 : i32
    %eq3A_0 = arith.cmpi eq, %arg0, %eq3A : i32
    %convert_element_type3A = arith.extui %eq3A_0 : i1 to i32
    %cond3A = arith.constant 0 : i32
    %cond3A_1 = arith.cmpi ne, %convert_element_type3A, %cond3A : i32
    scf.if %cond3A_1 {
      %add3A = arith.constant 0 : i32
      %add3A_7 = arith.addi %add3A, %arg1 : i32
      %mul3A = arith.constant 2 : i32
      %mul3A_8 = arith.muli %add3A_7, %mul3A : i32
      "tpu.region"() ({
        %run_scoped3A = tpu.sem_alloc : memref<!tpu.dma_semaphore, #tpu.memory_space<semaphore_mem>>
        %dma_start3A_34 = arith.constant 0 : i32
        %dma_start3A_35 = tpu.memref_slice %arg3[%mul3A_8, %dma_start3A_34] : memref<2560x128xi32, #tpu.memory_space<hbm>> -> memref<2x128xi32, #tpu.memory_space<hbm>>
        %dma_start3A_36 = arith.constant 0 : i32
        %dma_start3A_37 = tpu.memref_slice %arg3[%mul3A_8, %dma_start3A_36] : memref<2560x128xi32, #tpu.memory_space<hbm>> -> memref<2x128xi32, #tpu.memory_space<hbm>>
        tpu.enqueue_dma source(%dma_start3A_37 : memref<2x128xi32, #tpu.memory_space<hbm>>) target(%arg7 : memref<2x128xi32, #tpu.memory_space<vmem>>) target_semaphore(%run_scoped3A : memref<!tpu.dma_semaphore, #tpu.memory_space<semaphore_mem>>)
        %dma_wait3A = arith.constant 0 : i32
        %dma_wait3A_38 = tpu.memref_slice %arg3[%mul3A_8, %dma_wait3A] : memref<2560x128xi32, #tpu.memory_space<hbm>> -> memref<2x128xi32, #tpu.memory_space<hbm>>
        %dma_wait3A_39 = arith.constant 0 : i32
        %dma_wait3A_40 = tpu.memref_slice %arg3[%mul3A_8, %dma_wait3A_39] : memref<2560x128xi32, #tpu.memory_space<hbm>> -> memref<2x128xi32, #tpu.memory_space<hbm>>
        tpu.wait_dma2 semaphore(%run_scoped3A : memref<!tpu.dma_semaphore, #tpu.memory_space<semaphore_mem>>) src(%dma_wait3A_40 : memref<2x128xi32, #tpu.memory_space<hbm>>) dst(%arg7 : memref<2x128xi32, #tpu.memory_space<vmem>>)
        tpu.yield
      }) : () -> ()
      %dma_start3A = arith.constant 0 : i32
      %dma_start3A_9 = arith.constant 0 : i32
      %dma_start3A_10 = arith.constant 0 : i32
      %dma_start3A_11 = tpu.memref_slice %arg9[%dma_start3A_9, %dma_start3A_10] : memref<256x128xf32, #tpu.memory_space<vmem>> -> memref<128x128xf32, #tpu.memory_space<vmem>>
      %dma_start3A_12 = arith.constant 0 : i32
      %dma_start3A_13 = tpu.memref_slice %arg7[%dma_start3A, %dma_start3A_12] : memref<2x128xi32, #tpu.memory_space<vmem>> -> memref<1x128xi32, #tpu.memory_space<vmem>>
      %dma_start3A_14 = tpu.memref_squeeze %dma_start3A_13 : memref<1x128xi32, #tpu.memory_space<vmem>> -> memref<128xi32, #tpu.memory_space<vmem>>
      %dma_start3A_15 = arith.constant 0 : i32
      %dma_start3A_16 = arith.constant 0 : i32
      %dma_start3A_17 = tpu.memref_slice %arg2[%dma_start3A_15, %dma_start3A_16] : memref<10000x128xf32, #tpu.memory_space<hbm>> -> memref<10000x128xf32, #tpu.memory_space<hbm>>
      tpu.enqueue_indirect_dma source(%dma_start3A_17 : memref<10000x128xf32, #tpu.memory_space<hbm>>) target(%dma_start3A_11 : memref<128x128xf32, #tpu.memory_space<vmem>>) offsets(%dma_start3A_14 : memref<128xi32, #tpu.memory_space<vmem>>) semaphore(%arg11 : memref<!tpu.dma_semaphore, #tpu.memory_space<semaphore_mem>>)
      %dma_start3A_18 = arith.constant 1 : i32
      %dma_start3A_19 = arith.constant 128 : i32
      %dma_start3A_20 = arith.constant 0 : i32
      %dma_start3A_21 = tpu.memref_slice %arg9[%dma_start3A_19, %dma_start3A_20] : memref<256x128xf32, #tpu.memory_space<vmem>> -> memref<128x128xf32, #tpu.memory_space<vmem>>
      %dma_start3A_22 = arith.constant 0 : i32
      %dma_start3A_23 = tpu.memref_slice %arg7[%dma_start3A_18, %dma_start3A_22] : memref<2x128xi32, #tpu.memory_space<vmem>> -> memref<1x128xi32, #tpu.memory_space<vmem>>
      %dma_start3A_24 = tpu.memref_squeeze %dma_start3A_23 : memref<1x128xi32, #tpu.memory_space<vmem>> -> memref<128xi32, #tpu.memory_space<vmem>>
      %dma_start3A_25 = arith.constant 0 : i32
      %dma_start3A_26 = arith.constant 0 : i32
      %dma_start3A_27 = tpu.memref_slice %arg2[%dma_start3A_25, %dma_start3A_26] : memref<10000x128xf32, #tpu.memory_space<hbm>> -> memref<10000x128xf32, #tpu.memory_space<hbm>>
      tpu.enqueue_indirect_dma source(%dma_start3A_27 : memref<10000x128xf32, #tpu.memory_space<hbm>>) target(%dma_start3A_21 : memref<128x128xf32, #tpu.memory_space<vmem>>) offsets(%dma_start3A_24 : memref<128xi32, #tpu.memory_space<vmem>>) semaphore(%arg11 : memref<!tpu.dma_semaphore, #tpu.memory_space<semaphore_mem>>)
      %scan3A = arith.constant 0 : i32
      %scan3A_28 = arith.constant 0 : i32
      %scan3A_29 = arith.constant 40 : i32
      %scan3A_30 = arith.addi %scan3A_28, %scan3A_29 : i32
      %scan3A_31 = arith.constant 1 : i32
      %scan3A_32 = scf.for %scan3A_34 = %scan3A_28 to %scan3A_30 step %scan3A_31 iter_args(%scan3A_35 = %scan3A) -> (i32)  : i32 {
        %mul3A_36 = arith.constant 2 : i32
        %mul3A_37 = arith.muli %scan3A_34, %mul3A_36 : i32
        %add3A_38 = arith.constant 1 : i32
        %add3A_39 = arith.addi %mul3A_37, %add3A_38 : i32
        %mul3A_40 = arith.constant 16 : i32
        %mul3A_41 = arith.muli %add3A_39, %mul3A_40 : i32
        %add3A_42 = arith.addi %mul3A_41, %arg1 : i32
        %mul3A_43 = arith.constant 2 : i32
        %mul3A_44 = arith.muli %add3A_42, %mul3A_43 : i32
        "tpu.region"() ({
          %run_scoped3A = tpu.sem_alloc : memref<!tpu.dma_semaphore, #tpu.memory_space<semaphore_mem>>
          %dma_start3A_129 = arith.constant 0 : i32
          %dma_start3A_130 = tpu.memref_slice %arg3[%mul3A_44, %dma_start3A_129] : memref<2560x128xi32, #tpu.memory_space<hbm>> -> memref<2x128xi32, #tpu.memory_space<hbm>>
          %dma_start3A_131 = arith.constant 0 : i32
          %dma_start3A_132 = tpu.memref_slice %arg3[%mul3A_44, %dma_start3A_131] : memref<2560x128xi32, #tpu.memory_space<hbm>> -> memref<2x128xi32, #tpu.memory_space<hbm>>
          tpu.enqueue_dma source(%dma_start3A_132 : memref<2x128xi32, #tpu.memory_space<hbm>>) target(%arg8 : memref<2x128xi32, #tpu.memory_space<vmem>>) target_semaphore(%run_scoped3A : memref<!tpu.dma_semaphore, #tpu.memory_space<semaphore_mem>>)
          %dma_wait3A_133 = arith.constant 0 : i32
          %dma_wait3A_134 = tpu.memref_slice %arg3[%mul3A_44, %dma_wait3A_133] : memref<2560x128xi32, #tpu.memory_space<hbm>> -> memref<2x128xi32, #tpu.memory_space<hbm>>
          %dma_wait3A_135 = arith.constant 0 : i32
          %dma_wait3A_136 = tpu.memref_slice %arg3[%mul3A_44, %dma_wait3A_135] : memref<2560x128xi32, #tpu.memory_space<hbm>> -> memref<2x128xi32, #tpu.memory_space<hbm>>
          tpu.wait_dma2 semaphore(%run_scoped3A : memref<!tpu.dma_semaphore, #tpu.memory_space<semaphore_mem>>) src(%dma_wait3A_136 : memref<2x128xi32, #tpu.memory_space<hbm>>) dst(%arg8 : memref<2x128xi32, #tpu.memory_space<vmem>>)
          tpu.yield
        }) : () -> ()
        %dma_start3A_45 = arith.constant 0 : i32
        %dma_start3A_46 = arith.constant 0 : i32
        %dma_start3A_47 = arith.constant 0 : i32
        %dma_start3A_48 = tpu.memref_slice %arg10[%dma_start3A_46, %dma_start3A_47] : memref<256x128xf32, #tpu.memory_space<vmem>> -> memref<128x128xf32, #tpu.memory_space<vmem>>
        %dma_start3A_49 = arith.constant 0 : i32
        %dma_start3A_50 = tpu.memref_slice %arg8[%dma_start3A_45, %dma_start3A_49] : memref<2x128xi32, #tpu.memory_space<vmem>> -> memref<1x128xi32, #tpu.memory_space<vmem>>
        %dma_start3A_51 = tpu.memref_squeeze %dma_start3A_50 : memref<1x128xi32, #tpu.memory_space<vmem>> -> memref<128xi32, #tpu.memory_space<vmem>>
        %dma_start3A_52 = arith.constant 0 : i32
        %dma_start3A_53 = arith.constant 0 : i32
        %dma_start3A_54 = tpu.memref_slice %arg2[%dma_start3A_52, %dma_start3A_53] : memref<10000x128xf32, #tpu.memory_space<hbm>> -> memref<10000x128xf32, #tpu.memory_space<hbm>>
        tpu.enqueue_indirect_dma source(%dma_start3A_54 : memref<10000x128xf32, #tpu.memory_space<hbm>>) target(%dma_start3A_48 : memref<128x128xf32, #tpu.memory_space<vmem>>) offsets(%dma_start3A_51 : memref<128xi32, #tpu.memory_space<vmem>>) semaphore(%arg12 : memref<!tpu.dma_semaphore, #tpu.memory_space<semaphore_mem>>)
        %dma_start3A_55 = arith.constant 1 : i32
        %dma_start3A_56 = arith.constant 128 : i32
        %dma_start3A_57 = arith.constant 0 : i32
        %dma_start3A_58 = tpu.memref_slice %arg10[%dma_start3A_56, %dma_start3A_57] : memref<256x128xf32, #tpu.memory_space<vmem>> -> memref<128x128xf32, #tpu.memory_space<vmem>>
        %dma_start3A_59 = arith.constant 0 : i32
        %dma_start3A_60 = tpu.memref_slice %arg8[%dma_start3A_55, %dma_start3A_59] : memref<2x128xi32, #tpu.memory_space<vmem>> -> memref<1x128xi32, #tpu.memory_space<vmem>>
        %dma_start3A_61 = tpu.memref_squeeze %dma_start3A_60 : memref<1x128xi32, #tpu.memory_space<vmem>> -> memref<128xi32, #tpu.memory_space<vmem>>
        %dma_start3A_62 = arith.constant 0 : i32
        %dma_start3A_63 = arith.constant 0 : i32
        %dma_start3A_64 = tpu.memref_slice %arg2[%dma_start3A_62, %dma_start3A_63] : memref<10000x128xf32, #tpu.memory_space<hbm>> -> memref<10000x128xf32, #tpu.memory_space<hbm>>
        tpu.enqueue_indirect_dma source(%dma_start3A_64 : memref<10000x128xf32, #tpu.memory_space<hbm>>) target(%dma_start3A_58 : memref<128x128xf32, #tpu.memory_space<vmem>>) offsets(%dma_start3A_61 : memref<128xi32, #tpu.memory_space<vmem>>) semaphore(%arg12 : memref<!tpu.dma_semaphore, #tpu.memory_space<semaphore_mem>>)
        %mul3A_65 = arith.constant 16 : i32
        %mul3A_66 = arith.muli %mul3A_37, %mul3A_65 : i32
        %add3A_67 = arith.addi %mul3A_66, %arg1 : i32
        %dma_wait3A = arith.constant 0 : i32
        %dma_wait3A_68 = arith.constant 0 : i32
        %dma_wait3A_69 = arith.constant 0 : i32
        %dma_wait3A_70 = tpu.memref_slice %arg9[%dma_wait3A_68, %dma_wait3A_69] : memref<256x128xf32, #tpu.memory_space<vmem>> -> memref<128x128xf32, #tpu.memory_space<vmem>>
        %dma_wait3A_71 = arith.constant 0 : i32
        %dma_wait3A_72 = tpu.memref_slice %arg7[%dma_wait3A, %dma_wait3A_71] : memref<2x128xi32, #tpu.memory_space<vmem>> -> memref<1x128xi32, #tpu.memory_space<vmem>>
        %dma_wait3A_73 = tpu.memref_squeeze %dma_wait3A_72 : memref<1x128xi32, #tpu.memory_space<vmem>> -> memref<128xi32, #tpu.memory_space<vmem>>
        %dma_wait3A_74 = arith.constant 0 : i32
        %dma_wait3A_75 = arith.constant 0 : i32
        %dma_wait3A_76 = tpu.memref_slice %arg2[%dma_wait3A_74, %dma_wait3A_75] : memref<10000x128xf32, #tpu.memory_space<hbm>> -> memref<10000x128xf32, #tpu.memory_space<hbm>>
        tpu.wait_indirect_dma semaphore(%arg11 : memref<!tpu.dma_semaphore, #tpu.memory_space<semaphore_mem>>) src(%dma_wait3A_76 : memref<10000x128xf32, #tpu.memory_space<hbm>>) dst(%dma_wait3A_70 : memref<128x128xf32, #tpu.memory_space<vmem>>)
        %dma_wait3A_77 = arith.constant 1 : i32
        %dma_wait3A_78 = arith.constant 128 : i32
        %dma_wait3A_79 = arith.constant 0 : i32
        %dma_wait3A_80 = tpu.memref_slice %arg9[%dma_wait3A_78, %dma_wait3A_79] : memref<256x128xf32, #tpu.memory_space<vmem>> -> memref<128x128xf32, #tpu.memory_space<vmem>>
        %dma_wait3A_81 = arith.constant 0 : i32
        %dma_wait3A_82 = tpu.memref_slice %arg7[%dma_wait3A_77, %dma_wait3A_81] : memref<2x128xi32, #tpu.memory_space<vmem>> -> memref<1x128xi32, #tpu.memory_space<vmem>>
        %dma_wait3A_83 = tpu.memref_squeeze %dma_wait3A_82 : memref<1x128xi32, #tpu.memory_space<vmem>> -> memref<128xi32, #tpu.memory_space<vmem>>
        %dma_wait3A_84 = arith.constant 0 : i32
        %dma_wait3A_85 = arith.constant 0 : i32
        %dma_wait3A_86 = tpu.memref_slice %arg2[%dma_wait3A_84, %dma_wait3A_85] : memref<10000x128xf32, #tpu.memory_space<hbm>> -> memref<10000x128xf32, #tpu.memory_space<hbm>>
        tpu.wait_indirect_dma semaphore(%arg11 : memref<!tpu.dma_semaphore, #tpu.memory_space<semaphore_mem>>) src(%dma_wait3A_86 : memref<10000x128xf32, #tpu.memory_space<hbm>>) dst(%dma_wait3A_80 : memref<128x128xf32, #tpu.memory_space<vmem>>)
        %lt3A = arith.constant 1250 : i32
        %lt3A_87 = arith.cmpi slt, %add3A_67, %lt3A : i32
        %convert_element_type3A_88 = arith.extui %lt3A_87 : i1 to i32
        %cond3A_89 = arith.constant 0 : i32
        %cond3A_90 = arith.cmpi ne, %convert_element_type3A_88, %cond3A_89 : i32
        scf.if %cond3A_90 {
          %mul3A_129 = arith.constant 256 : i32
          %mul3A_130 = arith.muli %add3A_67, %mul3A_129 : i32
          "tpu.region"() ({
            %run_scoped3A = tpu.sem_alloc : memref<!tpu.dma_semaphore, #tpu.memory_space<semaphore_mem>>
            %dma_start3A_131 = arith.constant 0 : i32
            %dma_start3A_132 = tpu.memref_slice %arg5[%mul3A_130, %dma_start3A_131] : memref<320000x128xf32, #tpu.memory_space<hbm>> -> memref<256x128xf32, #tpu.memory_space<hbm>>
            %dma_start3A_133 = arith.constant 0 : i32
            %dma_start3A_134 = tpu.memref_slice %arg5[%mul3A_130, %dma_start3A_133] : memref<320000x128xf32, #tpu.memory_space<hbm>> -> memref<256x128xf32, #tpu.memory_space<hbm>>
            tpu.enqueue_dma source(%arg9 : memref<256x128xf32, #tpu.memory_space<vmem>>) target(%dma_start3A_134 : memref<256x128xf32, #tpu.memory_space<hbm>>) target_semaphore(%run_scoped3A : memref<!tpu.dma_semaphore, #tpu.memory_space<semaphore_mem>>)
            %dma_wait3A_135 = arith.constant 0 : i32
            %dma_wait3A_136 = tpu.memref_slice %arg5[%mul3A_130, %dma_wait3A_135] : memref<320000x128xf32, #tpu.memory_space<hbm>> -> memref<256x128xf32, #tpu.memory_space<hbm>>
            %dma_wait3A_137 = arith.constant 0 : i32
            %dma_wait3A_138 = tpu.memref_slice %arg5[%mul3A_130, %dma_wait3A_137] : memref<320000x128xf32, #tpu.memory_space<hbm>> -> memref<256x128xf32, #tpu.memory_space<hbm>>
            tpu.wait_dma2 semaphore(%run_scoped3A : memref<!tpu.dma_semaphore, #tpu.memory_space<semaphore_mem>>) src(%arg9 : memref<256x128xf32, #tpu.memory_space<vmem>>) dst(%dma_wait3A_138 : memref<256x128xf32, #tpu.memory_space<hbm>>)
            tpu.yield
          }) : () -> ()
        } else {
        }
        %add3A_91 = arith.constant 2 : i32
        %add3A_92 = arith.addi %mul3A_37, %add3A_91 : i32
        %lt3A_93 = arith.constant 80 : i32
        %lt3A_94 = arith.cmpi slt, %add3A_92, %lt3A_93 : i32
        %convert_element_type3A_95 = arith.extui %lt3A_94 : i1 to i32
        %cond3A_96 = arith.constant 0 : i32
        %cond3A_97 = arith.cmpi ne, %convert_element_type3A_95, %cond3A_96 : i32
        scf.if %cond3A_97 {
          %add3A_129 = arith.constant 2 : i32
          %add3A_130 = arith.addi %mul3A_37, %add3A_129 : i32
          %mul3A_131 = arith.constant 16 : i32
          %mul3A_132 = arith.muli %add3A_130, %mul3A_131 : i32
          %add3A_133 = arith.addi %mul3A_132, %arg1 : i32
          %mul3A_134 = arith.constant 2 : i32
          %mul3A_135 = arith.muli %add3A_133, %mul3A_134 : i32
          "tpu.region"() ({
            %run_scoped3A = tpu.sem_alloc : memref<!tpu.dma_semaphore, #tpu.memory_space<semaphore_mem>>
            %dma_start3A_156 = arith.constant 0 : i32
            %dma_start3A_157 = tpu.memref_slice %arg3[%mul3A_135, %dma_start3A_156] : memref<2560x128xi32, #tpu.memory_space<hbm>> -> memref<2x128xi32, #tpu.memory_space<hbm>>
            %dma_start3A_158 = arith.constant 0 : i32
            %dma_start3A_159 = tpu.memref_slice %arg3[%mul3A_135, %dma_start3A_158] : memref<2560x128xi32, #tpu.memory_space<hbm>> -> memref<2x128xi32, #tpu.memory_space<hbm>>
            tpu.enqueue_dma source(%dma_start3A_159 : memref<2x128xi32, #tpu.memory_space<hbm>>) target(%arg7 : memref<2x128xi32, #tpu.memory_space<vmem>>) target_semaphore(%run_scoped3A : memref<!tpu.dma_semaphore, #tpu.memory_space<semaphore_mem>>)
            %dma_wait3A_160 = arith.constant 0 : i32
            %dma_wait3A_161 = tpu.memref_slice %arg3[%mul3A_135, %dma_wait3A_160] : memref<2560x128xi32, #tpu.memory_space<hbm>> -> memref<2x128xi32, #tpu.memory_space<hbm>>
            %dma_wait3A_162 = arith.constant 0 : i32
            %dma_wait3A_163 = tpu.memref_slice %arg3[%mul3A_135, %dma_wait3A_162] : memref<2560x128xi32, #tpu.memory_space<hbm>> -> memref<2x128xi32, #tpu.memory_space<hbm>>
            tpu.wait_dma2 semaphore(%run_scoped3A : memref<!tpu.dma_semaphore, #tpu.memory_space<semaphore_mem>>) src(%dma_wait3A_163 : memref<2x128xi32, #tpu.memory_space<hbm>>) dst(%arg7 : memref<2x128xi32, #tpu.memory_space<vmem>>)
            tpu.yield
          }) : () -> ()
          %dma_start3A_136 = arith.constant 0 : i32
          %dma_start3A_137 = arith.constant 0 : i32
          %dma_start3A_138 = arith.constant 0 : i32
          %dma_start3A_139 = tpu.memref_slice %arg9[%dma_start3A_137, %dma_start3A_138] : memref<256x128xf32, #tpu.memory_space<vmem>> -> memref<128x128xf32, #tpu.memory_space<vmem>>
          %dma_start3A_140 = arith.constant 0 : i32
          %dma_start3A_141 = tpu.memref_slice %arg7[%dma_start3A_136, %dma_start3A_140] : memref<2x128xi32, #tpu.memory_space<vmem>> -> memref<1x128xi32, #tpu.memory_space<vmem>>
          %dma_start3A_142 = tpu.memref_squeeze %dma_start3A_141 : memref<1x128xi32, #tpu.memory_space<vmem>> -> memref<128xi32, #tpu.memory_space<vmem>>
          %dma_start3A_143 = arith.constant 0 : i32
          %dma_start3A_144 = arith.constant 0 : i32
          %dma_start3A_145 = tpu.memref_slice %arg2[%dma_start3A_143, %dma_start3A_144] : memref<10000x128xf32, #tpu.memory_space<hbm>> -> memref<10000x128xf32, #tpu.memory_space<hbm>>
          tpu.enqueue_indirect_dma source(%dma_start3A_145 : memref<10000x128xf32, #tpu.memory_space<hbm>>) target(%dma_start3A_139 : memref<128x128xf32, #tpu.memory_space<vmem>>) offsets(%dma_start3A_142 : memref<128xi32, #tpu.memory_space<vmem>>) semaphore(%arg11 : memref<!tpu.dma_semaphore, #tpu.memory_space<semaphore_mem>>)
          %dma_start3A_146 = arith.constant 1 : i32
          %dma_start3A_147 = arith.constant 128 : i32
          %dma_start3A_148 = arith.constant 0 : i32
          %dma_start3A_149 = tpu.memref_slice %arg9[%dma_start3A_147, %dma_start3A_148] : memref<256x128xf32, #tpu.memory_space<vmem>> -> memref<128x128xf32, #tpu.memory_space<vmem>>
          %dma_start3A_150 = arith.constant 0 : i32
          %dma_start3A_151 = tpu.memref_slice %arg7[%dma_start3A_146, %dma_start3A_150] : memref<2x128xi32, #tpu.memory_space<vmem>> -> memref<1x128xi32, #tpu.memory_space<vmem>>
          %dma_start3A_152 = tpu.memref_squeeze %dma_start3A_151 : memref<1x128xi32, #tpu.memory_space<vmem>> -> memref<128xi32, #tpu.memory_space<vmem>>
          %dma_start3A_153 = arith.constant 0 : i32
          %dma_start3A_154 = arith.constant 0 : i32
          %dma_start3A_155 = tpu.memref_slice %arg2[%dma_start3A_153, %dma_start3A_154] : memref<10000x128xf32, #tpu.memory_space<hbm>> -> memref<10000x128xf32, #tpu.memory_space<hbm>>
          tpu.enqueue_indirect_dma source(%dma_start3A_155 : memref<10000x128xf32, #tpu.memory_space<hbm>>) target(%dma_start3A_149 : memref<128x128xf32, #tpu.memory_space<vmem>>) offsets(%dma_start3A_152 : memref<128xi32, #tpu.memory_space<vmem>>) semaphore(%arg11 : memref<!tpu.dma_semaphore, #tpu.memory_space<semaphore_mem>>)
        } else {
        }
        %add3A_98 = arith.constant 1 : i32
        %add3A_99 = arith.addi %mul3A_37, %add3A_98 : i32
        %mul3A_100 = arith.constant 16 : i32
        %mul3A_101 = arith.muli %add3A_99, %mul3A_100 : i32
        %add3A_102 = arith.addi %mul3A_101, %arg1 : i32
        %dma_wait3A_103 = arith.constant 0 : i32
        %dma_wait3A_104 = arith.constant 0 : i32
        %dma_wait3A_105 = arith.constant 0 : i32
        %dma_wait3A_106 = tpu.memref_slice %arg10[%dma_wait3A_104, %dma_wait3A_105] : memref<256x128xf32, #tpu.memory_space<vmem>> -> memref<128x128xf32, #tpu.memory_space<vmem>>
        %dma_wait3A_107 = arith.constant 0 : i32
        %dma_wait3A_108 = tpu.memref_slice %arg8[%dma_wait3A_103, %dma_wait3A_107] : memref<2x128xi32, #tpu.memory_space<vmem>> -> memref<1x128xi32, #tpu.memory_space<vmem>>
        %dma_wait3A_109 = tpu.memref_squeeze %dma_wait3A_108 : memref<1x128xi32, #tpu.memory_space<vmem>> -> memref<128xi32, #tpu.memory_space<vmem>>
        %dma_wait3A_110 = arith.constant 0 : i32
        %dma_wait3A_111 = arith.constant 0 : i32
        %dma_wait3A_112 = tpu.memref_slice %arg2[%dma_wait3A_110, %dma_wait3A_111] : memref<10000x128xf32, #tpu.memory_space<hbm>> -> memref<10000x128xf32, #tpu.memory_space<hbm>>
        tpu.wait_indirect_dma semaphore(%arg12 : memref<!tpu.dma_semaphore, #tpu.memory_space<semaphore_mem>>) src(%dma_wait3A_112 : memref<10000x128xf32, #tpu.memory_space<hbm>>) dst(%dma_wait3A_106 : memref<128x128xf32, #tpu.memory_space<vmem>>)
        %dma_wait3A_113 = arith.constant 1 : i32
        %dma_wait3A_114 = arith.constant 128 : i32
        %dma_wait3A_115 = arith.constant 0 : i32
        %dma_wait3A_116 = tpu.memref_slice %arg10[%dma_wait3A_114, %dma_wait3A_115] : memref<256x128xf32, #tpu.memory_space<vmem>> -> memref<128x128xf32, #tpu.memory_space<vmem>>
        %dma_wait3A_117 = arith.constant 0 : i32
        %dma_wait3A_118 = tpu.memref_slice %arg8[%dma_wait3A_113, %dma_wait3A_117] : memref<2x128xi32, #tpu.memory_space<vmem>> -> memref<1x128xi32, #tpu.memory_space<vmem>>
        %dma_wait3A_119 = tpu.memref_squeeze %dma_wait3A_118 : memref<1x128xi32, #tpu.memory_space<vmem>> -> memref<128xi32, #tpu.memory_space<vmem>>
        %dma_wait3A_120 = arith.constant 0 : i32
        %dma_wait3A_121 = arith.constant 0 : i32
        %dma_wait3A_122 = tpu.memref_slice %arg2[%dma_wait3A_120, %dma_wait3A_121] : memref<10000x128xf32, #tpu.memory_space<hbm>> -> memref<10000x128xf32, #tpu.memory_space<hbm>>
        tpu.wait_indirect_dma semaphore(%arg12 : memref<!tpu.dma_semaphore, #tpu.memory_space<semaphore_mem>>) src(%dma_wait3A_122 : memref<10000x128xf32, #tpu.memory_space<hbm>>) dst(%dma_wait3A_116 : memref<128x128xf32, #tpu.memory_space<vmem>>)
        %lt3A_123 = arith.constant 1250 : i32
        %lt3A_124 = arith.cmpi slt, %add3A_102, %lt3A_123 : i32
        %convert_element_type3A_125 = arith.extui %lt3A_124 : i1 to i32
        %cond3A_126 = arith.constant 0 : i32
        %cond3A_127 = arith.cmpi ne, %convert_element_type3A_125, %cond3A_126 : i32
        scf.if %cond3A_127 {
          %mul3A_129 = arith.constant 256 : i32
          %mul3A_130 = arith.muli %add3A_102, %mul3A_129 : i32
          "tpu.region"() ({
            %run_scoped3A = tpu.sem_alloc : memref<!tpu.dma_semaphore, #tpu.memory_space<semaphore_mem>>
            %dma_start3A_131 = arith.constant 0 : i32
            %dma_start3A_132 = tpu.memref_slice %arg5[%mul3A_130, %dma_start3A_131] : memref<320000x128xf32, #tpu.memory_space<hbm>> -> memref<256x128xf32, #tpu.memory_space<hbm>>
            %dma_start3A_133 = arith.constant 0 : i32
            %dma_start3A_134 = tpu.memref_slice %arg5[%mul3A_130, %dma_start3A_133] : memref<320000x128xf32, #tpu.memory_space<hbm>> -> memref<256x128xf32, #tpu.memory_space<hbm>>
            tpu.enqueue_dma source(%arg10 : memref<256x128xf32, #tpu.memory_space<vmem>>) target(%dma_start3A_134 : memref<256x128xf32, #tpu.memory_space<hbm>>) target_semaphore(%run_scoped3A : memref<!tpu.dma_semaphore, #tpu.memory_space<semaphore_mem>>)
            %dma_wait3A_135 = arith.constant 0 : i32
            %dma_wait3A_136 = tpu.memref_slice %arg5[%mul3A_130, %dma_wait3A_135] : memref<320000x128xf32, #tpu.memory_space<hbm>> -> memref<256x128xf32, #tpu.memory_space<hbm>>
            %dma_wait3A_137 = arith.constant 0 : i32
            %dma_wait3A_138 = tpu.memref_slice %arg5[%mul3A_130, %dma_wait3A_137] : memref<320000x128xf32, #tpu.memory_space<hbm>> -> memref<256x128xf32, #tpu.memory_space<hbm>>
            tpu.wait_dma2 semaphore(%run_scoped3A : memref<!tpu.dma_semaphore, #tpu.memory_space<semaphore_mem>>) src(%arg10 : memref<256x128xf32, #tpu.memory_space<vmem>>) dst(%dma_wait3A_138 : memref<256x128xf32, #tpu.memory_space<hbm>>)
            tpu.yield
          }) : () -> ()
        } else {
        }
        %scan3A_128 = arith.constant 0 : i32
        scf.yield %scan3A_128 : i32
      }
      %scan3A_33 = arith.constant 40 : i32
    } else {
    }
    %eq3A_2 = arith.constant 1 : i32
    %eq3A_3 = arith.cmpi eq, %arg0, %eq3A_2 : i32
    %convert_element_type3A_4 = arith.extui %eq3A_3 : i1 to i32
    %cond3A_5 = arith.constant 0 : i32
    %cond3A_6 = arith.cmpi ne, %convert_element_type3A_4, %cond3A_5 : i32
    scf.if %cond3A_6 {
      %add3A = arith.constant 0 : i32
      %add3A_7 = arith.addi %add3A, %arg1 : i32
      %mul3A = arith.constant 2 : i32
      %mul3A_8 = arith.muli %add3A_7, %mul3A : i32
      "tpu.region"() ({
        %run_scoped3A = tpu.sem_alloc : memref<!tpu.dma_semaphore, #tpu.memory_space<semaphore_mem>>
        %dma_start3A_34 = arith.constant 0 : i32
        %dma_start3A_35 = tpu.memref_slice %arg4[%mul3A_8, %dma_start3A_34] : memref<2560x128xi32, #tpu.memory_space<hbm>> -> memref<2x128xi32, #tpu.memory_space<hbm>>
        %dma_start3A_36 = arith.constant 0 : i32
        %dma_start3A_37 = tpu.memref_slice %arg4[%mul3A_8, %dma_start3A_36] : memref<2560x128xi32, #tpu.memory_space<hbm>> -> memref<2x128xi32, #tpu.memory_space<hbm>>
        tpu.enqueue_dma source(%dma_start3A_37 : memref<2x128xi32, #tpu.memory_space<hbm>>) target(%arg7 : memref<2x128xi32, #tpu.memory_space<vmem>>) target_semaphore(%run_scoped3A : memref<!tpu.dma_semaphore, #tpu.memory_space<semaphore_mem>>)
        %dma_wait3A = arith.constant 0 : i32
        %dma_wait3A_38 = tpu.memref_slice %arg4[%mul3A_8, %dma_wait3A] : memref<2560x128xi32, #tpu.memory_space<hbm>> -> memref<2x128xi32, #tpu.memory_space<hbm>>
        %dma_wait3A_39 = arith.constant 0 : i32
        %dma_wait3A_40 = tpu.memref_slice %arg4[%mul3A_8, %dma_wait3A_39] : memref<2560x128xi32, #tpu.memory_space<hbm>> -> memref<2x128xi32, #tpu.memory_space<hbm>>
        tpu.wait_dma2 semaphore(%run_scoped3A : memref<!tpu.dma_semaphore, #tpu.memory_space<semaphore_mem>>) src(%dma_wait3A_40 : memref<2x128xi32, #tpu.memory_space<hbm>>) dst(%arg7 : memref<2x128xi32, #tpu.memory_space<vmem>>)
        tpu.yield
      }) : () -> ()
      %dma_start3A = arith.constant 0 : i32
      %dma_start3A_9 = arith.constant 0 : i32
      %dma_start3A_10 = arith.constant 0 : i32
      %dma_start3A_11 = tpu.memref_slice %arg9[%dma_start3A_9, %dma_start3A_10] : memref<256x128xf32, #tpu.memory_space<vmem>> -> memref<128x128xf32, #tpu.memory_space<vmem>>
      %dma_start3A_12 = arith.constant 0 : i32
      %dma_start3A_13 = tpu.memref_slice %arg7[%dma_start3A, %dma_start3A_12] : memref<2x128xi32, #tpu.memory_space<vmem>> -> memref<1x128xi32, #tpu.memory_space<vmem>>
      %dma_start3A_14 = tpu.memref_squeeze %dma_start3A_13 : memref<1x128xi32, #tpu.memory_space<vmem>> -> memref<128xi32, #tpu.memory_space<vmem>>
      %dma_start3A_15 = arith.constant 0 : i32
      %dma_start3A_16 = arith.constant 0 : i32
      %dma_start3A_17 = tpu.memref_slice %arg2[%dma_start3A_15, %dma_start3A_16] : memref<10000x128xf32, #tpu.memory_space<hbm>> -> memref<10000x128xf32, #tpu.memory_space<hbm>>
      tpu.enqueue_indirect_dma source(%dma_start3A_17 : memref<10000x128xf32, #tpu.memory_space<hbm>>) target(%dma_start3A_11 : memref<128x128xf32, #tpu.memory_space<vmem>>) offsets(%dma_start3A_14 : memref<128xi32, #tpu.memory_space<vmem>>) semaphore(%arg11 : memref<!tpu.dma_semaphore, #tpu.memory_space<semaphore_mem>>)
      %dma_start3A_18 = arith.constant 1 : i32
      %dma_start3A_19 = arith.constant 128 : i32
      %dma_start3A_20 = arith.constant 0 : i32
      %dma_start3A_21 = tpu.memref_slice %arg9[%dma_start3A_19, %dma_start3A_20] : memref<256x128xf32, #tpu.memory_space<vmem>> -> memref<128x128xf32, #tpu.memory_space<vmem>>
      %dma_start3A_22 = arith.constant 0 : i32
      %dma_start3A_23 = tpu.memref_slice %arg7[%dma_start3A_18, %dma_start3A_22] : memref<2x128xi32, #tpu.memory_space<vmem>> -> memref<1x128xi32, #tpu.memory_space<vmem>>
      %dma_start3A_24 = tpu.memref_squeeze %dma_start3A_23 : memref<1x128xi32, #tpu.memory_space<vmem>> -> memref<128xi32, #tpu.memory_space<vmem>>
      %dma_start3A_25 = arith.constant 0 : i32
      %dma_start3A_26 = arith.constant 0 : i32
      %dma_start3A_27 = tpu.memref_slice %arg2[%dma_start3A_25, %dma_start3A_26] : memref<10000x128xf32, #tpu.memory_space<hbm>> -> memref<10000x128xf32, #tpu.memory_space<hbm>>
      tpu.enqueue_indirect_dma source(%dma_start3A_27 : memref<10000x128xf32, #tpu.memory_space<hbm>>) target(%dma_start3A_21 : memref<128x128xf32, #tpu.memory_space<vmem>>) offsets(%dma_start3A_24 : memref<128xi32, #tpu.memory_space<vmem>>) semaphore(%arg11 : memref<!tpu.dma_semaphore, #tpu.memory_space<semaphore_mem>>)
      %scan3A = arith.constant 0 : i32
      %scan3A_28 = arith.constant 0 : i32
      %scan3A_29 = arith.constant 40 : i32
      %scan3A_30 = arith.addi %scan3A_28, %scan3A_29 : i32
      %scan3A_31 = arith.constant 1 : i32
      %scan3A_32 = scf.for %scan3A_34 = %scan3A_28 to %scan3A_30 step %scan3A_31 iter_args(%scan3A_35 = %scan3A) -> (i32)  : i32 {
        %mul3A_36 = arith.constant 2 : i32
        %mul3A_37 = arith.muli %scan3A_34, %mul3A_36 : i32
        %add3A_38 = arith.constant 1 : i32
        %add3A_39 = arith.addi %mul3A_37, %add3A_38 : i32
        %mul3A_40 = arith.constant 16 : i32
        %mul3A_41 = arith.muli %add3A_39, %mul3A_40 : i32
        %add3A_42 = arith.addi %mul3A_41, %arg1 : i32
        %mul3A_43 = arith.constant 2 : i32
        %mul3A_44 = arith.muli %add3A_42, %mul3A_43 : i32
        "tpu.region"() ({
          %run_scoped3A = tpu.sem_alloc : memref<!tpu.dma_semaphore, #tpu.memory_space<semaphore_mem>>
          %dma_start3A_129 = arith.constant 0 : i32
          %dma_start3A_130 = tpu.memref_slice %arg4[%mul3A_44, %dma_start3A_129] : memref<2560x128xi32, #tpu.memory_space<hbm>> -> memref<2x128xi32, #tpu.memory_space<hbm>>
          %dma_start3A_131 = arith.constant 0 : i32
          %dma_start3A_132 = tpu.memref_slice %arg4[%mul3A_44, %dma_start3A_131] : memref<2560x128xi32, #tpu.memory_space<hbm>> -> memref<2x128xi32, #tpu.memory_space<hbm>>
          tpu.enqueue_dma source(%dma_start3A_132 : memref<2x128xi32, #tpu.memory_space<hbm>>) target(%arg8 : memref<2x128xi32, #tpu.memory_space<vmem>>) target_semaphore(%run_scoped3A : memref<!tpu.dma_semaphore, #tpu.memory_space<semaphore_mem>>)
          %dma_wait3A_133 = arith.constant 0 : i32
          %dma_wait3A_134 = tpu.memref_slice %arg4[%mul3A_44, %dma_wait3A_133] : memref<2560x128xi32, #tpu.memory_space<hbm>> -> memref<2x128xi32, #tpu.memory_space<hbm>>
          %dma_wait3A_135 = arith.constant 0 : i32
          %dma_wait3A_136 = tpu.memref_slice %arg4[%mul3A_44, %dma_wait3A_135] : memref<2560x128xi32, #tpu.memory_space<hbm>> -> memref<2x128xi32, #tpu.memory_space<hbm>>
          tpu.wait_dma2 semaphore(%run_scoped3A : memref<!tpu.dma_semaphore, #tpu.memory_space<semaphore_mem>>) src(%dma_wait3A_136 : memref<2x128xi32, #tpu.memory_space<hbm>>) dst(%arg8 : memref<2x128xi32, #tpu.memory_space<vmem>>)
          tpu.yield
        }) : () -> ()
        %dma_start3A_45 = arith.constant 0 : i32
        %dma_start3A_46 = arith.constant 0 : i32
        %dma_start3A_47 = arith.constant 0 : i32
        %dma_start3A_48 = tpu.memref_slice %arg10[%dma_start3A_46, %dma_start3A_47] : memref<256x128xf32, #tpu.memory_space<vmem>> -> memref<128x128xf32, #tpu.memory_space<vmem>>
        %dma_start3A_49 = arith.constant 0 : i32
        %dma_start3A_50 = tpu.memref_slice %arg8[%dma_start3A_45, %dma_start3A_49] : memref<2x128xi32, #tpu.memory_space<vmem>> -> memref<1x128xi32, #tpu.memory_space<vmem>>
        %dma_start3A_51 = tpu.memref_squeeze %dma_start3A_50 : memref<1x128xi32, #tpu.memory_space<vmem>> -> memref<128xi32, #tpu.memory_space<vmem>>
        %dma_start3A_52 = arith.constant 0 : i32
        %dma_start3A_53 = arith.constant 0 : i32
        %dma_start3A_54 = tpu.memref_slice %arg2[%dma_start3A_52, %dma_start3A_53] : memref<10000x128xf32, #tpu.memory_space<hbm>> -> memref<10000x128xf32, #tpu.memory_space<hbm>>
        tpu.enqueue_indirect_dma source(%dma_start3A_54 : memref<10000x128xf32, #tpu.memory_space<hbm>>) target(%dma_start3A_48 : memref<128x128xf32, #tpu.memory_space<vmem>>) offsets(%dma_start3A_51 : memref<128xi32, #tpu.memory_space<vmem>>) semaphore(%arg12 : memref<!tpu.dma_semaphore, #tpu.memory_space<semaphore_mem>>)
        %dma_start3A_55 = arith.constant 1 : i32
        %dma_start3A_56 = arith.constant 128 : i32
        %dma_start3A_57 = arith.constant 0 : i32
        %dma_start3A_58 = tpu.memref_slice %arg10[%dma_start3A_56, %dma_start3A_57] : memref<256x128xf32, #tpu.memory_space<vmem>> -> memref<128x128xf32, #tpu.memory_space<vmem>>
        %dma_start3A_59 = arith.constant 0 : i32
        %dma_start3A_60 = tpu.memref_slice %arg8[%dma_start3A_55, %dma_start3A_59] : memref<2x128xi32, #tpu.memory_space<vmem>> -> memref<1x128xi32, #tpu.memory_space<vmem>>
        %dma_start3A_61 = tpu.memref_squeeze %dma_start3A_60 : memref<1x128xi32, #tpu.memory_space<vmem>> -> memref<128xi32, #tpu.memory_space<vmem>>
        %dma_start3A_62 = arith.constant 0 : i32
        %dma_start3A_63 = arith.constant 0 : i32
        %dma_start3A_64 = tpu.memref_slice %arg2[%dma_start3A_62, %dma_start3A_63] : memref<10000x128xf32, #tpu.memory_space<hbm>> -> memref<10000x128xf32, #tpu.memory_space<hbm>>
        tpu.enqueue_indirect_dma source(%dma_start3A_64 : memref<10000x128xf32, #tpu.memory_space<hbm>>) target(%dma_start3A_58 : memref<128x128xf32, #tpu.memory_space<vmem>>) offsets(%dma_start3A_61 : memref<128xi32, #tpu.memory_space<vmem>>) semaphore(%arg12 : memref<!tpu.dma_semaphore, #tpu.memory_space<semaphore_mem>>)
        %mul3A_65 = arith.constant 16 : i32
        %mul3A_66 = arith.muli %mul3A_37, %mul3A_65 : i32
        %add3A_67 = arith.addi %mul3A_66, %arg1 : i32
        %dma_wait3A = arith.constant 0 : i32
        %dma_wait3A_68 = arith.constant 0 : i32
        %dma_wait3A_69 = arith.constant 0 : i32
        %dma_wait3A_70 = tpu.memref_slice %arg9[%dma_wait3A_68, %dma_wait3A_69] : memref<256x128xf32, #tpu.memory_space<vmem>> -> memref<128x128xf32, #tpu.memory_space<vmem>>
        %dma_wait3A_71 = arith.constant 0 : i32
        %dma_wait3A_72 = tpu.memref_slice %arg7[%dma_wait3A, %dma_wait3A_71] : memref<2x128xi32, #tpu.memory_space<vmem>> -> memref<1x128xi32, #tpu.memory_space<vmem>>
        %dma_wait3A_73 = tpu.memref_squeeze %dma_wait3A_72 : memref<1x128xi32, #tpu.memory_space<vmem>> -> memref<128xi32, #tpu.memory_space<vmem>>
        %dma_wait3A_74 = arith.constant 0 : i32
        %dma_wait3A_75 = arith.constant 0 : i32
        %dma_wait3A_76 = tpu.memref_slice %arg2[%dma_wait3A_74, %dma_wait3A_75] : memref<10000x128xf32, #tpu.memory_space<hbm>> -> memref<10000x128xf32, #tpu.memory_space<hbm>>
        tpu.wait_indirect_dma semaphore(%arg11 : memref<!tpu.dma_semaphore, #tpu.memory_space<semaphore_mem>>) src(%dma_wait3A_76 : memref<10000x128xf32, #tpu.memory_space<hbm>>) dst(%dma_wait3A_70 : memref<128x128xf32, #tpu.memory_space<vmem>>)
        %dma_wait3A_77 = arith.constant 1 : i32
        %dma_wait3A_78 = arith.constant 128 : i32
        %dma_wait3A_79 = arith.constant 0 : i32
        %dma_wait3A_80 = tpu.memref_slice %arg9[%dma_wait3A_78, %dma_wait3A_79] : memref<256x128xf32, #tpu.memory_space<vmem>> -> memref<128x128xf32, #tpu.memory_space<vmem>>
        %dma_wait3A_81 = arith.constant 0 : i32
        %dma_wait3A_82 = tpu.memref_slice %arg7[%dma_wait3A_77, %dma_wait3A_81] : memref<2x128xi32, #tpu.memory_space<vmem>> -> memref<1x128xi32, #tpu.memory_space<vmem>>
        %dma_wait3A_83 = tpu.memref_squeeze %dma_wait3A_82 : memref<1x128xi32, #tpu.memory_space<vmem>> -> memref<128xi32, #tpu.memory_space<vmem>>
        %dma_wait3A_84 = arith.constant 0 : i32
        %dma_wait3A_85 = arith.constant 0 : i32
        %dma_wait3A_86 = tpu.memref_slice %arg2[%dma_wait3A_84, %dma_wait3A_85] : memref<10000x128xf32, #tpu.memory_space<hbm>> -> memref<10000x128xf32, #tpu.memory_space<hbm>>
        tpu.wait_indirect_dma semaphore(%arg11 : memref<!tpu.dma_semaphore, #tpu.memory_space<semaphore_mem>>) src(%dma_wait3A_86 : memref<10000x128xf32, #tpu.memory_space<hbm>>) dst(%dma_wait3A_80 : memref<128x128xf32, #tpu.memory_space<vmem>>)
        %lt3A = arith.constant 1250 : i32
        %lt3A_87 = arith.cmpi slt, %add3A_67, %lt3A : i32
        %convert_element_type3A_88 = arith.extui %lt3A_87 : i1 to i32
        %cond3A_89 = arith.constant 0 : i32
        %cond3A_90 = arith.cmpi ne, %convert_element_type3A_88, %cond3A_89 : i32
        scf.if %cond3A_90 {
          %mul3A_129 = arith.constant 256 : i32
          %mul3A_130 = arith.muli %add3A_67, %mul3A_129 : i32
          "tpu.region"() ({
            %run_scoped3A = tpu.sem_alloc : memref<!tpu.dma_semaphore, #tpu.memory_space<semaphore_mem>>
            %dma_start3A_131 = arith.constant 0 : i32
            %dma_start3A_132 = tpu.memref_slice %arg6[%mul3A_130, %dma_start3A_131] : memref<320000x128xf32, #tpu.memory_space<hbm>> -> memref<256x128xf32, #tpu.memory_space<hbm>>
            %dma_start3A_133 = arith.constant 0 : i32
            %dma_start3A_134 = tpu.memref_slice %arg6[%mul3A_130, %dma_start3A_133] : memref<320000x128xf32, #tpu.memory_space<hbm>> -> memref<256x128xf32, #tpu.memory_space<hbm>>
            tpu.enqueue_dma source(%arg9 : memref<256x128xf32, #tpu.memory_space<vmem>>) target(%dma_start3A_134 : memref<256x128xf32, #tpu.memory_space<hbm>>) target_semaphore(%run_scoped3A : memref<!tpu.dma_semaphore, #tpu.memory_space<semaphore_mem>>)
            %dma_wait3A_135 = arith.constant 0 : i32
            %dma_wait3A_136 = tpu.memref_slice %arg6[%mul3A_130, %dma_wait3A_135] : memref<320000x128xf32, #tpu.memory_space<hbm>> -> memref<256x128xf32, #tpu.memory_space<hbm>>
            %dma_wait3A_137 = arith.constant 0 : i32
            %dma_wait3A_138 = tpu.memref_slice %arg6[%mul3A_130, %dma_wait3A_137] : memref<320000x128xf32, #tpu.memory_space<hbm>> -> memref<256x128xf32, #tpu.memory_space<hbm>>
            tpu.wait_dma2 semaphore(%run_scoped3A : memref<!tpu.dma_semaphore, #tpu.memory_space<semaphore_mem>>) src(%arg9 : memref<256x128xf32, #tpu.memory_space<vmem>>) dst(%dma_wait3A_138 : memref<256x128xf32, #tpu.memory_space<hbm>>)
            tpu.yield
          }) : () -> ()
        } else {
        }
        %add3A_91 = arith.constant 2 : i32
        %add3A_92 = arith.addi %mul3A_37, %add3A_91 : i32
        %lt3A_93 = arith.constant 80 : i32
        %lt3A_94 = arith.cmpi slt, %add3A_92, %lt3A_93 : i32
        %convert_element_type3A_95 = arith.extui %lt3A_94 : i1 to i32
        %cond3A_96 = arith.constant 0 : i32
        %cond3A_97 = arith.cmpi ne, %convert_element_type3A_95, %cond3A_96 : i32
        scf.if %cond3A_97 {
          %add3A_129 = arith.constant 2 : i32
          %add3A_130 = arith.addi %mul3A_37, %add3A_129 : i32
          %mul3A_131 = arith.constant 16 : i32
          %mul3A_132 = arith.muli %add3A_130, %mul3A_131 : i32
          %add3A_133 = arith.addi %mul3A_132, %arg1 : i32
          %mul3A_134 = arith.constant 2 : i32
          %mul3A_135 = arith.muli %add3A_133, %mul3A_134 : i32
          "tpu.region"() ({
            %run_scoped3A = tpu.sem_alloc : memref<!tpu.dma_semaphore, #tpu.memory_space<semaphore_mem>>
            %dma_start3A_156 = arith.constant 0 : i32
            %dma_start3A_157 = tpu.memref_slice %arg4[%mul3A_135, %dma_start3A_156] : memref<2560x128xi32, #tpu.memory_space<hbm>> -> memref<2x128xi32, #tpu.memory_space<hbm>>
            %dma_start3A_158 = arith.constant 0 : i32
            %dma_start3A_159 = tpu.memref_slice %arg4[%mul3A_135, %dma_start3A_158] : memref<2560x128xi32, #tpu.memory_space<hbm>> -> memref<2x128xi32, #tpu.memory_space<hbm>>
            tpu.enqueue_dma source(%dma_start3A_159 : memref<2x128xi32, #tpu.memory_space<hbm>>) target(%arg7 : memref<2x128xi32, #tpu.memory_space<vmem>>) target_semaphore(%run_scoped3A : memref<!tpu.dma_semaphore, #tpu.memory_space<semaphore_mem>>)
            %dma_wait3A_160 = arith.constant 0 : i32
            %dma_wait3A_161 = tpu.memref_slice %arg4[%mul3A_135, %dma_wait3A_160] : memref<2560x128xi32, #tpu.memory_space<hbm>> -> memref<2x128xi32, #tpu.memory_space<hbm>>
            %dma_wait3A_162 = arith.constant 0 : i32
            %dma_wait3A_163 = tpu.memref_slice %arg4[%mul3A_135, %dma_wait3A_162] : memref<2560x128xi32, #tpu.memory_space<hbm>> -> memref<2x128xi32, #tpu.memory_space<hbm>>
            tpu.wait_dma2 semaphore(%run_scoped3A : memref<!tpu.dma_semaphore, #tpu.memory_space<semaphore_mem>>) src(%dma_wait3A_163 : memref<2x128xi32, #tpu.memory_space<hbm>>) dst(%arg7 : memref<2x128xi32, #tpu.memory_space<vmem>>)
            tpu.yield
          }) : () -> ()
          %dma_start3A_136 = arith.constant 0 : i32
          %dma_start3A_137 = arith.constant 0 : i32
          %dma_start3A_138 = arith.constant 0 : i32
          %dma_start3A_139 = tpu.memref_slice %arg9[%dma_start3A_137, %dma_start3A_138] : memref<256x128xf32, #tpu.memory_space<vmem>> -> memref<128x128xf32, #tpu.memory_space<vmem>>
          %dma_start3A_140 = arith.constant 0 : i32
          %dma_start3A_141 = tpu.memref_slice %arg7[%dma_start3A_136, %dma_start3A_140] : memref<2x128xi32, #tpu.memory_space<vmem>> -> memref<1x128xi32, #tpu.memory_space<vmem>>
          %dma_start3A_142 = tpu.memref_squeeze %dma_start3A_141 : memref<1x128xi32, #tpu.memory_space<vmem>> -> memref<128xi32, #tpu.memory_space<vmem>>
          %dma_start3A_143 = arith.constant 0 : i32
          %dma_start3A_144 = arith.constant 0 : i32
          %dma_start3A_145 = tpu.memref_slice %arg2[%dma_start3A_143, %dma_start3A_144] : memref<10000x128xf32, #tpu.memory_space<hbm>> -> memref<10000x128xf32, #tpu.memory_space<hbm>>
          tpu.enqueue_indirect_dma source(%dma_start3A_145 : memref<10000x128xf32, #tpu.memory_space<hbm>>) target(%dma_start3A_139 : memref<128x128xf32, #tpu.memory_space<vmem>>) offsets(%dma_start3A_142 : memref<128xi32, #tpu.memory_space<vmem>>) semaphore(%arg11 : memref<!tpu.dma_semaphore, #tpu.memory_space<semaphore_mem>>)
          %dma_start3A_146 = arith.constant 1 : i32
          %dma_start3A_147 = arith.constant 128 : i32
          %dma_start3A_148 = arith.constant 0 : i32
          %dma_start3A_149 = tpu.memref_slice %arg9[%dma_start3A_147, %dma_start3A_148] : memref<256x128xf32, #tpu.memory_space<vmem>> -> memref<128x128xf32, #tpu.memory_space<vmem>>
          %dma_start3A_150 = arith.constant 0 : i32
          %dma_start3A_151 = tpu.memref_slice %arg7[%dma_start3A_146, %dma_start3A_150] : memref<2x128xi32, #tpu.memory_space<vmem>> -> memref<1x128xi32, #tpu.memory_space<vmem>>
          %dma_start3A_152 = tpu.memref_squeeze %dma_start3A_151 : memref<1x128xi32, #tpu.memory_space<vmem>> -> memref<128xi32, #tpu.memory_space<vmem>>
          %dma_start3A_153 = arith.constant 0 : i32
          %dma_start3A_154 = arith.constant 0 : i32
          %dma_start3A_155 = tpu.memref_slice %arg2[%dma_start3A_153, %dma_start3A_154] : memref<10000x128xf32, #tpu.memory_space<hbm>> -> memref<10000x128xf32, #tpu.memory_space<hbm>>
          tpu.enqueue_indirect_dma source(%dma_start3A_155 : memref<10000x128xf32, #tpu.memory_space<hbm>>) target(%dma_start3A_149 : memref<128x128xf32, #tpu.memory_space<vmem>>) offsets(%dma_start3A_152 : memref<128xi32, #tpu.memory_space<vmem>>) semaphore(%arg11 : memref<!tpu.dma_semaphore, #tpu.memory_space<semaphore_mem>>)
        } else {
        }
        %add3A_98 = arith.constant 1 : i32
        %add3A_99 = arith.addi %mul3A_37, %add3A_98 : i32
        %mul3A_100 = arith.constant 16 : i32
        %mul3A_101 = arith.muli %add3A_99, %mul3A_100 : i32
        %add3A_102 = arith.addi %mul3A_101, %arg1 : i32
        %dma_wait3A_103 = arith.constant 0 : i32
        %dma_wait3A_104 = arith.constant 0 : i32
        %dma_wait3A_105 = arith.constant 0 : i32
        %dma_wait3A_106 = tpu.memref_slice %arg10[%dma_wait3A_104, %dma_wait3A_105] : memref<256x128xf32, #tpu.memory_space<vmem>> -> memref<128x128xf32, #tpu.memory_space<vmem>>
        %dma_wait3A_107 = arith.constant 0 : i32
        %dma_wait3A_108 = tpu.memref_slice %arg8[%dma_wait3A_103, %dma_wait3A_107] : memref<2x128xi32, #tpu.memory_space<vmem>> -> memref<1x128xi32, #tpu.memory_space<vmem>>
        %dma_wait3A_109 = tpu.memref_squeeze %dma_wait3A_108 : memref<1x128xi32, #tpu.memory_space<vmem>> -> memref<128xi32, #tpu.memory_space<vmem>>
        %dma_wait3A_110 = arith.constant 0 : i32
        %dma_wait3A_111 = arith.constant 0 : i32
        %dma_wait3A_112 = tpu.memref_slice %arg2[%dma_wait3A_110, %dma_wait3A_111] : memref<10000x128xf32, #tpu.memory_space<hbm>> -> memref<10000x128xf32, #tpu.memory_space<hbm>>
        tpu.wait_indirect_dma semaphore(%arg12 : memref<!tpu.dma_semaphore, #tpu.memory_space<semaphore_mem>>) src(%dma_wait3A_112 : memref<10000x128xf32, #tpu.memory_space<hbm>>) dst(%dma_wait3A_106 : memref<128x128xf32, #tpu.memory_space<vmem>>)
        %dma_wait3A_113 = arith.constant 1 : i32
        %dma_wait3A_114 = arith.constant 128 : i32
        %dma_wait3A_115 = arith.constant 0 : i32
        %dma_wait3A_116 = tpu.memref_slice %arg10[%dma_wait3A_114, %dma_wait3A_115] : memref<256x128xf32, #tpu.memory_space<vmem>> -> memref<128x128xf32, #tpu.memory_space<vmem>>
        %dma_wait3A_117 = arith.constant 0 : i32
        %dma_wait3A_118 = tpu.memref_slice %arg8[%dma_wait3A_113, %dma_wait3A_117] : memref<2x128xi32, #tpu.memory_space<vmem>> -> memref<1x128xi32, #tpu.memory_space<vmem>>
        %dma_wait3A_119 = tpu.memref_squeeze %dma_wait3A_118 : memref<1x128xi32, #tpu.memory_space<vmem>> -> memref<128xi32, #tpu.memory_space<vmem>>
        %dma_wait3A_120 = arith.constant 0 : i32
        %dma_wait3A_121 = arith.constant 0 : i32
        %dma_wait3A_122 = tpu.memref_slice %arg2[%dma_wait3A_120, %dma_wait3A_121] : memref<10000x128xf32, #tpu.memory_space<hbm>> -> memref<10000x128xf32, #tpu.memory_space<hbm>>
        tpu.wait_indirect_dma semaphore(%arg12 : memref<!tpu.dma_semaphore, #tpu.memory_space<semaphore_mem>>) src(%dma_wait3A_122 : memref<10000x128xf32, #tpu.memory_space<hbm>>) dst(%dma_wait3A_116 : memref<128x128xf32, #tpu.memory_space<vmem>>)
        %lt3A_123 = arith.constant 1250 : i32
        %lt3A_124 = arith.cmpi slt, %add3A_102, %lt3A_123 : i32
        %convert_element_type3A_125 = arith.extui %lt3A_124 : i1 to i32
        %cond3A_126 = arith.constant 0 : i32
        %cond3A_127 = arith.cmpi ne, %convert_element_type3A_125, %cond3A_126 : i32
        scf.if %cond3A_127 {
          %mul3A_129 = arith.constant 256 : i32
          %mul3A_130 = arith.muli %add3A_102, %mul3A_129 : i32
          "tpu.region"() ({
            %run_scoped3A = tpu.sem_alloc : memref<!tpu.dma_semaphore, #tpu.memory_space<semaphore_mem>>
            %dma_start3A_131 = arith.constant 0 : i32
            %dma_start3A_132 = tpu.memref_slice %arg6[%mul3A_130, %dma_start3A_131] : memref<320000x128xf32, #tpu.memory_space<hbm>> -> memref<256x128xf32, #tpu.memory_space<hbm>>
            %dma_start3A_133 = arith.constant 0 : i32
            %dma_start3A_134 = tpu.memref_slice %arg6[%mul3A_130, %dma_start3A_133] : memref<320000x128xf32, #tpu.memory_space<hbm>> -> memref<256x128xf32, #tpu.memory_space<hbm>>
            tpu.enqueue_dma source(%arg10 : memref<256x128xf32, #tpu.memory_space<vmem>>) target(%dma_start3A_134 : memref<256x128xf32, #tpu.memory_space<hbm>>) target_semaphore(%run_scoped3A : memref<!tpu.dma_semaphore, #tpu.memory_space<semaphore_mem>>)
            %dma_wait3A_135 = arith.constant 0 : i32
            %dma_wait3A_136 = tpu.memref_slice %arg6[%mul3A_130, %dma_wait3A_135] : memref<320000x128xf32, #tpu.memory_space<hbm>> -> memref<256x128xf32, #tpu.memory_space<hbm>>
            %dma_wait3A_137 = arith.constant 0 : i32
            %dma_wait3A_138 = tpu.memref_slice %arg6[%mul3A_130, %dma_wait3A_137] : memref<320000x128xf32, #tpu.memory_space<hbm>> -> memref<256x128xf32, #tpu.memory_space<hbm>>
            tpu.wait_dma2 semaphore(%run_scoped3A : memref<!tpu.dma_semaphore, #tpu.memory_space<semaphore_mem>>) src(%arg10 : memref<256x128xf32, #tpu.memory_space<vmem>>) dst(%dma_wait3A_138 : memref<256x128xf32, #tpu.memory_space<hbm>>)
            tpu.yield
          }) : () -> ()
        } else {
        }
        %scan3A_128 = arith.constant 0 : i32
        scf.yield %scan3A_128 : i32
      }
      %scan3A_33 = arith.constant 40 : i32
    } else {
    }
    return
  }
}

#map = affine_map<(d0, d1) -> (0, 0)>
module attributes {stable_mosaic.version = 14 : i64} {
  func.func @body(%arg0: i32, %arg1: i32, %arg2: memref<2560x128xi32, #tpu.memory_space<hbm>>, %arg3: memref<2560x128xi32, #tpu.memory_space<hbm>>, %arg4: memref<625x128xf32, #tpu.memory_space<hbm>>, %arg5: memref<10000x128xf32, #tpu.memory_space<hbm>>, %arg6: memref<10000x128xf32, #tpu.memory_space<hbm>>, %arg7: memref<10016x128xf32, #tpu.memory_space<vmem_shared>>, %arg8: memref<8x128xi32, #tpu.memory_space<vmem>>, %arg9: memref<128x128xf32, #tpu.memory_space<vmem>>, %arg10: memref<!tpu.dma_semaphore, #tpu.memory_space<semaphore_mem>>) attributes {dimension_semantics = [#tpu.dimension_semantics<core_parallel>, #tpu.dimension_semantics<subcore_parallel>], iteration_bounds = array<i64: 2, 16>, scalar_prefetch = 0 : i64, scratch_operands = 4 : i64, tpu.core_type = #tpu.core_type<sc_vector_subcore>, window_params = [{transform_indices = #map}, {transform_indices = #map}, {transform_indices = #map}, {transform_indices = #map}, {transform_indices = #map}]} {
    %scan3A = arith.constant 0 : i32
    %scan3A_0 = arith.constant 0 : i32
    %scan3A_1 = arith.constant 128 : i32
    %scan3A_2 = arith.addi %scan3A_0, %scan3A_1 : i32
    %scan3A_3 = arith.constant 1 : i32
    %scan3A_4 = scf.for %scan3A_25 = %scan3A_0 to %scan3A_2 step %scan3A_3 iter_args(%scan3A_26 = %scan3A) -> (i32)  : i32 {
      %broadcast_in_dim3A = arith.constant 1.000000e+00 : f32
      %broadcast_in_dim3A_27 = vector.broadcast %broadcast_in_dim3A : f32 to vector<16xf32>
      %swap3A = arith.index_cast %scan3A_25 : i32 to index
      %swap3A_28 = arith.constant 0 : index
      %swap3A_29 = tpu.vector_load %arg9[%swap3A, %swap3A_28] {strides = array<i32>} : memref<128x128xf32, #tpu.memory_space<vmem>>, vector<1x16xf32>,
      %swap3A_30 = vector.shape_cast %swap3A_29 : vector<1x16xf32> to vector<16xf32>
      %swap3A_31 = vector.shape_cast %broadcast_in_dim3A_27 : vector<16xf32> to vector<1x16xf32>
      tpu.vector_store %arg9[%swap3A, %swap3A_28], %swap3A_31 {strides = array<i32>} : memref<128x128xf32, #tpu.memory_space<vmem>>, vector<1x16xf32>,
      %broadcast_in_dim3A_32 = arith.constant 1.000000e+00 : f32
      %broadcast_in_dim3A_33 = vector.broadcast %broadcast_in_dim3A_32 : f32 to vector<16xf32>
      %swap3A_34 = arith.index_cast %scan3A_25 : i32 to index
      %swap3A_35 = arith.constant 16 : index
      %swap3A_36 = tpu.vector_load %arg9[%swap3A_34, %swap3A_35] {strides = array<i32>} : memref<128x128xf32, #tpu.memory_space<vmem>>, vector<1x16xf32>,
      %swap3A_37 = vector.shape_cast %swap3A_36 : vector<1x16xf32> to vector<16xf32>
      %swap3A_38 = vector.shape_cast %broadcast_in_dim3A_33 : vector<16xf32> to vector<1x16xf32>
      tpu.vector_store %arg9[%swap3A_34, %swap3A_35], %swap3A_38 {strides = array<i32>} : memref<128x128xf32, #tpu.memory_space<vmem>>, vector<1x16xf32>,
      %broadcast_in_dim3A_39 = arith.constant 1.000000e+00 : f32
      %broadcast_in_dim3A_40 = vector.broadcast %broadcast_in_dim3A_39 : f32 to vector<16xf32>
      %swap3A_41 = arith.index_cast %scan3A_25 : i32 to index
      %swap3A_42 = arith.constant 32 : index
      %swap3A_43 = tpu.vector_load %arg9[%swap3A_41, %swap3A_42] {strides = array<i32>} : memref<128x128xf32, #tpu.memory_space<vmem>>, vector<1x16xf32>,
      %swap3A_44 = vector.shape_cast %swap3A_43 : vector<1x16xf32> to vector<16xf32>
      %swap3A_45 = vector.shape_cast %broadcast_in_dim3A_40 : vector<16xf32> to vector<1x16xf32>
      tpu.vector_store %arg9[%swap3A_41, %swap3A_42], %swap3A_45 {strides = array<i32>} : memref<128x128xf32, #tpu.memory_space<vmem>>, vector<1x16xf32>,
      %broadcast_in_dim3A_46 = arith.constant 1.000000e+00 : f32
      %broadcast_in_dim3A_47 = vector.broadcast %broadcast_in_dim3A_46 : f32 to vector<16xf32>
      %swap3A_48 = arith.index_cast %scan3A_25 : i32 to index
      %swap3A_49 = arith.constant 48 : index
      %swap3A_50 = tpu.vector_load %arg9[%swap3A_48, %swap3A_49] {strides = array<i32>} : memref<128x128xf32, #tpu.memory_space<vmem>>, vector<1x16xf32>,
      %swap3A_51 = vector.shape_cast %swap3A_50 : vector<1x16xf32> to vector<16xf32>
      %swap3A_52 = vector.shape_cast %broadcast_in_dim3A_47 : vector<16xf32> to vector<1x16xf32>
      tpu.vector_store %arg9[%swap3A_48, %swap3A_49], %swap3A_52 {strides = array<i32>} : memref<128x128xf32, #tpu.memory_space<vmem>>, vector<1x16xf32>,
      %broadcast_in_dim3A_53 = arith.constant 1.000000e+00 : f32
      %broadcast_in_dim3A_54 = vector.broadcast %broadcast_in_dim3A_53 : f32 to vector<16xf32>
      %swap3A_55 = arith.index_cast %scan3A_25 : i32 to index
      %swap3A_56 = arith.constant 64 : index
      %swap3A_57 = tpu.vector_load %arg9[%swap3A_55, %swap3A_56] {strides = array<i32>} : memref<128x128xf32, #tpu.memory_space<vmem>>, vector<1x16xf32>,
      %swap3A_58 = vector.shape_cast %swap3A_57 : vector<1x16xf32> to vector<16xf32>
      %swap3A_59 = vector.shape_cast %broadcast_in_dim3A_54 : vector<16xf32> to vector<1x16xf32>
      tpu.vector_store %arg9[%swap3A_55, %swap3A_56], %swap3A_59 {strides = array<i32>} : memref<128x128xf32, #tpu.memory_space<vmem>>, vector<1x16xf32>,
      %broadcast_in_dim3A_60 = arith.constant 1.000000e+00 : f32
      %broadcast_in_dim3A_61 = vector.broadcast %broadcast_in_dim3A_60 : f32 to vector<16xf32>
      %swap3A_62 = arith.index_cast %scan3A_25 : i32 to index
      %swap3A_63 = arith.constant 80 : index
      %swap3A_64 = tpu.vector_load %arg9[%swap3A_62, %swap3A_63] {strides = array<i32>} : memref<128x128xf32, #tpu.memory_space<vmem>>, vector<1x16xf32>,
      %swap3A_65 = vector.shape_cast %swap3A_64 : vector<1x16xf32> to vector<16xf32>
      %swap3A_66 = vector.shape_cast %broadcast_in_dim3A_61 : vector<16xf32> to vector<1x16xf32>
      tpu.vector_store %arg9[%swap3A_62, %swap3A_63], %swap3A_66 {strides = array<i32>} : memref<128x128xf32, #tpu.memory_space<vmem>>, vector<1x16xf32>,
      %broadcast_in_dim3A_67 = arith.constant 1.000000e+00 : f32
      %broadcast_in_dim3A_68 = vector.broadcast %broadcast_in_dim3A_67 : f32 to vector<16xf32>
      %swap3A_69 = arith.index_cast %scan3A_25 : i32 to index
      %swap3A_70 = arith.constant 96 : index
      %swap3A_71 = tpu.vector_load %arg9[%swap3A_69, %swap3A_70] {strides = array<i32>} : memref<128x128xf32, #tpu.memory_space<vmem>>, vector<1x16xf32>,
      %swap3A_72 = vector.shape_cast %swap3A_71 : vector<1x16xf32> to vector<16xf32>
      %swap3A_73 = vector.shape_cast %broadcast_in_dim3A_68 : vector<16xf32> to vector<1x16xf32>
      tpu.vector_store %arg9[%swap3A_69, %swap3A_70], %swap3A_73 {strides = array<i32>} : memref<128x128xf32, #tpu.memory_space<vmem>>, vector<1x16xf32>,
      %broadcast_in_dim3A_74 = arith.constant 1.000000e+00 : f32
      %broadcast_in_dim3A_75 = vector.broadcast %broadcast_in_dim3A_74 : f32 to vector<16xf32>
      %swap3A_76 = arith.index_cast %scan3A_25 : i32 to index
      %swap3A_77 = arith.constant 112 : index
      %swap3A_78 = tpu.vector_load %arg9[%swap3A_76, %swap3A_77] {strides = array<i32>} : memref<128x128xf32, #tpu.memory_space<vmem>>, vector<1x16xf32>,
      %swap3A_79 = vector.shape_cast %swap3A_78 : vector<1x16xf32> to vector<16xf32>
      %swap3A_80 = vector.shape_cast %broadcast_in_dim3A_75 : vector<16xf32> to vector<1x16xf32>
      tpu.vector_store %arg9[%swap3A_76, %swap3A_77], %swap3A_80 {strides = array<i32>} : memref<128x128xf32, #tpu.memory_space<vmem>>, vector<1x16xf32>,
      %scan3A_81 = arith.constant 0 : i32
      scf.yield %scan3A_81 : i32
    }
    %scan3A_5 = arith.constant 128 : i32
    %mul3A = arith.constant 625 : i32
    %mul3A_6 = arith.muli %arg1, %mul3A : i32
    "tpu.region"() ({
      %run_scoped3A = tpu.sem_alloc : memref<!tpu.dma_semaphore, #tpu.memory_space<semaphore_mem>>
      %dma_start3A = arith.constant 0 : i32
      %dma_start3A_25 = tpu.memref_slice %arg7[%mul3A_6, %dma_start3A] : memref<10016x128xf32, #tpu.memory_space<vmem_shared>> -> memref<625x128xf32, #tpu.memory_space<vmem_shared>>
      tpu.enqueue_dma source(%arg4 : memref<625x128xf32, #tpu.memory_space<hbm>>) target(%dma_start3A_25 : memref<625x128xf32, #tpu.memory_space<vmem_shared>>) target_semaphore(%run_scoped3A : memref<!tpu.dma_semaphore, #tpu.memory_space<semaphore_mem>>)
      %dma_wait3A = arith.constant 0 : i32
      %dma_wait3A_26 = tpu.memref_slice %arg7[%mul3A_6, %dma_wait3A] : memref<10016x128xf32, #tpu.memory_space<vmem_shared>> -> memref<625x128xf32, #tpu.memory_space<vmem_shared>>
      tpu.wait_dma2 semaphore(%run_scoped3A : memref<!tpu.dma_semaphore, #tpu.memory_space<semaphore_mem>>) src(%arg4 : memref<625x128xf32, #tpu.memory_space<hbm>>) dst(%dma_wait3A_26 : memref<625x128xf32, #tpu.memory_space<vmem_shared>>)
      tpu.yield
    }) : () -> ()
    %barrier3A = arith.constant 0 : index
    tpu.barrier barrier_id(%barrier3A)
    %eq3A = arith.constant 0 : i32
    %eq3A_7 = arith.cmpi eq, %arg0, %eq3A : i32
    %convert_element_type3A = arith.extui %eq3A_7 : i1 to i32
    %cond3A = arith.constant 0 : i32
    %cond3A_8 = arith.cmpi ne, %convert_element_type3A, %cond3A : i32
    scf.if %cond3A_8 {
      %scan3A_25 = arith.constant 0 : i32
      %scan3A_26 = arith.constant 0 : i32
      %scan3A_27 = arith.constant 20 : i32
      %scan3A_28 = arith.addi %scan3A_26, %scan3A_27 : i32
      %scan3A_29 = arith.constant 1 : i32
      %scan3A_30 = scf.for %scan3A_32 = %scan3A_26 to %scan3A_28 step %scan3A_29 iter_args(%scan3A_33 = %scan3A_25) -> (i32)  : i32 {
        %mul3A_34 = arith.constant 16 : i32
        %mul3A_35 = arith.muli %scan3A_32, %mul3A_34 : i32
        %add3A = arith.addi %mul3A_35, %arg1 : i32
        %mul3A_36 = arith.constant 8 : i32
        %mul3A_37 = arith.muli %add3A, %mul3A_36 : i32
        "tpu.region"() ({
          %run_scoped3A = tpu.sem_alloc : memref<!tpu.dma_semaphore, #tpu.memory_space<semaphore_mem>>
          %dma_start3A_149 = arith.constant 0 : i32
          %dma_start3A_150 = tpu.memref_slice %arg2[%mul3A_37, %dma_start3A_149] : memref<2560x128xi32, #tpu.memory_space<hbm>> -> memref<8x128xi32, #tpu.memory_space<hbm>>
          %dma_start3A_151 = arith.constant 0 : i32
          %dma_start3A_152 = tpu.memref_slice %arg2[%mul3A_37, %dma_start3A_151] : memref<2560x128xi32, #tpu.memory_space<hbm>> -> memref<8x128xi32, #tpu.memory_space<hbm>>
          tpu.enqueue_dma source(%dma_start3A_152 : memref<8x128xi32, #tpu.memory_space<hbm>>) target(%arg8 : memref<8x128xi32, #tpu.memory_space<vmem>>) target_semaphore(%run_scoped3A : memref<!tpu.dma_semaphore, #tpu.memory_space<semaphore_mem>>)
          %dma_wait3A_153 = arith.constant 0 : i32
          %dma_wait3A_154 = tpu.memref_slice %arg2[%mul3A_37, %dma_wait3A_153] : memref<2560x128xi32, #tpu.memory_space<hbm>> -> memref<8x128xi32, #tpu.memory_space<hbm>>
          %dma_wait3A_155 = arith.constant 0 : i32
          %dma_wait3A_156 = tpu.memref_slice %arg2[%mul3A_37, %dma_wait3A_155] : memref<2560x128xi32, #tpu.memory_space<hbm>> -> memref<8x128xi32, #tpu.memory_space<hbm>>
          tpu.wait_dma2 semaphore(%run_scoped3A : memref<!tpu.dma_semaphore, #tpu.memory_space<semaphore_mem>>) src(%dma_wait3A_156 : memref<8x128xi32, #tpu.memory_space<hbm>>) dst(%arg8 : memref<8x128xi32, #tpu.memory_space<vmem>>)
          tpu.yield
        }) : () -> ()
        %dma_start3A = arith.constant 0 : i32
        %dma_start3A_38 = arith.constant 0 : i32
        %dma_start3A_39 = tpu.memref_slice %arg8[%dma_start3A, %dma_start3A_38] : memref<8x128xi32, #tpu.memory_space<vmem>> -> memref<1x128xi32, #tpu.memory_space<vmem>>
        %dma_start3A_40 = tpu.memref_squeeze %dma_start3A_39 : memref<1x128xi32, #tpu.memory_space<vmem>> -> memref<128xi32, #tpu.memory_space<vmem>>
        %dma_start3A_41 = arith.constant 0 : i32
        %dma_start3A_42 = arith.constant 0 : i32
        %dma_start3A_43 = tpu.memref_slice %arg7[%dma_start3A_41, %dma_start3A_42] : memref<10016x128xf32, #tpu.memory_space<vmem_shared>> -> memref<10016x128xf32, #tpu.memory_space<vmem_shared>>
        tpu.enqueue_indirect_dma source(%arg9 : memref<128x128xf32, #tpu.memory_space<vmem>>) target(%dma_start3A_43 : memref<10016x128xf32, #tpu.memory_space<vmem_shared>>) offsets(%dma_start3A_40 : memref<128xi32, #tpu.memory_space<vmem>>) semaphore(%arg10 : memref<!tpu.dma_semaphore, #tpu.memory_space<semaphore_mem>>) {add = true}
        %dma_start3A_44 = arith.constant 1 : i32
        %dma_start3A_45 = arith.constant 0 : i32
        %dma_start3A_46 = tpu.memref_slice %arg8[%dma_start3A_44, %dma_start3A_45] : memref<8x128xi32, #tpu.memory_space<vmem>> -> memref<1x128xi32, #tpu.memory_space<vmem>>
        %dma_start3A_47 = tpu.memref_squeeze %dma_start3A_46 : memref<1x128xi32, #tpu.memory_space<vmem>> -> memref<128xi32, #tpu.memory_space<vmem>>
        %dma_start3A_48 = arith.constant 0 : i32
        %dma_start3A_49 = arith.constant 0 : i32
        %dma_start3A_50 = tpu.memref_slice %arg7[%dma_start3A_48, %dma_start3A_49] : memref<10016x128xf32, #tpu.memory_space<vmem_shared>> -> memref<10016x128xf32, #tpu.memory_space<vmem_shared>>
        tpu.enqueue_indirect_dma source(%arg9 : memref<128x128xf32, #tpu.memory_space<vmem>>) target(%dma_start3A_50 : memref<10016x128xf32, #tpu.memory_space<vmem_shared>>) offsets(%dma_start3A_47 : memref<128xi32, #tpu.memory_space<vmem>>) semaphore(%arg10 : memref<!tpu.dma_semaphore, #tpu.memory_space<semaphore_mem>>) {add = true}
        %dma_start3A_51 = arith.constant 2 : i32
        %dma_start3A_52 = arith.constant 0 : i32
        %dma_start3A_53 = tpu.memref_slice %arg8[%dma_start3A_51, %dma_start3A_52] : memref<8x128xi32, #tpu.memory_space<vmem>> -> memref<1x128xi32, #tpu.memory_space<vmem>>
        %dma_start3A_54 = tpu.memref_squeeze %dma_start3A_53 : memref<1x128xi32, #tpu.memory_space<vmem>> -> memref<128xi32, #tpu.memory_space<vmem>>
        %dma_start3A_55 = arith.constant 0 : i32
        %dma_start3A_56 = arith.constant 0 : i32
        %dma_start3A_57 = tpu.memref_slice %arg7[%dma_start3A_55, %dma_start3A_56] : memref<10016x128xf32, #tpu.memory_space<vmem_shared>> -> memref<10016x128xf32, #tpu.memory_space<vmem_shared>>
        tpu.enqueue_indirect_dma source(%arg9 : memref<128x128xf32, #tpu.memory_space<vmem>>) target(%dma_start3A_57 : memref<10016x128xf32, #tpu.memory_space<vmem_shared>>) offsets(%dma_start3A_54 : memref<128xi32, #tpu.memory_space<vmem>>) semaphore(%arg10 : memref<!tpu.dma_semaphore, #tpu.memory_space<semaphore_mem>>) {add = true}
        %dma_start3A_58 = arith.constant 3 : i32
        %dma_start3A_59 = arith.constant 0 : i32
        %dma_start3A_60 = tpu.memref_slice %arg8[%dma_start3A_58, %dma_start3A_59] : memref<8x128xi32, #tpu.memory_space<vmem>> -> memref<1x128xi32, #tpu.memory_space<vmem>>
        %dma_start3A_61 = tpu.memref_squeeze %dma_start3A_60 : memref<1x128xi32, #tpu.memory_space<vmem>> -> memref<128xi32, #tpu.memory_space<vmem>>
        %dma_start3A_62 = arith.constant 0 : i32
        %dma_start3A_63 = arith.constant 0 : i32
        %dma_start3A_64 = tpu.memref_slice %arg7[%dma_start3A_62, %dma_start3A_63] : memref<10016x128xf32, #tpu.memory_space<vmem_shared>> -> memref<10016x128xf32, #tpu.memory_space<vmem_shared>>
        tpu.enqueue_indirect_dma source(%arg9 : memref<128x128xf32, #tpu.memory_space<vmem>>) target(%dma_start3A_64 : memref<10016x128xf32, #tpu.memory_space<vmem_shared>>) offsets(%dma_start3A_61 : memref<128xi32, #tpu.memory_space<vmem>>) semaphore(%arg10 : memref<!tpu.dma_semaphore, #tpu.memory_space<semaphore_mem>>) {add = true}
        %dma_start3A_65 = arith.constant 4 : i32
        %dma_start3A_66 = arith.constant 0 : i32
        %dma_start3A_67 = tpu.memref_slice %arg8[%dma_start3A_65, %dma_start3A_66] : memref<8x128xi32, #tpu.memory_space<vmem>> -> memref<1x128xi32, #tpu.memory_space<vmem>>
        %dma_start3A_68 = tpu.memref_squeeze %dma_start3A_67 : memref<1x128xi32, #tpu.memory_space<vmem>> -> memref<128xi32, #tpu.memory_space<vmem>>
        %dma_start3A_69 = arith.constant 0 : i32
        %dma_start3A_70 = arith.constant 0 : i32
        %dma_start3A_71 = tpu.memref_slice %arg7[%dma_start3A_69, %dma_start3A_70] : memref<10016x128xf32, #tpu.memory_space<vmem_shared>> -> memref<10016x128xf32, #tpu.memory_space<vmem_shared>>
        tpu.enqueue_indirect_dma source(%arg9 : memref<128x128xf32, #tpu.memory_space<vmem>>) target(%dma_start3A_71 : memref<10016x128xf32, #tpu.memory_space<vmem_shared>>) offsets(%dma_start3A_68 : memref<128xi32, #tpu.memory_space<vmem>>) semaphore(%arg10 : memref<!tpu.dma_semaphore, #tpu.memory_space<semaphore_mem>>) {add = true}
        %dma_start3A_72 = arith.constant 5 : i32
        %dma_start3A_73 = arith.constant 0 : i32
        %dma_start3A_74 = tpu.memref_slice %arg8[%dma_start3A_72, %dma_start3A_73] : memref<8x128xi32, #tpu.memory_space<vmem>> -> memref<1x128xi32, #tpu.memory_space<vmem>>
        %dma_start3A_75 = tpu.memref_squeeze %dma_start3A_74 : memref<1x128xi32, #tpu.memory_space<vmem>> -> memref<128xi32, #tpu.memory_space<vmem>>
        %dma_start3A_76 = arith.constant 0 : i32
        %dma_start3A_77 = arith.constant 0 : i32
        %dma_start3A_78 = tpu.memref_slice %arg7[%dma_start3A_76, %dma_start3A_77] : memref<10016x128xf32, #tpu.memory_space<vmem_shared>> -> memref<10016x128xf32, #tpu.memory_space<vmem_shared>>
        tpu.enqueue_indirect_dma source(%arg9 : memref<128x128xf32, #tpu.memory_space<vmem>>) target(%dma_start3A_78 : memref<10016x128xf32, #tpu.memory_space<vmem_shared>>) offsets(%dma_start3A_75 : memref<128xi32, #tpu.memory_space<vmem>>) semaphore(%arg10 : memref<!tpu.dma_semaphore, #tpu.memory_space<semaphore_mem>>) {add = true}
        %dma_start3A_79 = arith.constant 6 : i32
        %dma_start3A_80 = arith.constant 0 : i32
        %dma_start3A_81 = tpu.memref_slice %arg8[%dma_start3A_79, %dma_start3A_80] : memref<8x128xi32, #tpu.memory_space<vmem>> -> memref<1x128xi32, #tpu.memory_space<vmem>>
        %dma_start3A_82 = tpu.memref_squeeze %dma_start3A_81 : memref<1x128xi32, #tpu.memory_space<vmem>> -> memref<128xi32, #tpu.memory_space<vmem>>
        %dma_start3A_83 = arith.constant 0 : i32
        %dma_start3A_84 = arith.constant 0 : i32
        %dma_start3A_85 = tpu.memref_slice %arg7[%dma_start3A_83, %dma_start3A_84] : memref<10016x128xf32, #tpu.memory_space<vmem_shared>> -> memref<10016x128xf32, #tpu.memory_space<vmem_shared>>
        tpu.enqueue_indirect_dma source(%arg9 : memref<128x128xf32, #tpu.memory_space<vmem>>) target(%dma_start3A_85 : memref<10016x128xf32, #tpu.memory_space<vmem_shared>>) offsets(%dma_start3A_82 : memref<128xi32, #tpu.memory_space<vmem>>) semaphore(%arg10 : memref<!tpu.dma_semaphore, #tpu.memory_space<semaphore_mem>>) {add = true}
        %dma_start3A_86 = arith.constant 7 : i32
        %dma_start3A_87 = arith.constant 0 : i32
        %dma_start3A_88 = tpu.memref_slice %arg8[%dma_start3A_86, %dma_start3A_87] : memref<8x128xi32, #tpu.memory_space<vmem>> -> memref<1x128xi32, #tpu.memory_space<vmem>>
        %dma_start3A_89 = tpu.memref_squeeze %dma_start3A_88 : memref<1x128xi32, #tpu.memory_space<vmem>> -> memref<128xi32, #tpu.memory_space<vmem>>
        %dma_start3A_90 = arith.constant 0 : i32
        %dma_start3A_91 = arith.constant 0 : i32
        %dma_start3A_92 = tpu.memref_slice %arg7[%dma_start3A_90, %dma_start3A_91] : memref<10016x128xf32, #tpu.memory_space<vmem_shared>> -> memref<10016x128xf32, #tpu.memory_space<vmem_shared>>
        tpu.enqueue_indirect_dma source(%arg9 : memref<128x128xf32, #tpu.memory_space<vmem>>) target(%dma_start3A_92 : memref<10016x128xf32, #tpu.memory_space<vmem_shared>>) offsets(%dma_start3A_89 : memref<128xi32, #tpu.memory_space<vmem>>) semaphore(%arg10 : memref<!tpu.dma_semaphore, #tpu.memory_space<semaphore_mem>>) {add = true}
        %dma_wait3A = arith.constant 0 : i32
        %dma_wait3A_93 = arith.constant 0 : i32
        %dma_wait3A_94 = tpu.memref_slice %arg8[%dma_wait3A, %dma_wait3A_93] : memref<8x128xi32, #tpu.memory_space<vmem>> -> memref<1x128xi32, #tpu.memory_space<vmem>>
        %dma_wait3A_95 = tpu.memref_squeeze %dma_wait3A_94 : memref<1x128xi32, #tpu.memory_space<vmem>> -> memref<128xi32, #tpu.memory_space<vmem>>
        %dma_wait3A_96 = arith.constant 0 : i32
        %dma_wait3A_97 = arith.constant 0 : i32
        %dma_wait3A_98 = tpu.memref_slice %arg7[%dma_wait3A_96, %dma_wait3A_97] : memref<10016x128xf32, #tpu.memory_space<vmem_shared>> -> memref<10016x128xf32, #tpu.memory_space<vmem_shared>>
        tpu.wait_indirect_dma semaphore(%arg10 : memref<!tpu.dma_semaphore, #tpu.memory_space<semaphore_mem>>) src(%arg9 : memref<128x128xf32, #tpu.memory_space<vmem>>) dst(%dma_wait3A_98 : memref<10016x128xf32, #tpu.memory_space<vmem_shared>>)
        %dma_wait3A_99 = arith.constant 1 : i32
        %dma_wait3A_100 = arith.constant 0 : i32
        %dma_wait3A_101 = tpu.memref_slice %arg8[%dma_wait3A_99, %dma_wait3A_100] : memref<8x128xi32, #tpu.memory_space<vmem>> -> memref<1x128xi32, #tpu.memory_space<vmem>>
        %dma_wait3A_102 = tpu.memref_squeeze %dma_wait3A_101 : memref<1x128xi32, #tpu.memory_space<vmem>> -> memref<128xi32, #tpu.memory_space<vmem>>
        %dma_wait3A_103 = arith.constant 0 : i32
        %dma_wait3A_104 = arith.constant 0 : i32
        %dma_wait3A_105 = tpu.memref_slice %arg7[%dma_wait3A_103, %dma_wait3A_104] : memref<10016x128xf32, #tpu.memory_space<vmem_shared>> -> memref<10016x128xf32, #tpu.memory_space<vmem_shared>>
        tpu.wait_indirect_dma semaphore(%arg10 : memref<!tpu.dma_semaphore, #tpu.memory_space<semaphore_mem>>) src(%arg9 : memref<128x128xf32, #tpu.memory_space<vmem>>) dst(%dma_wait3A_105 : memref<10016x128xf32, #tpu.memory_space<vmem_shared>>)
        %dma_wait3A_106 = arith.constant 2 : i32
        %dma_wait3A_107 = arith.constant 0 : i32
        %dma_wait3A_108 = tpu.memref_slice %arg8[%dma_wait3A_106, %dma_wait3A_107] : memref<8x128xi32, #tpu.memory_space<vmem>> -> memref<1x128xi32, #tpu.memory_space<vmem>>
        %dma_wait3A_109 = tpu.memref_squeeze %dma_wait3A_108 : memref<1x128xi32, #tpu.memory_space<vmem>> -> memref<128xi32, #tpu.memory_space<vmem>>
        %dma_wait3A_110 = arith.constant 0 : i32
        %dma_wait3A_111 = arith.constant 0 : i32
        %dma_wait3A_112 = tpu.memref_slice %arg7[%dma_wait3A_110, %dma_wait3A_111] : memref<10016x128xf32, #tpu.memory_space<vmem_shared>> -> memref<10016x128xf32, #tpu.memory_space<vmem_shared>>
        tpu.wait_indirect_dma semaphore(%arg10 : memref<!tpu.dma_semaphore, #tpu.memory_space<semaphore_mem>>) src(%arg9 : memref<128x128xf32, #tpu.memory_space<vmem>>) dst(%dma_wait3A_112 : memref<10016x128xf32, #tpu.memory_space<vmem_shared>>)
        %dma_wait3A_113 = arith.constant 3 : i32
        %dma_wait3A_114 = arith.constant 0 : i32
        %dma_wait3A_115 = tpu.memref_slice %arg8[%dma_wait3A_113, %dma_wait3A_114] : memref<8x128xi32, #tpu.memory_space<vmem>> -> memref<1x128xi32, #tpu.memory_space<vmem>>
        %dma_wait3A_116 = tpu.memref_squeeze %dma_wait3A_115 : memref<1x128xi32, #tpu.memory_space<vmem>> -> memref<128xi32, #tpu.memory_space<vmem>>
        %dma_wait3A_117 = arith.constant 0 : i32
        %dma_wait3A_118 = arith.constant 0 : i32
        %dma_wait3A_119 = tpu.memref_slice %arg7[%dma_wait3A_117, %dma_wait3A_118] : memref<10016x128xf32, #tpu.memory_space<vmem_shared>> -> memref<10016x128xf32, #tpu.memory_space<vmem_shared>>
        tpu.wait_indirect_dma semaphore(%arg10 : memref<!tpu.dma_semaphore, #tpu.memory_space<semaphore_mem>>) src(%arg9 : memref<128x128xf32, #tpu.memory_space<vmem>>) dst(%dma_wait3A_119 : memref<10016x128xf32, #tpu.memory_space<vmem_shared>>)
        %dma_wait3A_120 = arith.constant 4 : i32
        %dma_wait3A_121 = arith.constant 0 : i32
        %dma_wait3A_122 = tpu.memref_slice %arg8[%dma_wait3A_120, %dma_wait3A_121] : memref<8x128xi32, #tpu.memory_space<vmem>> -> memref<1x128xi32, #tpu.memory_space<vmem>>
        %dma_wait3A_123 = tpu.memref_squeeze %dma_wait3A_122 : memref<1x128xi32, #tpu.memory_space<vmem>> -> memref<128xi32, #tpu.memory_space<vmem>>
        %dma_wait3A_124 = arith.constant 0 : i32
        %dma_wait3A_125 = arith.constant 0 : i32
        %dma_wait3A_126 = tpu.memref_slice %arg7[%dma_wait3A_124, %dma_wait3A_125] : memref<10016x128xf32, #tpu.memory_space<vmem_shared>> -> memref<10016x128xf32, #tpu.memory_space<vmem_shared>>
        tpu.wait_indirect_dma semaphore(%arg10 : memref<!tpu.dma_semaphore, #tpu.memory_space<semaphore_mem>>) src(%arg9 : memref<128x128xf32, #tpu.memory_space<vmem>>) dst(%dma_wait3A_126 : memref<10016x128xf32, #tpu.memory_space<vmem_shared>>)
        %dma_wait3A_127 = arith.constant 5 : i32
        %dma_wait3A_128 = arith.constant 0 : i32
        %dma_wait3A_129 = tpu.memref_slice %arg8[%dma_wait3A_127, %dma_wait3A_128] : memref<8x128xi32, #tpu.memory_space<vmem>> -> memref<1x128xi32, #tpu.memory_space<vmem>>
        %dma_wait3A_130 = tpu.memref_squeeze %dma_wait3A_129 : memref<1x128xi32, #tpu.memory_space<vmem>> -> memref<128xi32, #tpu.memory_space<vmem>>
        %dma_wait3A_131 = arith.constant 0 : i32
        %dma_wait3A_132 = arith.constant 0 : i32
        %dma_wait3A_133 = tpu.memref_slice %arg7[%dma_wait3A_131, %dma_wait3A_132] : memref<10016x128xf32, #tpu.memory_space<vmem_shared>> -> memref<10016x128xf32, #tpu.memory_space<vmem_shared>>
        tpu.wait_indirect_dma semaphore(%arg10 : memref<!tpu.dma_semaphore, #tpu.memory_space<semaphore_mem>>) src(%arg9 : memref<128x128xf32, #tpu.memory_space<vmem>>) dst(%dma_wait3A_133 : memref<10016x128xf32, #tpu.memory_space<vmem_shared>>)
        %dma_wait3A_134 = arith.constant 6 : i32
        %dma_wait3A_135 = arith.constant 0 : i32
        %dma_wait3A_136 = tpu.memref_slice %arg8[%dma_wait3A_134, %dma_wait3A_135] : memref<8x128xi32, #tpu.memory_space<vmem>> -> memref<1x128xi32, #tpu.memory_space<vmem>>
        %dma_wait3A_137 = tpu.memref_squeeze %dma_wait3A_136 : memref<1x128xi32, #tpu.memory_space<vmem>> -> memref<128xi32, #tpu.memory_space<vmem>>
        %dma_wait3A_138 = arith.constant 0 : i32
        %dma_wait3A_139 = arith.constant 0 : i32
        %dma_wait3A_140 = tpu.memref_slice %arg7[%dma_wait3A_138, %dma_wait3A_139] : memref<10016x128xf32, #tpu.memory_space<vmem_shared>> -> memref<10016x128xf32, #tpu.memory_space<vmem_shared>>
        tpu.wait_indirect_dma semaphore(%arg10 : memref<!tpu.dma_semaphore, #tpu.memory_space<semaphore_mem>>) src(%arg9 : memref<128x128xf32, #tpu.memory_space<vmem>>) dst(%dma_wait3A_140 : memref<10016x128xf32, #tpu.memory_space<vmem_shared>>)
        %dma_wait3A_141 = arith.constant 7 : i32
        %dma_wait3A_142 = arith.constant 0 : i32
        %dma_wait3A_143 = tpu.memref_slice %arg8[%dma_wait3A_141, %dma_wait3A_142] : memref<8x128xi32, #tpu.memory_space<vmem>> -> memref<1x128xi32, #tpu.memory_space<vmem>>
        %dma_wait3A_144 = tpu.memref_squeeze %dma_wait3A_143 : memref<1x128xi32, #tpu.memory_space<vmem>> -> memref<128xi32, #tpu.memory_space<vmem>>
        %dma_wait3A_145 = arith.constant 0 : i32
        %dma_wait3A_146 = arith.constant 0 : i32
        %dma_wait3A_147 = tpu.memref_slice %arg7[%dma_wait3A_145, %dma_wait3A_146] : memref<10016x128xf32, #tpu.memory_space<vmem_shared>> -> memref<10016x128xf32, #tpu.memory_space<vmem_shared>>
        tpu.wait_indirect_dma semaphore(%arg10 : memref<!tpu.dma_semaphore, #tpu.memory_space<semaphore_mem>>) src(%arg9 : memref<128x128xf32, #tpu.memory_space<vmem>>) dst(%dma_wait3A_147 : memref<10016x128xf32, #tpu.memory_space<vmem_shared>>)
        %scan3A_148 = arith.constant 0 : i32
        scf.yield %scan3A_148 : i32
      }
      %scan3A_31 = arith.constant 20 : i32
    } else {
    }
    %eq3A_9 = arith.constant 1 : i32
    %eq3A_10 = arith.cmpi eq, %arg0, %eq3A_9 : i32
    %convert_element_type3A_11 = arith.extui %eq3A_10 : i1 to i32
    %cond3A_12 = arith.constant 0 : i32
    %cond3A_13 = arith.cmpi ne, %convert_element_type3A_11, %cond3A_12 : i32
    scf.if %cond3A_13 {
      %scan3A_25 = arith.constant 0 : i32
      %scan3A_26 = arith.constant 0 : i32
      %scan3A_27 = arith.constant 20 : i32
      %scan3A_28 = arith.addi %scan3A_26, %scan3A_27 : i32
      %scan3A_29 = arith.constant 1 : i32
      %scan3A_30 = scf.for %scan3A_32 = %scan3A_26 to %scan3A_28 step %scan3A_29 iter_args(%scan3A_33 = %scan3A_25) -> (i32)  : i32 {
        %mul3A_34 = arith.constant 16 : i32
        %mul3A_35 = arith.muli %scan3A_32, %mul3A_34 : i32
        %add3A = arith.addi %mul3A_35, %arg1 : i32
        %mul3A_36 = arith.constant 8 : i32
        %mul3A_37 = arith.muli %add3A, %mul3A_36 : i32
        "tpu.region"() ({
          %run_scoped3A = tpu.sem_alloc : memref<!tpu.dma_semaphore, #tpu.memory_space<semaphore_mem>>
          %dma_start3A_149 = arith.constant 0 : i32
          %dma_start3A_150 = tpu.memref_slice %arg3[%mul3A_37, %dma_start3A_149] : memref<2560x128xi32, #tpu.memory_space<hbm>> -> memref<8x128xi32, #tpu.memory_space<hbm>>
          %dma_start3A_151 = arith.constant 0 : i32
          %dma_start3A_152 = tpu.memref_slice %arg3[%mul3A_37, %dma_start3A_151] : memref<2560x128xi32, #tpu.memory_space<hbm>> -> memref<8x128xi32, #tpu.memory_space<hbm>>
          tpu.enqueue_dma source(%dma_start3A_152 : memref<8x128xi32, #tpu.memory_space<hbm>>) target(%arg8 : memref<8x128xi32, #tpu.memory_space<vmem>>) target_semaphore(%run_scoped3A : memref<!tpu.dma_semaphore, #tpu.memory_space<semaphore_mem>>)
          %dma_wait3A_153 = arith.constant 0 : i32
          %dma_wait3A_154 = tpu.memref_slice %arg3[%mul3A_37, %dma_wait3A_153] : memref<2560x128xi32, #tpu.memory_space<hbm>> -> memref<8x128xi32, #tpu.memory_space<hbm>>
          %dma_wait3A_155 = arith.constant 0 : i32
          %dma_wait3A_156 = tpu.memref_slice %arg3[%mul3A_37, %dma_wait3A_155] : memref<2560x128xi32, #tpu.memory_space<hbm>> -> memref<8x128xi32, #tpu.memory_space<hbm>>
          tpu.wait_dma2 semaphore(%run_scoped3A : memref<!tpu.dma_semaphore, #tpu.memory_space<semaphore_mem>>) src(%dma_wait3A_156 : memref<8x128xi32, #tpu.memory_space<hbm>>) dst(%arg8 : memref<8x128xi32, #tpu.memory_space<vmem>>)
          tpu.yield
        }) : () -> ()
        %dma_start3A = arith.constant 0 : i32
        %dma_start3A_38 = arith.constant 0 : i32
        %dma_start3A_39 = tpu.memref_slice %arg8[%dma_start3A, %dma_start3A_38] : memref<8x128xi32, #tpu.memory_space<vmem>> -> memref<1x128xi32, #tpu.memory_space<vmem>>
        %dma_start3A_40 = tpu.memref_squeeze %dma_start3A_39 : memref<1x128xi32, #tpu.memory_space<vmem>> -> memref<128xi32, #tpu.memory_space<vmem>>
        %dma_start3A_41 = arith.constant 0 : i32
        %dma_start3A_42 = arith.constant 0 : i32
        %dma_start3A_43 = tpu.memref_slice %arg7[%dma_start3A_41, %dma_start3A_42] : memref<10016x128xf32, #tpu.memory_space<vmem_shared>> -> memref<10016x128xf32, #tpu.memory_space<vmem_shared>>
        tpu.enqueue_indirect_dma source(%arg9 : memref<128x128xf32, #tpu.memory_space<vmem>>) target(%dma_start3A_43 : memref<10016x128xf32, #tpu.memory_space<vmem_shared>>) offsets(%dma_start3A_40 : memref<128xi32, #tpu.memory_space<vmem>>) semaphore(%arg10 : memref<!tpu.dma_semaphore, #tpu.memory_space<semaphore_mem>>) {add = true}
        %dma_start3A_44 = arith.constant 1 : i32
        %dma_start3A_45 = arith.constant 0 : i32
        %dma_start3A_46 = tpu.memref_slice %arg8[%dma_start3A_44, %dma_start3A_45] : memref<8x128xi32, #tpu.memory_space<vmem>> -> memref<1x128xi32, #tpu.memory_space<vmem>>
        %dma_start3A_47 = tpu.memref_squeeze %dma_start3A_46 : memref<1x128xi32, #tpu.memory_space<vmem>> -> memref<128xi32, #tpu.memory_space<vmem>>
        %dma_start3A_48 = arith.constant 0 : i32
        %dma_start3A_49 = arith.constant 0 : i32
        %dma_start3A_50 = tpu.memref_slice %arg7[%dma_start3A_48, %dma_start3A_49] : memref<10016x128xf32, #tpu.memory_space<vmem_shared>> -> memref<10016x128xf32, #tpu.memory_space<vmem_shared>>
        tpu.enqueue_indirect_dma source(%arg9 : memref<128x128xf32, #tpu.memory_space<vmem>>) target(%dma_start3A_50 : memref<10016x128xf32, #tpu.memory_space<vmem_shared>>) offsets(%dma_start3A_47 : memref<128xi32, #tpu.memory_space<vmem>>) semaphore(%arg10 : memref<!tpu.dma_semaphore, #tpu.memory_space<semaphore_mem>>) {add = true}
        %dma_start3A_51 = arith.constant 2 : i32
        %dma_start3A_52 = arith.constant 0 : i32
        %dma_start3A_53 = tpu.memref_slice %arg8[%dma_start3A_51, %dma_start3A_52] : memref<8x128xi32, #tpu.memory_space<vmem>> -> memref<1x128xi32, #tpu.memory_space<vmem>>
        %dma_start3A_54 = tpu.memref_squeeze %dma_start3A_53 : memref<1x128xi32, #tpu.memory_space<vmem>> -> memref<128xi32, #tpu.memory_space<vmem>>
        %dma_start3A_55 = arith.constant 0 : i32
        %dma_start3A_56 = arith.constant 0 : i32
        %dma_start3A_57 = tpu.memref_slice %arg7[%dma_start3A_55, %dma_start3A_56] : memref<10016x128xf32, #tpu.memory_space<vmem_shared>> -> memref<10016x128xf32, #tpu.memory_space<vmem_shared>>
        tpu.enqueue_indirect_dma source(%arg9 : memref<128x128xf32, #tpu.memory_space<vmem>>) target(%dma_start3A_57 : memref<10016x128xf32, #tpu.memory_space<vmem_shared>>) offsets(%dma_start3A_54 : memref<128xi32, #tpu.memory_space<vmem>>) semaphore(%arg10 : memref<!tpu.dma_semaphore, #tpu.memory_space<semaphore_mem>>) {add = true}
        %dma_start3A_58 = arith.constant 3 : i32
        %dma_start3A_59 = arith.constant 0 : i32
        %dma_start3A_60 = tpu.memref_slice %arg8[%dma_start3A_58, %dma_start3A_59] : memref<8x128xi32, #tpu.memory_space<vmem>> -> memref<1x128xi32, #tpu.memory_space<vmem>>
        %dma_start3A_61 = tpu.memref_squeeze %dma_start3A_60 : memref<1x128xi32, #tpu.memory_space<vmem>> -> memref<128xi32, #tpu.memory_space<vmem>>
        %dma_start3A_62 = arith.constant 0 : i32
        %dma_start3A_63 = arith.constant 0 : i32
        %dma_start3A_64 = tpu.memref_slice %arg7[%dma_start3A_62, %dma_start3A_63] : memref<10016x128xf32, #tpu.memory_space<vmem_shared>> -> memref<10016x128xf32, #tpu.memory_space<vmem_shared>>
        tpu.enqueue_indirect_dma source(%arg9 : memref<128x128xf32, #tpu.memory_space<vmem>>) target(%dma_start3A_64 : memref<10016x128xf32, #tpu.memory_space<vmem_shared>>) offsets(%dma_start3A_61 : memref<128xi32, #tpu.memory_space<vmem>>) semaphore(%arg10 : memref<!tpu.dma_semaphore, #tpu.memory_space<semaphore_mem>>) {add = true}
        %dma_start3A_65 = arith.constant 4 : i32
        %dma_start3A_66 = arith.constant 0 : i32
        %dma_start3A_67 = tpu.memref_slice %arg8[%dma_start3A_65, %dma_start3A_66] : memref<8x128xi32, #tpu.memory_space<vmem>> -> memref<1x128xi32, #tpu.memory_space<vmem>>
        %dma_start3A_68 = tpu.memref_squeeze %dma_start3A_67 : memref<1x128xi32, #tpu.memory_space<vmem>> -> memref<128xi32, #tpu.memory_space<vmem>>
        %dma_start3A_69 = arith.constant 0 : i32
        %dma_start3A_70 = arith.constant 0 : i32
        %dma_start3A_71 = tpu.memref_slice %arg7[%dma_start3A_69, %dma_start3A_70] : memref<10016x128xf32, #tpu.memory_space<vmem_shared>> -> memref<10016x128xf32, #tpu.memory_space<vmem_shared>>
        tpu.enqueue_indirect_dma source(%arg9 : memref<128x128xf32, #tpu.memory_space<vmem>>) target(%dma_start3A_71 : memref<10016x128xf32, #tpu.memory_space<vmem_shared>>) offsets(%dma_start3A_68 : memref<128xi32, #tpu.memory_space<vmem>>) semaphore(%arg10 : memref<!tpu.dma_semaphore, #tpu.memory_space<semaphore_mem>>) {add = true}
        %dma_start3A_72 = arith.constant 5 : i32
        %dma_start3A_73 = arith.constant 0 : i32
        %dma_start3A_74 = tpu.memref_slice %arg8[%dma_start3A_72, %dma_start3A_73] : memref<8x128xi32, #tpu.memory_space<vmem>> -> memref<1x128xi32, #tpu.memory_space<vmem>>
        %dma_start3A_75 = tpu.memref_squeeze %dma_start3A_74 : memref<1x128xi32, #tpu.memory_space<vmem>> -> memref<128xi32, #tpu.memory_space<vmem>>
        %dma_start3A_76 = arith.constant 0 : i32
        %dma_start3A_77 = arith.constant 0 : i32
        %dma_start3A_78 = tpu.memref_slice %arg7[%dma_start3A_76, %dma_start3A_77] : memref<10016x128xf32, #tpu.memory_space<vmem_shared>> -> memref<10016x128xf32, #tpu.memory_space<vmem_shared>>
        tpu.enqueue_indirect_dma source(%arg9 : memref<128x128xf32, #tpu.memory_space<vmem>>) target(%dma_start3A_78 : memref<10016x128xf32, #tpu.memory_space<vmem_shared>>) offsets(%dma_start3A_75 : memref<128xi32, #tpu.memory_space<vmem>>) semaphore(%arg10 : memref<!tpu.dma_semaphore, #tpu.memory_space<semaphore_mem>>) {add = true}
        %dma_start3A_79 = arith.constant 6 : i32
        %dma_start3A_80 = arith.constant 0 : i32
        %dma_start3A_81 = tpu.memref_slice %arg8[%dma_start3A_79, %dma_start3A_80] : memref<8x128xi32, #tpu.memory_space<vmem>> -> memref<1x128xi32, #tpu.memory_space<vmem>>
        %dma_start3A_82 = tpu.memref_squeeze %dma_start3A_81 : memref<1x128xi32, #tpu.memory_space<vmem>> -> memref<128xi32, #tpu.memory_space<vmem>>
        %dma_start3A_83 = arith.constant 0 : i32
        %dma_start3A_84 = arith.constant 0 : i32
        %dma_start3A_85 = tpu.memref_slice %arg7[%dma_start3A_83, %dma_start3A_84] : memref<10016x128xf32, #tpu.memory_space<vmem_shared>> -> memref<10016x128xf32, #tpu.memory_space<vmem_shared>>
        tpu.enqueue_indirect_dma source(%arg9 : memref<128x128xf32, #tpu.memory_space<vmem>>) target(%dma_start3A_85 : memref<10016x128xf32, #tpu.memory_space<vmem_shared>>) offsets(%dma_start3A_82 : memref<128xi32, #tpu.memory_space<vmem>>) semaphore(%arg10 : memref<!tpu.dma_semaphore, #tpu.memory_space<semaphore_mem>>) {add = true}
        %dma_start3A_86 = arith.constant 7 : i32
        %dma_start3A_87 = arith.constant 0 : i32
        %dma_start3A_88 = tpu.memref_slice %arg8[%dma_start3A_86, %dma_start3A_87] : memref<8x128xi32, #tpu.memory_space<vmem>> -> memref<1x128xi32, #tpu.memory_space<vmem>>
        %dma_start3A_89 = tpu.memref_squeeze %dma_start3A_88 : memref<1x128xi32, #tpu.memory_space<vmem>> -> memref<128xi32, #tpu.memory_space<vmem>>
        %dma_start3A_90 = arith.constant 0 : i32
        %dma_start3A_91 = arith.constant 0 : i32
        %dma_start3A_92 = tpu.memref_slice %arg7[%dma_start3A_90, %dma_start3A_91] : memref<10016x128xf32, #tpu.memory_space<vmem_shared>> -> memref<10016x128xf32, #tpu.memory_space<vmem_shared>>
        tpu.enqueue_indirect_dma source(%arg9 : memref<128x128xf32, #tpu.memory_space<vmem>>) target(%dma_start3A_92 : memref<10016x128xf32, #tpu.memory_space<vmem_shared>>) offsets(%dma_start3A_89 : memref<128xi32, #tpu.memory_space<vmem>>) semaphore(%arg10 : memref<!tpu.dma_semaphore, #tpu.memory_space<semaphore_mem>>) {add = true}
        %dma_wait3A = arith.constant 0 : i32
        %dma_wait3A_93 = arith.constant 0 : i32
        %dma_wait3A_94 = tpu.memref_slice %arg8[%dma_wait3A, %dma_wait3A_93] : memref<8x128xi32, #tpu.memory_space<vmem>> -> memref<1x128xi32, #tpu.memory_space<vmem>>
        %dma_wait3A_95 = tpu.memref_squeeze %dma_wait3A_94 : memref<1x128xi32, #tpu.memory_space<vmem>> -> memref<128xi32, #tpu.memory_space<vmem>>
        %dma_wait3A_96 = arith.constant 0 : i32
        %dma_wait3A_97 = arith.constant 0 : i32
        %dma_wait3A_98 = tpu.memref_slice %arg7[%dma_wait3A_96, %dma_wait3A_97] : memref<10016x128xf32, #tpu.memory_space<vmem_shared>> -> memref<10016x128xf32, #tpu.memory_space<vmem_shared>>
        tpu.wait_indirect_dma semaphore(%arg10 : memref<!tpu.dma_semaphore, #tpu.memory_space<semaphore_mem>>) src(%arg9 : memref<128x128xf32, #tpu.memory_space<vmem>>) dst(%dma_wait3A_98 : memref<10016x128xf32, #tpu.memory_space<vmem_shared>>)
        %dma_wait3A_99 = arith.constant 1 : i32
        %dma_wait3A_100 = arith.constant 0 : i32
        %dma_wait3A_101 = tpu.memref_slice %arg8[%dma_wait3A_99, %dma_wait3A_100] : memref<8x128xi32, #tpu.memory_space<vmem>> -> memref<1x128xi32, #tpu.memory_space<vmem>>
        %dma_wait3A_102 = tpu.memref_squeeze %dma_wait3A_101 : memref<1x128xi32, #tpu.memory_space<vmem>> -> memref<128xi32, #tpu.memory_space<vmem>>
        %dma_wait3A_103 = arith.constant 0 : i32
        %dma_wait3A_104 = arith.constant 0 : i32
        %dma_wait3A_105 = tpu.memref_slice %arg7[%dma_wait3A_103, %dma_wait3A_104] : memref<10016x128xf32, #tpu.memory_space<vmem_shared>> -> memref<10016x128xf32, #tpu.memory_space<vmem_shared>>
        tpu.wait_indirect_dma semaphore(%arg10 : memref<!tpu.dma_semaphore, #tpu.memory_space<semaphore_mem>>) src(%arg9 : memref<128x128xf32, #tpu.memory_space<vmem>>) dst(%dma_wait3A_105 : memref<10016x128xf32, #tpu.memory_space<vmem_shared>>)
        %dma_wait3A_106 = arith.constant 2 : i32
        %dma_wait3A_107 = arith.constant 0 : i32
        %dma_wait3A_108 = tpu.memref_slice %arg8[%dma_wait3A_106, %dma_wait3A_107] : memref<8x128xi32, #tpu.memory_space<vmem>> -> memref<1x128xi32, #tpu.memory_space<vmem>>
        %dma_wait3A_109 = tpu.memref_squeeze %dma_wait3A_108 : memref<1x128xi32, #tpu.memory_space<vmem>> -> memref<128xi32, #tpu.memory_space<vmem>>
        %dma_wait3A_110 = arith.constant 0 : i32
        %dma_wait3A_111 = arith.constant 0 : i32
        %dma_wait3A_112 = tpu.memref_slice %arg7[%dma_wait3A_110, %dma_wait3A_111] : memref<10016x128xf32, #tpu.memory_space<vmem_shared>> -> memref<10016x128xf32, #tpu.memory_space<vmem_shared>>
        tpu.wait_indirect_dma semaphore(%arg10 : memref<!tpu.dma_semaphore, #tpu.memory_space<semaphore_mem>>) src(%arg9 : memref<128x128xf32, #tpu.memory_space<vmem>>) dst(%dma_wait3A_112 : memref<10016x128xf32, #tpu.memory_space<vmem_shared>>)
        %dma_wait3A_113 = arith.constant 3 : i32
        %dma_wait3A_114 = arith.constant 0 : i32
        %dma_wait3A_115 = tpu.memref_slice %arg8[%dma_wait3A_113, %dma_wait3A_114] : memref<8x128xi32, #tpu.memory_space<vmem>> -> memref<1x128xi32, #tpu.memory_space<vmem>>
        %dma_wait3A_116 = tpu.memref_squeeze %dma_wait3A_115 : memref<1x128xi32, #tpu.memory_space<vmem>> -> memref<128xi32, #tpu.memory_space<vmem>>
        %dma_wait3A_117 = arith.constant 0 : i32
        %dma_wait3A_118 = arith.constant 0 : i32
        %dma_wait3A_119 = tpu.memref_slice %arg7[%dma_wait3A_117, %dma_wait3A_118] : memref<10016x128xf32, #tpu.memory_space<vmem_shared>> -> memref<10016x128xf32, #tpu.memory_space<vmem_shared>>
        tpu.wait_indirect_dma semaphore(%arg10 : memref<!tpu.dma_semaphore, #tpu.memory_space<semaphore_mem>>) src(%arg9 : memref<128x128xf32, #tpu.memory_space<vmem>>) dst(%dma_wait3A_119 : memref<10016x128xf32, #tpu.memory_space<vmem_shared>>)
        %dma_wait3A_120 = arith.constant 4 : i32
        %dma_wait3A_121 = arith.constant 0 : i32
        %dma_wait3A_122 = tpu.memref_slice %arg8[%dma_wait3A_120, %dma_wait3A_121] : memref<8x128xi32, #tpu.memory_space<vmem>> -> memref<1x128xi32, #tpu.memory_space<vmem>>
        %dma_wait3A_123 = tpu.memref_squeeze %dma_wait3A_122 : memref<1x128xi32, #tpu.memory_space<vmem>> -> memref<128xi32, #tpu.memory_space<vmem>>
        %dma_wait3A_124 = arith.constant 0 : i32
        %dma_wait3A_125 = arith.constant 0 : i32
        %dma_wait3A_126 = tpu.memref_slice %arg7[%dma_wait3A_124, %dma_wait3A_125] : memref<10016x128xf32, #tpu.memory_space<vmem_shared>> -> memref<10016x128xf32, #tpu.memory_space<vmem_shared>>
        tpu.wait_indirect_dma semaphore(%arg10 : memref<!tpu.dma_semaphore, #tpu.memory_space<semaphore_mem>>) src(%arg9 : memref<128x128xf32, #tpu.memory_space<vmem>>) dst(%dma_wait3A_126 : memref<10016x128xf32, #tpu.memory_space<vmem_shared>>)
        %dma_wait3A_127 = arith.constant 5 : i32
        %dma_wait3A_128 = arith.constant 0 : i32
        %dma_wait3A_129 = tpu.memref_slice %arg8[%dma_wait3A_127, %dma_wait3A_128] : memref<8x128xi32, #tpu.memory_space<vmem>> -> memref<1x128xi32, #tpu.memory_space<vmem>>
        %dma_wait3A_130 = tpu.memref_squeeze %dma_wait3A_129 : memref<1x128xi32, #tpu.memory_space<vmem>> -> memref<128xi32, #tpu.memory_space<vmem>>
        %dma_wait3A_131 = arith.constant 0 : i32
        %dma_wait3A_132 = arith.constant 0 : i32
        %dma_wait3A_133 = tpu.memref_slice %arg7[%dma_wait3A_131, %dma_wait3A_132] : memref<10016x128xf32, #tpu.memory_space<vmem_shared>> -> memref<10016x128xf32, #tpu.memory_space<vmem_shared>>
        tpu.wait_indirect_dma semaphore(%arg10 : memref<!tpu.dma_semaphore, #tpu.memory_space<semaphore_mem>>) src(%arg9 : memref<128x128xf32, #tpu.memory_space<vmem>>) dst(%dma_wait3A_133 : memref<10016x128xf32, #tpu.memory_space<vmem_shared>>)
        %dma_wait3A_134 = arith.constant 6 : i32
        %dma_wait3A_135 = arith.constant 0 : i32
        %dma_wait3A_136 = tpu.memref_slice %arg8[%dma_wait3A_134, %dma_wait3A_135] : memref<8x128xi32, #tpu.memory_space<vmem>> -> memref<1x128xi32, #tpu.memory_space<vmem>>
        %dma_wait3A_137 = tpu.memref_squeeze %dma_wait3A_136 : memref<1x128xi32, #tpu.memory_space<vmem>> -> memref<128xi32, #tpu.memory_space<vmem>>
        %dma_wait3A_138 = arith.constant 0 : i32
        %dma_wait3A_139 = arith.constant 0 : i32
        %dma_wait3A_140 = tpu.memref_slice %arg7[%dma_wait3A_138, %dma_wait3A_139] : memref<10016x128xf32, #tpu.memory_space<vmem_shared>> -> memref<10016x128xf32, #tpu.memory_space<vmem_shared>>
        tpu.wait_indirect_dma semaphore(%arg10 : memref<!tpu.dma_semaphore, #tpu.memory_space<semaphore_mem>>) src(%arg9 : memref<128x128xf32, #tpu.memory_space<vmem>>) dst(%dma_wait3A_140 : memref<10016x128xf32, #tpu.memory_space<vmem_shared>>)
        %dma_wait3A_141 = arith.constant 7 : i32
        %dma_wait3A_142 = arith.constant 0 : i32
        %dma_wait3A_143 = tpu.memref_slice %arg8[%dma_wait3A_141, %dma_wait3A_142] : memref<8x128xi32, #tpu.memory_space<vmem>> -> memref<1x128xi32, #tpu.memory_space<vmem>>
        %dma_wait3A_144 = tpu.memref_squeeze %dma_wait3A_143 : memref<1x128xi32, #tpu.memory_space<vmem>> -> memref<128xi32, #tpu.memory_space<vmem>>
        %dma_wait3A_145 = arith.constant 0 : i32
        %dma_wait3A_146 = arith.constant 0 : i32
        %dma_wait3A_147 = tpu.memref_slice %arg7[%dma_wait3A_145, %dma_wait3A_146] : memref<10016x128xf32, #tpu.memory_space<vmem_shared>> -> memref<10016x128xf32, #tpu.memory_space<vmem_shared>>
        tpu.wait_indirect_dma semaphore(%arg10 : memref<!tpu.dma_semaphore, #tpu.memory_space<semaphore_mem>>) src(%arg9 : memref<128x128xf32, #tpu.memory_space<vmem>>) dst(%dma_wait3A_147 : memref<10016x128xf32, #tpu.memory_space<vmem_shared>>)
        %scan3A_148 = arith.constant 0 : i32
        scf.yield %scan3A_148 : i32
      }
      %scan3A_31 = arith.constant 20 : i32
    } else {
    }
    %barrier3A_14 = arith.constant 0 : index
    tpu.barrier barrier_id(%barrier3A_14)
    %eq3A_15 = arith.constant 0 : i32
    %eq3A_16 = arith.cmpi eq, %arg0, %eq3A_15 : i32
    %convert_element_type3A_17 = arith.extui %eq3A_16 : i1 to i32
    %cond3A_18 = arith.constant 0 : i32
    %cond3A_19 = arith.cmpi ne, %convert_element_type3A_17, %cond3A_18 : i32
    scf.if %cond3A_19 {
      %mul3A_25 = arith.constant 625 : i32
      %mul3A_26 = arith.muli %arg1, %mul3A_25 : i32
      %mul3A_27 = arith.constant 625 : i32
      %mul3A_28 = arith.muli %arg1, %mul3A_27 : i32
      "tpu.region"() ({
        %run_scoped3A = tpu.sem_alloc : memref<!tpu.dma_semaphore, #tpu.memory_space<semaphore_mem>>
        %dma_start3A = arith.constant 0 : i32
        %dma_start3A_29 = tpu.memref_slice %arg5[%mul3A_28, %dma_start3A] : memref<10000x128xf32, #tpu.memory_space<hbm>> -> memref<625x128xf32, #tpu.memory_space<hbm>>
        %dma_start3A_30 = arith.constant 0 : i32
        %dma_start3A_31 = tpu.memref_slice %arg7[%mul3A_26, %dma_start3A_30] : memref<10016x128xf32, #tpu.memory_space<vmem_shared>> -> memref<625x128xf32, #tpu.memory_space<vmem_shared>>
        tpu.enqueue_dma source(%dma_start3A_31 : memref<625x128xf32, #tpu.memory_space<vmem_shared>>) target(%dma_start3A_29 : memref<625x128xf32, #tpu.memory_space<hbm>>) target_semaphore(%run_scoped3A : memref<!tpu.dma_semaphore, #tpu.memory_space<semaphore_mem>>)
        %dma_wait3A = arith.constant 0 : i32
        %dma_wait3A_32 = tpu.memref_slice %arg5[%mul3A_28, %dma_wait3A] : memref<10000x128xf32, #tpu.memory_space<hbm>> -> memref<625x128xf32, #tpu.memory_space<hbm>>
        %dma_wait3A_33 = arith.constant 0 : i32
        %dma_wait3A_34 = tpu.memref_slice %arg7[%mul3A_26, %dma_wait3A_33] : memref<10016x128xf32, #tpu.memory_space<vmem_shared>> -> memref<625x128xf32, #tpu.memory_space<vmem_shared>>
        tpu.wait_dma2 semaphore(%run_scoped3A : memref<!tpu.dma_semaphore, #tpu.memory_space<semaphore_mem>>) src(%dma_wait3A_34 : memref<625x128xf32, #tpu.memory_space<vmem_shared>>) dst(%dma_wait3A_32 : memref<625x128xf32, #tpu.memory_space<hbm>>)
        tpu.yield
      }) : () -> ()
    } else {
    }
    %eq3A_20 = arith.constant 1 : i32
    %eq3A_21 = arith.cmpi eq, %arg0, %eq3A_20 : i32
    %convert_element_type3A_22 = arith.extui %eq3A_21 : i1 to i32
    %cond3A_23 = arith.constant 0 : i32
    %cond3A_24 = arith.cmpi ne, %convert_element_type3A_22, %cond3A_23 : i32
    scf.if %cond3A_24 {
      %mul3A_25 = arith.constant 625 : i32
      %mul3A_26 = arith.muli %arg1, %mul3A_25 : i32
      %mul3A_27 = arith.constant 625 : i32
      %mul3A_28 = arith.muli %arg1, %mul3A_27 : i32
      "tpu.region"() ({
        %run_scoped3A = tpu.sem_alloc : memref<!tpu.dma_semaphore, #tpu.memory_space<semaphore_mem>>
        %dma_start3A = arith.constant 0 : i32
        %dma_start3A_29 = tpu.memref_slice %arg6[%mul3A_28, %dma_start3A] : memref<10000x128xf32, #tpu.memory_space<hbm>> -> memref<625x128xf32, #tpu.memory_space<hbm>>
        %dma_start3A_30 = arith.constant 0 : i32
        %dma_start3A_31 = tpu.memref_slice %arg7[%mul3A_26, %dma_start3A_30] : memref<10016x128xf32, #tpu.memory_space<vmem_shared>> -> memref<625x128xf32, #tpu.memory_space<vmem_shared>>
        tpu.enqueue_dma source(%dma_start3A_31 : memref<625x128xf32, #tpu.memory_space<vmem_shared>>) target(%dma_start3A_29 : memref<625x128xf32, #tpu.memory_space<hbm>>) target_semaphore(%run_scoped3A : memref<!tpu.dma_semaphore, #tpu.memory_space<semaphore_mem>>)
        %dma_wait3A = arith.constant 0 : i32
        %dma_wait3A_32 = tpu.memref_slice %arg6[%mul3A_28, %dma_wait3A] : memref<10000x128xf32, #tpu.memory_space<hbm>> -> memref<625x128xf32, #tpu.memory_space<hbm>>
        %dma_wait3A_33 = arith.constant 0 : i32
        %dma_wait3A_34 = tpu.memref_slice %arg7[%mul3A_26, %dma_wait3A_33] : memref<10016x128xf32, #tpu.memory_space<vmem_shared>> -> memref<625x128xf32, #tpu.memory_space<vmem_shared>>
        tpu.wait_dma2 semaphore(%run_scoped3A : memref<!tpu.dma_semaphore, #tpu.memory_space<semaphore_mem>>) src(%dma_wait3A_34 : memref<625x128xf32, #tpu.memory_space<vmem_shared>>) dst(%dma_wait3A_32 : memref<625x128xf32, #tpu.memory_space<hbm>>)
        tpu.yield
      }) : () -> ()
    } else {
    }
    return
  }
}

#map = affine_map<(d0, d1) -> (0, 0)>
module attributes {stable_mosaic.version = 14 : i64} {
  func.func @body(%arg0: i32, %arg1: i32, %arg2: memref<10000x128xf32, #tpu.memory_space<hbm>>, %arg3: memref<2560x128xi32, #tpu.memory_space<hbm>>, %arg4: memref<2560x128xi32, #tpu.memory_space<hbm>>, %arg5: memref<320000x128xf32, #tpu.memory_space<hbm>>, %arg6: memref<320000x128xf32, #tpu.memory_space<hbm>>, %arg7: memref<2x128xi32, #tpu.memory_space<vmem>>, %arg8: memref<2x128xi32, #tpu.memory_space<vmem>>, %arg9: memref<256x128xf32, #tpu.memory_space<vmem>>, %arg10: memref<256x128xf32, #tpu.memory_space<vmem>>, %arg11: memref<!tpu.dma_semaphore, #tpu.memory_space<semaphore_mem>>, %arg12: memref<!tpu.dma_semaphore, #tpu.memory_space<semaphore_mem>>) attributes {dimension_semantics = [#tpu.dimension_semantics<core_parallel>, #tpu.dimension_semantics<subcore_parallel>], iteration_bounds = array<i64: 2, 16>, scalar_prefetch = 0 : i64, scratch_operands = 6 : i64, tpu.core_type = #tpu.core_type<sc_vector_subcore>, window_params = [{transform_indices = #map}, {transform_indices = #map}, {transform_indices = #map}, {transform_indices = #map}, {transform_indices = #map}]} {
    %eq3A = arith.constant 0 : i32
    %eq3A_0 = arith.cmpi eq, %arg0, %eq3A : i32
    %convert_element_type3A = arith.extui %eq3A_0 : i1 to i32
    %cond3A = arith.constant 0 : i32
    %cond3A_1 = arith.cmpi ne, %convert_element_type3A, %cond3A : i32
    scf.if %cond3A_1 {
      %add3A = arith.constant 0 : i32
      %add3A_7 = arith.addi %add3A, %arg1 : i32
      %mul3A = arith.constant 2 : i32
      %mul3A_8 = arith.muli %add3A_7, %mul3A : i32
      "tpu.region"() ({
        %run_scoped3A = tpu.sem_alloc : memref<!tpu.dma_semaphore, #tpu.memory_space<semaphore_mem>>
        %dma_start3A_34 = arith.constant 0 : i32
        %dma_start3A_35 = tpu.memref_slice %arg3[%mul3A_8, %dma_start3A_34] : memref<2560x128xi32, #tpu.memory_space<hbm>> -> memref<2x128xi32, #tpu.memory_space<hbm>>
        %dma_start3A_36 = arith.constant 0 : i32
        %dma_start3A_37 = tpu.memref_slice %arg3[%mul3A_8, %dma_start3A_36] : memref<2560x128xi32, #tpu.memory_space<hbm>> -> memref<2x128xi32, #tpu.memory_space<hbm>>
        tpu.enqueue_dma source(%dma_start3A_37 : memref<2x128xi32, #tpu.memory_space<hbm>>) target(%arg7 : memref<2x128xi32, #tpu.memory_space<vmem>>) target_semaphore(%run_scoped3A : memref<!tpu.dma_semaphore, #tpu.memory_space<semaphore_mem>>)
        %dma_wait3A = arith.constant 0 : i32
        %dma_wait3A_38 = tpu.memref_slice %arg3[%mul3A_8, %dma_wait3A] : memref<2560x128xi32, #tpu.memory_space<hbm>> -> memref<2x128xi32, #tpu.memory_space<hbm>>
        %dma_wait3A_39 = arith.constant 0 : i32
        %dma_wait3A_40 = tpu.memref_slice %arg3[%mul3A_8, %dma_wait3A_39] : memref<2560x128xi32, #tpu.memory_space<hbm>> -> memref<2x128xi32, #tpu.memory_space<hbm>>
        tpu.wait_dma2 semaphore(%run_scoped3A : memref<!tpu.dma_semaphore, #tpu.memory_space<semaphore_mem>>) src(%dma_wait3A_40 : memref<2x128xi32, #tpu.memory_space<hbm>>) dst(%arg7 : memref<2x128xi32, #tpu.memory_space<vmem>>)
        tpu.yield
      }) : () -> ()
      %dma_start3A = arith.constant 0 : i32
      %dma_start3A_9 = arith.constant 0 : i32
      %dma_start3A_10 = arith.constant 0 : i32
      %dma_start3A_11 = tpu.memref_slice %arg9[%dma_start3A_9, %dma_start3A_10] : memref<256x128xf32, #tpu.memory_space<vmem>> -> memref<128x128xf32, #tpu.memory_space<vmem>>
      %dma_start3A_12 = arith.constant 0 : i32
      %dma_start3A_13 = tpu.memref_slice %arg7[%dma_start3A, %dma_start3A_12] : memref<2x128xi32, #tpu.memory_space<vmem>> -> memref<1x128xi32, #tpu.memory_space<vmem>>
      %dma_start3A_14 = tpu.memref_squeeze %dma_start3A_13 : memref<1x128xi32, #tpu.memory_space<vmem>> -> memref<128xi32, #tpu.memory_space<vmem>>
      %dma_start3A_15 = arith.constant 0 : i32
      %dma_start3A_16 = arith.constant 0 : i32
      %dma_start3A_17 = tpu.memref_slice %arg2[%dma_start3A_15, %dma_start3A_16] : memref<10000x128xf32, #tpu.memory_space<hbm>> -> memref<10000x128xf32, #tpu.memory_space<hbm>>
      tpu.enqueue_indirect_dma source(%dma_start3A_17 : memref<10000x128xf32, #tpu.memory_space<hbm>>) target(%dma_start3A_11 : memref<128x128xf32, #tpu.memory_space<vmem>>) offsets(%dma_start3A_14 : memref<128xi32, #tpu.memory_space<vmem>>) semaphore(%arg11 : memref<!tpu.dma_semaphore, #tpu.memory_space<semaphore_mem>>)
      %dma_start3A_18 = arith.constant 1 : i32
      %dma_start3A_19 = arith.constant 128 : i32
      %dma_start3A_20 = arith.constant 0 : i32
      %dma_start3A_21 = tpu.memref_slice %arg9[%dma_start3A_19, %dma_start3A_20] : memref<256x128xf32, #tpu.memory_space<vmem>> -> memref<128x128xf32, #tpu.memory_space<vmem>>
      %dma_start3A_22 = arith.constant 0 : i32
      %dma_start3A_23 = tpu.memref_slice %arg7[%dma_start3A_18, %dma_start3A_22] : memref<2x128xi32, #tpu.memory_space<vmem>> -> memref<1x128xi32, #tpu.memory_space<vmem>>
      %dma_start3A_24 = tpu.memref_squeeze %dma_start3A_23 : memref<1x128xi32, #tpu.memory_space<vmem>> -> memref<128xi32, #tpu.memory_space<vmem>>
      %dma_start3A_25 = arith.constant 0 : i32
      %dma_start3A_26 = arith.constant 0 : i32
      %dma_start3A_27 = tpu.memref_slice %arg2[%dma_start3A_25, %dma_start3A_26] : memref<10000x128xf32, #tpu.memory_space<hbm>> -> memref<10000x128xf32, #tpu.memory_space<hbm>>
      tpu.enqueue_indirect_dma source(%dma_start3A_27 : memref<10000x128xf32, #tpu.memory_space<hbm>>) target(%dma_start3A_21 : memref<128x128xf32, #tpu.memory_space<vmem>>) offsets(%dma_start3A_24 : memref<128xi32, #tpu.memory_space<vmem>>) semaphore(%arg11 : memref<!tpu.dma_semaphore, #tpu.memory_space<semaphore_mem>>)
      %scan3A = arith.constant 0 : i32
      %scan3A_28 = arith.constant 0 : i32
      %scan3A_29 = arith.constant 40 : i32
      %scan3A_30 = arith.addi %scan3A_28, %scan3A_29 : i32
      %scan3A_31 = arith.constant 1 : i32
      %scan3A_32 = scf.for %scan3A_34 = %scan3A_28 to %scan3A_30 step %scan3A_31 iter_args(%scan3A_35 = %scan3A) -> (i32)  : i32 {
        %mul3A_36 = arith.constant 2 : i32
        %mul3A_37 = arith.muli %scan3A_34, %mul3A_36 : i32
        %add3A_38 = arith.constant 1 : i32
        %add3A_39 = arith.addi %mul3A_37, %add3A_38 : i32
        %mul3A_40 = arith.constant 16 : i32
        %mul3A_41 = arith.muli %add3A_39, %mul3A_40 : i32
        %add3A_42 = arith.addi %mul3A_41, %arg1 : i32
        %mul3A_43 = arith.constant 2 : i32
        %mul3A_44 = arith.muli %add3A_42, %mul3A_43 : i32
        "tpu.region"() ({
          %run_scoped3A = tpu.sem_alloc : memref<!tpu.dma_semaphore, #tpu.memory_space<semaphore_mem>>
          %dma_start3A_129 = arith.constant 0 : i32
          %dma_start3A_130 = tpu.memref_slice %arg3[%mul3A_44, %dma_start3A_129] : memref<2560x128xi32, #tpu.memory_space<hbm>> -> memref<2x128xi32, #tpu.memory_space<hbm>>
          %dma_start3A_131 = arith.constant 0 : i32
          %dma_start3A_132 = tpu.memref_slice %arg3[%mul3A_44, %dma_start3A_131] : memref<2560x128xi32, #tpu.memory_space<hbm>> -> memref<2x128xi32, #tpu.memory_space<hbm>>
          tpu.enqueue_dma source(%dma_start3A_132 : memref<2x128xi32, #tpu.memory_space<hbm>>) target(%arg8 : memref<2x128xi32, #tpu.memory_space<vmem>>) target_semaphore(%run_scoped3A : memref<!tpu.dma_semaphore, #tpu.memory_space<semaphore_mem>>)
          %dma_wait3A_133 = arith.constant 0 : i32
          %dma_wait3A_134 = tpu.memref_slice %arg3[%mul3A_44, %dma_wait3A_133] : memref<2560x128xi32, #tpu.memory_space<hbm>> -> memref<2x128xi32, #tpu.memory_space<hbm>>
          %dma_wait3A_135 = arith.constant 0 : i32
          %dma_wait3A_136 = tpu.memref_slice %arg3[%mul3A_44, %dma_wait3A_135] : memref<2560x128xi32, #tpu.memory_space<hbm>> -> memref<2x128xi32, #tpu.memory_space<hbm>>
          tpu.wait_dma2 semaphore(%run_scoped3A : memref<!tpu.dma_semaphore, #tpu.memory_space<semaphore_mem>>) src(%dma_wait3A_136 : memref<2x128xi32, #tpu.memory_space<hbm>>) dst(%arg8 : memref<2x128xi32, #tpu.memory_space<vmem>>)
          tpu.yield
        }) : () -> ()
        %dma_start3A_45 = arith.constant 0 : i32
        %dma_start3A_46 = arith.constant 0 : i32
        %dma_start3A_47 = arith.constant 0 : i32
        %dma_start3A_48 = tpu.memref_slice %arg10[%dma_start3A_46, %dma_start3A_47] : memref<256x128xf32, #tpu.memory_space<vmem>> -> memref<128x128xf32, #tpu.memory_space<vmem>>
        %dma_start3A_49 = arith.constant 0 : i32
        %dma_start3A_50 = tpu.memref_slice %arg8[%dma_start3A_45, %dma_start3A_49] : memref<2x128xi32, #tpu.memory_space<vmem>> -> memref<1x128xi32, #tpu.memory_space<vmem>>
        %dma_start3A_51 = tpu.memref_squeeze %dma_start3A_50 : memref<1x128xi32, #tpu.memory_space<vmem>> -> memref<128xi32, #tpu.memory_space<vmem>>
        %dma_start3A_52 = arith.constant 0 : i32
        %dma_start3A_53 = arith.constant 0 : i32
        %dma_start3A_54 = tpu.memref_slice %arg2[%dma_start3A_52, %dma_start3A_53] : memref<10000x128xf32, #tpu.memory_space<hbm>> -> memref<10000x128xf32, #tpu.memory_space<hbm>>
        tpu.enqueue_indirect_dma source(%dma_start3A_54 : memref<10000x128xf32, #tpu.memory_space<hbm>>) target(%dma_start3A_48 : memref<128x128xf32, #tpu.memory_space<vmem>>) offsets(%dma_start3A_51 : memref<128xi32, #tpu.memory_space<vmem>>) semaphore(%arg12 : memref<!tpu.dma_semaphore, #tpu.memory_space<semaphore_mem>>)
        %dma_start3A_55 = arith.constant 1 : i32
        %dma_start3A_56 = arith.constant 128 : i32
        %dma_start3A_57 = arith.constant 0 : i32
        %dma_start3A_58 = tpu.memref_slice %arg10[%dma_start3A_56, %dma_start3A_57] : memref<256x128xf32, #tpu.memory_space<vmem>> -> memref<128x128xf32, #tpu.memory_space<vmem>>
        %dma_start3A_59 = arith.constant 0 : i32
        %dma_start3A_60 = tpu.memref_slice %arg8[%dma_start3A_55, %dma_start3A_59] : memref<2x128xi32, #tpu.memory_space<vmem>> -> memref<1x128xi32, #tpu.memory_space<vmem>>
        %dma_start3A_61 = tpu.memref_squeeze %dma_start3A_60 : memref<1x128xi32, #tpu.memory_space<vmem>> -> memref<128xi32, #tpu.memory_space<vmem>>
        %dma_start3A_62 = arith.constant 0 : i32
        %dma_start3A_63 = arith.constant 0 : i32
        %dma_start3A_64 = tpu.memref_slice %arg2[%dma_start3A_62, %dma_start3A_63] : memref<10000x128xf32, #tpu.memory_space<hbm>> -> memref<10000x128xf32, #tpu.memory_space<hbm>>
        tpu.enqueue_indirect_dma source(%dma_start3A_64 : memref<10000x128xf32, #tpu.memory_space<hbm>>) target(%dma_start3A_58 : memref<128x128xf32, #tpu.memory_space<vmem>>) offsets(%dma_start3A_61 : memref<128xi32, #tpu.memory_space<vmem>>) semaphore(%arg12 : memref<!tpu.dma_semaphore, #tpu.memory_space<semaphore_mem>>)
        %mul3A_65 = arith.constant 16 : i32
        %mul3A_66 = arith.muli %mul3A_37, %mul3A_65 : i32
        %add3A_67 = arith.addi %mul3A_66, %arg1 : i32
        %dma_wait3A = arith.constant 0 : i32
        %dma_wait3A_68 = arith.constant 0 : i32
        %dma_wait3A_69 = arith.constant 0 : i32
        %dma_wait3A_70 = tpu.memref_slice %arg9[%dma_wait3A_68, %dma_wait3A_69] : memref<256x128xf32, #tpu.memory_space<vmem>> -> memref<128x128xf32, #tpu.memory_space<vmem>>
        %dma_wait3A_71 = arith.constant 0 : i32
        %dma_wait3A_72 = tpu.memref_slice %arg7[%dma_wait3A, %dma_wait3A_71] : memref<2x128xi32, #tpu.memory_space<vmem>> -> memref<1x128xi32, #tpu.memory_space<vmem>>
        %dma_wait3A_73 = tpu.memref_squeeze %dma_wait3A_72 : memref<1x128xi32, #tpu.memory_space<vmem>> -> memref<128xi32, #tpu.memory_space<vmem>>
        %dma_wait3A_74 = arith.constant 0 : i32
        %dma_wait3A_75 = arith.constant 0 : i32
        %dma_wait3A_76 = tpu.memref_slice %arg2[%dma_wait3A_74, %dma_wait3A_75] : memref<10000x128xf32, #tpu.memory_space<hbm>> -> memref<10000x128xf32, #tpu.memory_space<hbm>>
        tpu.wait_indirect_dma semaphore(%arg11 : memref<!tpu.dma_semaphore, #tpu.memory_space<semaphore_mem>>) src(%dma_wait3A_76 : memref<10000x128xf32, #tpu.memory_space<hbm>>) dst(%dma_wait3A_70 : memref<128x128xf32, #tpu.memory_space<vmem>>)
        %dma_wait3A_77 = arith.constant 1 : i32
        %dma_wait3A_78 = arith.constant 128 : i32
        %dma_wait3A_79 = arith.constant 0 : i32
        %dma_wait3A_80 = tpu.memref_slice %arg9[%dma_wait3A_78, %dma_wait3A_79] : memref<256x128xf32, #tpu.memory_space<vmem>> -> memref<128x128xf32, #tpu.memory_space<vmem>>
        %dma_wait3A_81 = arith.constant 0 : i32
        %dma_wait3A_82 = tpu.memref_slice %arg7[%dma_wait3A_77, %dma_wait3A_81] : memref<2x128xi32, #tpu.memory_space<vmem>> -> memref<1x128xi32, #tpu.memory_space<vmem>>
        %dma_wait3A_83 = tpu.memref_squeeze %dma_wait3A_82 : memref<1x128xi32, #tpu.memory_space<vmem>> -> memref<128xi32, #tpu.memory_space<vmem>>
        %dma_wait3A_84 = arith.constant 0 : i32
        %dma_wait3A_85 = arith.constant 0 : i32
        %dma_wait3A_86 = tpu.memref_slice %arg2[%dma_wait3A_84, %dma_wait3A_85] : memref<10000x128xf32, #tpu.memory_space<hbm>> -> memref<10000x128xf32, #tpu.memory_space<hbm>>
        tpu.wait_indirect_dma semaphore(%arg11 : memref<!tpu.dma_semaphore, #tpu.memory_space<semaphore_mem>>) src(%dma_wait3A_86 : memref<10000x128xf32, #tpu.memory_space<hbm>>) dst(%dma_wait3A_80 : memref<128x128xf32, #tpu.memory_space<vmem>>)
        %lt3A = arith.constant 1250 : i32
        %lt3A_87 = arith.cmpi slt, %add3A_67, %lt3A : i32
        %convert_element_type3A_88 = arith.extui %lt3A_87 : i1 to i32
        %cond3A_89 = arith.constant 0 : i32
        %cond3A_90 = arith.cmpi ne, %convert_element_type3A_88, %cond3A_89 : i32
        scf.if %cond3A_90 {
          %mul3A_129 = arith.constant 256 : i32
          %mul3A_130 = arith.muli %add3A_67, %mul3A_129 : i32
          "tpu.region"() ({
            %run_scoped3A = tpu.sem_alloc : memref<!tpu.dma_semaphore, #tpu.memory_space<semaphore_mem>>
            %dma_start3A_131 = arith.constant 0 : i32
            %dma_start3A_132 = tpu.memref_slice %arg5[%mul3A_130, %dma_start3A_131] : memref<320000x128xf32, #tpu.memory_space<hbm>> -> memref<256x128xf32, #tpu.memory_space<hbm>>
            %dma_start3A_133 = arith.constant 0 : i32
            %dma_start3A_134 = tpu.memref_slice %arg5[%mul3A_130, %dma_start3A_133] : memref<320000x128xf32, #tpu.memory_space<hbm>> -> memref<256x128xf32, #tpu.memory_space<hbm>>
            tpu.enqueue_dma source(%arg9 : memref<256x128xf32, #tpu.memory_space<vmem>>) target(%dma_start3A_134 : memref<256x128xf32, #tpu.memory_space<hbm>>) target_semaphore(%run_scoped3A : memref<!tpu.dma_semaphore, #tpu.memory_space<semaphore_mem>>)
            %dma_wait3A_135 = arith.constant 0 : i32
            %dma_wait3A_136 = tpu.memref_slice %arg5[%mul3A_130, %dma_wait3A_135] : memref<320000x128xf32, #tpu.memory_space<hbm>> -> memref<256x128xf32, #tpu.memory_space<hbm>>
            %dma_wait3A_137 = arith.constant 0 : i32
            %dma_wait3A_138 = tpu.memref_slice %arg5[%mul3A_130, %dma_wait3A_137] : memref<320000x128xf32, #tpu.memory_space<hbm>> -> memref<256x128xf32, #tpu.memory_space<hbm>>
            tpu.wait_dma2 semaphore(%run_scoped3A : memref<!tpu.dma_semaphore, #tpu.memory_space<semaphore_mem>>) src(%arg9 : memref<256x128xf32, #tpu.memory_space<vmem>>) dst(%dma_wait3A_138 : memref<256x128xf32, #tpu.memory_space<hbm>>)
            tpu.yield
          }) : () -> ()
        } else {
        }
        %add3A_91 = arith.constant 2 : i32
        %add3A_92 = arith.addi %mul3A_37, %add3A_91 : i32
        %lt3A_93 = arith.constant 80 : i32
        %lt3A_94 = arith.cmpi slt, %add3A_92, %lt3A_93 : i32
        %convert_element_type3A_95 = arith.extui %lt3A_94 : i1 to i32
        %cond3A_96 = arith.constant 0 : i32
        %cond3A_97 = arith.cmpi ne, %convert_element_type3A_95, %cond3A_96 : i32
        scf.if %cond3A_97 {
          %add3A_129 = arith.constant 2 : i32
          %add3A_130 = arith.addi %mul3A_37, %add3A_129 : i32
          %mul3A_131 = arith.constant 16 : i32
          %mul3A_132 = arith.muli %add3A_130, %mul3A_131 : i32
          %add3A_133 = arith.addi %mul3A_132, %arg1 : i32
          %mul3A_134 = arith.constant 2 : i32
          %mul3A_135 = arith.muli %add3A_133, %mul3A_134 : i32
          "tpu.region"() ({
            %run_scoped3A = tpu.sem_alloc : memref<!tpu.dma_semaphore, #tpu.memory_space<semaphore_mem>>
            %dma_start3A_156 = arith.constant 0 : i32
            %dma_start3A_157 = tpu.memref_slice %arg3[%mul3A_135, %dma_start3A_156] : memref<2560x128xi32, #tpu.memory_space<hbm>> -> memref<2x128xi32, #tpu.memory_space<hbm>>
            %dma_start3A_158 = arith.constant 0 : i32
            %dma_start3A_159 = tpu.memref_slice %arg3[%mul3A_135, %dma_start3A_158] : memref<2560x128xi32, #tpu.memory_space<hbm>> -> memref<2x128xi32, #tpu.memory_space<hbm>>
            tpu.enqueue_dma source(%dma_start3A_159 : memref<2x128xi32, #tpu.memory_space<hbm>>) target(%arg7 : memref<2x128xi32, #tpu.memory_space<vmem>>) target_semaphore(%run_scoped3A : memref<!tpu.dma_semaphore, #tpu.memory_space<semaphore_mem>>)
            %dma_wait3A_160 = arith.constant 0 : i32
            %dma_wait3A_161 = tpu.memref_slice %arg3[%mul3A_135, %dma_wait3A_160] : memref<2560x128xi32, #tpu.memory_space<hbm>> -> memref<2x128xi32, #tpu.memory_space<hbm>>
            %dma_wait3A_162 = arith.constant 0 : i32
            %dma_wait3A_163 = tpu.memref_slice %arg3[%mul3A_135, %dma_wait3A_162] : memref<2560x128xi32, #tpu.memory_space<hbm>> -> memref<2x128xi32, #tpu.memory_space<hbm>>
            tpu.wait_dma2 semaphore(%run_scoped3A : memref<!tpu.dma_semaphore, #tpu.memory_space<semaphore_mem>>) src(%dma_wait3A_163 : memref<2x128xi32, #tpu.memory_space<hbm>>) dst(%arg7 : memref<2x128xi32, #tpu.memory_space<vmem>>)
            tpu.yield
          }) : () -> ()
          %dma_start3A_136 = arith.constant 0 : i32
          %dma_start3A_137 = arith.constant 0 : i32
          %dma_start3A_138 = arith.constant 0 : i32
          %dma_start3A_139 = tpu.memref_slice %arg9[%dma_start3A_137, %dma_start3A_138] : memref<256x128xf32, #tpu.memory_space<vmem>> -> memref<128x128xf32, #tpu.memory_space<vmem>>
          %dma_start3A_140 = arith.constant 0 : i32
          %dma_start3A_141 = tpu.memref_slice %arg7[%dma_start3A_136, %dma_start3A_140] : memref<2x128xi32, #tpu.memory_space<vmem>> -> memref<1x128xi32, #tpu.memory_space<vmem>>
          %dma_start3A_142 = tpu.memref_squeeze %dma_start3A_141 : memref<1x128xi32, #tpu.memory_space<vmem>> -> memref<128xi32, #tpu.memory_space<vmem>>
          %dma_start3A_143 = arith.constant 0 : i32
          %dma_start3A_144 = arith.constant 0 : i32
          %dma_start3A_145 = tpu.memref_slice %arg2[%dma_start3A_143, %dma_start3A_144] : memref<10000x128xf32, #tpu.memory_space<hbm>> -> memref<10000x128xf32, #tpu.memory_space<hbm>>
          tpu.enqueue_indirect_dma source(%dma_start3A_145 : memref<10000x128xf32, #tpu.memory_space<hbm>>) target(%dma_start3A_139 : memref<128x128xf32, #tpu.memory_space<vmem>>) offsets(%dma_start3A_142 : memref<128xi32, #tpu.memory_space<vmem>>) semaphore(%arg11 : memref<!tpu.dma_semaphore, #tpu.memory_space<semaphore_mem>>)
          %dma_start3A_146 = arith.constant 1 : i32
          %dma_start3A_147 = arith.constant 128 : i32
          %dma_start3A_148 = arith.constant 0 : i32
          %dma_start3A_149 = tpu.memref_slice %arg9[%dma_start3A_147, %dma_start3A_148] : memref<256x128xf32, #tpu.memory_space<vmem>> -> memref<128x128xf32, #tpu.memory_space<vmem>>
          %dma_start3A_150 = arith.constant 0 : i32
          %dma_start3A_151 = tpu.memref_slice %arg7[%dma_start3A_146, %dma_start3A_150] : memref<2x128xi32, #tpu.memory_space<vmem>> -> memref<1x128xi32, #tpu.memory_space<vmem>>
          %dma_start3A_152 = tpu.memref_squeeze %dma_start3A_151 : memref<1x128xi32, #tpu.memory_space<vmem>> -> memref<128xi32, #tpu.memory_space<vmem>>
          %dma_start3A_153 = arith.constant 0 : i32
          %dma_start3A_154 = arith.constant 0 : i32
          %dma_start3A_155 = tpu.memref_slice %arg2[%dma_start3A_153, %dma_start3A_154] : memref<10000x128xf32, #tpu.memory_space<hbm>> -> memref<10000x128xf32, #tpu.memory_space<hbm>>
          tpu.enqueue_indirect_dma source(%dma_start3A_155 : memref<10000x128xf32, #tpu.memory_space<hbm>>) target(%dma_start3A_149 : memref<128x128xf32, #tpu.memory_space<vmem>>) offsets(%dma_start3A_152 : memref<128xi32, #tpu.memory_space<vmem>>) semaphore(%arg11 : memref<!tpu.dma_semaphore, #tpu.memory_space<semaphore_mem>>)
        } else {
        }
        %add3A_98 = arith.constant 1 : i32
        %add3A_99 = arith.addi %mul3A_37, %add3A_98 : i32
        %mul3A_100 = arith.constant 16 : i32
        %mul3A_101 = arith.muli %add3A_99, %mul3A_100 : i32
        %add3A_102 = arith.addi %mul3A_101, %arg1 : i32
        %dma_wait3A_103 = arith.constant 0 : i32
        %dma_wait3A_104 = arith.constant 0 : i32
        %dma_wait3A_105 = arith.constant 0 : i32
        %dma_wait3A_106 = tpu.memref_slice %arg10[%dma_wait3A_104, %dma_wait3A_105] : memref<256x128xf32, #tpu.memory_space<vmem>> -> memref<128x128xf32, #tpu.memory_space<vmem>>
        %dma_wait3A_107 = arith.constant 0 : i32
        %dma_wait3A_108 = tpu.memref_slice %arg8[%dma_wait3A_103, %dma_wait3A_107] : memref<2x128xi32, #tpu.memory_space<vmem>> -> memref<1x128xi32, #tpu.memory_space<vmem>>
        %dma_wait3A_109 = tpu.memref_squeeze %dma_wait3A_108 : memref<1x128xi32, #tpu.memory_space<vmem>> -> memref<128xi32, #tpu.memory_space<vmem>>
        %dma_wait3A_110 = arith.constant 0 : i32
        %dma_wait3A_111 = arith.constant 0 : i32
        %dma_wait3A_112 = tpu.memref_slice %arg2[%dma_wait3A_110, %dma_wait3A_111] : memref<10000x128xf32, #tpu.memory_space<hbm>> -> memref<10000x128xf32, #tpu.memory_space<hbm>>
        tpu.wait_indirect_dma semaphore(%arg12 : memref<!tpu.dma_semaphore, #tpu.memory_space<semaphore_mem>>) src(%dma_wait3A_112 : memref<10000x128xf32, #tpu.memory_space<hbm>>) dst(%dma_wait3A_106 : memref<128x128xf32, #tpu.memory_space<vmem>>)
        %dma_wait3A_113 = arith.constant 1 : i32
        %dma_wait3A_114 = arith.constant 128 : i32
        %dma_wait3A_115 = arith.constant 0 : i32
        %dma_wait3A_116 = tpu.memref_slice %arg10[%dma_wait3A_114, %dma_wait3A_115] : memref<256x128xf32, #tpu.memory_space<vmem>> -> memref<128x128xf32, #tpu.memory_space<vmem>>
        %dma_wait3A_117 = arith.constant 0 : i32
        %dma_wait3A_118 = tpu.memref_slice %arg8[%dma_wait3A_113, %dma_wait3A_117] : memref<2x128xi32, #tpu.memory_space<vmem>> -> memref<1x128xi32, #tpu.memory_space<vmem>>
        %dma_wait3A_119 = tpu.memref_squeeze %dma_wait3A_118 : memref<1x128xi32, #tpu.memory_space<vmem>> -> memref<128xi32, #tpu.memory_space<vmem>>
        %dma_wait3A_120 = arith.constant 0 : i32
        %dma_wait3A_121 = arith.constant 0 : i32
        %dma_wait3A_122 = tpu.memref_slice %arg2[%dma_wait3A_120, %dma_wait3A_121] : memref<10000x128xf32, #tpu.memory_space<hbm>> -> memref<10000x128xf32, #tpu.memory_space<hbm>>
        tpu.wait_indirect_dma semaphore(%arg12 : memref<!tpu.dma_semaphore, #tpu.memory_space<semaphore_mem>>) src(%dma_wait3A_122 : memref<10000x128xf32, #tpu.memory_space<hbm>>) dst(%dma_wait3A_116 : memref<128x128xf32, #tpu.memory_space<vmem>>)
        %lt3A_123 = arith.constant 1250 : i32
        %lt3A_124 = arith.cmpi slt, %add3A_102, %lt3A_123 : i32
        %convert_element_type3A_125 = arith.extui %lt3A_124 : i1 to i32
        %cond3A_126 = arith.constant 0 : i32
        %cond3A_127 = arith.cmpi ne, %convert_element_type3A_125, %cond3A_126 : i32
        scf.if %cond3A_127 {
          %mul3A_129 = arith.constant 256 : i32
          %mul3A_130 = arith.muli %add3A_102, %mul3A_129 : i32
          "tpu.region"() ({
            %run_scoped3A = tpu.sem_alloc : memref<!tpu.dma_semaphore, #tpu.memory_space<semaphore_mem>>
            %dma_start3A_131 = arith.constant 0 : i32
            %dma_start3A_132 = tpu.memref_slice %arg5[%mul3A_130, %dma_start3A_131] : memref<320000x128xf32, #tpu.memory_space<hbm>> -> memref<256x128xf32, #tpu.memory_space<hbm>>
            %dma_start3A_133 = arith.constant 0 : i32
            %dma_start3A_134 = tpu.memref_slice %arg5[%mul3A_130, %dma_start3A_133] : memref<320000x128xf32, #tpu.memory_space<hbm>> -> memref<256x128xf32, #tpu.memory_space<hbm>>
            tpu.enqueue_dma source(%arg10 : memref<256x128xf32, #tpu.memory_space<vmem>>) target(%dma_start3A_134 : memref<256x128xf32, #tpu.memory_space<hbm>>) target_semaphore(%run_scoped3A : memref<!tpu.dma_semaphore, #tpu.memory_space<semaphore_mem>>)
            %dma_wait3A_135 = arith.constant 0 : i32
            %dma_wait3A_136 = tpu.memref_slice %arg5[%mul3A_130, %dma_wait3A_135] : memref<320000x128xf32, #tpu.memory_space<hbm>> -> memref<256x128xf32, #tpu.memory_space<hbm>>
            %dma_wait3A_137 = arith.constant 0 : i32
            %dma_wait3A_138 = tpu.memref_slice %arg5[%mul3A_130, %dma_wait3A_137] : memref<320000x128xf32, #tpu.memory_space<hbm>> -> memref<256x128xf32, #tpu.memory_space<hbm>>
            tpu.wait_dma2 semaphore(%run_scoped3A : memref<!tpu.dma_semaphore, #tpu.memory_space<semaphore_mem>>) src(%arg10 : memref<256x128xf32, #tpu.memory_space<vmem>>) dst(%dma_wait3A_138 : memref<256x128xf32, #tpu.memory_space<hbm>>)
            tpu.yield
          }) : () -> ()
        } else {
        }
        %scan3A_128 = arith.constant 0 : i32
        scf.yield %scan3A_128 : i32
      }
      %scan3A_33 = arith.constant 40 : i32
    } else {
    }
    %eq3A_2 = arith.constant 1 : i32
    %eq3A_3 = arith.cmpi eq, %arg0, %eq3A_2 : i32
    %convert_element_type3A_4 = arith.extui %eq3A_3 : i1 to i32
    %cond3A_5 = arith.constant 0 : i32
    %cond3A_6 = arith.cmpi ne, %convert_element_type3A_4, %cond3A_5 : i32
    scf.if %cond3A_6 {
      %add3A = arith.constant 0 : i32
      %add3A_7 = arith.addi %add3A, %arg1 : i32
      %mul3A = arith.constant 2 : i32
      %mul3A_8 = arith.muli %add3A_7, %mul3A : i32
      "tpu.region"() ({
        %run_scoped3A = tpu.sem_alloc : memref<!tpu.dma_semaphore, #tpu.memory_space<semaphore_mem>>
        %dma_start3A_34 = arith.constant 0 : i32
        %dma_start3A_35 = tpu.memref_slice %arg4[%mul3A_8, %dma_start3A_34] : memref<2560x128xi32, #tpu.memory_space<hbm>> -> memref<2x128xi32, #tpu.memory_space<hbm>>
        %dma_start3A_36 = arith.constant 0 : i32
        %dma_start3A_37 = tpu.memref_slice %arg4[%mul3A_8, %dma_start3A_36] : memref<2560x128xi32, #tpu.memory_space<hbm>> -> memref<2x128xi32, #tpu.memory_space<hbm>>
        tpu.enqueue_dma source(%dma_start3A_37 : memref<2x128xi32, #tpu.memory_space<hbm>>) target(%arg7 : memref<2x128xi32, #tpu.memory_space<vmem>>) target_semaphore(%run_scoped3A : memref<!tpu.dma_semaphore, #tpu.memory_space<semaphore_mem>>)
        %dma_wait3A = arith.constant 0 : i32
        %dma_wait3A_38 = tpu.memref_slice %arg4[%mul3A_8, %dma_wait3A] : memref<2560x128xi32, #tpu.memory_space<hbm>> -> memref<2x128xi32, #tpu.memory_space<hbm>>
        %dma_wait3A_39 = arith.constant 0 : i32
        %dma_wait3A_40 = tpu.memref_slice %arg4[%mul3A_8, %dma_wait3A_39] : memref<2560x128xi32, #tpu.memory_space<hbm>> -> memref<2x128xi32, #tpu.memory_space<hbm>>
        tpu.wait_dma2 semaphore(%run_scoped3A : memref<!tpu.dma_semaphore, #tpu.memory_space<semaphore_mem>>) src(%dma_wait3A_40 : memref<2x128xi32, #tpu.memory_space<hbm>>) dst(%arg7 : memref<2x128xi32, #tpu.memory_space<vmem>>)
        tpu.yield
      }) : () -> ()
      %dma_start3A = arith.constant 0 : i32
      %dma_start3A_9 = arith.constant 0 : i32
      %dma_start3A_10 = arith.constant 0 : i32
      %dma_start3A_11 = tpu.memref_slice %arg9[%dma_start3A_9, %dma_start3A_10] : memref<256x128xf32, #tpu.memory_space<vmem>> -> memref<128x128xf32, #tpu.memory_space<vmem>>
      %dma_start3A_12 = arith.constant 0 : i32
      %dma_start3A_13 = tpu.memref_slice %arg7[%dma_start3A, %dma_start3A_12] : memref<2x128xi32, #tpu.memory_space<vmem>> -> memref<1x128xi32, #tpu.memory_space<vmem>>
      %dma_start3A_14 = tpu.memref_squeeze %dma_start3A_13 : memref<1x128xi32, #tpu.memory_space<vmem>> -> memref<128xi32, #tpu.memory_space<vmem>>
      %dma_start3A_15 = arith.constant 0 : i32
      %dma_start3A_16 = arith.constant 0 : i32
      %dma_start3A_17 = tpu.memref_slice %arg2[%dma_start3A_15, %dma_start3A_16] : memref<10000x128xf32, #tpu.memory_space<hbm>> -> memref<10000x128xf32, #tpu.memory_space<hbm>>
      tpu.enqueue_indirect_dma source(%dma_start3A_17 : memref<10000x128xf32, #tpu.memory_space<hbm>>) target(%dma_start3A_11 : memref<128x128xf32, #tpu.memory_space<vmem>>) offsets(%dma_start3A_14 : memref<128xi32, #tpu.memory_space<vmem>>) semaphore(%arg11 : memref<!tpu.dma_semaphore, #tpu.memory_space<semaphore_mem>>)
      %dma_start3A_18 = arith.constant 1 : i32
      %dma_start3A_19 = arith.constant 128 : i32
      %dma_start3A_20 = arith.constant 0 : i32
      %dma_start3A_21 = tpu.memref_slice %arg9[%dma_start3A_19, %dma_start3A_20] : memref<256x128xf32, #tpu.memory_space<vmem>> -> memref<128x128xf32, #tpu.memory_space<vmem>>
      %dma_start3A_22 = arith.constant 0 : i32
      %dma_start3A_23 = tpu.memref_slice %arg7[%dma_start3A_18, %dma_start3A_22] : memref<2x128xi32, #tpu.memory_space<vmem>> -> memref<1x128xi32, #tpu.memory_space<vmem>>
      %dma_start3A_24 = tpu.memref_squeeze %dma_start3A_23 : memref<1x128xi32, #tpu.memory_space<vmem>> -> memref<128xi32, #tpu.memory_space<vmem>>
      %dma_start3A_25 = arith.constant 0 : i32
      %dma_start3A_26 = arith.constant 0 : i32
      %dma_start3A_27 = tpu.memref_slice %arg2[%dma_start3A_25, %dma_start3A_26] : memref<10000x128xf32, #tpu.memory_space<hbm>> -> memref<10000x128xf32, #tpu.memory_space<hbm>>
      tpu.enqueue_indirect_dma source(%dma_start3A_27 : memref<10000x128xf32, #tpu.memory_space<hbm>>) target(%dma_start3A_21 : memref<128x128xf32, #tpu.memory_space<vmem>>) offsets(%dma_start3A_24 : memref<128xi32, #tpu.memory_space<vmem>>) semaphore(%arg11 : memref<!tpu.dma_semaphore, #tpu.memory_space<semaphore_mem>>)
      %scan3A = arith.constant 0 : i32
      %scan3A_28 = arith.constant 0 : i32
      %scan3A_29 = arith.constant 40 : i32
      %scan3A_30 = arith.addi %scan3A_28, %scan3A_29 : i32
      %scan3A_31 = arith.constant 1 : i32
      %scan3A_32 = scf.for %scan3A_34 = %scan3A_28 to %scan3A_30 step %scan3A_31 iter_args(%scan3A_35 = %scan3A) -> (i32)  : i32 {
        %mul3A_36 = arith.constant 2 : i32
        %mul3A_37 = arith.muli %scan3A_34, %mul3A_36 : i32
        %add3A_38 = arith.constant 1 : i32
        %add3A_39 = arith.addi %mul3A_37, %add3A_38 : i32
        %mul3A_40 = arith.constant 16 : i32
        %mul3A_41 = arith.muli %add3A_39, %mul3A_40 : i32
        %add3A_42 = arith.addi %mul3A_41, %arg1 : i32
        %mul3A_43 = arith.constant 2 : i32
        %mul3A_44 = arith.muli %add3A_42, %mul3A_43 : i32
        "tpu.region"() ({
          %run_scoped3A = tpu.sem_alloc : memref<!tpu.dma_semaphore, #tpu.memory_space<semaphore_mem>>
          %dma_start3A_129 = arith.constant 0 : i32
          %dma_start3A_130 = tpu.memref_slice %arg4[%mul3A_44, %dma_start3A_129] : memref<2560x128xi32, #tpu.memory_space<hbm>> -> memref<2x128xi32, #tpu.memory_space<hbm>>
          %dma_start3A_131 = arith.constant 0 : i32
          %dma_start3A_132 = tpu.memref_slice %arg4[%mul3A_44, %dma_start3A_131] : memref<2560x128xi32, #tpu.memory_space<hbm>> -> memref<2x128xi32, #tpu.memory_space<hbm>>
          tpu.enqueue_dma source(%dma_start3A_132 : memref<2x128xi32, #tpu.memory_space<hbm>>) target(%arg8 : memref<2x128xi32, #tpu.memory_space<vmem>>) target_semaphore(%run_scoped3A : memref<!tpu.dma_semaphore, #tpu.memory_space<semaphore_mem>>)
          %dma_wait3A_133 = arith.constant 0 : i32
          %dma_wait3A_134 = tpu.memref_slice %arg4[%mul3A_44, %dma_wait3A_133] : memref<2560x128xi32, #tpu.memory_space<hbm>> -> memref<2x128xi32, #tpu.memory_space<hbm>>
          %dma_wait3A_135 = arith.constant 0 : i32
          %dma_wait3A_136 = tpu.memref_slice %arg4[%mul3A_44, %dma_wait3A_135] : memref<2560x128xi32, #tpu.memory_space<hbm>> -> memref<2x128xi32, #tpu.memory_space<hbm>>
          tpu.wait_dma2 semaphore(%run_scoped3A : memref<!tpu.dma_semaphore, #tpu.memory_space<semaphore_mem>>) src(%dma_wait3A_136 : memref<2x128xi32, #tpu.memory_space<hbm>>) dst(%arg8 : memref<2x128xi32, #tpu.memory_space<vmem>>)
          tpu.yield
        }) : () -> ()
        %dma_start3A_45 = arith.constant 0 : i32
        %dma_start3A_46 = arith.constant 0 : i32
        %dma_start3A_47 = arith.constant 0 : i32
        %dma_start3A_48 = tpu.memref_slice %arg10[%dma_start3A_46, %dma_start3A_47] : memref<256x128xf32, #tpu.memory_space<vmem>> -> memref<128x128xf32, #tpu.memory_space<vmem>>
        %dma_start3A_49 = arith.constant 0 : i32
        %dma_start3A_50 = tpu.memref_slice %arg8[%dma_start3A_45, %dma_start3A_49] : memref<2x128xi32, #tpu.memory_space<vmem>> -> memref<1x128xi32, #tpu.memory_space<vmem>>
        %dma_start3A_51 = tpu.memref_squeeze %dma_start3A_50 : memref<1x128xi32, #tpu.memory_space<vmem>> -> memref<128xi32, #tpu.memory_space<vmem>>
        %dma_start3A_52 = arith.constant 0 : i32
        %dma_start3A_53 = arith.constant 0 : i32
        %dma_start3A_54 = tpu.memref_slice %arg2[%dma_start3A_52, %dma_start3A_53] : memref<10000x128xf32, #tpu.memory_space<hbm>> -> memref<10000x128xf32, #tpu.memory_space<hbm>>
        tpu.enqueue_indirect_dma source(%dma_start3A_54 : memref<10000x128xf32, #tpu.memory_space<hbm>>) target(%dma_start3A_48 : memref<128x128xf32, #tpu.memory_space<vmem>>) offsets(%dma_start3A_51 : memref<128xi32, #tpu.memory_space<vmem>>) semaphore(%arg12 : memref<!tpu.dma_semaphore, #tpu.memory_space<semaphore_mem>>)
        %dma_start3A_55 = arith.constant 1 : i32
        %dma_start3A_56 = arith.constant 128 : i32
        %dma_start3A_57 = arith.constant 0 : i32
        %dma_start3A_58 = tpu.memref_slice %arg10[%dma_start3A_56, %dma_start3A_57] : memref<256x128xf32, #tpu.memory_space<vmem>> -> memref<128x128xf32, #tpu.memory_space<vmem>>
        %dma_start3A_59 = arith.constant 0 : i32
        %dma_start3A_60 = tpu.memref_slice %arg8[%dma_start3A_55, %dma_start3A_59] : memref<2x128xi32, #tpu.memory_space<vmem>> -> memref<1x128xi32, #tpu.memory_space<vmem>>
        %dma_start3A_61 = tpu.memref_squeeze %dma_start3A_60 : memref<1x128xi32, #tpu.memory_space<vmem>> -> memref<128xi32, #tpu.memory_space<vmem>>
        %dma_start3A_62 = arith.constant 0 : i32
        %dma_start3A_63 = arith.constant 0 : i32
        %dma_start3A_64 = tpu.memref_slice %arg2[%dma_start3A_62, %dma_start3A_63] : memref<10000x128xf32, #tpu.memory_space<hbm>> -> memref<10000x128xf32, #tpu.memory_space<hbm>>
        tpu.enqueue_indirect_dma source(%dma_start3A_64 : memref<10000x128xf32, #tpu.memory_space<hbm>>) target(%dma_start3A_58 : memref<128x128xf32, #tpu.memory_space<vmem>>) offsets(%dma_start3A_61 : memref<128xi32, #tpu.memory_space<vmem>>) semaphore(%arg12 : memref<!tpu.dma_semaphore, #tpu.memory_space<semaphore_mem>>)
        %mul3A_65 = arith.constant 16 : i32
        %mul3A_66 = arith.muli %mul3A_37, %mul3A_65 : i32
        %add3A_67 = arith.addi %mul3A_66, %arg1 : i32
        %dma_wait3A = arith.constant 0 : i32
        %dma_wait3A_68 = arith.constant 0 : i32
        %dma_wait3A_69 = arith.constant 0 : i32
        %dma_wait3A_70 = tpu.memref_slice %arg9[%dma_wait3A_68, %dma_wait3A_69] : memref<256x128xf32, #tpu.memory_space<vmem>> -> memref<128x128xf32, #tpu.memory_space<vmem>>
        %dma_wait3A_71 = arith.constant 0 : i32
        %dma_wait3A_72 = tpu.memref_slice %arg7[%dma_wait3A, %dma_wait3A_71] : memref<2x128xi32, #tpu.memory_space<vmem>> -> memref<1x128xi32, #tpu.memory_space<vmem>>
        %dma_wait3A_73 = tpu.memref_squeeze %dma_wait3A_72 : memref<1x128xi32, #tpu.memory_space<vmem>> -> memref<128xi32, #tpu.memory_space<vmem>>
        %dma_wait3A_74 = arith.constant 0 : i32
        %dma_wait3A_75 = arith.constant 0 : i32
        %dma_wait3A_76 = tpu.memref_slice %arg2[%dma_wait3A_74, %dma_wait3A_75] : memref<10000x128xf32, #tpu.memory_space<hbm>> -> memref<10000x128xf32, #tpu.memory_space<hbm>>
        tpu.wait_indirect_dma semaphore(%arg11 : memref<!tpu.dma_semaphore, #tpu.memory_space<semaphore_mem>>) src(%dma_wait3A_76 : memref<10000x128xf32, #tpu.memory_space<hbm>>) dst(%dma_wait3A_70 : memref<128x128xf32, #tpu.memory_space<vmem>>)
        %dma_wait3A_77 = arith.constant 1 : i32
        %dma_wait3A_78 = arith.constant 128 : i32
        %dma_wait3A_79 = arith.constant 0 : i32
        %dma_wait3A_80 = tpu.memref_slice %arg9[%dma_wait3A_78, %dma_wait3A_79] : memref<256x128xf32, #tpu.memory_space<vmem>> -> memref<128x128xf32, #tpu.memory_space<vmem>>
        %dma_wait3A_81 = arith.constant 0 : i32
        %dma_wait3A_82 = tpu.memref_slice %arg7[%dma_wait3A_77, %dma_wait3A_81] : memref<2x128xi32, #tpu.memory_space<vmem>> -> memref<1x128xi32, #tpu.memory_space<vmem>>
        %dma_wait3A_83 = tpu.memref_squeeze %dma_wait3A_82 : memref<1x128xi32, #tpu.memory_space<vmem>> -> memref<128xi32, #tpu.memory_space<vmem>>
        %dma_wait3A_84 = arith.constant 0 : i32
        %dma_wait3A_85 = arith.constant 0 : i32
        %dma_wait3A_86 = tpu.memref_slice %arg2[%dma_wait3A_84, %dma_wait3A_85] : memref<10000x128xf32, #tpu.memory_space<hbm>> -> memref<10000x128xf32, #tpu.memory_space<hbm>>
        tpu.wait_indirect_dma semaphore(%arg11 : memref<!tpu.dma_semaphore, #tpu.memory_space<semaphore_mem>>) src(%dma_wait3A_86 : memref<10000x128xf32, #tpu.memory_space<hbm>>) dst(%dma_wait3A_80 : memref<128x128xf32, #tpu.memory_space<vmem>>)
        %lt3A = arith.constant 1250 : i32
        %lt3A_87 = arith.cmpi slt, %add3A_67, %lt3A : i32
        %convert_element_type3A_88 = arith.extui %lt3A_87 : i1 to i32
        %cond3A_89 = arith.constant 0 : i32
        %cond3A_90 = arith.cmpi ne, %convert_element_type3A_88, %cond3A_89 : i32
        scf.if %cond3A_90 {
          %mul3A_129 = arith.constant 256 : i32
          %mul3A_130 = arith.muli %add3A_67, %mul3A_129 : i32
          "tpu.region"() ({
            %run_scoped3A = tpu.sem_alloc : memref<!tpu.dma_semaphore, #tpu.memory_space<semaphore_mem>>
            %dma_start3A_131 = arith.constant 0 : i32
            %dma_start3A_132 = tpu.memref_slice %arg6[%mul3A_130, %dma_start3A_131] : memref<320000x128xf32, #tpu.memory_space<hbm>> -> memref<256x128xf32, #tpu.memory_space<hbm>>
            %dma_start3A_133 = arith.constant 0 : i32
            %dma_start3A_134 = tpu.memref_slice %arg6[%mul3A_130, %dma_start3A_133] : memref<320000x128xf32, #tpu.memory_space<hbm>> -> memref<256x128xf32, #tpu.memory_space<hbm>>
            tpu.enqueue_dma source(%arg9 : memref<256x128xf32, #tpu.memory_space<vmem>>) target(%dma_start3A_134 : memref<256x128xf32, #tpu.memory_space<hbm>>) target_semaphore(%run_scoped3A : memref<!tpu.dma_semaphore, #tpu.memory_space<semaphore_mem>>)
            %dma_wait3A_135 = arith.constant 0 : i32
            %dma_wait3A_136 = tpu.memref_slice %arg6[%mul3A_130, %dma_wait3A_135] : memref<320000x128xf32, #tpu.memory_space<hbm>> -> memref<256x128xf32, #tpu.memory_space<hbm>>
            %dma_wait3A_137 = arith.constant 0 : i32
            %dma_wait3A_138 = tpu.memref_slice %arg6[%mul3A_130, %dma_wait3A_137] : memref<320000x128xf32, #tpu.memory_space<hbm>> -> memref<256x128xf32, #tpu.memory_space<hbm>>
            tpu.wait_dma2 semaphore(%run_scoped3A : memref<!tpu.dma_semaphore, #tpu.memory_space<semaphore_mem>>) src(%arg9 : memref<256x128xf32, #tpu.memory_space<vmem>>) dst(%dma_wait3A_138 : memref<256x128xf32, #tpu.memory_space<hbm>>)
            tpu.yield
          }) : () -> ()
        } else {
        }
        %add3A_91 = arith.constant 2 : i32
        %add3A_92 = arith.addi %mul3A_37, %add3A_91 : i32
        %lt3A_93 = arith.constant 80 : i32
        %lt3A_94 = arith.cmpi slt, %add3A_92, %lt3A_93 : i32
        %convert_element_type3A_95 = arith.extui %lt3A_94 : i1 to i32
        %cond3A_96 = arith.constant 0 : i32
        %cond3A_97 = arith.cmpi ne, %convert_element_type3A_95, %cond3A_96 : i32
        scf.if %cond3A_97 {
          %add3A_129 = arith.constant 2 : i32
          %add3A_130 = arith.addi %mul3A_37, %add3A_129 : i32
          %mul3A_131 = arith.constant 16 : i32
          %mul3A_132 = arith.muli %add3A_130, %mul3A_131 : i32
          %add3A_133 = arith.addi %mul3A_132, %arg1 : i32
          %mul3A_134 = arith.constant 2 : i32
          %mul3A_135 = arith.muli %add3A_133, %mul3A_134 : i32
          "tpu.region"() ({
            %run_scoped3A = tpu.sem_alloc : memref<!tpu.dma_semaphore, #tpu.memory_space<semaphore_mem>>
            %dma_start3A_156 = arith.constant 0 : i32
            %dma_start3A_157 = tpu.memref_slice %arg4[%mul3A_135, %dma_start3A_156] : memref<2560x128xi32, #tpu.memory_space<hbm>> -> memref<2x128xi32, #tpu.memory_space<hbm>>
            %dma_start3A_158 = arith.constant 0 : i32
            %dma_start3A_159 = tpu.memref_slice %arg4[%mul3A_135, %dma_start3A_158] : memref<2560x128xi32, #tpu.memory_space<hbm>> -> memref<2x128xi32, #tpu.memory_space<hbm>>
            tpu.enqueue_dma source(%dma_start3A_159 : memref<2x128xi32, #tpu.memory_space<hbm>>) target(%arg7 : memref<2x128xi32, #tpu.memory_space<vmem>>) target_semaphore(%run_scoped3A : memref<!tpu.dma_semaphore, #tpu.memory_space<semaphore_mem>>)
            %dma_wait3A_160 = arith.constant 0 : i32
            %dma_wait3A_161 = tpu.memref_slice %arg4[%mul3A_135, %dma_wait3A_160] : memref<2560x128xi32, #tpu.memory_space<hbm>> -> memref<2x128xi32, #tpu.memory_space<hbm>>
            %dma_wait3A_162 = arith.constant 0 : i32
            %dma_wait3A_163 = tpu.memref_slice %arg4[%mul3A_135, %dma_wait3A_162] : memref<2560x128xi32, #tpu.memory_space<hbm>> -> memref<2x128xi32, #tpu.memory_space<hbm>>
            tpu.wait_dma2 semaphore(%run_scoped3A : memref<!tpu.dma_semaphore, #tpu.memory_space<semaphore_mem>>) src(%dma_wait3A_163 : memref<2x128xi32, #tpu.memory_space<hbm>>) dst(%arg7 : memref<2x128xi32, #tpu.memory_space<vmem>>)
            tpu.yield
          }) : () -> ()
          %dma_start3A_136 = arith.constant 0 : i32
          %dma_start3A_137 = arith.constant 0 : i32
          %dma_start3A_138 = arith.constant 0 : i32
          %dma_start3A_139 = tpu.memref_slice %arg9[%dma_start3A_137, %dma_start3A_138] : memref<256x128xf32, #tpu.memory_space<vmem>> -> memref<128x128xf32, #tpu.memory_space<vmem>>
          %dma_start3A_140 = arith.constant 0 : i32
          %dma_start3A_141 = tpu.memref_slice %arg7[%dma_start3A_136, %dma_start3A_140] : memref<2x128xi32, #tpu.memory_space<vmem>> -> memref<1x128xi32, #tpu.memory_space<vmem>>
          %dma_start3A_142 = tpu.memref_squeeze %dma_start3A_141 : memref<1x128xi32, #tpu.memory_space<vmem>> -> memref<128xi32, #tpu.memory_space<vmem>>
          %dma_start3A_143 = arith.constant 0 : i32
          %dma_start3A_144 = arith.constant 0 : i32
          %dma_start3A_145 = tpu.memref_slice %arg2[%dma_start3A_143, %dma_start3A_144] : memref<10000x128xf32, #tpu.memory_space<hbm>> -> memref<10000x128xf32, #tpu.memory_space<hbm>>
          tpu.enqueue_indirect_dma source(%dma_start3A_145 : memref<10000x128xf32, #tpu.memory_space<hbm>>) target(%dma_start3A_139 : memref<128x128xf32, #tpu.memory_space<vmem>>) offsets(%dma_start3A_142 : memref<128xi32, #tpu.memory_space<vmem>>) semaphore(%arg11 : memref<!tpu.dma_semaphore, #tpu.memory_space<semaphore_mem>>)
          %dma_start3A_146 = arith.constant 1 : i32
          %dma_start3A_147 = arith.constant 128 : i32
          %dma_start3A_148 = arith.constant 0 : i32
          %dma_start3A_149 = tpu.memref_slice %arg9[%dma_start3A_147, %dma_start3A_148] : memref<256x128xf32, #tpu.memory_space<vmem>> -> memref<128x128xf32, #tpu.memory_space<vmem>>
          %dma_start3A_150 = arith.constant 0 : i32
          %dma_start3A_151 = tpu.memref_slice %arg7[%dma_start3A_146, %dma_start3A_150] : memref<2x128xi32, #tpu.memory_space<vmem>> -> memref<1x128xi32, #tpu.memory_space<vmem>>
          %dma_start3A_152 = tpu.memref_squeeze %dma_start3A_151 : memref<1x128xi32, #tpu.memory_space<vmem>> -> memref<128xi32, #tpu.memory_space<vmem>>
          %dma_start3A_153 = arith.constant 0 : i32
          %dma_start3A_154 = arith.constant 0 : i32
          %dma_start3A_155 = tpu.memref_slice %arg2[%dma_start3A_153, %dma_start3A_154] : memref<10000x128xf32, #tpu.memory_space<hbm>> -> memref<10000x128xf32, #tpu.memory_space<hbm>>
          tpu.enqueue_indirect_dma source(%dma_start3A_155 : memref<10000x128xf32, #tpu.memory_space<hbm>>) target(%dma_start3A_149 : memref<128x128xf32, #tpu.memory_space<vmem>>) offsets(%dma_start3A_152 : memref<128xi32, #tpu.memory_space<vmem>>) semaphore(%arg11 : memref<!tpu.dma_semaphore, #tpu.memory_space<semaphore_mem>>)
        } else {
        }
        %add3A_98 = arith.constant 1 : i32
        %add3A_99 = arith.addi %mul3A_37, %add3A_98 : i32
        %mul3A_100 = arith.constant 16 : i32
        %mul3A_101 = arith.muli %add3A_99, %mul3A_100 : i32
        %add3A_102 = arith.addi %mul3A_101, %arg1 : i32
        %dma_wait3A_103 = arith.constant 0 : i32
        %dma_wait3A_104 = arith.constant 0 : i32
        %dma_wait3A_105 = arith.constant 0 : i32
        %dma_wait3A_106 = tpu.memref_slice %arg10[%dma_wait3A_104, %dma_wait3A_105] : memref<256x128xf32, #tpu.memory_space<vmem>> -> memref<128x128xf32, #tpu.memory_space<vmem>>
        %dma_wait3A_107 = arith.constant 0 : i32
        %dma_wait3A_108 = tpu.memref_slice %arg8[%dma_wait3A_103, %dma_wait3A_107] : memref<2x128xi32, #tpu.memory_space<vmem>> -> memref<1x128xi32, #tpu.memory_space<vmem>>
        %dma_wait3A_109 = tpu.memref_squeeze %dma_wait3A_108 : memref<1x128xi32, #tpu.memory_space<vmem>> -> memref<128xi32, #tpu.memory_space<vmem>>
        %dma_wait3A_110 = arith.constant 0 : i32
        %dma_wait3A_111 = arith.constant 0 : i32
        %dma_wait3A_112 = tpu.memref_slice %arg2[%dma_wait3A_110, %dma_wait3A_111] : memref<10000x128xf32, #tpu.memory_space<hbm>> -> memref<10000x128xf32, #tpu.memory_space<hbm>>
        tpu.wait_indirect_dma semaphore(%arg12 : memref<!tpu.dma_semaphore, #tpu.memory_space<semaphore_mem>>) src(%dma_wait3A_112 : memref<10000x128xf32, #tpu.memory_space<hbm>>) dst(%dma_wait3A_106 : memref<128x128xf32, #tpu.memory_space<vmem>>)
        %dma_wait3A_113 = arith.constant 1 : i32
        %dma_wait3A_114 = arith.constant 128 : i32
        %dma_wait3A_115 = arith.constant 0 : i32
        %dma_wait3A_116 = tpu.memref_slice %arg10[%dma_wait3A_114, %dma_wait3A_115] : memref<256x128xf32, #tpu.memory_space<vmem>> -> memref<128x128xf32, #tpu.memory_space<vmem>>
        %dma_wait3A_117 = arith.constant 0 : i32
        %dma_wait3A_118 = tpu.memref_slice %arg8[%dma_wait3A_113, %dma_wait3A_117] : memref<2x128xi32, #tpu.memory_space<vmem>> -> memref<1x128xi32, #tpu.memory_space<vmem>>
        %dma_wait3A_119 = tpu.memref_squeeze %dma_wait3A_118 : memref<1x128xi32, #tpu.memory_space<vmem>> -> memref<128xi32, #tpu.memory_space<vmem>>
        %dma_wait3A_120 = arith.constant 0 : i32
        %dma_wait3A_121 = arith.constant 0 : i32
        %dma_wait3A_122 = tpu.memref_slice %arg2[%dma_wait3A_120, %dma_wait3A_121] : memref<10000x128xf32, #tpu.memory_space<hbm>> -> memref<10000x128xf32, #tpu.memory_space<hbm>>
        tpu.wait_indirect_dma semaphore(%arg12 : memref<!tpu.dma_semaphore, #tpu.memory_space<semaphore_mem>>) src(%dma_wait3A_122 : memref<10000x128xf32, #tpu.memory_space<hbm>>) dst(%dma_wait3A_116 : memref<128x128xf32, #tpu.memory_space<vmem>>)
        %lt3A_123 = arith.constant 1250 : i32
        %lt3A_124 = arith.cmpi slt, %add3A_102, %lt3A_123 : i32
        %convert_element_type3A_125 = arith.extui %lt3A_124 : i1 to i32
        %cond3A_126 = arith.constant 0 : i32
        %cond3A_127 = arith.cmpi ne, %convert_element_type3A_125, %cond3A_126 : i32
        scf.if %cond3A_127 {
          %mul3A_129 = arith.constant 256 : i32
          %mul3A_130 = arith.muli %add3A_102, %mul3A_129 : i32
          "tpu.region"() ({
            %run_scoped3A = tpu.sem_alloc : memref<!tpu.dma_semaphore, #tpu.memory_space<semaphore_mem>>
            %dma_start3A_131 = arith.constant 0 : i32
            %dma_start3A_132 = tpu.memref_slice %arg6[%mul3A_130, %dma_start3A_131] : memref<320000x128xf32, #tpu.memory_space<hbm>> -> memref<256x128xf32, #tpu.memory_space<hbm>>
            %dma_start3A_133 = arith.constant 0 : i32
            %dma_start3A_134 = tpu.memref_slice %arg6[%mul3A_130, %dma_start3A_133] : memref<320000x128xf32, #tpu.memory_space<hbm>> -> memref<256x128xf32, #tpu.memory_space<hbm>>
            tpu.enqueue_dma source(%arg10 : memref<256x128xf32, #tpu.memory_space<vmem>>) target(%dma_start3A_134 : memref<256x128xf32, #tpu.memory_space<hbm>>) target_semaphore(%run_scoped3A : memref<!tpu.dma_semaphore, #tpu.memory_space<semaphore_mem>>)
            %dma_wait3A_135 = arith.constant 0 : i32
            %dma_wait3A_136 = tpu.memref_slice %arg6[%mul3A_130, %dma_wait3A_135] : memref<320000x128xf32, #tpu.memory_space<hbm>> -> memref<256x128xf32, #tpu.memory_space<hbm>>
            %dma_wait3A_137 = arith.constant 0 : i32
            %dma_wait3A_138 = tpu.memref_slice %arg6[%mul3A_130, %dma_wait3A_137] : memref<320000x128xf32, #tpu.memory_space<hbm>> -> memref<256x128xf32, #tpu.memory_space<hbm>>
            tpu.wait_dma2 semaphore(%run_scoped3A : memref<!tpu.dma_semaphore, #tpu.memory_space<semaphore_mem>>) src(%arg10 : memref<256x128xf32, #tpu.memory_space<vmem>>) dst(%dma_wait3A_138 : memref<256x128xf32, #tpu.memory_space<hbm>>)
            tpu.yield
          }) : () -> ()
        } else {
        }
        %scan3A_128 = arith.constant 0 : i32
        scf.yield %scan3A_128 : i32
      }
      %scan3A_33 = arith.constant 40 : i32
    } else {
    }
    return
  }
}

#map = affine_map<(d0, d1) -> (0, 0)>
module attributes {stable_mosaic.version = 14 : i64} {
  func.func @body(%arg0: i32, %arg1: i32, %arg2: memref<320000x128xf32, #tpu.memory_space<hbm>>, %arg3: memref<320000x128xf32, #tpu.memory_space<hbm>>, %arg4: memref<10240x32xi32, #tpu.memory_space<hbm>>, %arg5: memref<10240x32xi32, #tpu.memory_space<hbm>>, %arg6: memref<625x128xf32, #tpu.memory_space<hbm>>, %arg7: memref<10000x128xf32, #tpu.memory_space<hbm>>, %arg8: memref<10000x128xf32, #tpu.memory_space<hbm>>, %arg9: memref<10016x128xf32, #tpu.memory_space<vmem_shared>>, %arg10: memref<4x32xi32, #tpu.memory_space<vmem>>, %arg11: memref<4x32xi32, #tpu.memory_space<vmem>>, %arg12: memref<128x128xf32, #tpu.memory_space<vmem>>, %arg13: memref<128x128xf32, #tpu.memory_space<vmem>>, %arg14: memref<!tpu.dma_semaphore, #tpu.memory_space<semaphore_mem>>, %arg15: memref<!tpu.dma_semaphore, #tpu.memory_space<semaphore_mem>>, %arg16: memref<!tpu.dma_semaphore, #tpu.memory_space<semaphore_mem>>, %arg17: memref<!tpu.dma_semaphore, #tpu.memory_space<semaphore_mem>>) attributes {dimension_semantics = [#tpu.dimension_semantics<core_parallel>, #tpu.dimension_semantics<subcore_parallel>], iteration_bounds = array<i64: 2, 16>, scalar_prefetch = 0 : i64, scratch_operands = 9 : i64, tpu.core_type = #tpu.core_type<sc_vector_subcore>, window_params = [{transform_indices = #map}, {transform_indices = #map}, {transform_indices = #map}, {transform_indices = #map}, {transform_indices = #map}, {transform_indices = #map}, {transform_indices = #map}]} {
    %mul3A = arith.constant 625 : i32
    %mul3A_0 = arith.muli %arg1, %mul3A : i32
    "tpu.region"() ({
      %run_scoped3A = tpu.sem_alloc : memref<!tpu.dma_semaphore, #tpu.memory_space<semaphore_mem>>
      %dma_start3A = arith.constant 0 : i32
      %dma_start3A_19 = tpu.memref_slice %arg9[%mul3A_0, %dma_start3A] : memref<10016x128xf32, #tpu.memory_space<vmem_shared>> -> memref<625x128xf32, #tpu.memory_space<vmem_shared>>
      tpu.enqueue_dma source(%arg6 : memref<625x128xf32, #tpu.memory_space<hbm>>) target(%dma_start3A_19 : memref<625x128xf32, #tpu.memory_space<vmem_shared>>) target_semaphore(%run_scoped3A : memref<!tpu.dma_semaphore, #tpu.memory_space<semaphore_mem>>)
      %dma_wait3A = arith.constant 0 : i32
      %dma_wait3A_20 = tpu.memref_slice %arg9[%mul3A_0, %dma_wait3A] : memref<10016x128xf32, #tpu.memory_space<vmem_shared>> -> memref<625x128xf32, #tpu.memory_space<vmem_shared>>
      tpu.wait_dma2 semaphore(%run_scoped3A : memref<!tpu.dma_semaphore, #tpu.memory_space<semaphore_mem>>) src(%arg6 : memref<625x128xf32, #tpu.memory_space<hbm>>) dst(%dma_wait3A_20 : memref<625x128xf32, #tpu.memory_space<vmem_shared>>)
      tpu.yield
    }) : () -> ()
    %barrier3A = arith.constant 0 : index
    tpu.barrier barrier_id(%barrier3A)
    %eq3A = arith.constant 0 : i32
    %eq3A_1 = arith.cmpi eq, %arg0, %eq3A : i32
    %convert_element_type3A = arith.extui %eq3A_1 : i1 to i32
    %cond3A = arith.constant 0 : i32
    %cond3A_2 = arith.cmpi ne, %convert_element_type3A, %cond3A : i32
    scf.if %cond3A_2 {
      %mul3A_19 = arith.constant 160 : i32
      %mul3A_20 = arith.muli %arg1, %mul3A_19 : i32
      %add3A = arith.constant 0 : i32
      %add3A_21 = arith.addi %mul3A_20, %add3A : i32
      %lt3A = arith.constant 2500 : i32
      %lt3A_22 = arith.cmpi slt, %add3A_21, %lt3A : i32
      %jit3A = arith.constant 0 : i32
      %select_n3A = arith.select %lt3A_22, %add3A_21, %jit3A : i32
      %mul3A_23 = arith.constant 4 : i32
      %mul3A_24 = arith.muli %mul3A_23, %add3A_21 : i32
      "tpu.region"() ({
        %run_scoped3A = tpu.sem_alloc : memref<!tpu.dma_semaphore, #tpu.memory_space<semaphore_mem>>
        %dma_start3A_75 = arith.constant 0 : i32
        %dma_start3A_76 = tpu.memref_slice %arg4[%mul3A_24, %dma_start3A_75] : memref<10240x32xi32, #tpu.memory_space<hbm>> -> memref<4x32xi32, #tpu.memory_space<hbm>>
        %dma_start3A_77 = arith.constant 0 : i32
        %dma_start3A_78 = tpu.memref_slice %arg4[%mul3A_24, %dma_start3A_77] : memref<10240x32xi32, #tpu.memory_space<hbm>> -> memref<4x32xi32, #tpu.memory_space<hbm>>
        tpu.enqueue_dma source(%dma_start3A_78 : memref<4x32xi32, #tpu.memory_space<hbm>>) target(%arg10 : memref<4x32xi32, #tpu.memory_space<vmem>>) target_semaphore(%run_scoped3A : memref<!tpu.dma_semaphore, #tpu.memory_space<semaphore_mem>>)
        %dma_wait3A_79 = arith.constant 0 : i32
        %dma_wait3A_80 = tpu.memref_slice %arg4[%mul3A_24, %dma_wait3A_79] : memref<10240x32xi32, #tpu.memory_space<hbm>> -> memref<4x32xi32, #tpu.memory_space<hbm>>
        %dma_wait3A_81 = arith.constant 0 : i32
        %dma_wait3A_82 = tpu.memref_slice %arg4[%mul3A_24, %dma_wait3A_81] : memref<10240x32xi32, #tpu.memory_space<hbm>> -> memref<4x32xi32, #tpu.memory_space<hbm>>
        tpu.wait_dma2 semaphore(%run_scoped3A : memref<!tpu.dma_semaphore, #tpu.memory_space<semaphore_mem>>) src(%dma_wait3A_82 : memref<4x32xi32, #tpu.memory_space<hbm>>) dst(%arg10 : memref<4x32xi32, #tpu.memory_space<vmem>>)
        tpu.yield
      }) : () -> ()
      %mul3A_25 = arith.constant 128 : i32
      %mul3A_26 = arith.muli %select_n3A, %mul3A_25 : i32
      %dma_start3A = arith.constant 0 : i32
      %dma_start3A_27 = tpu.memref_slice %arg2[%mul3A_26, %dma_start3A] : memref<320000x128xf32, #tpu.memory_space<hbm>> -> memref<128x128xf32, #tpu.memory_space<hbm>>
      %dma_start3A_28 = arith.constant 0 : i32
      %dma_start3A_29 = tpu.memref_slice %arg2[%mul3A_26, %dma_start3A_28] : memref<320000x128xf32, #tpu.memory_space<hbm>> -> memref<128x128xf32, #tpu.memory_space<hbm>>
      tpu.enqueue_dma source(%dma_start3A_29 : memref<128x128xf32, #tpu.memory_space<hbm>>) target(%arg12 : memref<128x128xf32, #tpu.memory_space<vmem>>) target_semaphore(%arg14 : memref<!tpu.dma_semaphore, #tpu.memory_space<semaphore_mem>>)
      %scan3A = arith.constant 0 : i32
      %scan3A_30 = arith.constant 0 : i32
      %scan3A_31 = arith.constant 80 : i32
      %scan3A_32 = arith.addi %scan3A_30, %scan3A_31 : i32
      %scan3A_33 = arith.constant 1 : i32
      %scan3A_34 = scf.for %scan3A_75 = %scan3A_30 to %scan3A_32 step %scan3A_33 iter_args(%scan3A_76 = %scan3A) -> (i32)  : i32 {
        %mul3A_77 = arith.constant 2 : i32
        %mul3A_78 = arith.muli %scan3A_75, %mul3A_77 : i32
        %dma_wait3A_79 = arith.constant 0 : i32
        %dma_wait3A_80 = arith.constant 0 : i32
        %dma_wait3A_81 = tpu.memref_slice %arg2[%dma_wait3A_79, %dma_wait3A_80] : memref<320000x128xf32, #tpu.memory_space<hbm>> -> memref<128x128xf32, #tpu.memory_space<hbm>>
        %dma_wait3A_82 = arith.constant 0 : i32
        %dma_wait3A_83 = arith.constant 0 : i32
        %dma_wait3A_84 = tpu.memref_slice %arg2[%dma_wait3A_82, %dma_wait3A_83] : memref<320000x128xf32, #tpu.memory_space<hbm>> -> memref<128x128xf32, #tpu.memory_space<hbm>>
        tpu.wait_dma2 semaphore(%arg14 : memref<!tpu.dma_semaphore, #tpu.memory_space<semaphore_mem>>) src(%dma_wait3A_84 : memref<128x128xf32, #tpu.memory_space<hbm>>) dst(%arg12 : memref<128x128xf32, #tpu.memory_space<vmem>>)
        %dma_start3A_85 = arith.constant 0 : i32
        %dma_start3A_86 = arith.constant 0 : i32
        %dma_start3A_87 = arith.constant 0 : i32
        %dma_start3A_88 = tpu.memref_slice %arg12[%dma_start3A_86, %dma_start3A_87] : memref<128x128xf32, #tpu.memory_space<vmem>> -> memref<32x128xf32, #tpu.memory_space<vmem>>
        %dma_start3A_89 = arith.constant 0 : i32
        %dma_start3A_90 = tpu.memref_slice %arg10[%dma_start3A_85, %dma_start3A_89] : memref<4x32xi32, #tpu.memory_space<vmem>> -> memref<1x32xi32, #tpu.memory_space<vmem>>
        %dma_start3A_91 = tpu.memref_squeeze %dma_start3A_90 : memref<1x32xi32, #tpu.memory_space<vmem>> -> memref<32xi32, #tpu.memory_space<vmem>>
        %dma_start3A_92 = arith.constant 0 : i32
        %dma_start3A_93 = arith.constant 0 : i32
        %dma_start3A_94 = tpu.memref_slice %arg9[%dma_start3A_92, %dma_start3A_93] : memref<10016x128xf32, #tpu.memory_space<vmem_shared>> -> memref<10016x128xf32, #tpu.memory_space<vmem_shared>>
        tpu.enqueue_indirect_dma source(%dma_start3A_88 : memref<32x128xf32, #tpu.memory_space<vmem>>) target(%dma_start3A_94 : memref<10016x128xf32, #tpu.memory_space<vmem_shared>>) offsets(%dma_start3A_91 : memref<32xi32, #tpu.memory_space<vmem>>) semaphore(%arg16 : memref<!tpu.dma_semaphore, #tpu.memory_space<semaphore_mem>>) {add = true}
        %dma_start3A_95 = arith.constant 1 : i32
        %dma_start3A_96 = arith.constant 32 : i32
        %dma_start3A_97 = arith.constant 0 : i32
        %dma_start3A_98 = tpu.memref_slice %arg12[%dma_start3A_96, %dma_start3A_97] : memref<128x128xf32, #tpu.memory_space<vmem>> -> memref<32x128xf32, #tpu.memory_space<vmem>>
        %dma_start3A_99 = arith.constant 0 : i32
        %dma_start3A_100 = tpu.memref_slice %arg10[%dma_start3A_95, %dma_start3A_99] : memref<4x32xi32, #tpu.memory_space<vmem>> -> memref<1x32xi32, #tpu.memory_space<vmem>>
        %dma_start3A_101 = tpu.memref_squeeze %dma_start3A_100 : memref<1x32xi32, #tpu.memory_space<vmem>> -> memref<32xi32, #tpu.memory_space<vmem>>
        %dma_start3A_102 = arith.constant 0 : i32
        %dma_start3A_103 = arith.constant 0 : i32
        %dma_start3A_104 = tpu.memref_slice %arg9[%dma_start3A_102, %dma_start3A_103] : memref<10016x128xf32, #tpu.memory_space<vmem_shared>> -> memref<10016x128xf32, #tpu.memory_space<vmem_shared>>
        tpu.enqueue_indirect_dma source(%dma_start3A_98 : memref<32x128xf32, #tpu.memory_space<vmem>>) target(%dma_start3A_104 : memref<10016x128xf32, #tpu.memory_space<vmem_shared>>) offsets(%dma_start3A_101 : memref<32xi32, #tpu.memory_space<vmem>>) semaphore(%arg16 : memref<!tpu.dma_semaphore, #tpu.memory_space<semaphore_mem>>) {add = true}
        %dma_start3A_105 = arith.constant 2 : i32
        %dma_start3A_106 = arith.constant 64 : i32
        %dma_start3A_107 = arith.constant 0 : i32
        %dma_start3A_108 = tpu.memref_slice %arg12[%dma_start3A_106, %dma_start3A_107] : memref<128x128xf32, #tpu.memory_space<vmem>> -> memref<32x128xf32, #tpu.memory_space<vmem>>
        %dma_start3A_109 = arith.constant 0 : i32
        %dma_start3A_110 = tpu.memref_slice %arg10[%dma_start3A_105, %dma_start3A_109] : memref<4x32xi32, #tpu.memory_space<vmem>> -> memref<1x32xi32, #tpu.memory_space<vmem>>
        %dma_start3A_111 = tpu.memref_squeeze %dma_start3A_110 : memref<1x32xi32, #tpu.memory_space<vmem>> -> memref<32xi32, #tpu.memory_space<vmem>>
        %dma_start3A_112 = arith.constant 0 : i32
        %dma_start3A_113 = arith.constant 0 : i32
        %dma_start3A_114 = tpu.memref_slice %arg9[%dma_start3A_112, %dma_start3A_113] : memref<10016x128xf32, #tpu.memory_space<vmem_shared>> -> memref<10016x128xf32, #tpu.memory_space<vmem_shared>>
        tpu.enqueue_indirect_dma source(%dma_start3A_108 : memref<32x128xf32, #tpu.memory_space<vmem>>) target(%dma_start3A_114 : memref<10016x128xf32, #tpu.memory_space<vmem_shared>>) offsets(%dma_start3A_111 : memref<32xi32, #tpu.memory_space<vmem>>) semaphore(%arg16 : memref<!tpu.dma_semaphore, #tpu.memory_space<semaphore_mem>>) {add = true}
        %dma_start3A_115 = arith.constant 3 : i32
        %dma_start3A_116 = arith.constant 96 : i32
        %dma_start3A_117 = arith.constant 0 : i32
        %dma_start3A_118 = tpu.memref_slice %arg12[%dma_start3A_116, %dma_start3A_117] : memref<128x128xf32, #tpu.memory_space<vmem>> -> memref<32x128xf32, #tpu.memory_space<vmem>>
        %dma_start3A_119 = arith.constant 0 : i32
        %dma_start3A_120 = tpu.memref_slice %arg10[%dma_start3A_115, %dma_start3A_119] : memref<4x32xi32, #tpu.memory_space<vmem>> -> memref<1x32xi32, #tpu.memory_space<vmem>>
        %dma_start3A_121 = tpu.memref_squeeze %dma_start3A_120 : memref<1x32xi32, #tpu.memory_space<vmem>> -> memref<32xi32, #tpu.memory_space<vmem>>
        %dma_start3A_122 = arith.constant 0 : i32
        %dma_start3A_123 = arith.constant 0 : i32
        %dma_start3A_124 = tpu.memref_slice %arg9[%dma_start3A_122, %dma_start3A_123] : memref<10016x128xf32, #tpu.memory_space<vmem_shared>> -> memref<10016x128xf32, #tpu.memory_space<vmem_shared>>
        tpu.enqueue_indirect_dma source(%dma_start3A_118 : memref<32x128xf32, #tpu.memory_space<vmem>>) target(%dma_start3A_124 : memref<10016x128xf32, #tpu.memory_space<vmem_shared>>) offsets(%dma_start3A_121 : memref<32xi32, #tpu.memory_space<vmem>>) semaphore(%arg16 : memref<!tpu.dma_semaphore, #tpu.memory_space<semaphore_mem>>) {add = true}
        %gt3A = arith.constant 0 : i32
        %gt3A_125 = arith.cmpi sgt, %scan3A_75, %gt3A : i32
        %convert_element_type3A_126 = arith.extui %gt3A_125 : i1 to i32
        %cond3A_127 = arith.constant 0 : i32
        %cond3A_128 = arith.cmpi ne, %convert_element_type3A_126, %cond3A_127 : i32
        scf.if %cond3A_128 {
          %dma_wait3A_240 = arith.constant 0 : i32
          %dma_wait3A_241 = arith.constant 0 : i32
          %dma_wait3A_242 = arith.constant 0 : i32
          %dma_wait3A_243 = tpu.memref_slice %arg13[%dma_wait3A_241, %dma_wait3A_242] : memref<128x128xf32, #tpu.memory_space<vmem>> -> memref<32x128xf32, #tpu.memory_space<vmem>>
          %dma_wait3A_244 = arith.constant 0 : i32
          %dma_wait3A_245 = tpu.memref_slice %arg11[%dma_wait3A_240, %dma_wait3A_244] : memref<4x32xi32, #tpu.memory_space<vmem>> -> memref<1x32xi32, #tpu.memory_space<vmem>>
          %dma_wait3A_246 = tpu.memref_squeeze %dma_wait3A_245 : memref<1x32xi32, #tpu.memory_space<vmem>> -> memref<32xi32, #tpu.memory_space<vmem>>
          %dma_wait3A_247 = arith.constant 0 : i32
          %dma_wait3A_248 = arith.constant 0 : i32
          %dma_wait3A_249 = tpu.memref_slice %arg9[%dma_wait3A_247, %dma_wait3A_248] : memref<10016x128xf32, #tpu.memory_space<vmem_shared>> -> memref<10016x128xf32, #tpu.memory_space<vmem_shared>>
          tpu.wait_indirect_dma semaphore(%arg17 : memref<!tpu.dma_semaphore, #tpu.memory_space<semaphore_mem>>) src(%dma_wait3A_243 : memref<32x128xf32, #tpu.memory_space<vmem>>) dst(%dma_wait3A_249 : memref<10016x128xf32, #tpu.memory_space<vmem_shared>>)
          %dma_wait3A_250 = arith.constant 1 : i32
          %dma_wait3A_251 = arith.constant 32 : i32
          %dma_wait3A_252 = arith.constant 0 : i32
          %dma_wait3A_253 = tpu.memref_slice %arg13[%dma_wait3A_251, %dma_wait3A_252] : memref<128x128xf32, #tpu.memory_space<vmem>> -> memref<32x128xf32, #tpu.memory_space<vmem>>
          %dma_wait3A_254 = arith.constant 0 : i32
          %dma_wait3A_255 = tpu.memref_slice %arg11[%dma_wait3A_250, %dma_wait3A_254] : memref<4x32xi32, #tpu.memory_space<vmem>> -> memref<1x32xi32, #tpu.memory_space<vmem>>
          %dma_wait3A_256 = tpu.memref_squeeze %dma_wait3A_255 : memref<1x32xi32, #tpu.memory_space<vmem>> -> memref<32xi32, #tpu.memory_space<vmem>>
          %dma_wait3A_257 = arith.constant 0 : i32
          %dma_wait3A_258 = arith.constant 0 : i32
          %dma_wait3A_259 = tpu.memref_slice %arg9[%dma_wait3A_257, %dma_wait3A_258] : memref<10016x128xf32, #tpu.memory_space<vmem_shared>> -> memref<10016x128xf32, #tpu.memory_space<vmem_shared>>
          tpu.wait_indirect_dma semaphore(%arg17 : memref<!tpu.dma_semaphore, #tpu.memory_space<semaphore_mem>>) src(%dma_wait3A_253 : memref<32x128xf32, #tpu.memory_space<vmem>>) dst(%dma_wait3A_259 : memref<10016x128xf32, #tpu.memory_space<vmem_shared>>)
          %dma_wait3A_260 = arith.constant 2 : i32
          %dma_wait3A_261 = arith.constant 64 : i32
          %dma_wait3A_262 = arith.constant 0 : i32
          %dma_wait3A_263 = tpu.memref_slice %arg13[%dma_wait3A_261, %dma_wait3A_262] : memref<128x128xf32, #tpu.memory_space<vmem>> -> memref<32x128xf32, #tpu.memory_space<vmem>>
          %dma_wait3A_264 = arith.constant 0 : i32
          %dma_wait3A_265 = tpu.memref_slice %arg11[%dma_wait3A_260, %dma_wait3A_264] : memref<4x32xi32, #tpu.memory_space<vmem>> -> memref<1x32xi32, #tpu.memory_space<vmem>>
          %dma_wait3A_266 = tpu.memref_squeeze %dma_wait3A_265 : memref<1x32xi32, #tpu.memory_space<vmem>> -> memref<32xi32, #tpu.memory_space<vmem>>
          %dma_wait3A_267 = arith.constant 0 : i32
          %dma_wait3A_268 = arith.constant 0 : i32
          %dma_wait3A_269 = tpu.memref_slice %arg9[%dma_wait3A_267, %dma_wait3A_268] : memref<10016x128xf32, #tpu.memory_space<vmem_shared>> -> memref<10016x128xf32, #tpu.memory_space<vmem_shared>>
          tpu.wait_indirect_dma semaphore(%arg17 : memref<!tpu.dma_semaphore, #tpu.memory_space<semaphore_mem>>) src(%dma_wait3A_263 : memref<32x128xf32, #tpu.memory_space<vmem>>) dst(%dma_wait3A_269 : memref<10016x128xf32, #tpu.memory_space<vmem_shared>>)
          %dma_wait3A_270 = arith.constant 3 : i32
          %dma_wait3A_271 = arith.constant 96 : i32
          %dma_wait3A_272 = arith.constant 0 : i32
          %dma_wait3A_273 = tpu.memref_slice %arg13[%dma_wait3A_271, %dma_wait3A_272] : memref<128x128xf32, #tpu.memory_space<vmem>> -> memref<32x128xf32, #tpu.memory_space<vmem>>
          %dma_wait3A_274 = arith.constant 0 : i32
          %dma_wait3A_275 = tpu.memref_slice %arg11[%dma_wait3A_270, %dma_wait3A_274] : memref<4x32xi32, #tpu.memory_space<vmem>> -> memref<1x32xi32, #tpu.memory_space<vmem>>
          %dma_wait3A_276 = tpu.memref_squeeze %dma_wait3A_275 : memref<1x32xi32, #tpu.memory_space<vmem>> -> memref<32xi32, #tpu.memory_space<vmem>>
          %dma_wait3A_277 = arith.constant 0 : i32
          %dma_wait3A_278 = arith.constant 0 : i32
          %dma_wait3A_279 = tpu.memref_slice %arg9[%dma_wait3A_277, %dma_wait3A_278] : memref<10016x128xf32, #tpu.memory_space<vmem_shared>> -> memref<10016x128xf32, #tpu.memory_space<vmem_shared>>
          tpu.wait_indirect_dma semaphore(%arg17 : memref<!tpu.dma_semaphore, #tpu.memory_space<semaphore_mem>>) src(%dma_wait3A_273 : memref<32x128xf32, #tpu.memory_space<vmem>>) dst(%dma_wait3A_279 : memref<10016x128xf32, #tpu.memory_space<vmem_shared>>)
        } else {
        }
        %add3A_129 = arith.constant 1 : i32
        %add3A_130 = arith.addi %mul3A_78, %add3A_129 : i32
        %add3A_131 = arith.addi %mul3A_20, %add3A_130 : i32
        %lt3A_132 = arith.constant 2500 : i32
        %lt3A_133 = arith.cmpi slt, %add3A_131, %lt3A_132 : i32
        %jit3A_134 = arith.constant 0 : i32
        %select_n3A_135 = arith.select %lt3A_133, %add3A_131, %jit3A_134 : i32
        %mul3A_136 = arith.constant 4 : i32
        %mul3A_137 = arith.muli %mul3A_136, %add3A_131 : i32
        "tpu.region"() ({
          %run_scoped3A = tpu.sem_alloc : memref<!tpu.dma_semaphore, #tpu.memory_space<semaphore_mem>>
          %dma_start3A_240 = arith.constant 0 : i32
          %dma_start3A_241 = tpu.memref_slice %arg4[%mul3A_137, %dma_start3A_240] : memref<10240x32xi32, #tpu.memory_space<hbm>> -> memref<4x32xi32, #tpu.memory_space<hbm>>
          %dma_start3A_242 = arith.constant 0 : i32
          %dma_start3A_243 = tpu.memref_slice %arg4[%mul3A_137, %dma_start3A_242] : memref<10240x32xi32, #tpu.memory_space<hbm>> -> memref<4x32xi32, #tpu.memory_space<hbm>>
          tpu.enqueue_dma source(%dma_start3A_243 : memref<4x32xi32, #tpu.memory_space<hbm>>) target(%arg11 : memref<4x32xi32, #tpu.memory_space<vmem>>) target_semaphore(%run_scoped3A : memref<!tpu.dma_semaphore, #tpu.memory_space<semaphore_mem>>)
          %dma_wait3A_244 = arith.constant 0 : i32
          %dma_wait3A_245 = tpu.memref_slice %arg4[%mul3A_137, %dma_wait3A_244] : memref<10240x32xi32, #tpu.memory_space<hbm>> -> memref<4x32xi32, #tpu.memory_space<hbm>>
          %dma_wait3A_246 = arith.constant 0 : i32
          %dma_wait3A_247 = tpu.memref_slice %arg4[%mul3A_137, %dma_wait3A_246] : memref<10240x32xi32, #tpu.memory_space<hbm>> -> memref<4x32xi32, #tpu.memory_space<hbm>>
          tpu.wait_dma2 semaphore(%run_scoped3A : memref<!tpu.dma_semaphore, #tpu.memory_space<semaphore_mem>>) src(%dma_wait3A_247 : memref<4x32xi32, #tpu.memory_space<hbm>>) dst(%arg11 : memref<4x32xi32, #tpu.memory_space<vmem>>)
          tpu.yield
        }) : () -> ()
        %mul3A_138 = arith.constant 128 : i32
        %mul3A_139 = arith.muli %select_n3A_135, %mul3A_138 : i32
        %dma_start3A_140 = arith.constant 0 : i32
        %dma_start3A_141 = tpu.memref_slice %arg2[%mul3A_139, %dma_start3A_140] : memref<320000x128xf32, #tpu.memory_space<hbm>> -> memref<128x128xf32, #tpu.memory_space<hbm>>
        %dma_start3A_142 = arith.constant 0 : i32
        %dma_start3A_143 = tpu.memref_slice %arg2[%mul3A_139, %dma_start3A_142] : memref<320000x128xf32, #tpu.memory_space<hbm>> -> memref<128x128xf32, #tpu.memory_space<hbm>>
        tpu.enqueue_dma source(%dma_start3A_143 : memref<128x128xf32, #tpu.memory_space<hbm>>) target(%arg13 : memref<128x128xf32, #tpu.memory_space<vmem>>) target_semaphore(%arg15 : memref<!tpu.dma_semaphore, #tpu.memory_space<semaphore_mem>>)
        %dma_wait3A_144 = arith.constant 0 : i32
        %dma_wait3A_145 = arith.constant 0 : i32
        %dma_wait3A_146 = arith.constant 0 : i32
        %dma_wait3A_147 = tpu.memref_slice %arg12[%dma_wait3A_145, %dma_wait3A_146] : memref<128x128xf32, #tpu.memory_space<vmem>> -> memref<32x128xf32, #tpu.memory_space<vmem>>
        %dma_wait3A_148 = arith.constant 0 : i32
        %dma_wait3A_149 = tpu.memref_slice %arg10[%dma_wait3A_144, %dma_wait3A_148] : memref<4x32xi32, #tpu.memory_space<vmem>> -> memref<1x32xi32, #tpu.memory_space<vmem>>
        %dma_wait3A_150 = tpu.memref_squeeze %dma_wait3A_149 : memref<1x32xi32, #tpu.memory_space<vmem>> -> memref<32xi32, #tpu.memory_space<vmem>>
        %dma_wait3A_151 = arith.constant 0 : i32
        %dma_wait3A_152 = arith.constant 0 : i32
        %dma_wait3A_153 = tpu.memref_slice %arg9[%dma_wait3A_151, %dma_wait3A_152] : memref<10016x128xf32, #tpu.memory_space<vmem_shared>> -> memref<10016x128xf32, #tpu.memory_space<vmem_shared>>
        tpu.wait_indirect_dma semaphore(%arg16 : memref<!tpu.dma_semaphore, #tpu.memory_space<semaphore_mem>>) src(%dma_wait3A_147 : memref<32x128xf32, #tpu.memory_space<vmem>>) dst(%dma_wait3A_153 : memref<10016x128xf32, #tpu.memory_space<vmem_shared>>)
        %dma_wait3A_154 = arith.constant 1 : i32
        %dma_wait3A_155 = arith.constant 32 : i32
        %dma_wait3A_156 = arith.constant 0 : i32
        %dma_wait3A_157 = tpu.memref_slice %arg12[%dma_wait3A_155, %dma_wait3A_156] : memref<128x128xf32, #tpu.memory_space<vmem>> -> memref<32x128xf32, #tpu.memory_space<vmem>>
        %dma_wait3A_158 = arith.constant 0 : i32
        %dma_wait3A_159 = tpu.memref_slice %arg10[%dma_wait3A_154, %dma_wait3A_158] : memref<4x32xi32, #tpu.memory_space<vmem>> -> memref<1x32xi32, #tpu.memory_space<vmem>>
        %dma_wait3A_160 = tpu.memref_squeeze %dma_wait3A_159 : memref<1x32xi32, #tpu.memory_space<vmem>> -> memref<32xi32, #tpu.memory_space<vmem>>
        %dma_wait3A_161 = arith.constant 0 : i32
        %dma_wait3A_162 = arith.constant 0 : i32
        %dma_wait3A_163 = tpu.memref_slice %arg9[%dma_wait3A_161, %dma_wait3A_162] : memref<10016x128xf32, #tpu.memory_space<vmem_shared>> -> memref<10016x128xf32, #tpu.memory_space<vmem_shared>>
        tpu.wait_indirect_dma semaphore(%arg16 : memref<!tpu.dma_semaphore, #tpu.memory_space<semaphore_mem>>) src(%dma_wait3A_157 : memref<32x128xf32, #tpu.memory_space<vmem>>) dst(%dma_wait3A_163 : memref<10016x128xf32, #tpu.memory_space<vmem_shared>>)
        %dma_wait3A_164 = arith.constant 2 : i32
        %dma_wait3A_165 = arith.constant 64 : i32
        %dma_wait3A_166 = arith.constant 0 : i32
        %dma_wait3A_167 = tpu.memref_slice %arg12[%dma_wait3A_165, %dma_wait3A_166] : memref<128x128xf32, #tpu.memory_space<vmem>> -> memref<32x128xf32, #tpu.memory_space<vmem>>
        %dma_wait3A_168 = arith.constant 0 : i32
        %dma_wait3A_169 = tpu.memref_slice %arg10[%dma_wait3A_164, %dma_wait3A_168] : memref<4x32xi32, #tpu.memory_space<vmem>> -> memref<1x32xi32, #tpu.memory_space<vmem>>
        %dma_wait3A_170 = tpu.memref_squeeze %dma_wait3A_169 : memref<1x32xi32, #tpu.memory_space<vmem>> -> memref<32xi32, #tpu.memory_space<vmem>>
        %dma_wait3A_171 = arith.constant 0 : i32
        %dma_wait3A_172 = arith.constant 0 : i32
        %dma_wait3A_173 = tpu.memref_slice %arg9[%dma_wait3A_171, %dma_wait3A_172] : memref<10016x128xf32, #tpu.memory_space<vmem_shared>> -> memref<10016x128xf32, #tpu.memory_space<vmem_shared>>
        tpu.wait_indirect_dma semaphore(%arg16 : memref<!tpu.dma_semaphore, #tpu.memory_space<semaphore_mem>>) src(%dma_wait3A_167 : memref<32x128xf32, #tpu.memory_space<vmem>>) dst(%dma_wait3A_173 : memref<10016x128xf32, #tpu.memory_space<vmem_shared>>)
        %dma_wait3A_174 = arith.constant 3 : i32
        %dma_wait3A_175 = arith.constant 96 : i32
        %dma_wait3A_176 = arith.constant 0 : i32
        %dma_wait3A_177 = tpu.memref_slice %arg12[%dma_wait3A_175, %dma_wait3A_176] : memref<128x128xf32, #tpu.memory_space<vmem>> -> memref<32x128xf32, #tpu.memory_space<vmem>>
        %dma_wait3A_178 = arith.constant 0 : i32
        %dma_wait3A_179 = tpu.memref_slice %arg10[%dma_wait3A_174, %dma_wait3A_178] : memref<4x32xi32, #tpu.memory_space<vmem>> -> memref<1x32xi32, #tpu.memory_space<vmem>>
        %dma_wait3A_180 = tpu.memref_squeeze %dma_wait3A_179 : memref<1x32xi32, #tpu.memory_space<vmem>> -> memref<32xi32, #tpu.memory_space<vmem>>
        %dma_wait3A_181 = arith.constant 0 : i32
        %dma_wait3A_182 = arith.constant 0 : i32
        %dma_wait3A_183 = tpu.memref_slice %arg9[%dma_wait3A_181, %dma_wait3A_182] : memref<10016x128xf32, #tpu.memory_space<vmem_shared>> -> memref<10016x128xf32, #tpu.memory_space<vmem_shared>>
        tpu.wait_indirect_dma semaphore(%arg16 : memref<!tpu.dma_semaphore, #tpu.memory_space<semaphore_mem>>) src(%dma_wait3A_177 : memref<32x128xf32, #tpu.memory_space<vmem>>) dst(%dma_wait3A_183 : memref<10016x128xf32, #tpu.memory_space<vmem_shared>>)
        %add3A_184 = arith.constant 2 : i32
        %add3A_185 = arith.addi %mul3A_78, %add3A_184 : i32
        %lt3A_186 = arith.constant 160 : i32
        %lt3A_187 = arith.cmpi slt, %add3A_185, %lt3A_186 : i32
        %convert_element_type3A_188 = arith.extui %lt3A_187 : i1 to i32
        %cond3A_189 = arith.constant 0 : i32
        %cond3A_190 = arith.cmpi ne, %convert_element_type3A_188, %cond3A_189 : i32
        scf.if %cond3A_190 {
          %add3A_240 = arith.constant 2 : i32
          %add3A_241 = arith.addi %mul3A_78, %add3A_240 : i32
          %add3A_242 = arith.addi %mul3A_20, %add3A_241 : i32
          %lt3A_243 = arith.constant 2500 : i32
          %lt3A_244 = arith.cmpi slt, %add3A_242, %lt3A_243 : i32
          %jit3A_245 = arith.constant 0 : i32
          %select_n3A_246 = arith.select %lt3A_244, %add3A_242, %jit3A_245 : i32
          %mul3A_247 = arith.constant 4 : i32
          %mul3A_248 = arith.muli %mul3A_247, %add3A_242 : i32
          "tpu.region"() ({
            %run_scoped3A = tpu.sem_alloc : memref<!tpu.dma_semaphore, #tpu.memory_space<semaphore_mem>>
            %dma_start3A_255 = arith.constant 0 : i32
            %dma_start3A_256 = tpu.memref_slice %arg4[%mul3A_248, %dma_start3A_255] : memref<10240x32xi32, #tpu.memory_space<hbm>> -> memref<4x32xi32, #tpu.memory_space<hbm>>
            %dma_start3A_257 = arith.constant 0 : i32
            %dma_start3A_258 = tpu.memref_slice %arg4[%mul3A_248, %dma_start3A_257] : memref<10240x32xi32, #tpu.memory_space<hbm>> -> memref<4x32xi32, #tpu.memory_space<hbm>>
            tpu.enqueue_dma source(%dma_start3A_258 : memref<4x32xi32, #tpu.memory_space<hbm>>) target(%arg10 : memref<4x32xi32, #tpu.memory_space<vmem>>) target_semaphore(%run_scoped3A : memref<!tpu.dma_semaphore, #tpu.memory_space<semaphore_mem>>)
            %dma_wait3A_259 = arith.constant 0 : i32
            %dma_wait3A_260 = tpu.memref_slice %arg4[%mul3A_248, %dma_wait3A_259] : memref<10240x32xi32, #tpu.memory_space<hbm>> -> memref<4x32xi32, #tpu.memory_space<hbm>>
            %dma_wait3A_261 = arith.constant 0 : i32
            %dma_wait3A_262 = tpu.memref_slice %arg4[%mul3A_248, %dma_wait3A_261] : memref<10240x32xi32, #tpu.memory_space<hbm>> -> memref<4x32xi32, #tpu.memory_space<hbm>>
            tpu.wait_dma2 semaphore(%run_scoped3A : memref<!tpu.dma_semaphore, #tpu.memory_space<semaphore_mem>>) src(%dma_wait3A_262 : memref<4x32xi32, #tpu.memory_space<hbm>>) dst(%arg10 : memref<4x32xi32, #tpu.memory_space<vmem>>)
            tpu.yield
          }) : () -> ()
          %mul3A_249 = arith.constant 128 : i32
          %mul3A_250 = arith.muli %select_n3A_246, %mul3A_249 : i32
          %dma_start3A_251 = arith.constant 0 : i32
          %dma_start3A_252 = tpu.memref_slice %arg2[%mul3A_250, %dma_start3A_251] : memref<320000x128xf32, #tpu.memory_space<hbm>> -> memref<128x128xf32, #tpu.memory_space<hbm>>
          %dma_start3A_253 = arith.constant 0 : i32
          %dma_start3A_254 = tpu.memref_slice %arg2[%mul3A_250, %dma_start3A_253] : memref<320000x128xf32, #tpu.memory_space<hbm>> -> memref<128x128xf32, #tpu.memory_space<hbm>>
          tpu.enqueue_dma source(%dma_start3A_254 : memref<128x128xf32, #tpu.memory_space<hbm>>) target(%arg12 : memref<128x128xf32, #tpu.memory_space<vmem>>) target_semaphore(%arg14 : memref<!tpu.dma_semaphore, #tpu.memory_space<semaphore_mem>>)
        } else {
        }
        %add3A_191 = arith.constant 1 : i32
        %add3A_192 = arith.addi %mul3A_78, %add3A_191 : i32
        %dma_wait3A_193 = arith.constant 0 : i32
        %dma_wait3A_194 = arith.constant 0 : i32
        %dma_wait3A_195 = tpu.memref_slice %arg2[%dma_wait3A_193, %dma_wait3A_194] : memref<320000x128xf32, #tpu.memory_space<hbm>> -> memref<128x128xf32, #tpu.memory_space<hbm>>
        %dma_wait3A_196 = arith.constant 0 : i32
        %dma_wait3A_197 = arith.constant 0 : i32
        %dma_wait3A_198 = tpu.memref_slice %arg2[%dma_wait3A_196, %dma_wait3A_197] : memref<320000x128xf32, #tpu.memory_space<hbm>> -> memref<128x128xf32, #tpu.memory_space<hbm>>
        tpu.wait_dma2 semaphore(%arg15 : memref<!tpu.dma_semaphore, #tpu.memory_space<semaphore_mem>>) src(%dma_wait3A_198 : memref<128x128xf32, #tpu.memory_space<hbm>>) dst(%arg13 : memref<128x128xf32, #tpu.memory_space<vmem>>)
        %dma_start3A_199 = arith.constant 0 : i32
        %dma_start3A_200 = arith.constant 0 : i32
        %dma_start3A_201 = arith.constant 0 : i32
        %dma_start3A_202 = tpu.memref_slice %arg13[%dma_start3A_200, %dma_start3A_201] : memref<128x128xf32, #tpu.memory_space<vmem>> -> memref<32x128xf32, #tpu.memory_space<vmem>>
        %dma_start3A_203 = arith.constant 0 : i32
        %dma_start3A_204 = tpu.memref_slice %arg11[%dma_start3A_199, %dma_start3A_203] : memref<4x32xi32, #tpu.memory_space<vmem>> -> memref<1x32xi32, #tpu.memory_space<vmem>>
        %dma_start3A_205 = tpu.memref_squeeze %dma_start3A_204 : memref<1x32xi32, #tpu.memory_space<vmem>> -> memref<32xi32, #tpu.memory_space<vmem>>
        %dma_start3A_206 = arith.constant 0 : i32
        %dma_start3A_207 = arith.constant 0 : i32
        %dma_start3A_208 = tpu.memref_slice %arg9[%dma_start3A_206, %dma_start3A_207] : memref<10016x128xf32, #tpu.memory_space<vmem_shared>> -> memref<10016x128xf32, #tpu.memory_space<vmem_shared>>
        tpu.enqueue_indirect_dma source(%dma_start3A_202 : memref<32x128xf32, #tpu.memory_space<vmem>>) target(%dma_start3A_208 : memref<10016x128xf32, #tpu.memory_space<vmem_shared>>) offsets(%dma_start3A_205 : memref<32xi32, #tpu.memory_space<vmem>>) semaphore(%arg17 : memref<!tpu.dma_semaphore, #tpu.memory_space<semaphore_mem>>) {add = true}
        %dma_start3A_209 = arith.constant 1 : i32
        %dma_start3A_210 = arith.constant 32 : i32
        %dma_start3A_211 = arith.constant 0 : i32
        %dma_start3A_212 = tpu.memref_slice %arg13[%dma_start3A_210, %dma_start3A_211] : memref<128x128xf32, #tpu.memory_space<vmem>> -> memref<32x128xf32, #tpu.memory_space<vmem>>
        %dma_start3A_213 = arith.constant 0 : i32
        %dma_start3A_214 = tpu.memref_slice %arg11[%dma_start3A_209, %dma_start3A_213] : memref<4x32xi32, #tpu.memory_space<vmem>> -> memref<1x32xi32, #tpu.memory_space<vmem>>
        %dma_start3A_215 = tpu.memref_squeeze %dma_start3A_214 : memref<1x32xi32, #tpu.memory_space<vmem>> -> memref<32xi32, #tpu.memory_space<vmem>>
        %dma_start3A_216 = arith.constant 0 : i32
        %dma_start3A_217 = arith.constant 0 : i32
        %dma_start3A_218 = tpu.memref_slice %arg9[%dma_start3A_216, %dma_start3A_217] : memref<10016x128xf32, #tpu.memory_space<vmem_shared>> -> memref<10016x128xf32, #tpu.memory_space<vmem_shared>>
        tpu.enqueue_indirect_dma source(%dma_start3A_212 : memref<32x128xf32, #tpu.memory_space<vmem>>) target(%dma_start3A_218 : memref<10016x128xf32, #tpu.memory_space<vmem_shared>>) offsets(%dma_start3A_215 : memref<32xi32, #tpu.memory_space<vmem>>) semaphore(%arg17 : memref<!tpu.dma_semaphore, #tpu.memory_space<semaphore_mem>>) {add = true}
        %dma_start3A_219 = arith.constant 2 : i32
        %dma_start3A_220 = arith.constant 64 : i32
        %dma_start3A_221 = arith.constant 0 : i32
        %dma_start3A_222 = tpu.memref_slice %arg13[%dma_start3A_220, %dma_start3A_221] : memref<128x128xf32, #tpu.memory_space<vmem>> -> memref<32x128xf32, #tpu.memory_space<vmem>>
        %dma_start3A_223 = arith.constant 0 : i32
        %dma_start3A_224 = tpu.memref_slice %arg11[%dma_start3A_219, %dma_start3A_223] : memref<4x32xi32, #tpu.memory_space<vmem>> -> memref<1x32xi32, #tpu.memory_space<vmem>>
        %dma_start3A_225 = tpu.memref_squeeze %dma_start3A_224 : memref<1x32xi32, #tpu.memory_space<vmem>> -> memref<32xi32, #tpu.memory_space<vmem>>
        %dma_start3A_226 = arith.constant 0 : i32
        %dma_start3A_227 = arith.constant 0 : i32
        %dma_start3A_228 = tpu.memref_slice %arg9[%dma_start3A_226, %dma_start3A_227] : memref<10016x128xf32, #tpu.memory_space<vmem_shared>> -> memref<10016x128xf32, #tpu.memory_space<vmem_shared>>
        tpu.enqueue_indirect_dma source(%dma_start3A_222 : memref<32x128xf32, #tpu.memory_space<vmem>>) target(%dma_start3A_228 : memref<10016x128xf32, #tpu.memory_space<vmem_shared>>) offsets(%dma_start3A_225 : memref<32xi32, #tpu.memory_space<vmem>>) semaphore(%arg17 : memref<!tpu.dma_semaphore, #tpu.memory_space<semaphore_mem>>) {add = true}
        %dma_start3A_229 = arith.constant 3 : i32
        %dma_start3A_230 = arith.constant 96 : i32
        %dma_start3A_231 = arith.constant 0 : i32
        %dma_start3A_232 = tpu.memref_slice %arg13[%dma_start3A_230, %dma_start3A_231] : memref<128x128xf32, #tpu.memory_space<vmem>> -> memref<32x128xf32, #tpu.memory_space<vmem>>
        %dma_start3A_233 = arith.constant 0 : i32
        %dma_start3A_234 = tpu.memref_slice %arg11[%dma_start3A_229, %dma_start3A_233] : memref<4x32xi32, #tpu.memory_space<vmem>> -> memref<1x32xi32, #tpu.memory_space<vmem>>
        %dma_start3A_235 = tpu.memref_squeeze %dma_start3A_234 : memref<1x32xi32, #tpu.memory_space<vmem>> -> memref<32xi32, #tpu.memory_space<vmem>>
        %dma_start3A_236 = arith.constant 0 : i32
        %dma_start3A_237 = arith.constant 0 : i32
        %dma_start3A_238 = tpu.memref_slice %arg9[%dma_start3A_236, %dma_start3A_237] : memref<10016x128xf32, #tpu.memory_space<vmem_shared>> -> memref<10016x128xf32, #tpu.memory_space<vmem_shared>>
        tpu.enqueue_indirect_dma source(%dma_start3A_232 : memref<32x128xf32, #tpu.memory_space<vmem>>) target(%dma_start3A_238 : memref<10016x128xf32, #tpu.memory_space<vmem_shared>>) offsets(%dma_start3A_235 : memref<32xi32, #tpu.memory_space<vmem>>) semaphore(%arg17 : memref<!tpu.dma_semaphore, #tpu.memory_space<semaphore_mem>>) {add = true}
        %scan3A_239 = arith.constant 0 : i32
        scf.yield %scan3A_239 : i32
      }
      %scan3A_35 = arith.constant 80 : i32
      %dma_wait3A = arith.constant 0 : i32
      %dma_wait3A_36 = arith.constant 0 : i32
      %dma_wait3A_37 = arith.constant 0 : i32
      %dma_wait3A_38 = tpu.memref_slice %arg13[%dma_wait3A_36, %dma_wait3A_37] : memref<128x128xf32, #tpu.memory_space<vmem>> -> memref<32x128xf32, #tpu.memory_space<vmem>>
      %dma_wait3A_39 = arith.constant 0 : i32
      %dma_wait3A_40 = tpu.memref_slice %arg11[%dma_wait3A, %dma_wait3A_39] : memref<4x32xi32, #tpu.memory_space<vmem>> -> memref<1x32xi32, #tpu.memory_space<vmem>>
      %dma_wait3A_41 = tpu.memref_squeeze %dma_wait3A_40 : memref<1x32xi32, #tpu.memory_space<vmem>> -> memref<32xi32, #tpu.memory_space<vmem>>
      %dma_wait3A_42 = arith.constant 0 : i32
      %dma_wait3A_43 = arith.constant 0 : i32
      %dma_wait3A_44 = tpu.memref_slice %arg9[%dma_wait3A_42, %dma_wait3A_43] : memref<10016x128xf32, #tpu.memory_space<vmem_shared>> -> memref<10016x128xf32, #tpu.memory_space<vmem_shared>>
      tpu.wait_indirect_dma semaphore(%arg17 : memref<!tpu.dma_semaphore, #tpu.memory_space<semaphore_mem>>) src(%dma_wait3A_38 : memref<32x128xf32, #tpu.memory_space<vmem>>) dst(%dma_wait3A_44 : memref<10016x128xf32, #tpu.memory_space<vmem_shared>>)
      %dma_wait3A_45 = arith.constant 1 : i32
      %dma_wait3A_46 = arith.constant 32 : i32
      %dma_wait3A_47 = arith.constant 0 : i32
      %dma_wait3A_48 = tpu.memref_slice %arg13[%dma_wait3A_46, %dma_wait3A_47] : memref<128x128xf32, #tpu.memory_space<vmem>> -> memref<32x128xf32, #tpu.memory_space<vmem>>
      %dma_wait3A_49 = arith.constant 0 : i32
      %dma_wait3A_50 = tpu.memref_slice %arg11[%dma_wait3A_45, %dma_wait3A_49] : memref<4x32xi32, #tpu.memory_space<vmem>> -> memref<1x32xi32, #tpu.memory_space<vmem>>
      %dma_wait3A_51 = tpu.memref_squeeze %dma_wait3A_50 : memref<1x32xi32, #tpu.memory_space<vmem>> -> memref<32xi32, #tpu.memory_space<vmem>>
      %dma_wait3A_52 = arith.constant 0 : i32
      %dma_wait3A_53 = arith.constant 0 : i32
      %dma_wait3A_54 = tpu.memref_slice %arg9[%dma_wait3A_52, %dma_wait3A_53] : memref<10016x128xf32, #tpu.memory_space<vmem_shared>> -> memref<10016x128xf32, #tpu.memory_space<vmem_shared>>
      tpu.wait_indirect_dma semaphore(%arg17 : memref<!tpu.dma_semaphore, #tpu.memory_space<semaphore_mem>>) src(%dma_wait3A_48 : memref<32x128xf32, #tpu.memory_space<vmem>>) dst(%dma_wait3A_54 : memref<10016x128xf32, #tpu.memory_space<vmem_shared>>)
      %dma_wait3A_55 = arith.constant 2 : i32
      %dma_wait3A_56 = arith.constant 64 : i32
      %dma_wait3A_57 = arith.constant 0 : i32
      %dma_wait3A_58 = tpu.memref_slice %arg13[%dma_wait3A_56, %dma_wait3A_57] : memref<128x128xf32, #tpu.memory_space<vmem>> -> memref<32x128xf32, #tpu.memory_space<vmem>>
      %dma_wait3A_59 = arith.constant 0 : i32
      %dma_wait3A_60 = tpu.memref_slice %arg11[%dma_wait3A_55, %dma_wait3A_59] : memref<4x32xi32, #tpu.memory_space<vmem>> -> memref<1x32xi32, #tpu.memory_space<vmem>>
      %dma_wait3A_61 = tpu.memref_squeeze %dma_wait3A_60 : memref<1x32xi32, #tpu.memory_space<vmem>> -> memref<32xi32, #tpu.memory_space<vmem>>
      %dma_wait3A_62 = arith.constant 0 : i32
      %dma_wait3A_63 = arith.constant 0 : i32
      %dma_wait3A_64 = tpu.memref_slice %arg9[%dma_wait3A_62, %dma_wait3A_63] : memref<10016x128xf32, #tpu.memory_space<vmem_shared>> -> memref<10016x128xf32, #tpu.memory_space<vmem_shared>>
      tpu.wait_indirect_dma semaphore(%arg17 : memref<!tpu.dma_semaphore, #tpu.memory_space<semaphore_mem>>) src(%dma_wait3A_58 : memref<32x128xf32, #tpu.memory_space<vmem>>) dst(%dma_wait3A_64 : memref<10016x128xf32, #tpu.memory_space<vmem_shared>>)
      %dma_wait3A_65 = arith.constant 3 : i32
      %dma_wait3A_66 = arith.constant 96 : i32
      %dma_wait3A_67 = arith.constant 0 : i32
      %dma_wait3A_68 = tpu.memref_slice %arg13[%dma_wait3A_66, %dma_wait3A_67] : memref<128x128xf32, #tpu.memory_space<vmem>> -> memref<32x128xf32, #tpu.memory_space<vmem>>
      %dma_wait3A_69 = arith.constant 0 : i32
      %dma_wait3A_70 = tpu.memref_slice %arg11[%dma_wait3A_65, %dma_wait3A_69] : memref<4x32xi32, #tpu.memory_space<vmem>> -> memref<1x32xi32, #tpu.memory_space<vmem>>
      %dma_wait3A_71 = tpu.memref_squeeze %dma_wait3A_70 : memref<1x32xi32, #tpu.memory_space<vmem>> -> memref<32xi32, #tpu.memory_space<vmem>>
      %dma_wait3A_72 = arith.constant 0 : i32
      %dma_wait3A_73 = arith.constant 0 : i32
      %dma_wait3A_74 = tpu.memref_slice %arg9[%dma_wait3A_72, %dma_wait3A_73] : memref<10016x128xf32, #tpu.memory_space<vmem_shared>> -> memref<10016x128xf32, #tpu.memory_space<vmem_shared>>
      tpu.wait_indirect_dma semaphore(%arg17 : memref<!tpu.dma_semaphore, #tpu.memory_space<semaphore_mem>>) src(%dma_wait3A_68 : memref<32x128xf32, #tpu.memory_space<vmem>>) dst(%dma_wait3A_74 : memref<10016x128xf32, #tpu.memory_space<vmem_shared>>)
    } else {
    }
    %eq3A_3 = arith.constant 1 : i32
    %eq3A_4 = arith.cmpi eq, %arg0, %eq3A_3 : i32
    %convert_element_type3A_5 = arith.extui %eq3A_4 : i1 to i32
    %cond3A_6 = arith.constant 0 : i32
    %cond3A_7 = arith.cmpi ne, %convert_element_type3A_5, %cond3A_6 : i32
    scf.if %cond3A_7 {
      %mul3A_19 = arith.constant 160 : i32
      %mul3A_20 = arith.muli %arg1, %mul3A_19 : i32
      %add3A = arith.constant 0 : i32
      %add3A_21 = arith.addi %mul3A_20, %add3A : i32
      %lt3A = arith.constant 2500 : i32
      %lt3A_22 = arith.cmpi slt, %add3A_21, %lt3A : i32
      %jit3A = arith.constant 0 : i32
      %select_n3A = arith.select %lt3A_22, %add3A_21, %jit3A : i32
      %mul3A_23 = arith.constant 4 : i32
      %mul3A_24 = arith.muli %mul3A_23, %add3A_21 : i32
      "tpu.region"() ({
        %run_scoped3A = tpu.sem_alloc : memref<!tpu.dma_semaphore, #tpu.memory_space<semaphore_mem>>
        %dma_start3A_75 = arith.constant 0 : i32
        %dma_start3A_76 = tpu.memref_slice %arg5[%mul3A_24, %dma_start3A_75] : memref<10240x32xi32, #tpu.memory_space<hbm>> -> memref<4x32xi32, #tpu.memory_space<hbm>>
        %dma_start3A_77 = arith.constant 0 : i32
        %dma_start3A_78 = tpu.memref_slice %arg5[%mul3A_24, %dma_start3A_77] : memref<10240x32xi32, #tpu.memory_space<hbm>> -> memref<4x32xi32, #tpu.memory_space<hbm>>
        tpu.enqueue_dma source(%dma_start3A_78 : memref<4x32xi32, #tpu.memory_space<hbm>>) target(%arg10 : memref<4x32xi32, #tpu.memory_space<vmem>>) target_semaphore(%run_scoped3A : memref<!tpu.dma_semaphore, #tpu.memory_space<semaphore_mem>>)
        %dma_wait3A_79 = arith.constant 0 : i32
        %dma_wait3A_80 = tpu.memref_slice %arg5[%mul3A_24, %dma_wait3A_79] : memref<10240x32xi32, #tpu.memory_space<hbm>> -> memref<4x32xi32, #tpu.memory_space<hbm>>
        %dma_wait3A_81 = arith.constant 0 : i32
        %dma_wait3A_82 = tpu.memref_slice %arg5[%mul3A_24, %dma_wait3A_81] : memref<10240x32xi32, #tpu.memory_space<hbm>> -> memref<4x32xi32, #tpu.memory_space<hbm>>
        tpu.wait_dma2 semaphore(%run_scoped3A : memref<!tpu.dma_semaphore, #tpu.memory_space<semaphore_mem>>) src(%dma_wait3A_82 : memref<4x32xi32, #tpu.memory_space<hbm>>) dst(%arg10 : memref<4x32xi32, #tpu.memory_space<vmem>>)
        tpu.yield
      }) : () -> ()
      %mul3A_25 = arith.constant 128 : i32
      %mul3A_26 = arith.muli %select_n3A, %mul3A_25 : i32
      %dma_start3A = arith.constant 0 : i32
      %dma_start3A_27 = tpu.memref_slice %arg3[%mul3A_26, %dma_start3A] : memref<320000x128xf32, #tpu.memory_space<hbm>> -> memref<128x128xf32, #tpu.memory_space<hbm>>
      %dma_start3A_28 = arith.constant 0 : i32
      %dma_start3A_29 = tpu.memref_slice %arg3[%mul3A_26, %dma_start3A_28] : memref<320000x128xf32, #tpu.memory_space<hbm>> -> memref<128x128xf32, #tpu.memory_space<hbm>>
      tpu.enqueue_dma source(%dma_start3A_29 : memref<128x128xf32, #tpu.memory_space<hbm>>) target(%arg12 : memref<128x128xf32, #tpu.memory_space<vmem>>) target_semaphore(%arg14 : memref<!tpu.dma_semaphore, #tpu.memory_space<semaphore_mem>>)
      %scan3A = arith.constant 0 : i32
      %scan3A_30 = arith.constant 0 : i32
      %scan3A_31 = arith.constant 80 : i32
      %scan3A_32 = arith.addi %scan3A_30, %scan3A_31 : i32
      %scan3A_33 = arith.constant 1 : i32
      %scan3A_34 = scf.for %scan3A_75 = %scan3A_30 to %scan3A_32 step %scan3A_33 iter_args(%scan3A_76 = %scan3A) -> (i32)  : i32 {
        %mul3A_77 = arith.constant 2 : i32
        %mul3A_78 = arith.muli %scan3A_75, %mul3A_77 : i32
        %dma_wait3A_79 = arith.constant 0 : i32
        %dma_wait3A_80 = arith.constant 0 : i32
        %dma_wait3A_81 = tpu.memref_slice %arg3[%dma_wait3A_79, %dma_wait3A_80] : memref<320000x128xf32, #tpu.memory_space<hbm>> -> memref<128x128xf32, #tpu.memory_space<hbm>>
        %dma_wait3A_82 = arith.constant 0 : i32
        %dma_wait3A_83 = arith.constant 0 : i32
        %dma_wait3A_84 = tpu.memref_slice %arg3[%dma_wait3A_82, %dma_wait3A_83] : memref<320000x128xf32, #tpu.memory_space<hbm>> -> memref<128x128xf32, #tpu.memory_space<hbm>>
        tpu.wait_dma2 semaphore(%arg14 : memref<!tpu.dma_semaphore, #tpu.memory_space<semaphore_mem>>) src(%dma_wait3A_84 : memref<128x128xf32, #tpu.memory_space<hbm>>) dst(%arg12 : memref<128x128xf32, #tpu.memory_space<vmem>>)
        %dma_start3A_85 = arith.constant 0 : i32
        %dma_start3A_86 = arith.constant 0 : i32
        %dma_start3A_87 = arith.constant 0 : i32
        %dma_start3A_88 = tpu.memref_slice %arg12[%dma_start3A_86, %dma_start3A_87] : memref<128x128xf32, #tpu.memory_space<vmem>> -> memref<32x128xf32, #tpu.memory_space<vmem>>
        %dma_start3A_89 = arith.constant 0 : i32
        %dma_start3A_90 = tpu.memref_slice %arg10[%dma_start3A_85, %dma_start3A_89] : memref<4x32xi32, #tpu.memory_space<vmem>> -> memref<1x32xi32, #tpu.memory_space<vmem>>
        %dma_start3A_91 = tpu.memref_squeeze %dma_start3A_90 : memref<1x32xi32, #tpu.memory_space<vmem>> -> memref<32xi32, #tpu.memory_space<vmem>>
        %dma_start3A_92 = arith.constant 0 : i32
        %dma_start3A_93 = arith.constant 0 : i32
        %dma_start3A_94 = tpu.memref_slice %arg9[%dma_start3A_92, %dma_start3A_93] : memref<10016x128xf32, #tpu.memory_space<vmem_shared>> -> memref<10016x128xf32, #tpu.memory_space<vmem_shared>>
        tpu.enqueue_indirect_dma source(%dma_start3A_88 : memref<32x128xf32, #tpu.memory_space<vmem>>) target(%dma_start3A_94 : memref<10016x128xf32, #tpu.memory_space<vmem_shared>>) offsets(%dma_start3A_91 : memref<32xi32, #tpu.memory_space<vmem>>) semaphore(%arg16 : memref<!tpu.dma_semaphore, #tpu.memory_space<semaphore_mem>>) {add = true}
        %dma_start3A_95 = arith.constant 1 : i32
        %dma_start3A_96 = arith.constant 32 : i32
        %dma_start3A_97 = arith.constant 0 : i32
        %dma_start3A_98 = tpu.memref_slice %arg12[%dma_start3A_96, %dma_start3A_97] : memref<128x128xf32, #tpu.memory_space<vmem>> -> memref<32x128xf32, #tpu.memory_space<vmem>>
        %dma_start3A_99 = arith.constant 0 : i32
        %dma_start3A_100 = tpu.memref_slice %arg10[%dma_start3A_95, %dma_start3A_99] : memref<4x32xi32, #tpu.memory_space<vmem>> -> memref<1x32xi32, #tpu.memory_space<vmem>>
        %dma_start3A_101 = tpu.memref_squeeze %dma_start3A_100 : memref<1x32xi32, #tpu.memory_space<vmem>> -> memref<32xi32, #tpu.memory_space<vmem>>
        %dma_start3A_102 = arith.constant 0 : i32
        %dma_start3A_103 = arith.constant 0 : i32
        %dma_start3A_104 = tpu.memref_slice %arg9[%dma_start3A_102, %dma_start3A_103] : memref<10016x128xf32, #tpu.memory_space<vmem_shared>> -> memref<10016x128xf32, #tpu.memory_space<vmem_shared>>
        tpu.enqueue_indirect_dma source(%dma_start3A_98 : memref<32x128xf32, #tpu.memory_space<vmem>>) target(%dma_start3A_104 : memref<10016x128xf32, #tpu.memory_space<vmem_shared>>) offsets(%dma_start3A_101 : memref<32xi32, #tpu.memory_space<vmem>>) semaphore(%arg16 : memref<!tpu.dma_semaphore, #tpu.memory_space<semaphore_mem>>) {add = true}
        %dma_start3A_105 = arith.constant 2 : i32
        %dma_start3A_106 = arith.constant 64 : i32
        %dma_start3A_107 = arith.constant 0 : i32
        %dma_start3A_108 = tpu.memref_slice %arg12[%dma_start3A_106, %dma_start3A_107] : memref<128x128xf32, #tpu.memory_space<vmem>> -> memref<32x128xf32, #tpu.memory_space<vmem>>
        %dma_start3A_109 = arith.constant 0 : i32
        %dma_start3A_110 = tpu.memref_slice %arg10[%dma_start3A_105, %dma_start3A_109] : memref<4x32xi32, #tpu.memory_space<vmem>> -> memref<1x32xi32, #tpu.memory_space<vmem>>
        %dma_start3A_111 = tpu.memref_squeeze %dma_start3A_110 : memref<1x32xi32, #tpu.memory_space<vmem>> -> memref<32xi32, #tpu.memory_space<vmem>>
        %dma_start3A_112 = arith.constant 0 : i32
        %dma_start3A_113 = arith.constant 0 : i32
        %dma_start3A_114 = tpu.memref_slice %arg9[%dma_start3A_112, %dma_start3A_113] : memref<10016x128xf32, #tpu.memory_space<vmem_shared>> -> memref<10016x128xf32, #tpu.memory_space<vmem_shared>>
        tpu.enqueue_indirect_dma source(%dma_start3A_108 : memref<32x128xf32, #tpu.memory_space<vmem>>) target(%dma_start3A_114 : memref<10016x128xf32, #tpu.memory_space<vmem_shared>>) offsets(%dma_start3A_111 : memref<32xi32, #tpu.memory_space<vmem>>) semaphore(%arg16 : memref<!tpu.dma_semaphore, #tpu.memory_space<semaphore_mem>>) {add = true}
        %dma_start3A_115 = arith.constant 3 : i32
        %dma_start3A_116 = arith.constant 96 : i32
        %dma_start3A_117 = arith.constant 0 : i32
        %dma_start3A_118 = tpu.memref_slice %arg12[%dma_start3A_116, %dma_start3A_117] : memref<128x128xf32, #tpu.memory_space<vmem>> -> memref<32x128xf32, #tpu.memory_space<vmem>>
        %dma_start3A_119 = arith.constant 0 : i32
        %dma_start3A_120 = tpu.memref_slice %arg10[%dma_start3A_115, %dma_start3A_119] : memref<4x32xi32, #tpu.memory_space<vmem>> -> memref<1x32xi32, #tpu.memory_space<vmem>>
        %dma_start3A_121 = tpu.memref_squeeze %dma_start3A_120 : memref<1x32xi32, #tpu.memory_space<vmem>> -> memref<32xi32, #tpu.memory_space<vmem>>
        %dma_start3A_122 = arith.constant 0 : i32
        %dma_start3A_123 = arith.constant 0 : i32
        %dma_start3A_124 = tpu.memref_slice %arg9[%dma_start3A_122, %dma_start3A_123] : memref<10016x128xf32, #tpu.memory_space<vmem_shared>> -> memref<10016x128xf32, #tpu.memory_space<vmem_shared>>
        tpu.enqueue_indirect_dma source(%dma_start3A_118 : memref<32x128xf32, #tpu.memory_space<vmem>>) target(%dma_start3A_124 : memref<10016x128xf32, #tpu.memory_space<vmem_shared>>) offsets(%dma_start3A_121 : memref<32xi32, #tpu.memory_space<vmem>>) semaphore(%arg16 : memref<!tpu.dma_semaphore, #tpu.memory_space<semaphore_mem>>) {add = true}
        %gt3A = arith.constant 0 : i32
        %gt3A_125 = arith.cmpi sgt, %scan3A_75, %gt3A : i32
        %convert_element_type3A_126 = arith.extui %gt3A_125 : i1 to i32
        %cond3A_127 = arith.constant 0 : i32
        %cond3A_128 = arith.cmpi ne, %convert_element_type3A_126, %cond3A_127 : i32
        scf.if %cond3A_128 {
          %dma_wait3A_240 = arith.constant 0 : i32
          %dma_wait3A_241 = arith.constant 0 : i32
          %dma_wait3A_242 = arith.constant 0 : i32
          %dma_wait3A_243 = tpu.memref_slice %arg13[%dma_wait3A_241, %dma_wait3A_242] : memref<128x128xf32, #tpu.memory_space<vmem>> -> memref<32x128xf32, #tpu.memory_space<vmem>>
          %dma_wait3A_244 = arith.constant 0 : i32
          %dma_wait3A_245 = tpu.memref_slice %arg11[%dma_wait3A_240, %dma_wait3A_244] : memref<4x32xi32, #tpu.memory_space<vmem>> -> memref<1x32xi32, #tpu.memory_space<vmem>>
          %dma_wait3A_246 = tpu.memref_squeeze %dma_wait3A_245 : memref<1x32xi32, #tpu.memory_space<vmem>> -> memref<32xi32, #tpu.memory_space<vmem>>
          %dma_wait3A_247 = arith.constant 0 : i32
          %dma_wait3A_248 = arith.constant 0 : i32
          %dma_wait3A_249 = tpu.memref_slice %arg9[%dma_wait3A_247, %dma_wait3A_248] : memref<10016x128xf32, #tpu.memory_space<vmem_shared>> -> memref<10016x128xf32, #tpu.memory_space<vmem_shared>>
          tpu.wait_indirect_dma semaphore(%arg17 : memref<!tpu.dma_semaphore, #tpu.memory_space<semaphore_mem>>) src(%dma_wait3A_243 : memref<32x128xf32, #tpu.memory_space<vmem>>) dst(%dma_wait3A_249 : memref<10016x128xf32, #tpu.memory_space<vmem_shared>>)
          %dma_wait3A_250 = arith.constant 1 : i32
          %dma_wait3A_251 = arith.constant 32 : i32
          %dma_wait3A_252 = arith.constant 0 : i32
          %dma_wait3A_253 = tpu.memref_slice %arg13[%dma_wait3A_251, %dma_wait3A_252] : memref<128x128xf32, #tpu.memory_space<vmem>> -> memref<32x128xf32, #tpu.memory_space<vmem>>
          %dma_wait3A_254 = arith.constant 0 : i32
          %dma_wait3A_255 = tpu.memref_slice %arg11[%dma_wait3A_250, %dma_wait3A_254] : memref<4x32xi32, #tpu.memory_space<vmem>> -> memref<1x32xi32, #tpu.memory_space<vmem>>
          %dma_wait3A_256 = tpu.memref_squeeze %dma_wait3A_255 : memref<1x32xi32, #tpu.memory_space<vmem>> -> memref<32xi32, #tpu.memory_space<vmem>>
          %dma_wait3A_257 = arith.constant 0 : i32
          %dma_wait3A_258 = arith.constant 0 : i32
          %dma_wait3A_259 = tpu.memref_slice %arg9[%dma_wait3A_257, %dma_wait3A_258] : memref<10016x128xf32, #tpu.memory_space<vmem_shared>> -> memref<10016x128xf32, #tpu.memory_space<vmem_shared>>
          tpu.wait_indirect_dma semaphore(%arg17 : memref<!tpu.dma_semaphore, #tpu.memory_space<semaphore_mem>>) src(%dma_wait3A_253 : memref<32x128xf32, #tpu.memory_space<vmem>>) dst(%dma_wait3A_259 : memref<10016x128xf32, #tpu.memory_space<vmem_shared>>)
          %dma_wait3A_260 = arith.constant 2 : i32
          %dma_wait3A_261 = arith.constant 64 : i32
          %dma_wait3A_262 = arith.constant 0 : i32
          %dma_wait3A_263 = tpu.memref_slice %arg13[%dma_wait3A_261, %dma_wait3A_262] : memref<128x128xf32, #tpu.memory_space<vmem>> -> memref<32x128xf32, #tpu.memory_space<vmem>>
          %dma_wait3A_264 = arith.constant 0 : i32
          %dma_wait3A_265 = tpu.memref_slice %arg11[%dma_wait3A_260, %dma_wait3A_264] : memref<4x32xi32, #tpu.memory_space<vmem>> -> memref<1x32xi32, #tpu.memory_space<vmem>>
          %dma_wait3A_266 = tpu.memref_squeeze %dma_wait3A_265 : memref<1x32xi32, #tpu.memory_space<vmem>> -> memref<32xi32, #tpu.memory_space<vmem>>
          %dma_wait3A_267 = arith.constant 0 : i32
          %dma_wait3A_268 = arith.constant 0 : i32
          %dma_wait3A_269 = tpu.memref_slice %arg9[%dma_wait3A_267, %dma_wait3A_268] : memref<10016x128xf32, #tpu.memory_space<vmem_shared>> -> memref<10016x128xf32, #tpu.memory_space<vmem_shared>>
          tpu.wait_indirect_dma semaphore(%arg17 : memref<!tpu.dma_semaphore, #tpu.memory_space<semaphore_mem>>) src(%dma_wait3A_263 : memref<32x128xf32, #tpu.memory_space<vmem>>) dst(%dma_wait3A_269 : memref<10016x128xf32, #tpu.memory_space<vmem_shared>>)
          %dma_wait3A_270 = arith.constant 3 : i32
          %dma_wait3A_271 = arith.constant 96 : i32
          %dma_wait3A_272 = arith.constant 0 : i32
          %dma_wait3A_273 = tpu.memref_slice %arg13[%dma_wait3A_271, %dma_wait3A_272] : memref<128x128xf32, #tpu.memory_space<vmem>> -> memref<32x128xf32, #tpu.memory_space<vmem>>
          %dma_wait3A_274 = arith.constant 0 : i32
          %dma_wait3A_275 = tpu.memref_slice %arg11[%dma_wait3A_270, %dma_wait3A_274] : memref<4x32xi32, #tpu.memory_space<vmem>> -> memref<1x32xi32, #tpu.memory_space<vmem>>
          %dma_wait3A_276 = tpu.memref_squeeze %dma_wait3A_275 : memref<1x32xi32, #tpu.memory_space<vmem>> -> memref<32xi32, #tpu.memory_space<vmem>>
          %dma_wait3A_277 = arith.constant 0 : i32
          %dma_wait3A_278 = arith.constant 0 : i32
          %dma_wait3A_279 = tpu.memref_slice %arg9[%dma_wait3A_277, %dma_wait3A_278] : memref<10016x128xf32, #tpu.memory_space<vmem_shared>> -> memref<10016x128xf32, #tpu.memory_space<vmem_shared>>
          tpu.wait_indirect_dma semaphore(%arg17 : memref<!tpu.dma_semaphore, #tpu.memory_space<semaphore_mem>>) src(%dma_wait3A_273 : memref<32x128xf32, #tpu.memory_space<vmem>>) dst(%dma_wait3A_279 : memref<10016x128xf32, #tpu.memory_space<vmem_shared>>)
        } else {
        }
        %add3A_129 = arith.constant 1 : i32
        %add3A_130 = arith.addi %mul3A_78, %add3A_129 : i32
        %add3A_131 = arith.addi %mul3A_20, %add3A_130 : i32
        %lt3A_132 = arith.constant 2500 : i32
        %lt3A_133 = arith.cmpi slt, %add3A_131, %lt3A_132 : i32
        %jit3A_134 = arith.constant 0 : i32
        %select_n3A_135 = arith.select %lt3A_133, %add3A_131, %jit3A_134 : i32
        %mul3A_136 = arith.constant 4 : i32
        %mul3A_137 = arith.muli %mul3A_136, %add3A_131 : i32
        "tpu.region"() ({
          %run_scoped3A = tpu.sem_alloc : memref<!tpu.dma_semaphore, #tpu.memory_space<semaphore_mem>>
          %dma_start3A_240 = arith.constant 0 : i32
          %dma_start3A_241 = tpu.memref_slice %arg5[%mul3A_137, %dma_start3A_240] : memref<10240x32xi32, #tpu.memory_space<hbm>> -> memref<4x32xi32, #tpu.memory_space<hbm>>
          %dma_start3A_242 = arith.constant 0 : i32
          %dma_start3A_243 = tpu.memref_slice %arg5[%mul3A_137, %dma_start3A_242] : memref<10240x32xi32, #tpu.memory_space<hbm>> -> memref<4x32xi32, #tpu.memory_space<hbm>>
          tpu.enqueue_dma source(%dma_start3A_243 : memref<4x32xi32, #tpu.memory_space<hbm>>) target(%arg11 : memref<4x32xi32, #tpu.memory_space<vmem>>) target_semaphore(%run_scoped3A : memref<!tpu.dma_semaphore, #tpu.memory_space<semaphore_mem>>)
          %dma_wait3A_244 = arith.constant 0 : i32
          %dma_wait3A_245 = tpu.memref_slice %arg5[%mul3A_137, %dma_wait3A_244] : memref<10240x32xi32, #tpu.memory_space<hbm>> -> memref<4x32xi32, #tpu.memory_space<hbm>>
          %dma_wait3A_246 = arith.constant 0 : i32
          %dma_wait3A_247 = tpu.memref_slice %arg5[%mul3A_137, %dma_wait3A_246] : memref<10240x32xi32, #tpu.memory_space<hbm>> -> memref<4x32xi32, #tpu.memory_space<hbm>>
          tpu.wait_dma2 semaphore(%run_scoped3A : memref<!tpu.dma_semaphore, #tpu.memory_space<semaphore_mem>>) src(%dma_wait3A_247 : memref<4x32xi32, #tpu.memory_space<hbm>>) dst(%arg11 : memref<4x32xi32, #tpu.memory_space<vmem>>)
          tpu.yield
        }) : () -> ()
        %mul3A_138 = arith.constant 128 : i32
        %mul3A_139 = arith.muli %select_n3A_135, %mul3A_138 : i32
        %dma_start3A_140 = arith.constant 0 : i32
        %dma_start3A_141 = tpu.memref_slice %arg3[%mul3A_139, %dma_start3A_140] : memref<320000x128xf32, #tpu.memory_space<hbm>> -> memref<128x128xf32, #tpu.memory_space<hbm>>
        %dma_start3A_142 = arith.constant 0 : i32
        %dma_start3A_143 = tpu.memref_slice %arg3[%mul3A_139, %dma_start3A_142] : memref<320000x128xf32, #tpu.memory_space<hbm>> -> memref<128x128xf32, #tpu.memory_space<hbm>>
        tpu.enqueue_dma source(%dma_start3A_143 : memref<128x128xf32, #tpu.memory_space<hbm>>) target(%arg13 : memref<128x128xf32, #tpu.memory_space<vmem>>) target_semaphore(%arg15 : memref<!tpu.dma_semaphore, #tpu.memory_space<semaphore_mem>>)
        %dma_wait3A_144 = arith.constant 0 : i32
        %dma_wait3A_145 = arith.constant 0 : i32
        %dma_wait3A_146 = arith.constant 0 : i32
        %dma_wait3A_147 = tpu.memref_slice %arg12[%dma_wait3A_145, %dma_wait3A_146] : memref<128x128xf32, #tpu.memory_space<vmem>> -> memref<32x128xf32, #tpu.memory_space<vmem>>
        %dma_wait3A_148 = arith.constant 0 : i32
        %dma_wait3A_149 = tpu.memref_slice %arg10[%dma_wait3A_144, %dma_wait3A_148] : memref<4x32xi32, #tpu.memory_space<vmem>> -> memref<1x32xi32, #tpu.memory_space<vmem>>
        %dma_wait3A_150 = tpu.memref_squeeze %dma_wait3A_149 : memref<1x32xi32, #tpu.memory_space<vmem>> -> memref<32xi32, #tpu.memory_space<vmem>>
        %dma_wait3A_151 = arith.constant 0 : i32
        %dma_wait3A_152 = arith.constant 0 : i32
        %dma_wait3A_153 = tpu.memref_slice %arg9[%dma_wait3A_151, %dma_wait3A_152] : memref<10016x128xf32, #tpu.memory_space<vmem_shared>> -> memref<10016x128xf32, #tpu.memory_space<vmem_shared>>
        tpu.wait_indirect_dma semaphore(%arg16 : memref<!tpu.dma_semaphore, #tpu.memory_space<semaphore_mem>>) src(%dma_wait3A_147 : memref<32x128xf32, #tpu.memory_space<vmem>>) dst(%dma_wait3A_153 : memref<10016x128xf32, #tpu.memory_space<vmem_shared>>)
        %dma_wait3A_154 = arith.constant 1 : i32
        %dma_wait3A_155 = arith.constant 32 : i32
        %dma_wait3A_156 = arith.constant 0 : i32
        %dma_wait3A_157 = tpu.memref_slice %arg12[%dma_wait3A_155, %dma_wait3A_156] : memref<128x128xf32, #tpu.memory_space<vmem>> -> memref<32x128xf32, #tpu.memory_space<vmem>>
        %dma_wait3A_158 = arith.constant 0 : i32
        %dma_wait3A_159 = tpu.memref_slice %arg10[%dma_wait3A_154, %dma_wait3A_158] : memref<4x32xi32, #tpu.memory_space<vmem>> -> memref<1x32xi32, #tpu.memory_space<vmem>>
        %dma_wait3A_160 = tpu.memref_squeeze %dma_wait3A_159 : memref<1x32xi32, #tpu.memory_space<vmem>> -> memref<32xi32, #tpu.memory_space<vmem>>
        %dma_wait3A_161 = arith.constant 0 : i32
        %dma_wait3A_162 = arith.constant 0 : i32
        %dma_wait3A_163 = tpu.memref_slice %arg9[%dma_wait3A_161, %dma_wait3A_162] : memref<10016x128xf32, #tpu.memory_space<vmem_shared>> -> memref<10016x128xf32, #tpu.memory_space<vmem_shared>>
        tpu.wait_indirect_dma semaphore(%arg16 : memref<!tpu.dma_semaphore, #tpu.memory_space<semaphore_mem>>) src(%dma_wait3A_157 : memref<32x128xf32, #tpu.memory_space<vmem>>) dst(%dma_wait3A_163 : memref<10016x128xf32, #tpu.memory_space<vmem_shared>>)
        %dma_wait3A_164 = arith.constant 2 : i32
        %dma_wait3A_165 = arith.constant 64 : i32
        %dma_wait3A_166 = arith.constant 0 : i32
        %dma_wait3A_167 = tpu.memref_slice %arg12[%dma_wait3A_165, %dma_wait3A_166] : memref<128x128xf32, #tpu.memory_space<vmem>> -> memref<32x128xf32, #tpu.memory_space<vmem>>
        %dma_wait3A_168 = arith.constant 0 : i32
        %dma_wait3A_169 = tpu.memref_slice %arg10[%dma_wait3A_164, %dma_wait3A_168] : memref<4x32xi32, #tpu.memory_space<vmem>> -> memref<1x32xi32, #tpu.memory_space<vmem>>
        %dma_wait3A_170 = tpu.memref_squeeze %dma_wait3A_169 : memref<1x32xi32, #tpu.memory_space<vmem>> -> memref<32xi32, #tpu.memory_space<vmem>>
        %dma_wait3A_171 = arith.constant 0 : i32
        %dma_wait3A_172 = arith.constant 0 : i32
        %dma_wait3A_173 = tpu.memref_slice %arg9[%dma_wait3A_171, %dma_wait3A_172] : memref<10016x128xf32, #tpu.memory_space<vmem_shared>> -> memref<10016x128xf32, #tpu.memory_space<vmem_shared>>
        tpu.wait_indirect_dma semaphore(%arg16 : memref<!tpu.dma_semaphore, #tpu.memory_space<semaphore_mem>>) src(%dma_wait3A_167 : memref<32x128xf32, #tpu.memory_space<vmem>>) dst(%dma_wait3A_173 : memref<10016x128xf32, #tpu.memory_space<vmem_shared>>)
        %dma_wait3A_174 = arith.constant 3 : i32
        %dma_wait3A_175 = arith.constant 96 : i32
        %dma_wait3A_176 = arith.constant 0 : i32
        %dma_wait3A_177 = tpu.memref_slice %arg12[%dma_wait3A_175, %dma_wait3A_176] : memref<128x128xf32, #tpu.memory_space<vmem>> -> memref<32x128xf32, #tpu.memory_space<vmem>>
        %dma_wait3A_178 = arith.constant 0 : i32
        %dma_wait3A_179 = tpu.memref_slice %arg10[%dma_wait3A_174, %dma_wait3A_178] : memref<4x32xi32, #tpu.memory_space<vmem>> -> memref<1x32xi32, #tpu.memory_space<vmem>>
        %dma_wait3A_180 = tpu.memref_squeeze %dma_wait3A_179 : memref<1x32xi32, #tpu.memory_space<vmem>> -> memref<32xi32, #tpu.memory_space<vmem>>
        %dma_wait3A_181 = arith.constant 0 : i32
        %dma_wait3A_182 = arith.constant 0 : i32
        %dma_wait3A_183 = tpu.memref_slice %arg9[%dma_wait3A_181, %dma_wait3A_182] : memref<10016x128xf32, #tpu.memory_space<vmem_shared>> -> memref<10016x128xf32, #tpu.memory_space<vmem_shared>>
        tpu.wait_indirect_dma semaphore(%arg16 : memref<!tpu.dma_semaphore, #tpu.memory_space<semaphore_mem>>) src(%dma_wait3A_177 : memref<32x128xf32, #tpu.memory_space<vmem>>) dst(%dma_wait3A_183 : memref<10016x128xf32, #tpu.memory_space<vmem_shared>>)
        %add3A_184 = arith.constant 2 : i32
        %add3A_185 = arith.addi %mul3A_78, %add3A_184 : i32
        %lt3A_186 = arith.constant 160 : i32
        %lt3A_187 = arith.cmpi slt, %add3A_185, %lt3A_186 : i32
        %convert_element_type3A_188 = arith.extui %lt3A_187 : i1 to i32
        %cond3A_189 = arith.constant 0 : i32
        %cond3A_190 = arith.cmpi ne, %convert_element_type3A_188, %cond3A_189 : i32
        scf.if %cond3A_190 {
          %add3A_240 = arith.constant 2 : i32
          %add3A_241 = arith.addi %mul3A_78, %add3A_240 : i32
          %add3A_242 = arith.addi %mul3A_20, %add3A_241 : i32
          %lt3A_243 = arith.constant 2500 : i32
          %lt3A_244 = arith.cmpi slt, %add3A_242, %lt3A_243 : i32
          %jit3A_245 = arith.constant 0 : i32
          %select_n3A_246 = arith.select %lt3A_244, %add3A_242, %jit3A_245 : i32
          %mul3A_247 = arith.constant 4 : i32
          %mul3A_248 = arith.muli %mul3A_247, %add3A_242 : i32
          "tpu.region"() ({
            %run_scoped3A = tpu.sem_alloc : memref<!tpu.dma_semaphore, #tpu.memory_space<semaphore_mem>>
            %dma_start3A_255 = arith.constant 0 : i32
            %dma_start3A_256 = tpu.memref_slice %arg5[%mul3A_248, %dma_start3A_255] : memref<10240x32xi32, #tpu.memory_space<hbm>> -> memref<4x32xi32, #tpu.memory_space<hbm>>
            %dma_start3A_257 = arith.constant 0 : i32
            %dma_start3A_258 = tpu.memref_slice %arg5[%mul3A_248, %dma_start3A_257] : memref<10240x32xi32, #tpu.memory_space<hbm>> -> memref<4x32xi32, #tpu.memory_space<hbm>>
            tpu.enqueue_dma source(%dma_start3A_258 : memref<4x32xi32, #tpu.memory_space<hbm>>) target(%arg10 : memref<4x32xi32, #tpu.memory_space<vmem>>) target_semaphore(%run_scoped3A : memref<!tpu.dma_semaphore, #tpu.memory_space<semaphore_mem>>)
            %dma_wait3A_259 = arith.constant 0 : i32
            %dma_wait3A_260 = tpu.memref_slice %arg5[%mul3A_248, %dma_wait3A_259] : memref<10240x32xi32, #tpu.memory_space<hbm>> -> memref<4x32xi32, #tpu.memory_space<hbm>>
            %dma_wait3A_261 = arith.constant 0 : i32
            %dma_wait3A_262 = tpu.memref_slice %arg5[%mul3A_248, %dma_wait3A_261] : memref<10240x32xi32, #tpu.memory_space<hbm>> -> memref<4x32xi32, #tpu.memory_space<hbm>>
            tpu.wait_dma2 semaphore(%run_scoped3A : memref<!tpu.dma_semaphore, #tpu.memory_space<semaphore_mem>>) src(%dma_wait3A_262 : memref<4x32xi32, #tpu.memory_space<hbm>>) dst(%arg10 : memref<4x32xi32, #tpu.memory_space<vmem>>)
            tpu.yield
          }) : () -> ()
          %mul3A_249 = arith.constant 128 : i32
          %mul3A_250 = arith.muli %select_n3A_246, %mul3A_249 : i32
          %dma_start3A_251 = arith.constant 0 : i32
          %dma_start3A_252 = tpu.memref_slice %arg3[%mul3A_250, %dma_start3A_251] : memref<320000x128xf32, #tpu.memory_space<hbm>> -> memref<128x128xf32, #tpu.memory_space<hbm>>
          %dma_start3A_253 = arith.constant 0 : i32
          %dma_start3A_254 = tpu.memref_slice %arg3[%mul3A_250, %dma_start3A_253] : memref<320000x128xf32, #tpu.memory_space<hbm>> -> memref<128x128xf32, #tpu.memory_space<hbm>>
          tpu.enqueue_dma source(%dma_start3A_254 : memref<128x128xf32, #tpu.memory_space<hbm>>) target(%arg12 : memref<128x128xf32, #tpu.memory_space<vmem>>) target_semaphore(%arg14 : memref<!tpu.dma_semaphore, #tpu.memory_space<semaphore_mem>>)
        } else {
        }
        %add3A_191 = arith.constant 1 : i32
        %add3A_192 = arith.addi %mul3A_78, %add3A_191 : i32
        %dma_wait3A_193 = arith.constant 0 : i32
        %dma_wait3A_194 = arith.constant 0 : i32
        %dma_wait3A_195 = tpu.memref_slice %arg3[%dma_wait3A_193, %dma_wait3A_194] : memref<320000x128xf32, #tpu.memory_space<hbm>> -> memref<128x128xf32, #tpu.memory_space<hbm>>
        %dma_wait3A_196 = arith.constant 0 : i32
        %dma_wait3A_197 = arith.constant 0 : i32
        %dma_wait3A_198 = tpu.memref_slice %arg3[%dma_wait3A_196, %dma_wait3A_197] : memref<320000x128xf32, #tpu.memory_space<hbm>> -> memref<128x128xf32, #tpu.memory_space<hbm>>
        tpu.wait_dma2 semaphore(%arg15 : memref<!tpu.dma_semaphore, #tpu.memory_space<semaphore_mem>>) src(%dma_wait3A_198 : memref<128x128xf32, #tpu.memory_space<hbm>>) dst(%arg13 : memref<128x128xf32, #tpu.memory_space<vmem>>)
        %dma_start3A_199 = arith.constant 0 : i32
        %dma_start3A_200 = arith.constant 0 : i32
        %dma_start3A_201 = arith.constant 0 : i32
        %dma_start3A_202 = tpu.memref_slice %arg13[%dma_start3A_200, %dma_start3A_201] : memref<128x128xf32, #tpu.memory_space<vmem>> -> memref<32x128xf32, #tpu.memory_space<vmem>>
        %dma_start3A_203 = arith.constant 0 : i32
        %dma_start3A_204 = tpu.memref_slice %arg11[%dma_start3A_199, %dma_start3A_203] : memref<4x32xi32, #tpu.memory_space<vmem>> -> memref<1x32xi32, #tpu.memory_space<vmem>>
        %dma_start3A_205 = tpu.memref_squeeze %dma_start3A_204 : memref<1x32xi32, #tpu.memory_space<vmem>> -> memref<32xi32, #tpu.memory_space<vmem>>
        %dma_start3A_206 = arith.constant 0 : i32
        %dma_start3A_207 = arith.constant 0 : i32
        %dma_start3A_208 = tpu.memref_slice %arg9[%dma_start3A_206, %dma_start3A_207] : memref<10016x128xf32, #tpu.memory_space<vmem_shared>> -> memref<10016x128xf32, #tpu.memory_space<vmem_shared>>
        tpu.enqueue_indirect_dma source(%dma_start3A_202 : memref<32x128xf32, #tpu.memory_space<vmem>>) target(%dma_start3A_208 : memref<10016x128xf32, #tpu.memory_space<vmem_shared>>) offsets(%dma_start3A_205 : memref<32xi32, #tpu.memory_space<vmem>>) semaphore(%arg17 : memref<!tpu.dma_semaphore, #tpu.memory_space<semaphore_mem>>) {add = true}
        %dma_start3A_209 = arith.constant 1 : i32
        %dma_start3A_210 = arith.constant 32 : i32
        %dma_start3A_211 = arith.constant 0 : i32
        %dma_start3A_212 = tpu.memref_slice %arg13[%dma_start3A_210, %dma_start3A_211] : memref<128x128xf32, #tpu.memory_space<vmem>> -> memref<32x128xf32, #tpu.memory_space<vmem>>
        %dma_start3A_213 = arith.constant 0 : i32
        %dma_start3A_214 = tpu.memref_slice %arg11[%dma_start3A_209, %dma_start3A_213] : memref<4x32xi32, #tpu.memory_space<vmem>> -> memref<1x32xi32, #tpu.memory_space<vmem>>
        %dma_start3A_215 = tpu.memref_squeeze %dma_start3A_214 : memref<1x32xi32, #tpu.memory_space<vmem>> -> memref<32xi32, #tpu.memory_space<vmem>>
        %dma_start3A_216 = arith.constant 0 : i32
        %dma_start3A_217 = arith.constant 0 : i32
        %dma_start3A_218 = tpu.memref_slice %arg9[%dma_start3A_216, %dma_start3A_217] : memref<10016x128xf32, #tpu.memory_space<vmem_shared>> -> memref<10016x128xf32, #tpu.memory_space<vmem_shared>>
        tpu.enqueue_indirect_dma source(%dma_start3A_212 : memref<32x128xf32, #tpu.memory_space<vmem>>) target(%dma_start3A_218 : memref<10016x128xf32, #tpu.memory_space<vmem_shared>>) offsets(%dma_start3A_215 : memref<32xi32, #tpu.memory_space<vmem>>) semaphore(%arg17 : memref<!tpu.dma_semaphore, #tpu.memory_space<semaphore_mem>>) {add = true}
        %dma_start3A_219 = arith.constant 2 : i32
        %dma_start3A_220 = arith.constant 64 : i32
        %dma_start3A_221 = arith.constant 0 : i32
        %dma_start3A_222 = tpu.memref_slice %arg13[%dma_start3A_220, %dma_start3A_221] : memref<128x128xf32, #tpu.memory_space<vmem>> -> memref<32x128xf32, #tpu.memory_space<vmem>>
        %dma_start3A_223 = arith.constant 0 : i32
        %dma_start3A_224 = tpu.memref_slice %arg11[%dma_start3A_219, %dma_start3A_223] : memref<4x32xi32, #tpu.memory_space<vmem>> -> memref<1x32xi32, #tpu.memory_space<vmem>>
        %dma_start3A_225 = tpu.memref_squeeze %dma_start3A_224 : memref<1x32xi32, #tpu.memory_space<vmem>> -> memref<32xi32, #tpu.memory_space<vmem>>
        %dma_start3A_226 = arith.constant 0 : i32
        %dma_start3A_227 = arith.constant 0 : i32
        %dma_start3A_228 = tpu.memref_slice %arg9[%dma_start3A_226, %dma_start3A_227] : memref<10016x128xf32, #tpu.memory_space<vmem_shared>> -> memref<10016x128xf32, #tpu.memory_space<vmem_shared>>
        tpu.enqueue_indirect_dma source(%dma_start3A_222 : memref<32x128xf32, #tpu.memory_space<vmem>>) target(%dma_start3A_228 : memref<10016x128xf32, #tpu.memory_space<vmem_shared>>) offsets(%dma_start3A_225 : memref<32xi32, #tpu.memory_space<vmem>>) semaphore(%arg17 : memref<!tpu.dma_semaphore, #tpu.memory_space<semaphore_mem>>) {add = true}
        %dma_start3A_229 = arith.constant 3 : i32
        %dma_start3A_230 = arith.constant 96 : i32
        %dma_start3A_231 = arith.constant 0 : i32
        %dma_start3A_232 = tpu.memref_slice %arg13[%dma_start3A_230, %dma_start3A_231] : memref<128x128xf32, #tpu.memory_space<vmem>> -> memref<32x128xf32, #tpu.memory_space<vmem>>
        %dma_start3A_233 = arith.constant 0 : i32
        %dma_start3A_234 = tpu.memref_slice %arg11[%dma_start3A_229, %dma_start3A_233] : memref<4x32xi32, #tpu.memory_space<vmem>> -> memref<1x32xi32, #tpu.memory_space<vmem>>
        %dma_start3A_235 = tpu.memref_squeeze %dma_start3A_234 : memref<1x32xi32, #tpu.memory_space<vmem>> -> memref<32xi32, #tpu.memory_space<vmem>>
        %dma_start3A_236 = arith.constant 0 : i32
        %dma_start3A_237 = arith.constant 0 : i32
        %dma_start3A_238 = tpu.memref_slice %arg9[%dma_start3A_236, %dma_start3A_237] : memref<10016x128xf32, #tpu.memory_space<vmem_shared>> -> memref<10016x128xf32, #tpu.memory_space<vmem_shared>>
        tpu.enqueue_indirect_dma source(%dma_start3A_232 : memref<32x128xf32, #tpu.memory_space<vmem>>) target(%dma_start3A_238 : memref<10016x128xf32, #tpu.memory_space<vmem_shared>>) offsets(%dma_start3A_235 : memref<32xi32, #tpu.memory_space<vmem>>) semaphore(%arg17 : memref<!tpu.dma_semaphore, #tpu.memory_space<semaphore_mem>>) {add = true}
        %scan3A_239 = arith.constant 0 : i32
        scf.yield %scan3A_239 : i32
      }
      %scan3A_35 = arith.constant 80 : i32
      %dma_wait3A = arith.constant 0 : i32
      %dma_wait3A_36 = arith.constant 0 : i32
      %dma_wait3A_37 = arith.constant 0 : i32
      %dma_wait3A_38 = tpu.memref_slice %arg13[%dma_wait3A_36, %dma_wait3A_37] : memref<128x128xf32, #tpu.memory_space<vmem>> -> memref<32x128xf32, #tpu.memory_space<vmem>>
      %dma_wait3A_39 = arith.constant 0 : i32
      %dma_wait3A_40 = tpu.memref_slice %arg11[%dma_wait3A, %dma_wait3A_39] : memref<4x32xi32, #tpu.memory_space<vmem>> -> memref<1x32xi32, #tpu.memory_space<vmem>>
      %dma_wait3A_41 = tpu.memref_squeeze %dma_wait3A_40 : memref<1x32xi32, #tpu.memory_space<vmem>> -> memref<32xi32, #tpu.memory_space<vmem>>
      %dma_wait3A_42 = arith.constant 0 : i32
      %dma_wait3A_43 = arith.constant 0 : i32
      %dma_wait3A_44 = tpu.memref_slice %arg9[%dma_wait3A_42, %dma_wait3A_43] : memref<10016x128xf32, #tpu.memory_space<vmem_shared>> -> memref<10016x128xf32, #tpu.memory_space<vmem_shared>>
      tpu.wait_indirect_dma semaphore(%arg17 : memref<!tpu.dma_semaphore, #tpu.memory_space<semaphore_mem>>) src(%dma_wait3A_38 : memref<32x128xf32, #tpu.memory_space<vmem>>) dst(%dma_wait3A_44 : memref<10016x128xf32, #tpu.memory_space<vmem_shared>>)
      %dma_wait3A_45 = arith.constant 1 : i32
      %dma_wait3A_46 = arith.constant 32 : i32
      %dma_wait3A_47 = arith.constant 0 : i32
      %dma_wait3A_48 = tpu.memref_slice %arg13[%dma_wait3A_46, %dma_wait3A_47] : memref<128x128xf32, #tpu.memory_space<vmem>> -> memref<32x128xf32, #tpu.memory_space<vmem>>
      %dma_wait3A_49 = arith.constant 0 : i32
      %dma_wait3A_50 = tpu.memref_slice %arg11[%dma_wait3A_45, %dma_wait3A_49] : memref<4x32xi32, #tpu.memory_space<vmem>> -> memref<1x32xi32, #tpu.memory_space<vmem>>
      %dma_wait3A_51 = tpu.memref_squeeze %dma_wait3A_50 : memref<1x32xi32, #tpu.memory_space<vmem>> -> memref<32xi32, #tpu.memory_space<vmem>>
      %dma_wait3A_52 = arith.constant 0 : i32
      %dma_wait3A_53 = arith.constant 0 : i32
      %dma_wait3A_54 = tpu.memref_slice %arg9[%dma_wait3A_52, %dma_wait3A_53] : memref<10016x128xf32, #tpu.memory_space<vmem_shared>> -> memref<10016x128xf32, #tpu.memory_space<vmem_shared>>
      tpu.wait_indirect_dma semaphore(%arg17 : memref<!tpu.dma_semaphore, #tpu.memory_space<semaphore_mem>>) src(%dma_wait3A_48 : memref<32x128xf32, #tpu.memory_space<vmem>>) dst(%dma_wait3A_54 : memref<10016x128xf32, #tpu.memory_space<vmem_shared>>)
      %dma_wait3A_55 = arith.constant 2 : i32
      %dma_wait3A_56 = arith.constant 64 : i32
      %dma_wait3A_57 = arith.constant 0 : i32
      %dma_wait3A_58 = tpu.memref_slice %arg13[%dma_wait3A_56, %dma_wait3A_57] : memref<128x128xf32, #tpu.memory_space<vmem>> -> memref<32x128xf32, #tpu.memory_space<vmem>>
      %dma_wait3A_59 = arith.constant 0 : i32
      %dma_wait3A_60 = tpu.memref_slice %arg11[%dma_wait3A_55, %dma_wait3A_59] : memref<4x32xi32, #tpu.memory_space<vmem>> -> memref<1x32xi32, #tpu.memory_space<vmem>>
      %dma_wait3A_61 = tpu.memref_squeeze %dma_wait3A_60 : memref<1x32xi32, #tpu.memory_space<vmem>> -> memref<32xi32, #tpu.memory_space<vmem>>
      %dma_wait3A_62 = arith.constant 0 : i32
      %dma_wait3A_63 = arith.constant 0 : i32
      %dma_wait3A_64 = tpu.memref_slice %arg9[%dma_wait3A_62, %dma_wait3A_63] : memref<10016x128xf32, #tpu.memory_space<vmem_shared>> -> memref<10016x128xf32, #tpu.memory_space<vmem_shared>>
      tpu.wait_indirect_dma semaphore(%arg17 : memref<!tpu.dma_semaphore, #tpu.memory_space<semaphore_mem>>) src(%dma_wait3A_58 : memref<32x128xf32, #tpu.memory_space<vmem>>) dst(%dma_wait3A_64 : memref<10016x128xf32, #tpu.memory_space<vmem_shared>>)
      %dma_wait3A_65 = arith.constant 3 : i32
      %dma_wait3A_66 = arith.constant 96 : i32
      %dma_wait3A_67 = arith.constant 0 : i32
      %dma_wait3A_68 = tpu.memref_slice %arg13[%dma_wait3A_66, %dma_wait3A_67] : memref<128x128xf32, #tpu.memory_space<vmem>> -> memref<32x128xf32, #tpu.memory_space<vmem>>
      %dma_wait3A_69 = arith.constant 0 : i32
      %dma_wait3A_70 = tpu.memref_slice %arg11[%dma_wait3A_65, %dma_wait3A_69] : memref<4x32xi32, #tpu.memory_space<vmem>> -> memref<1x32xi32, #tpu.memory_space<vmem>>
      %dma_wait3A_71 = tpu.memref_squeeze %dma_wait3A_70 : memref<1x32xi32, #tpu.memory_space<vmem>> -> memref<32xi32, #tpu.memory_space<vmem>>
      %dma_wait3A_72 = arith.constant 0 : i32
      %dma_wait3A_73 = arith.constant 0 : i32
      %dma_wait3A_74 = tpu.memref_slice %arg9[%dma_wait3A_72, %dma_wait3A_73] : memref<10016x128xf32, #tpu.memory_space<vmem_shared>> -> memref<10016x128xf32, #tpu.memory_space<vmem_shared>>
      tpu.wait_indirect_dma semaphore(%arg17 : memref<!tpu.dma_semaphore, #tpu.memory_space<semaphore_mem>>) src(%dma_wait3A_68 : memref<32x128xf32, #tpu.memory_space<vmem>>) dst(%dma_wait3A_74 : memref<10016x128xf32, #tpu.memory_space<vmem_shared>>)
    } else {
    }
    %barrier3A_8 = arith.constant 0 : index
    tpu.barrier barrier_id(%barrier3A_8)
    %eq3A_9 = arith.constant 0 : i32
    %eq3A_10 = arith.cmpi eq, %arg0, %eq3A_9 : i32
    %convert_element_type3A_11 = arith.extui %eq3A_10 : i1 to i32
    %cond3A_12 = arith.constant 0 : i32
    %cond3A_13 = arith.cmpi ne, %convert_element_type3A_11, %cond3A_12 : i32
    scf.if %cond3A_13 {
      %mul3A_19 = arith.constant 625 : i32
      %mul3A_20 = arith.muli %arg1, %mul3A_19 : i32
      %mul3A_21 = arith.constant 625 : i32
      %mul3A_22 = arith.muli %arg1, %mul3A_21 : i32
      "tpu.region"() ({
        %run_scoped3A = tpu.sem_alloc : memref<!tpu.dma_semaphore, #tpu.memory_space<semaphore_mem>>
        %dma_start3A = arith.constant 0 : i32
        %dma_start3A_23 = tpu.memref_slice %arg7[%mul3A_22, %dma_start3A] : memref<10000x128xf32, #tpu.memory_space<hbm>> -> memref<625x128xf32, #tpu.memory_space<hbm>>
        %dma_start3A_24 = arith.constant 0 : i32
        %dma_start3A_25 = tpu.memref_slice %arg9[%mul3A_20, %dma_start3A_24] : memref<10016x128xf32, #tpu.memory_space<vmem_shared>> -> memref<625x128xf32, #tpu.memory_space<vmem_shared>>
        tpu.enqueue_dma source(%dma_start3A_25 : memref<625x128xf32, #tpu.memory_space<vmem_shared>>) target(%dma_start3A_23 : memref<625x128xf32, #tpu.memory_space<hbm>>) target_semaphore(%run_scoped3A : memref<!tpu.dma_semaphore, #tpu.memory_space<semaphore_mem>>)
        %dma_wait3A = arith.constant 0 : i32
        %dma_wait3A_26 = tpu.memref_slice %arg7[%mul3A_22, %dma_wait3A] : memref<10000x128xf32, #tpu.memory_space<hbm>> -> memref<625x128xf32, #tpu.memory_space<hbm>>
        %dma_wait3A_27 = arith.constant 0 : i32
        %dma_wait3A_28 = tpu.memref_slice %arg9[%mul3A_20, %dma_wait3A_27] : memref<10016x128xf32, #tpu.memory_space<vmem_shared>> -> memref<625x128xf32, #tpu.memory_space<vmem_shared>>
        tpu.wait_dma2 semaphore(%run_scoped3A : memref<!tpu.dma_semaphore, #tpu.memory_space<semaphore_mem>>) src(%dma_wait3A_28 : memref<625x128xf32, #tpu.memory_space<vmem_shared>>) dst(%dma_wait3A_26 : memref<625x128xf32, #tpu.memory_space<hbm>>)
        tpu.yield
      }) : () -> ()
    } else {
    }
    %eq3A_14 = arith.constant 1 : i32
    %eq3A_15 = arith.cmpi eq, %arg0, %eq3A_14 : i32
    %convert_element_type3A_16 = arith.extui %eq3A_15 : i1 to i32
    %cond3A_17 = arith.constant 0 : i32
    %cond3A_18 = arith.cmpi ne, %convert_element_type3A_16, %cond3A_17 : i32
    scf.if %cond3A_18 {
      %mul3A_19 = arith.constant 625 : i32
      %mul3A_20 = arith.muli %arg1, %mul3A_19 : i32
      %mul3A_21 = arith.constant 625 : i32
      %mul3A_22 = arith.muli %arg1, %mul3A_21 : i32
      "tpu.region"() ({
        %run_scoped3A = tpu.sem_alloc : memref<!tpu.dma_semaphore, #tpu.memory_space<semaphore_mem>>
        %dma_start3A = arith.constant 0 : i32
        %dma_start3A_23 = tpu.memref_slice %arg8[%mul3A_22, %dma_start3A] : memref<10000x128xf32, #tpu.memory_space<hbm>> -> memref<625x128xf32, #tpu.memory_space<hbm>>
        %dma_start3A_24 = arith.constant 0 : i32
        %dma_start3A_25 = tpu.memref_slice %arg9[%mul3A_20, %dma_start3A_24] : memref<10016x128xf32, #tpu.memory_space<vmem_shared>> -> memref<625x128xf32, #tpu.memory_space<vmem_shared>>
        tpu.enqueue_dma source(%dma_start3A_25 : memref<625x128xf32, #tpu.memory_space<vmem_shared>>) target(%dma_start3A_23 : memref<625x128xf32, #tpu.memory_space<hbm>>) target_semaphore(%run_scoped3A : memref<!tpu.dma_semaphore, #tpu.memory_space<semaphore_mem>>)
        %dma_wait3A = arith.constant 0 : i32
        %dma_wait3A_26 = tpu.memref_slice %arg8[%mul3A_22, %dma_wait3A] : memref<10000x128xf32, #tpu.memory_space<hbm>> -> memref<625x128xf32, #tpu.memory_space<hbm>>
        %dma_wait3A_27 = arith.constant 0 : i32
        %dma_wait3A_28 = tpu.memref_slice %arg9[%mul3A_20, %dma_wait3A_27] : memref<10016x128xf32, #tpu.memory_space<vmem_shared>> -> memref<625x128xf32, #tpu.memory_space<vmem_shared>>
        tpu.wait_dma2 semaphore(%run_scoped3A : memref<!tpu.dma_semaphore, #tpu.memory_space<semaphore_mem>>) src(%dma_wait3A_28 : memref<625x128xf32, #tpu.memory_space<vmem_shared>>) dst(%dma_wait3A_26 : memref<625x128xf32, #tpu.memory_space<hbm>>)
        tpu.yield
      }) : () -> ()
    } else {
    }
    return
  }
}

module attributes {stable_mosaic.version = 14 : i64} {
  func.func @body(%arg0: i32, %arg1: memref<3200x128xf32, #tpu.memory_space<vmem>>, %arg2: memref<3200x128xf32, #tpu.memory_space<vmem>>, %arg3: memref<3200x128xf32, #tpu.memory_space<vmem>>, %arg4: memref<384x128xf32, #tpu.memory_space<vmem>>, %arg5: memref<256x128xf32, #tpu.memory_space<vmem>>, %arg6: memref<256x128xf32, #tpu.memory_space<vmem>>, %arg7: memref<1x128xf32, #tpu.memory_space<vmem>>, %arg8: memref<1x128xf32, #tpu.memory_space<vmem>>, %arg9: memref<1x128xf32, #tpu.memory_space<vmem>>, %arg10: memref<1x128xf32, #tpu.memory_space<vmem>>, %arg11: memref<1x128xf32, #tpu.memory_space<vmem>>, %arg12: memref<3200x128xf32, #tpu.memory_space<vmem>>, %arg13: memref<3200x128xf32, #tpu.memory_space<vmem>>, %arg14: memref<3200x128xf32, #tpu.memory_space<vmem>>) attributes {dimension_semantics = [#tpu.dimension_semantics<arbitrary>], iteration_bounds = array<i64: 100>, scalar_prefetch = 0 : i64, scratch_operands = 0 : i64, tpu.core_type = #tpu.core_type<tc>, window_params = [{transform_indices = @transform_0, window_bounds = array<i64: 3200, 128>}, {transform_indices = @transform_1, window_bounds = array<i64: 3200, 128>}, {transform_indices = @transform_2, window_bounds = array<i64: 3200, 128>}, {pipeline_mode = #tpu.pipeline_mode<synchronous>, transform_indices = @transform_3, window_bounds = array<i64: 384, 128>}, {pipeline_mode = #tpu.pipeline_mode<synchronous>, transform_indices = @transform_4, window_bounds = array<i64: 256, 128>}, {pipeline_mode = #tpu.pipeline_mode<synchronous>, transform_indices = @transform_5, window_bounds = array<i64: 256, 128>}, {pipeline_mode = #tpu.pipeline_mode<synchronous>, transform_indices = @transform_6, window_bounds = array<i64: 1, 128>}, {pipeline_mode = #tpu.pipeline_mode<synchronous>, transform_indices = @transform_7, window_bounds = array<i64: 1, 128>}, {pipeline_mode = #tpu.pipeline_mode<synchronous>, transform_indices = @transform_8, window_bounds = array<i64: 1, 128>}, {pipeline_mode = #tpu.pipeline_mode<synchronous>, transform_indices = @transform_9, window_bounds = array<i64: 1, 128>}, {pipeline_mode = #tpu.pipeline_mode<synchronous>, transform_indices = @transform_10, window_bounds = array<i64: 1, 128>}, {transform_indices = @transform_11, window_bounds = array<i64: 3200, 128>}, {transform_indices = @transform_12, window_bounds = array<i64: 3200, 128>}, {transform_indices = @transform_13, window_bounds = array<i64: 3200, 128>}]} {
    %get3A = arith.constant 0 : index
    %get3A_0 = arith.constant 0 : index
    %get3A_1 = vector.load %arg1[%get3A, %get3A_0] : memref<3200x128xf32, #tpu.memory_space<vmem>>, vector<3200x128xf32>
    %get3A_2 = arith.constant 0 : index
    %get3A_3 = arith.constant 0 : index
    %get3A_4 = vector.load %arg2[%get3A_2, %get3A_3] : memref<3200x128xf32, #tpu.memory_space<vmem>>, vector<3200x128xf32>
    %get3A_5 = arith.constant 0 : index
    %get3A_6 = arith.constant 0 : index
    %get3A_7 = vector.load %arg3[%get3A_5, %get3A_6] : memref<3200x128xf32, #tpu.memory_space<vmem>>, vector<3200x128xf32>
    %concatenate3A = tpu.concatenate %get3A_4, %get3A_1, %get3A_7 in 1 : vector<3200x128xf32>, vector<3200x128xf32>, vector<3200x128xf32> -> vector<3200x384xf32>
    %get3A_8 = arith.constant 0 : index
    %get3A_9 = arith.constant 0 : index
    %get3A_10 = vector.load %arg4[%get3A_8, %get3A_9] : memref<384x128xf32, #tpu.memory_space<vmem>>, vector<384x128xf32>
    %dot_general3A = arith.constant dense<0.000000e+00> : vector<3200x128xf32>
    %dot_general3A_11 = tpu.matmul %concatenate3A, %get3A_10, %dot_general3A {dimension_numbers = #tpu.dot_dimension_numbers<[1], [0], [0], [1], [0, 0, 1, 1], [], []>, transpose_lhs_hint = false} : vector<3200x384xf32>, vector<384x128xf32>, vector<3200x128xf32> -> vector<3200x128xf32>
    %get3A_12 = arith.constant 0 : index
    %get3A_13 = arith.constant 0 : index
    %get3A_14 = vector.load %arg7[%get3A_12, %get3A_13] : memref<1x128xf32, #tpu.memory_space<vmem>>, vector<1x128xf32>
    %add3A = vector.broadcast %get3A_14 : vector<1x128xf32> to vector<3200x128xf32>
    %add3A_15 = arith.addf %dot_general3A_11, %add3A : vector<3200x128xf32>
    %ge3A = arith.constant 0.000000e+00 : f32
    %ge3A_16 = vector.broadcast %ge3A : f32 to vector<3200x128xf32>
    %ge3A_17 = arith.cmpf oge, %add3A_15, %ge3A_16 : vector<3200x128xf32>
    %mul3A = arith.constant 0.00999999977 : f32
    %mul3A_18 = vector.broadcast %mul3A : f32 to vector<3200x128xf32>
    %mul3A_19 = arith.mulf %mul3A_18, %add3A_15 : vector<3200x128xf32>
    %select_n3A = arith.select %ge3A_17, %add3A_15, %mul3A_19 : vector<3200x128xi1>, vector<3200x128xf32>
    %add3A_20 = arith.addf %select_n3A, %get3A_1 : vector<3200x128xf32>
    %get3A_21 = arith.constant 0 : index
    %get3A_22 = arith.constant 0 : index
    %get3A_23 = vector.load %arg8[%get3A_21, %get3A_22] : memref<1x128xf32, #tpu.memory_space<vmem>>, vector<1x128xf32>
    %get3A_24 = arith.constant 0 : index
    %get3A_25 = arith.constant 0 : index
    %get3A_26 = vector.load %arg9[%get3A_24, %get3A_25] : memref<1x128xf32, #tpu.memory_space<vmem>>, vector<1x128xf32>
    %reduce_sum3A = arith.constant dense<0.000000e+00> : vector<3200xf32>
    %reduce_sum3A_27 = vector.multi_reduction <add>, %add3A_20, %reduce_sum3A [1] : vector<3200x128xf32> to vector<3200xf32>
    %broadcast_in_dim3A = vector.shape_cast %reduce_sum3A_27 : vector<3200xf32> to vector<3200x1xf32>
    %div3A = arith.constant 1.280000e+02 : f32
    %div3A_28 = vector.broadcast %div3A : f32 to vector<3200x1xf32>
    %div3A_29 = arith.divf %broadcast_in_dim3A, %div3A_28 : vector<3200x1xf32>
    %sub3A = vector.broadcast %div3A_29 : vector<3200x1xf32> to vector<3200x128xf32>
    %sub3A_30 = arith.subf %add3A_20, %sub3A : vector<3200x128xf32>
    %integer_pow3A = arith.mulf %sub3A_30, %sub3A_30 : vector<3200x128xf32>
    %reduce_sum3A_31 = arith.constant dense<0.000000e+00> : vector<3200xf32>
    %reduce_sum3A_32 = vector.multi_reduction <add>, %integer_pow3A, %reduce_sum3A_31 [1] : vector<3200x128xf32> to vector<3200xf32>
    %broadcast_in_dim3A_33 = vector.shape_cast %reduce_sum3A_32 : vector<3200xf32> to vector<3200x1xf32>
    %div3A_34 = arith.constant 1.280000e+02 : f32
    %div3A_35 = vector.broadcast %div3A_34 : f32 to vector<3200x1xf32>
    %div3A_36 = arith.divf %broadcast_in_dim3A_33, %div3A_35 : vector<3200x1xf32>
    %sub3A_37 = vector.broadcast %div3A_29 : vector<3200x1xf32> to vector<3200x128xf32>
    %sub3A_38 = arith.subf %add3A_20, %sub3A_37 : vector<3200x128xf32>
    %add3A_39 = arith.constant 9.99999974E-6 : f32
    %add3A_40 = vector.broadcast %add3A_39 : f32 to vector<3200x1xf32>
    %add3A_41 = arith.addf %div3A_36, %add3A_40 : vector<3200x1xf32>
    %rsqrt3A = math.rsqrt %add3A_41 : vector<3200x1xf32>
    %mul3A_42 = vector.broadcast %rsqrt3A : vector<3200x1xf32> to vector<3200x128xf32>
    %mul3A_43 = arith.mulf %sub3A_38, %mul3A_42 : vector<3200x128xf32>
    %mul3A_44 = vector.broadcast %get3A_23 : vector<1x128xf32> to vector<3200x128xf32>
    %mul3A_45 = arith.mulf %mul3A_43, %mul3A_44 : vector<3200x128xf32>
    %add3A_46 = vector.broadcast %get3A_26 : vector<1x128xf32> to vector<3200x128xf32>
    %add3A_47 = arith.addf %mul3A_45, %add3A_46 : vector<3200x128xf32>
    %swap3A = arith.constant 0 : index
    %swap3A_48 = arith.constant 0 : index
    %swap3A_49 = vector.load %arg12[%swap3A, %swap3A_48] : memref<3200x128xf32, #tpu.memory_space<vmem>>, vector<3200x128xf32>
    tpu.vector_store %arg12[%swap3A, %swap3A_48], %add3A_47 {strides = array<i32>} : memref<3200x128xf32, #tpu.memory_space<vmem>>, vector<3200x128xf32>,
    %concatenate3A_50 = tpu.concatenate %get3A_4, %add3A_47 in 1 : vector<3200x128xf32>, vector<3200x128xf32> -> vector<3200x256xf32>
    %get3A_51 = arith.constant 0 : index
    %get3A_52 = arith.constant 0 : index
    %get3A_53 = vector.load %arg5[%get3A_51, %get3A_52] : memref<256x128xf32, #tpu.memory_space<vmem>>, vector<256x128xf32>
    %dot_general3A_54 = arith.constant dense<0.000000e+00> : vector<3200x128xf32>
    %dot_general3A_55 = tpu.matmul %concatenate3A_50, %get3A_53, %dot_general3A_54 {dimension_numbers = #tpu.dot_dimension_numbers<[1], [0], [0], [1], [0, 0, 1, 1], [], []>, transpose_lhs_hint = false} : vector<3200x256xf32>, vector<256x128xf32>, vector<3200x128xf32> -> vector<3200x128xf32>
    %get3A_56 = arith.constant 0 : index
    %get3A_57 = arith.constant 0 : index
    %get3A_58 = vector.load %arg10[%get3A_56, %get3A_57] : memref<1x128xf32, #tpu.memory_space<vmem>>, vector<1x128xf32>
    %add3A_59 = vector.broadcast %get3A_58 : vector<1x128xf32> to vector<3200x128xf32>
    %add3A_60 = arith.addf %dot_general3A_55, %add3A_59 : vector<3200x128xf32>
    %swap3A_61 = arith.constant 0 : index
    %swap3A_62 = arith.constant 0 : index
    %swap3A_63 = vector.load %arg13[%swap3A_61, %swap3A_62] : memref<3200x128xf32, #tpu.memory_space<vmem>>, vector<3200x128xf32>
    tpu.vector_store %arg13[%swap3A_61, %swap3A_62], %add3A_60 {strides = array<i32>} : memref<3200x128xf32, #tpu.memory_space<vmem>>, vector<3200x128xf32>,
    %concatenate3A_64 = tpu.concatenate %get3A_7, %add3A_47 in 1 : vector<3200x128xf32>, vector<3200x128xf32> -> vector<3200x256xf32>
    %get3A_65 = arith.constant 0 : index
    %get3A_66 = arith.constant 0 : index
    %get3A_67 = vector.load %arg6[%get3A_65, %get3A_66] : memref<256x128xf32, #tpu.memory_space<vmem>>, vector<256x128xf32>
    %dot_general3A_68 = arith.constant dense<0.000000e+00> : vector<3200x128xf32>
    %dot_general3A_69 = tpu.matmul %concatenate3A_64, %get3A_67, %dot_general3A_68 {dimension_numbers = #tpu.dot_dimension_numbers<[1], [0], [0], [1], [0, 0, 1, 1], [], []>, transpose_lhs_hint = false} : vector<3200x256xf32>, vector<256x128xf32>, vector<3200x128xf32> -> vector<3200x128xf32>
    %get3A_70 = arith.constant 0 : index
    %get3A_71 = arith.constant 0 : index
    %get3A_72 = vector.load %arg11[%get3A_70, %get3A_71] : memref<1x128xf32, #tpu.memory_space<vmem>>, vector<1x128xf32>
    %add3A_73 = vector.broadcast %get3A_72 : vector<1x128xf32> to vector<3200x128xf32>
    %add3A_74 = arith.addf %dot_general3A_69, %add3A_73 : vector<3200x128xf32>
    %swap3A_75 = arith.constant 0 : index
    %swap3A_76 = arith.constant 0 : index
    %swap3A_77 = vector.load %arg14[%swap3A_75, %swap3A_76] : memref<3200x128xf32, #tpu.memory_space<vmem>>, vector<3200x128xf32>
    tpu.vector_store %arg14[%swap3A_75, %swap3A_76], %add3A_74 {strides = array<i32>} : memref<3200x128xf32, #tpu.memory_space<vmem>>, vector<3200x128xf32>,
    return
  }
  func.func @transform_0(%arg0: i32) -> (i32, i32) {
    %c0_i32 = arith.constant 0 : i32
    %c0_i32_0 = arith.constant 0 : i32
    return %arg0, %c0_i32 : i32, i32
  }
  func.func @transform_1(%arg0: i32) -> (i32, i32) {
    %c0_i32 = arith.constant 0 : i32
    %c0_i32_0 = arith.constant 0 : i32
    return %arg0, %c0_i32 : i32, i32
  }
  func.func @transform_2(%arg0: i32) -> (i32, i32) {
    %c0_i32 = arith.constant 0 : i32
    %c0_i32_0 = arith.constant 0 : i32
    return %arg0, %c0_i32 : i32, i32
  }
  func.func @transform_3(%arg0: i32) -> (i32, i32) {
    %c0_i32 = arith.constant 0 : i32
    %c0_i32_0 = arith.constant 0 : i32
    %c0_i32_1 = arith.constant 0 : i32
    return %c0_i32, %c0_i32_0 : i32, i32
  }
  func.func @transform_4(%arg0: i32) -> (i32, i32) {
    %c0_i32 = arith.constant 0 : i32
    %c0_i32_0 = arith.constant 0 : i32
    %c0_i32_1 = arith.constant 0 : i32
    return %c0_i32, %c0_i32_0 : i32, i32
  }
  func.func @transform_5(%arg0: i32) -> (i32, i32) {
    %c0_i32 = arith.constant 0 : i32
    %c0_i32_0 = arith.constant 0 : i32
    %c0_i32_1 = arith.constant 0 : i32
    return %c0_i32, %c0_i32_0 : i32, i32
  }
  func.func @transform_6(%arg0: i32) -> (i32, i32) {
    %c0_i32 = arith.constant 0 : i32
    %c0_i32_0 = arith.constant 0 : i32
    %c0_i32_1 = arith.constant 0 : i32
    return %c0_i32, %c0_i32_0 : i32, i32
  }
  func.func @transform_7(%arg0: i32) -> (i32, i32) {
    %c0_i32 = arith.constant 0 : i32
    %c0_i32_0 = arith.constant 0 : i32
    %c0_i32_1 = arith.constant 0 : i32
    return %c0_i32, %c0_i32_0 : i32, i32
  }
  func.func @transform_8(%arg0: i32) -> (i32, i32) {
    %c0_i32 = arith.constant 0 : i32
    %c0_i32_0 = arith.constant 0 : i32
    %c0_i32_1 = arith.constant 0 : i32
    return %c0_i32, %c0_i32_0 : i32, i32
  }
  func.func @transform_9(%arg0: i32) -> (i32, i32) {
    %c0_i32 = arith.constant 0 : i32
    %c0_i32_0 = arith.constant 0 : i32
    %c0_i32_1 = arith.constant 0 : i32
    return %c0_i32, %c0_i32_0 : i32, i32
  }
  func.func @transform_10(%arg0: i32) -> (i32, i32) {
    %c0_i32 = arith.constant 0 : i32
    %c0_i32_0 = arith.constant 0 : i32
    %c0_i32_1 = arith.constant 0 : i32
    return %c0_i32, %c0_i32_0 : i32, i32
  }
  func.func @transform_11(%arg0: i32) -> (i32, i32) {
    %c0_i32 = arith.constant 0 : i32
    %c0_i32_0 = arith.constant 0 : i32
    return %arg0, %c0_i32 : i32, i32
  }
  func.func @transform_12(%arg0: i32) -> (i32, i32) {
    %c0_i32 = arith.constant 0 : i32
    %c0_i32_0 = arith.constant 0 : i32
    return %arg0, %c0_i32 : i32, i32
  }
  func.func @transform_13(%arg0: i32) -> (i32, i32) {
    %c0_i32 = arith.constant 0 : i32
    %c0_i32_0 = arith.constant 0 : i32
    return %arg0, %c0_i32 : i32, i32
  }
}

module attributes {stable_mosaic.version = 14 : i64} {
  func.func @body(%arg0: i32, %arg1: memref<1000x128xf32, #tpu.memory_space<vmem>>, %arg2: memref<1000x128xf32, #tpu.memory_space<vmem>>, %arg3: memref<1000x128xf32, #tpu.memory_space<vmem>>, %arg4: memref<1000x128xf32, #tpu.memory_space<vmem>>, %arg5: memref<1000x128xf32, #tpu.memory_space<vmem>>, %arg6: memref<1x128xf32, #tpu.memory_space<vmem>>, %arg7: memref<1x128xf32, #tpu.memory_space<vmem>>, %arg8: memref<1000x128xf32, #tpu.memory_space<vmem>>) attributes {dimension_semantics = [#tpu.dimension_semantics<arbitrary>], iteration_bounds = array<i64: 10>, scalar_prefetch = 0 : i64, scratch_operands = 0 : i64, tpu.core_type = #tpu.core_type<tc>, window_params = [{transform_indices = @transform_0, window_bounds = array<i64: 1000, 128>}, {transform_indices = @transform_1, window_bounds = array<i64: 1000, 128>}, {transform_indices = @transform_2, window_bounds = array<i64: 1000, 128>}, {transform_indices = @transform_3, window_bounds = array<i64: 1000, 128>}, {transform_indices = @transform_4, window_bounds = array<i64: 1000, 128>}, {pipeline_mode = #tpu.pipeline_mode<synchronous>, transform_indices = @transform_5, window_bounds = array<i64: 1, 128>}, {pipeline_mode = #tpu.pipeline_mode<synchronous>, transform_indices = @transform_6, window_bounds = array<i64: 1, 128>}, {transform_indices = @transform_7, window_bounds = array<i64: 1000, 128>}]} {
    %get3A = arith.constant 0 : index
    %get3A_0 = arith.constant 0 : index
    %get3A_1 = vector.load %arg2[%get3A, %get3A_0] : memref<1000x128xf32, #tpu.memory_space<vmem>>, vector<1000x128xf32>
    %get3A_2 = arith.constant 0 : index
    %get3A_3 = arith.constant 0 : index
    %get3A_4 = vector.load %arg3[%get3A_2, %get3A_3] : memref<1000x128xf32, #tpu.memory_space<vmem>>, vector<1000x128xf32>
    %add3A = arith.addf %get3A_1, %get3A_4 : vector<1000x128xf32>
    %get3A_5 = arith.constant 0 : index
    %get3A_6 = arith.constant 0 : index
    %get3A_7 = vector.load %arg4[%get3A_5, %get3A_6] : memref<1000x128xf32, #tpu.memory_space<vmem>>, vector<1000x128xf32>
    %slice3A = vector.extract_strided_slice %get3A_7 {offsets = [0, 0], sizes = [1000, 1], strides = [1, 1]} : vector<1000x128xf32> to vector<1000x1xf32>
    %get3A_8 = arith.constant 0 : index
    %get3A_9 = arith.constant 0 : index
    %get3A_10 = vector.load %arg5[%get3A_8, %get3A_9] : memref<1000x128xf32, #tpu.memory_space<vmem>>, vector<1000x128xf32>
    %slice3A_11 = vector.extract_strided_slice %get3A_10 {offsets = [0, 0], sizes = [1000, 1], strides = [1, 1]} : vector<1000x128xf32> to vector<1000x1xf32>
    %add3A_12 = arith.addf %slice3A, %slice3A_11 : vector<1000x1xf32>
    %div3A = vector.broadcast %add3A_12 : vector<1000x1xf32> to vector<1000x128xf32>
    %div3A_13 = arith.divf %add3A, %div3A : vector<1000x128xf32>
    %ge3A = arith.constant 0.000000e+00 : f32
    %ge3A_14 = vector.broadcast %ge3A : f32 to vector<1000x128xf32>
    %ge3A_15 = arith.cmpf oge, %div3A_13, %ge3A_14 : vector<1000x128xf32>
    %mul3A = arith.constant 0.00999999977 : f32
    %mul3A_16 = vector.broadcast %mul3A : f32 to vector<1000x128xf32>
    %mul3A_17 = arith.mulf %mul3A_16, %div3A_13 : vector<1000x128xf32>
    %select_n3A = arith.select %ge3A_15, %div3A_13, %mul3A_17 : vector<1000x128xi1>, vector<1000x128xf32>
    %get3A_18 = arith.constant 0 : index
    %get3A_19 = arith.constant 0 : index
    %get3A_20 = vector.load %arg1[%get3A_18, %get3A_19] : memref<1000x128xf32, #tpu.memory_space<vmem>>, vector<1000x128xf32>
    %add3A_21 = arith.addf %select_n3A, %get3A_20 : vector<1000x128xf32>
    %get3A_22 = arith.constant 0 : index
    %get3A_23 = arith.constant 0 : index
    %get3A_24 = vector.load %arg6[%get3A_22, %get3A_23] : memref<1x128xf32, #tpu.memory_space<vmem>>, vector<1x128xf32>
    %get3A_25 = arith.constant 0 : index
    %get3A_26 = arith.constant 0 : index
    %get3A_27 = vector.load %arg7[%get3A_25, %get3A_26] : memref<1x128xf32, #tpu.memory_space<vmem>>, vector<1x128xf32>
    %reduce_sum3A = arith.constant dense<0.000000e+00> : vector<1000xf32>
    %reduce_sum3A_28 = vector.multi_reduction <add>, %add3A_21, %reduce_sum3A [1] : vector<1000x128xf32> to vector<1000xf32>
    %broadcast_in_dim3A = vector.shape_cast %reduce_sum3A_28 : vector<1000xf32> to vector<1000x1xf32>
    %div3A_29 = arith.constant 1.280000e+02 : f32
    %div3A_30 = vector.broadcast %div3A_29 : f32 to vector<1000x1xf32>
    %div3A_31 = arith.divf %broadcast_in_dim3A, %div3A_30 : vector<1000x1xf32>
    %sub3A = vector.broadcast %div3A_31 : vector<1000x1xf32> to vector<1000x128xf32>
    %sub3A_32 = arith.subf %add3A_21, %sub3A : vector<1000x128xf32>
    %integer_pow3A = arith.mulf %sub3A_32, %sub3A_32 : vector<1000x128xf32>
    %reduce_sum3A_33 = arith.constant dense<0.000000e+00> : vector<1000xf32>
    %reduce_sum3A_34 = vector.multi_reduction <add>, %integer_pow3A, %reduce_sum3A_33 [1] : vector<1000x128xf32> to vector<1000xf32>
    %broadcast_in_dim3A_35 = vector.shape_cast %reduce_sum3A_34 : vector<1000xf32> to vector<1000x1xf32>
    %div3A_36 = arith.constant 1.280000e+02 : f32
    %div3A_37 = vector.broadcast %div3A_36 : f32 to vector<1000x1xf32>
    %div3A_38 = arith.divf %broadcast_in_dim3A_35, %div3A_37 : vector<1000x1xf32>
    %sub3A_39 = vector.broadcast %div3A_31 : vector<1000x1xf32> to vector<1000x128xf32>
    %sub3A_40 = arith.subf %add3A_21, %sub3A_39 : vector<1000x128xf32>
    %add3A_41 = arith.constant 9.99999974E-6 : f32
    %add3A_42 = vector.broadcast %add3A_41 : f32 to vector<1000x1xf32>
    %add3A_43 = arith.addf %div3A_38, %add3A_42 : vector<1000x1xf32>
    %rsqrt3A = math.rsqrt %add3A_43 : vector<1000x1xf32>
    %mul3A_44 = vector.broadcast %rsqrt3A : vector<1000x1xf32> to vector<1000x128xf32>
    %mul3A_45 = arith.mulf %sub3A_40, %mul3A_44 : vector<1000x128xf32>
    %mul3A_46 = vector.broadcast %get3A_24 : vector<1x128xf32> to vector<1000x128xf32>
    %mul3A_47 = arith.mulf %mul3A_45, %mul3A_46 : vector<1000x128xf32>
    %add3A_48 = vector.broadcast %get3A_27 : vector<1x128xf32> to vector<1000x128xf32>
    %add3A_49 = arith.addf %mul3A_47, %add3A_48 : vector<1000x128xf32>
    %swap3A = arith.constant 0 : index
    %swap3A_50 = arith.constant 0 : index
    %swap3A_51 = vector.load %arg8[%swap3A, %swap3A_50] : memref<1000x128xf32, #tpu.memory_space<vmem>>, vector<1000x128xf32>
    tpu.vector_store %arg8[%swap3A, %swap3A_50], %add3A_49 {strides = array<i32>} : memref<1000x128xf32, #tpu.memory_space<vmem>>, vector<1000x128xf32>,
    return
  }
  func.func @transform_0(%arg0: i32) -> (i32, i32) {
    %c0_i32 = arith.constant 0 : i32
    %c0_i32_0 = arith.constant 0 : i32
    return %arg0, %c0_i32 : i32, i32
  }
  func.func @transform_1(%arg0: i32) -> (i32, i32) {
    %c0_i32 = arith.constant 0 : i32
    %c0_i32_0 = arith.constant 0 : i32
    return %arg0, %c0_i32 : i32, i32
  }
  func.func @transform_2(%arg0: i32) -> (i32, i32) {
    %c0_i32 = arith.constant 0 : i32
    %c0_i32_0 = arith.constant 0 : i32
    return %arg0, %c0_i32 : i32, i32
  }
  func.func @transform_3(%arg0: i32) -> (i32, i32) {
    %c0_i32 = arith.constant 0 : i32
    %c0_i32_0 = arith.constant 0 : i32
    return %arg0, %c0_i32 : i32, i32
  }
  func.func @transform_4(%arg0: i32) -> (i32, i32) {
    %c0_i32 = arith.constant 0 : i32
    %c0_i32_0 = arith.constant 0 : i32
    return %arg0, %c0_i32 : i32, i32
  }
  func.func @transform_5(%arg0: i32) -> (i32, i32) {
    %c0_i32 = arith.constant 0 : i32
    %c0_i32_0 = arith.constant 0 : i32
    %c0_i32_1 = arith.constant 0 : i32
    return %c0_i32, %c0_i32_0 : i32, i32
  }
  func.func @transform_6(%arg0: i32) -> (i32, i32) {
    %c0_i32 = arith.constant 0 : i32
    %c0_i32_0 = arith.constant 0 : i32
    %c0_i32_1 = arith.constant 0 : i32
    return %c0_i32, %c0_i32_0 : i32, i32
  }
  func.func @transform_7(%arg0: i32) -> (i32, i32) {
    %c0_i32 = arith.constant 0 : i32
    %c0_i32_0 = arith.constant 0 : i32
    return %arg0, %c0_i32 : i32, i32
  }
}

module attributes {stable_mosaic.version = 14 : i64} {
  func.func @body(%arg0: i32, %arg1: memref<1000x128xf32, #tpu.memory_space<vmem>>, %arg2: memref<1000x128xf32, #tpu.memory_space<vmem>>, %arg3: memref<1000x128xf32, #tpu.memory_space<vmem>>, %arg4: memref<1000x128xf32, #tpu.memory_space<vmem>>, %arg5: memref<1000x128xf32, #tpu.memory_space<vmem>>, %arg6: memref<1x128xf32, #tpu.memory_space<vmem>>, %arg7: memref<1x128xf32, #tpu.memory_space<vmem>>, %arg8: memref<1000x128xf32, #tpu.memory_space<vmem>>) attributes {dimension_semantics = [#tpu.dimension_semantics<arbitrary>], iteration_bounds = array<i64: 10>, scalar_prefetch = 0 : i64, scratch_operands = 0 : i64, tpu.core_type = #tpu.core_type<tc>, window_params = [{transform_indices = @transform_0, window_bounds = array<i64: 1000, 128>}, {transform_indices = @transform_1, window_bounds = array<i64: 1000, 128>}, {transform_indices = @transform_2, window_bounds = array<i64: 1000, 128>}, {transform_indices = @transform_3, window_bounds = array<i64: 1000, 128>}, {transform_indices = @transform_4, window_bounds = array<i64: 1000, 128>}, {pipeline_mode = #tpu.pipeline_mode<synchronous>, transform_indices = @transform_5, window_bounds = array<i64: 1, 128>}, {pipeline_mode = #tpu.pipeline_mode<synchronous>, transform_indices = @transform_6, window_bounds = array<i64: 1, 128>}, {transform_indices = @transform_7, window_bounds = array<i64: 1000, 128>}]} {
    %get3A = arith.constant 0 : index
    %get3A_0 = arith.constant 0 : index
    %get3A_1 = vector.load %arg2[%get3A, %get3A_0] : memref<1000x128xf32, #tpu.memory_space<vmem>>, vector<1000x128xf32>
    %get3A_2 = arith.constant 0 : index
    %get3A_3 = arith.constant 0 : index
    %get3A_4 = vector.load %arg3[%get3A_2, %get3A_3] : memref<1000x128xf32, #tpu.memory_space<vmem>>, vector<1000x128xf32>
    %add3A = arith.addf %get3A_1, %get3A_4 : vector<1000x128xf32>
    %get3A_5 = arith.constant 0 : index
    %get3A_6 = arith.constant 0 : index
    %get3A_7 = vector.load %arg4[%get3A_5, %get3A_6] : memref<1000x128xf32, #tpu.memory_space<vmem>>, vector<1000x128xf32>
    %slice3A = vector.extract_strided_slice %get3A_7 {offsets = [0, 0], sizes = [1000, 1], strides = [1, 1]} : vector<1000x128xf32> to vector<1000x1xf32>
    %get3A_8 = arith.constant 0 : index
    %get3A_9 = arith.constant 0 : index
    %get3A_10 = vector.load %arg5[%get3A_8, %get3A_9] : memref<1000x128xf32, #tpu.memory_space<vmem>>, vector<1000x128xf32>
    %slice3A_11 = vector.extract_strided_slice %get3A_10 {offsets = [0, 0], sizes = [1000, 1], strides = [1, 1]} : vector<1000x128xf32> to vector<1000x1xf32>
    %add3A_12 = arith.addf %slice3A, %slice3A_11 : vector<1000x1xf32>
    %div3A = vector.broadcast %add3A_12 : vector<1000x1xf32> to vector<1000x128xf32>
    %div3A_13 = arith.divf %add3A, %div3A : vector<1000x128xf32>
    %ge3A = arith.constant 0.000000e+00 : f32
    %ge3A_14 = vector.broadcast %ge3A : f32 to vector<1000x128xf32>
    %ge3A_15 = arith.cmpf oge, %div3A_13, %ge3A_14 : vector<1000x128xf32>
    %mul3A = arith.constant 0.00999999977 : f32
    %mul3A_16 = vector.broadcast %mul3A : f32 to vector<1000x128xf32>
    %mul3A_17 = arith.mulf %mul3A_16, %div3A_13 : vector<1000x128xf32>
    %select_n3A = arith.select %ge3A_15, %div3A_13, %mul3A_17 : vector<1000x128xi1>, vector<1000x128xf32>
    %get3A_18 = arith.constant 0 : index
    %get3A_19 = arith.constant 0 : index
    %get3A_20 = vector.load %arg1[%get3A_18, %get3A_19] : memref<1000x128xf32, #tpu.memory_space<vmem>>, vector<1000x128xf32>
    %add3A_21 = arith.addf %select_n3A, %get3A_20 : vector<1000x128xf32>
    %get3A_22 = arith.constant 0 : index
    %get3A_23 = arith.constant 0 : index
    %get3A_24 = vector.load %arg6[%get3A_22, %get3A_23] : memref<1x128xf32, #tpu.memory_space<vmem>>, vector<1x128xf32>
    %get3A_25 = arith.constant 0 : index
    %get3A_26 = arith.constant 0 : index
    %get3A_27 = vector.load %arg7[%get3A_25, %get3A_26] : memref<1x128xf32, #tpu.memory_space<vmem>>, vector<1x128xf32>
    %reduce_sum3A = arith.constant dense<0.000000e+00> : vector<1000xf32>
    %reduce_sum3A_28 = vector.multi_reduction <add>, %add3A_21, %reduce_sum3A [1] : vector<1000x128xf32> to vector<1000xf32>
    %broadcast_in_dim3A = vector.shape_cast %reduce_sum3A_28 : vector<1000xf32> to vector<1000x1xf32>
    %div3A_29 = arith.constant 1.280000e+02 : f32
    %div3A_30 = vector.broadcast %div3A_29 : f32 to vector<1000x1xf32>
    %div3A_31 = arith.divf %broadcast_in_dim3A, %div3A_30 : vector<1000x1xf32>
    %sub3A = vector.broadcast %div3A_31 : vector<1000x1xf32> to vector<1000x128xf32>
    %sub3A_32 = arith.subf %add3A_21, %sub3A : vector<1000x128xf32>
    %integer_pow3A = arith.mulf %sub3A_32, %sub3A_32 : vector<1000x128xf32>
    %reduce_sum3A_33 = arith.constant dense<0.000000e+00> : vector<1000xf32>
    %reduce_sum3A_34 = vector.multi_reduction <add>, %integer_pow3A, %reduce_sum3A_33 [1] : vector<1000x128xf32> to vector<1000xf32>
    %broadcast_in_dim3A_35 = vector.shape_cast %reduce_sum3A_34 : vector<1000xf32> to vector<1000x1xf32>
    %div3A_36 = arith.constant 1.280000e+02 : f32
    %div3A_37 = vector.broadcast %div3A_36 : f32 to vector<1000x1xf32>
    %div3A_38 = arith.divf %broadcast_in_dim3A_35, %div3A_37 : vector<1000x1xf32>
    %sub3A_39 = vector.broadcast %div3A_31 : vector<1000x1xf32> to vector<1000x128xf32>
    %sub3A_40 = arith.subf %add3A_21, %sub3A_39 : vector<1000x128xf32>
    %add3A_41 = arith.constant 9.99999974E-6 : f32
    %add3A_42 = vector.broadcast %add3A_41 : f32 to vector<1000x1xf32>
    %add3A_43 = arith.addf %div3A_38, %add3A_42 : vector<1000x1xf32>
    %rsqrt3A = math.rsqrt %add3A_43 : vector<1000x1xf32>
    %mul3A_44 = vector.broadcast %rsqrt3A : vector<1000x1xf32> to vector<1000x128xf32>
    %mul3A_45 = arith.mulf %sub3A_40, %mul3A_44 : vector<1000x128xf32>
    %mul3A_46 = vector.broadcast %get3A_24 : vector<1x128xf32> to vector<1000x128xf32>
    %mul3A_47 = arith.mulf %mul3A_45, %mul3A_46 : vector<1000x128xf32>
    %add3A_48 = vector.broadcast %get3A_27 : vector<1x128xf32> to vector<1000x128xf32>
    %add3A_49 = arith.addf %mul3A_47, %add3A_48 : vector<1000x128xf32>
    %swap3A = arith.constant 0 : index
    %swap3A_50 = arith.constant 0 : index
    %swap3A_51 = vector.load %arg8[%swap3A, %swap3A_50] : memref<1000x128xf32, #tpu.memory_space<vmem>>, vector<1000x128xf32>
    tpu.vector_store %arg8[%swap3A, %swap3A_50], %add3A_49 {strides = array<i32>} : memref<1000x128xf32, #tpu.memory_space<vmem>>, vector<1000x128xf32>,
    return
  }
  func.func @transform_0(%arg0: i32) -> (i32, i32) {
    %c0_i32 = arith.constant 0 : i32
    %c0_i32_0 = arith.constant 0 : i32
    return %arg0, %c0_i32 : i32, i32
  }
  func.func @transform_1(%arg0: i32) -> (i32, i32) {
    %c0_i32 = arith.constant 0 : i32
    %c0_i32_0 = arith.constant 0 : i32
    return %arg0, %c0_i32 : i32, i32
  }
  func.func @transform_2(%arg0: i32) -> (i32, i32) {
    %c0_i32 = arith.constant 0 : i32
    %c0_i32_0 = arith.constant 0 : i32
    return %arg0, %c0_i32 : i32, i32
  }
  func.func @transform_3(%arg0: i32) -> (i32, i32) {
    %c0_i32 = arith.constant 0 : i32
    %c0_i32_0 = arith.constant 0 : i32
    return %arg0, %c0_i32 : i32, i32
  }
  func.func @transform_4(%arg0: i32) -> (i32, i32) {
    %c0_i32 = arith.constant 0 : i32
    %c0_i32_0 = arith.constant 0 : i32
    return %arg0, %c0_i32 : i32, i32
  }
  func.func @transform_5(%arg0: i32) -> (i32, i32) {
    %c0_i32 = arith.constant 0 : i32
    %c0_i32_0 = arith.constant 0 : i32
    %c0_i32_1 = arith.constant 0 : i32
    return %c0_i32, %c0_i32_0 : i32, i32
  }
  func.func @transform_6(%arg0: i32) -> (i32, i32) {
    %c0_i32 = arith.constant 0 : i32
    %c0_i32_0 = arith.constant 0 : i32
    %c0_i32_1 = arith.constant 0 : i32
    return %c0_i32, %c0_i32_0 : i32, i32
  }
  func.func @transform_7(%arg0: i32) -> (i32, i32) {
    %c0_i32 = arith.constant 0 : i32
    %c0_i32_0 = arith.constant 0 : i32
    return %arg0, %c0_i32 : i32, i32
  }
}

</mosaic_0001>

<sc_bundles>
// kernel: kernel.11.cloned.1.call-start
scs
__scs_entry_jumppad:
0x0: {  	(pc) =	sbr.rel $0x88, $3  }
0x1: {  	(tag) =	ssettag $0x0;
	lr =	simm.s32 $0x1  }
0x2: {  	[smem:$0x3F8A] =	sst lr;
	_ =	strace $0xD0000000  }
0x3: {  	_ = 	snop  }
0x4: {  	_ = 	snop  }
0x5: {  	_ = 	snop  }
0x6: {  	_ = 	snop  }
0x7: {  	_ = 	snop  }
__scs_overlays_trampoline_lowered:
0x8: {  	[smem:$0x3F99] =	sst s0  }
0x9: {  	[smem:$0x3F9A] =	sst s1  }
0xa: {  	[smem:$0x3F9B] =	sst s2  }
0xb: {  	[smem:$0x3F9C] =	sst s3  }
0xc: {  	[smem:$0x3F9D] =	sst s4  }
0xd: {  	[smem:$0x3F9E] =	sst s5  }
0xe: {  	[smem:$0x3F9F] =	sst s6  }
0xf: {  	[smem:$0x3FA0] =	sst s7  }
0x10: {  	[smem:$0x3FA1] =	sst s8  }
0x11: {  	[smem:$0x3FA2] =	sst s9;
	s0 =	simm.s32 @!p0 $0x0  }
0x12: {  	s1 =	sld [smem:$0x3F88];
	s0 =	simm.s32 @p0 $0x1  }
0x13: {  	[smem:$0x3FA3] =	sst s0;
	s0 =	simm.s32 @!p1 $0x0  }
0x14: {  	s2 =	sld [smem:$0x3F87];
	s0 =	simm.s32 @p1 $0x1  }
0x15: {  	[smem:$0x3FA4] =	sst s0;
	s0 =	simm.s32 @!p2 $0x0  }
0x16: {  	s3 =	sld [smem:$0x3FDB];
	s0 =	simm.s32 @p2 $0x1  }
0x17: {  	s4 =	simm.s32 $0x1BF5;
	[smem:$0x3FA6] =	sst s0  }
0x18: {  	s0 =	sld [smem:$0x3F89];
	_ =	swait.ge [sflag:s4], $0x0  }
0x19: {  	s7 =	sld [smem:$0x3F8A]  }
0x1a: {  	s8 =	sadd.s32 $0xFFFFE003, lr  }
0x1b: {  	s9 =	sadd.s32 $0xFFFFFEF7, lr;
	s5 =	simm.s32 $0xFFFFFFFF;
	p2 =	slt.u32 s8, $0xFFFFF086  }
0x1c: {  	p1 =	slt.u32 s9, $0xF7A;
	s5 =	simm.s32 @!p2 $0x0  }
0x1d: {  	s5 =	simm.s32 @p1 $0x1;
	p0 =	seq.s32 s7, s2  }
0x1e: {  	s7 =	smul.u32 @!p0 $0xF7A, s2;
	p2 =	seq.s32 @!p0 s5, $0x0  }
0x1f: {  	s9 =	smul.u32 $0xF7A, s1;
	s8 =	simm.s32 @!p0 $0x1BF5;
	p2 =	por !p2, p0  }
0x20: {  	[sflag:s8] =	ssyncset.s32 @!p0 $0xFFFFF086;
	s6 =	sadd.s32 @!p0 s3, s7;
	s7 =	simm.s32 @!p0 $0x108  }
0x21: {  	s3 =	sadd.s32 s3, s9;
	s6 =	sadd.s32 @!p0 $0x88, s6;
	s7 =	simm.s32 @p2 $0x1082  }
0x22: {  	[simem:s7], [sflag:s8] =	dma.local @!p0 [hbm:s6], $0xF7A  }
0x23: {  	s9 =	sor.u32 $0xD0000000, s2;
	s6 =	simm.s32 $0x108;
	_ =	swait.ge @!p0 [sflag:s8], $0x0  }
0x24: {  	s3 =	sadd.s32 $0x88, s3;
	s6 =	simm.s32 @!p1 $0x1082;
	[sflag:s4] =	ssyncset.s32 $0xFFFFF086  }
0x25: {  	[simem:s6], [sflag:s4] =	dma.local [hbm:s3], $0xF7A  }
0x26: {  	[smem:$0x3F8A] =	sst s1;
	(tag) =	ssettag s2;
	_ =	strace s9  }
0x27: {  	s1 =	sld [smem:$0x3F9A]  }
0x28: {  	s2 =	sld [smem:$0x3F9B]  }
0x29: {  	s4 =	sld [smem:$0x3F9D]  }
0x2a: {  	p0 =	seq.s32 s5, $0x0;
	s5 =	sld [smem:$0x3F9E]  }
0x2b: {  	s6 =	sld [smem:$0x3F9F]  }
0x2c: {  	s7 =	sld [smem:$0x3FA0]  }
0x2d: {  	s3 =	simm.s32 $0x108;
	s8 =	sld [smem:$0x3FA1]  }
0x2e: {  	s3 =	simm.s32 @!p0 $0x1082;
	s9 =	sld [smem:$0x3FA2]  }
0x2f: {  	lr =	sadd.s32 s0, s3;
	s0 =	sld [smem:$0x3F99]  }
0x30: {  	s3 =	sld [smem:$0x3F9C]  }
0x31: {  	[smem:$0x3FA5] =	sst s10  }
0x32: {  	s10 =	sld [smem:$0x3FA3];
	_ =	sdelay $0x3  }
0x33: {  	p0 =	seq.s32 s10, $0x1;
	s10 =	sld [smem:$0x3FA5];
	_ =	sdelay $0x3  }
0x34: {  	[smem:$0x3FA5] =	sst s10  }
0x35: {  	s10 =	sld [smem:$0x3FA4];
	_ =	sdelay $0x3  }
0x36: {  	p1 =	seq.s32 s10, $0x1;
	s10 =	sld [smem:$0x3FA5];
	_ =	sdelay $0x3  }
0x37: {  	[smem:$0x3FA5] =	sst s10  }
0x38: {  	s10 =	sld [smem:$0x3FA6]  }
0x39: {  	_ = 	snop;
	(pc) =	sbr.ind lr, $3  }
0x3a: {  	_ = 	snop  }
0x3b: {  	_ = 	snop  }
0x3c: {  	p2 =	seq.s32 s10, $0x1;
	s10 =	sld [smem:$0x3FA5]  }
0x3d: {  	_ =	shalt  }
0x3e: {  	_ =	shalt  }
0x3f: {  	_ =	shalt  }
0x40: {  	_ =	shalt  }
0x41: {  	_ =	shalt  }
0x42: {  	_ =	shalt  }
0x43: {  	_ =	shalt  }
0x44: {  	_ =	shalt  }
0x45: {  	_ =	shalt  }
0x46: {  	_ =	shalt  }
0x47: {  	_ =	shalt  }
0x48: {  	_ =	shalt  }
0x49: {  	_ =	shalt  }
0x4a: {  	_ =	shalt  }
0x4b: {  	_ =	shalt  }
0x4c: {  	_ =	shalt  }
0x4d: {  	_ =	shalt  }
0x4e: {  	_ =	shalt  }
0x4f: {  	_ =	shalt  }
0x50: {  	_ =	shalt  }
0x51: {  	_ =	shalt  }
0x52: {  	_ =	shalt  }
0x53: {  	_ =	shalt  }
0x54: {  	_ =	shalt  }
0x55: {  	_ =	shalt  }
0x56: {  	_ =	shalt  }
0x57: {  	_ =	shalt  }
0x58: {  	_ =	shalt  }
0x59: {  	_ =	shalt  }
0x5a: {  	_ =	shalt  }
0x5b: {  	_ =	shalt  }
0x5c: {  	_ =	shalt  }
0x5d: {  	_ =	shalt  }
0x5e: {  	_ =	shalt  }
0x5f: {  	_ =	shalt  }
0x60: {  	_ =	shalt  }
0x61: {  	_ =	shalt  }
0x62: {  	_ =	shalt  }
0x63: {  	_ =	shalt  }
0x64: {  	_ =	shalt  }
0x65: {  	_ =	shalt  }
0x66: {  	_ =	shalt  }
0x67: {  	_ =	shalt  }
0x68: {  	_ =	shalt  }
0x69: {  	_ =	shalt  }
0x6a: {  	_ =	shalt  }
0x6b: {  	_ =	shalt  }
0x6c: {  	_ =	shalt  }
0x6d: {  	_ =	shalt  }
0x6e: {  	_ =	shalt  }
0x6f: {  	_ =	shalt  }
0x70: {  	_ =	shalt  }
0x71: {  	_ =	shalt  }
0x72: {  	_ =	shalt  }
0x73: {  	_ =	shalt  }
0x74: {  	_ =	shalt  }
0x75: {  	_ =	shalt  }
0x76: {  	_ =	shalt  }
0x77: {  	_ =	shalt  }
0x78: {  	_ =	shalt  }
0x79: {  	_ =	shalt  }
0x7a: {  	_ =	shalt  }
0x7b: {  	_ =	shalt  }
0x7c: {  	_ =	shalt  }
0x7d: {  	_ =	shalt  }
0x7e: {  	_ =	shalt  }
0x7f: {  	_ =	shalt  }
0x80: {  	_ =	shalt  }
0x81: {  	_ =	shalt  }
0x82: {  	_ =	shalt  }
0x83: {  	_ =	shalt  }
0x84: {  	_ =	shalt  }
0x85: {  	_ =	shalt  }
0x86: {  	_ =	shalt  }
0x87: {  	_ =	shalt  }
.Lfunc_end0:
.L_simem_size_0:
called_computation_lowered:
.L_overlay_start_0:
0x88: {  	s2 =	sld [smem:$0x3FD9]  }
0x89: {  	s3 =	sld [smem:$0x3FFE];
	_ =	sdelay $0x1  }
0x8a: {  	s1 =	srdreg.scid  }
0x8b: {  	s0 =	sand.u32 $0x1, s1  }
0x8c: {  	s17 =	sshll.u32 s0, $0xA;
	s2 =	sadd.s32 s3, s2  }
0x8d: {  	s2 =	sadd.s32 s2, s17  }
0x8e: {  	[smem:$0x3FB1] =	sst s2  }
0x8f: {  	_ = 	snop  }
0x90: {  	(tm) =	ssettm $0x1  }
0x91: {  	s18 =	sld [smem:$0x3FFB];
	_ =	sdelay $0x3  }
0x92: {  	_ =	strace s18  }
0x93: {  	s2 =	sld [smem:$0x3FFC];
	_ =	sdelay $0x3  }
0x94: {  	_ =	strace s2  }
0x95: {  	s2 =	sld [smem:$0x3FFD];
	_ =	sdelay $0x3  }
0x96: {  	_ =	strace s2  }
0x97: {  	_ =	strace $0x8FFFFFFF  }
0x98: {  	s19 =	sld [smem:$0x3FDB];
	_ =	sdelay $0x1  }
0x99: {  	s20 =	simm.s32 $_scs_section_size  }
0x9a: {  	s4 =	simm.s32 $_size__tile_overlayer_lowered;
	s5 =	simm.s32 $_tile_overlayer_lowered  }
0x9b: {  	s6 =	simm.s32 $0x1BFF;
	s21 =	sshll.u32 s5, $0x1;
	s3 =	sadd.s32 s20, s19  }
0x9c: {  	s22 =	simm.s32 $0x0;
	s4 =	sshll.u32 s4, $0x1;
	s5 =	sadd.s32 s21, s3  }
0x9d: {  	[timem:s22], [sflag:s6] =	dma.local [hbm:s5], s4  }
0x9e: {  	_ =	swait.ge [sflag:s6], s4  }
0x9f: {  	s4 =	ssub.s32 $0x0, s4;
	[sflag:s6] =	ssyncset.done $0x0  }
0xa0: {  	[sflag:s6] =	ssyncadd.s32 s4;
	_ =	sdelay $0x1  }
0xa1: {  	s23 =	simm.s32 $0x1B8B  }
0xa2: {  	_ =	swait.ge [sflag:s23], $0x1  }
0xa3: {  	[sflag:s23] =	ssyncset.done $0x0  }
0xa4: {  	[sflag:s23] =	ssyncadd.s32 $0xFFFFFFFF  }
0xa5: {  	s4 =	sld [smem:$0x0]  }
0xa6: {  	s5 =	sand.u32 $0xFFFFFFFE, s1  }
0xa7: {  	p0 =	sne.s32 s1, s5  }
0xa8: {  	s5 =	sshll.u32 @p0 s5, $0xE  }
0xa9: {  	s5 =	sadd.s32 @p0 $0x11B8D, s5;
	s6 =	sshll.u32 @p0 s4, $0x11  }
0xaa: {  	s5 =	sor.u32 @p0 s6, s5  }
0xab: {  	[sflag:s5] =	ssyncadd.remote.s32 @p0 $0x1;
	_ =	sdelay $0x1  }
0xac: {  	s5 =	simm.s32 @p0 $0x1B8D  }
0xad: {  	_ =	swait.eq @p0 [sflag:s5], $0x1  }
0xae: {  	[sflag:s5] =	ssyncadd.s32 @p0 $0xFFFFFFFF  }
0xaf: {  	s6 =	sshll.u32 @!p0 s1, $0xE  }
0xb0: {  	s6 =	sor.u32 @!p0 $0x4000, s6;
	s5 =	simm.s32 @!p0 $0x1B8D  }
0xb1: {  	s4 =	sshll.u32 @!p0 s4, $0x11;
	s6 =	sadd.s32 @!p0 $0x11B8D, s6;
	_ =	swait.eq @!p0 [sflag:s5], $0x1  }
0xb2: {  	s4 =	sor.u32 @!p0 s4, s6;
	[sflag:s5] =	ssyncadd.s32 @!p0 $0xFFFFFFFF  }
0xb3: {  	s25 =	simm.s32 $0x1B8E;
	s24 =	sld [smem:$0x3FFE];
	[sflag:s4] =	ssyncadd.remote.s32 @!p0 $0x1  }
0xb4: {  	s26 =	simm.s32 $execute0_lowered;
	[smem:$0x3FD2] =	sst s25  }
0xb5: {  	s5 =	sshll.u32 s26, $0x1;
	_ =	strace $0x80000049;
	[dreg:$0x1] =	wrdreg $0xFFFFFFFF  }
0xb6: {  	s28 =	simm.s32 $_size_execute0_lowered;
	s3 =	sadd.s32 s3, s5;
	[dreg:$0x0] =	wrdreg $0x0  }
0xb7: {  	s5 =	sshll.u32 s28, $0x1;
	[dreg:$0x2] =	wrdreg s3  }
0xb8: {  	[dreg:$0x3] =	wrdreg s5  }
0xb9: {  	[dreg:$0x4] =	wrdreg $0xC0  }
0xba: {  	_ =	task [dreg:s22], $0x5FFFF  }
0xbb: {  	[dreg:$0x1] =	wrdreg $0xFFFFFFFF  }
0xbc: {  	[dreg:$0x0] =	wrdreg $0x60  }
0xbd: {  	[dreg:$0x2] =	wrdreg s24  }
0xbe: {  	[dreg:$0x3] =	wrdreg $0x0  }
0xbf: {  	[dreg:$0x4] =	wrdreg $0x9  }
0xc0: {  	_ =	task.clear_ibuf [dreg:s22], $0x5FFFF;
	_ =	strace $0x90000049  }
0xc1: {  	s29 =	simm.s32 $0x9;
	_ =	strace $0x8000004B  }
0xc2: {  	_ =	swait.ge [sflag:s29], $0x1  }
0xc3: {  	[sflag:s29] =	ssyncadd.s32 $0xFFFFFFFF  }
0xc4: {  	_ =	strace $0x9000004B  }
0xc5: {  	_ =	sfence  }
0xc6: {  	s30 =	sld [smem:$0x0];
	_ =	sdelay $0x2  }
0xc7: {  	s31 =	sshll.u32 s1, $0xD;
	s1 =	sshrl.u32 s1, $0x2  }
0xc8: {  	s4 =	sand.u32 $0x4000, s31;
	s1 =	sadd.s32 s1, s30  }
0xc9: {  	s0 =	sor.u32 s4, s0;
	s1 =	sshll.u32 s1, $0x11  }
0xca: {  	s0 =	sor.u32 s1, s0  }
0xcb: {  	s0 =	sadd.s32 $0x8F2B, s0  }
0xcc: {  	[sflag:s0] =	ssyncadd.remote.s32 $0x1  }
0xcd: {  	_ =	sfence.sel $0xFFFF  }
0xce: {  	[dreg:$0x0] =	wrdreg $0xFFFFFFFF;
	(pc) =	sbr.abs _section_cstart, $3  }
0xcf: {  	[dreg:$0x1] =	wrdreg $0xFFFFFFFF  }
0xd0: {  	_ =	task.clear_ibuf [dreg:s22], $0x2FFFF;
	_ =	strace $0x9FFFFFFF  }
0xd1: {  	(tm) =	ssettm $0x7FFFFFFF  }
tec
execute0_lowered:
.L_overlay_start_1:
0x0: {  	(tag) =	ssettag $0x1  }
0x1: {  	s6 =	rddreg [dreg:$0x0]  }
0x2: {  	s2 =	rddreg [dreg:$0x1]  }
0x3: {  	s0 =	rddreg [dreg:$0x2];
	s3 =	simm.s32 $0x0;
	s1 =	stileid.u32  }
0x4: {  	s4 =	srdreg.scid;
	s14 =	simm.s32 $0x13900;
	s15 =	simm.s32 $0x80  }
0x5: {  	s16 =	simm.s32 $0x13D00;
	s17 =	simm.s32 $0x13980;
	s18 =	simm.s32 $0x13A00  }
0x6: {  	s19 =	simm.s32 $0x13A80;
	s20 =	simm.s32 $0x13B00;
	s21 =	simm.s32 $0x13B80  }
0x7: {  	s22 =	simm.s32 $0x13C00;
	s23 =	simm.s32 $0x13C80;
	s24 =	simm.s32 $0x1  }
0x8: {  	s25 =	simm.s32 $0x0;
	[smem:$0x7FF] =	sst s3;
	s5 =	sshll.u32 s1, $0x7  }
0x9: {  	s12 =	sand.u32 $0x1, s4;
	s4 =	sadd.s32 $0x9F1E00, s6;
	s9 =	smul.u32 $0x13880, s1  }
0xa: {  	s31 =	sshll.u32 s1, $0x6;
	_ =	strace $0x8000004A;
	s11 =	sadd.s32 s5, s6  }
.Ltmp0:
0xb: {  	s7 =	ssub.s32 $0x2, s12;
	s5 =	sadd.s32 $0x9F4600, s6;
	(pc) =	sbr.rel .LBB2_1-.Ltmp0, $4  }
0xc: {  	s6 =	sadd.s32 $0xA1B800, s6;
	p0 =	sne.s32 s12, $0x0;
	s8 =	sshrl.u32 s7, $0x1  }
0xd: {  	s13 =	sadd.s32 s9, s2;
	s10 =	ssub.s32 s7, s8;
	s7 =	sor.u32 $0x1C02, s31  }
0xe: {  	s8 =	sshrl.u32 s9, $0x3;
	s12 =	sshrl.u32 s13, $0x3;
	s13 =	simm.s32 $0x2  }
0xf: {  	v0 =	vimm.f32 $1.000000000e+00;
	s9 =	smax.u32 s10, $0x1;
	s10 =	sadd.s32 $0x19E00, s11;
	s11 =	sadd.s32 $0x23E00, s11  }
.LBB2_9:
0x10: {  	s26 =	sadd.s32 s26, s10;
	[sflag:s24] =	ssyncadd.s32 $0xFFFFC000  }
0x11: {  	[tilespmem:s14], [sflag:$0x2] =	stream.linear.gather [hbm4b:s26+s3], $0x400, $0x38;
	[tilespmem:$0x17D00] =	vst v63  }
0x12: {  	_ =	swait.ge [sflag:s13], $0x400  }
0x13: {  	[sflag:s13] =	ssyncset.done $0x0  }
0x14: {  	[sflag:s13] =	ssyncadd.s32 $0xFFFFFC00  }
0x15: {  	[spmem:s2] =	stream.indirect.scatter.add.f32 [tilespmem:s16], [sflag:$0x1], $0x80, s14, s15, $0xb8;
	[tilespmem:$0x17D00] =	vst v63  }
0x16: {  	_ = 	snop  }
0x17: {  	[spmem:s2] =	stream.indirect.scatter.add.f32 [tilespmem:s16], [sflag:$0x1], $0x80, s17, s15, $0xb8;
	[tilespmem:$0x17D00] =	vst v63  }
0x18: {  	_ = 	snop  }
0x19: {  	[spmem:s2] =	stream.indirect.scatter.add.f32 [tilespmem:s16], [sflag:$0x1], $0x80, s18, s15, $0xb8;
	[tilespmem:$0x17D00] =	vst v63  }
0x1a: {  	_ = 	snop  }
0x1b: {  	[spmem:s2] =	stream.indirect.scatter.add.f32 [tilespmem:s16], [sflag:$0x1], $0x80, s19, s15, $0xb8;
	[tilespmem:$0x17D00] =	vst v63  }
0x1c: {  	_ = 	snop  }
0x1d: {  	[spmem:s2] =	stream.indirect.scatter.add.f32 [tilespmem:s16], [sflag:$0x1], $0x80, s20, s15, $0xb8;
	[tilespmem:$0x17D00] =	vst v63  }
0x1e: {  	_ = 	snop  }
0x1f: {  	[spmem:s2] =	stream.indirect.scatter.add.f32 [tilespmem:s16], [sflag:$0x1], $0x80, s21, s15, $0xb8;
	[tilespmem:$0x17D00] =	vst v63  }
0x20: {  	_ = 	snop  }
0x21: {  	[spmem:s2] =	stream.indirect.scatter.add.f32 [tilespmem:s16], [sflag:$0x1], $0x80, s22, s15, $0xb8;
	[tilespmem:$0x17D00] =	vst v63  }
0x22: {  	_ = 	snop  }
0x23: {  	[spmem:s2] =	stream.indirect.scatter.add.f32 [tilespmem:s16], [sflag:$0x1], $0x80, s23, s15, $0xb8;
	[tilespmem:$0x17D00] =	vst v63  }
0x24: {  	_ =	swait.ge [sflag:s24], $0x4000  }
0x25: {  	[sflag:s24] =	ssyncset.done $0x0  }
0x26: {  	[sflag:s24] =	ssyncadd.s32 $0xFFFFC000  }
0x27: {  	_ =	swait.ge [sflag:s24], $0x4000  }
0x28: {  	[sflag:s24] =	ssyncset.done $0x0  }
0x29: {  	[sflag:s24] =	ssyncadd.s32 $0xFFFFC000  }
0x2a: {  	_ =	swait.ge [sflag:s24], $0x4000  }
0x2b: {  	[sflag:s24] =	ssyncset.done $0x0  }
0x2c: {  	[sflag:s24] =	ssyncadd.s32 $0xFFFFC000  }
0x2d: {  	_ =	swait.ge [sflag:s24], $0x4000  }
0x2e: {  	[sflag:s24] =	ssyncset.done $0x0  }
0x2f: {  	[sflag:s24] =	ssyncadd.s32 $0xFFFFC000  }
0x30: {  	_ =	swait.ge [sflag:s24], $0x4000  }
0x31: {  	[sflag:s24] =	ssyncset.done $0x0  }
0x32: {  	[sflag:s24] =	ssyncadd.s32 $0xFFFFC000  }
0x33: {  	_ =	swait.ge [sflag:s24], $0x4000  }
0x34: {  	[sflag:s24] =	ssyncset.done $0x0  }
0x35: {  	[sflag:s24] =	ssyncadd.s32 $0xFFFFC000  }
0x36: {  	_ =	swait.ge [sflag:s24], $0x4000  }
0x37: {  	[sflag:s24] =	ssyncset.done $0x0  }
0x38: {  	[sflag:s24] =	ssyncadd.s32 $0xFFFFC000  }
0x39: {  	_ =	swait.ge [sflag:s24], $0x4000  }
0x3a: {  	[sflag:s24] =	ssyncset.done $0x0  }
0x3b: {  	s26 =	smov.u32 s6;
	[sflag:s24] =	ssyncadd.s32 $0xFFFFC000  }
.LBB2_10:
0x3c: {  	s25 =	sadd.s32 $0x1, s25  }
0x3d: {  	p1 =	sne.s32 s25, s9  }
.Ltmp1:
0x3e: {  	s26 =	sadd.s32 s26, s8;
	[bflag:$0x0] =	sbarrier.arrive $0xFFFF;
	(pc) =	sbr.rel @!p1 .LBB2_11-.Ltmp1, $4  }
0x3f: {  	[hbm:s26], [sflag:s7] =	dma.local [spmem:s12], $0x2710  }
0x40: {  	_ =	swait.ge [sflag:s13], $0x2710  }
0x41: {  	[sflag:s13] =	ssyncset.done $0x0  }
0x42: {  	[sflag:s13] =	ssyncadd.s32 $0xFFFFD8F0  }
.LBB2_1:
0x43: {  	s26 =	simm.s32 $0x0;
	s28 =	simm.s32 $0x200  }
.LBB2_2:
0x44: {  	p1 =	sne.s32 s28, $0xFE00;
	[tilespmem:s26+$0x13D70] =	vst v0  }
0x45: {  	[tilespmem:s26+$0x13D00] =	vst v0  }
0x46: {  	[tilespmem:s26+$0x13D10] =	vst v0  }
.Ltmp2:
0x47: {  	[tilespmem:s26+$0x13D20] =	vst v0;
	(pc) =	sbr.rel @p1 .LBB2_2-.Ltmp2, $4  }
0x48: {  	[tilespmem:s26+$0x13D30] =	vst v0  }
0x49: {  	[tilespmem:s26+$0x13D40] =	vst v0  }
0x4a: {  	[tilespmem:s26+$0x13D50] =	vst v0  }
0x4b: {  	[tilespmem:s26+$0x13D60] =	vst v0;
	s26 =	sshra.s32 s28, $0x2;
	s28 =	sadd.s32 $0x200, s28  }
0x4c: {  	[tilespmem:s26+$0x13D70] =	vst v0  }
0x4d: {  	[tilespmem:s26+$0x13D00] =	vst v0  }
0x4e: {  	[tilespmem:s26+$0x13D10] =	vst v0  }
0x4f: {  	[tilespmem:s26+$0x13D20] =	vst v0  }
0x50: {  	[tilespmem:s26+$0x13D30] =	vst v0  }
0x51: {  	[tilespmem:s26+$0x13D40] =	vst v0  }
0x52: {  	[tilespmem:s26+$0x13D50] =	vst v0  }
0x53: {  	[tilespmem:s26+$0x13D60] =	vst v0  }
0x54: {  	[spmem:s12], [sflag:s7] =	dma.local [hbm:s4], $0x2710  }
.Ltmp3:
0x55: {  	_ =	swait.ge [sflag:s13], $0x2710;
	(pc) =	sbr.rel @p0 .LBB2_7-.Ltmp3, $3  }
0x56: {  	[sflag:s13] =	ssyncset.done $0x0  }
0x57: {  	[sflag:s13] =	ssyncadd.s32 $0xFFFFD8F0  }
0x58: {  	[bflag:$0x0] =	sbarrier.arrive $0xFFFF;
	_ =	sdelay $0x1  }
0x59: {  	s26 =	sadd.s32 $0x0, s11  }
0x5a: {  	[tilespmem:s14], [sflag:$0x2] =	stream.linear.gather [hbm4b:s26+s3], $0x400, $0x38;
	[tilespmem:$0x17D00] =	vst v63  }
0x5b: {  	_ =	swait.ge [sflag:s13], $0x400  }
0x5c: {  	[sflag:s13] =	ssyncset.done $0x0  }
0x5d: {  	[sflag:s13] =	ssyncadd.s32 $0xFFFFFC00  }
0x5e: {  	[spmem:s2] =	stream.indirect.scatter.add.f32 [tilespmem:s16], [sflag:$0x1], $0x80, s14, s15, $0xb8;
	[tilespmem:$0x17D00] =	vst v63  }
0x5f: {  	_ = 	snop  }
0x60: {  	[spmem:s2] =	stream.indirect.scatter.add.f32 [tilespmem:s16], [sflag:$0x1], $0x80, s17, s15, $0xb8;
	[tilespmem:$0x17D00] =	vst v63  }
0x61: {  	_ = 	snop  }
0x62: {  	[spmem:s2] =	stream.indirect.scatter.add.f32 [tilespmem:s16], [sflag:$0x1], $0x80, s18, s15, $0xb8;
	[tilespmem:$0x17D00] =	vst v63  }
0x63: {  	_ = 	snop  }
0x64: {  	[spmem:s2] =	stream.indirect.scatter.add.f32 [tilespmem:s16], [sflag:$0x1], $0x80, s19, s15, $0xb8;
	[tilespmem:$0x17D00] =	vst v63  }
0x65: {  	_ = 	snop  }
0x66: {  	[spmem:s2] =	stream.indirect.scatter.add.f32 [tilespmem:s16], [sflag:$0x1], $0x80, s20, s15, $0xb8;
	[tilespmem:$0x17D00] =	vst v63  }
0x67: {  	_ = 	snop  }
0x68: {  	[spmem:s2] =	stream.indirect.scatter.add.f32 [tilespmem:s16], [sflag:$0x1], $0x80, s21, s15, $0xb8;
	[tilespmem:$0x17D00] =	vst v63  }
0x69: {  	_ = 	snop  }
0x6a: {  	[spmem:s2] =	stream.indirect.scatter.add.f32 [tilespmem:s16], [sflag:$0x1], $0x80, s22, s15, $0xb8;
	[tilespmem:$0x17D00] =	vst v63  }
0x6b: {  	_ = 	snop  }
0x6c: {  	[spmem:s2] =	stream.indirect.scatter.add.f32 [tilespmem:s16], [sflag:$0x1], $0x80, s23, s15, $0xb8;
	[tilespmem:$0x17D00] =	vst v63  }
0x6d: {  	_ =	swait.ge [sflag:s24], $0x4000  }
0x6e: {  	[sflag:s24] =	ssyncset.done $0x0  }
0x6f: {  	[sflag:s24] =	ssyncadd.s32 $0xFFFFC000  }
0x70: {  	_ =	swait.ge [sflag:s24], $0x4000  }
0x71: {  	[sflag:s24] =	ssyncset.done $0x0  }
0x72: {  	[sflag:s24] =	ssyncadd.s32 $0xFFFFC000  }
0x73: {  	_ =	swait.ge [sflag:s24], $0x4000  }
0x74: {  	[sflag:s24] =	ssyncset.done $0x0  }
0x75: {  	[sflag:s24] =	ssyncadd.s32 $0xFFFFC000  }
0x76: {  	_ =	swait.ge [sflag:s24], $0x4000  }
0x77: {  	[sflag:s24] =	ssyncset.done $0x0  }
0x78: {  	[sflag:s24] =	ssyncadd.s32 $0xFFFFC000  }
0x79: {  	_ =	swait.ge [sflag:s24], $0x4000  }
0x7a: {  	[sflag:s24] =	ssyncset.done $0x0  }
0x7b: {  	[sflag:s24] =	ssyncadd.s32 $0xFFFFC000  }
0x7c: {  	_ =	swait.ge [sflag:s24], $0x4000  }
0x7d: {  	[sflag:s24] =	ssyncset.done $0x0  }
0x7e: {  	[sflag:s24] =	ssyncadd.s32 $0xFFFFC000  }
0x7f: {  	_ =	swait.ge [sflag:s24], $0x4000  }
0x80: {  	[sflag:s24] =	ssyncset.done $0x0  }
0x81: {  	[sflag:s24] =	ssyncadd.s32 $0xFFFFC000  }
0x82: {  	_ =	swait.ge [sflag:s24], $0x4000  }
0x83: {  	s29 =	simm.s32 $0x1000;
	s26 =	simm.s32 $0x800;
	[sflag:s24] =	ssyncset.done $0x0  }
.LBB2_5:
0x84: {  	s30 =	sadd.s32 s26, s11  }
0x85: {  	[sflag:s24] =	ssyncadd.s32 $0xFFFFC000;
	s26 =	smov.u32 s29;
	s28 =	sadd.s32 $0x800, s29  }
0x86: {  	[tilespmem:s14], [sflag:$0x2] =	stream.linear.gather [hbm4b:s30+s3], $0x400, $0x38;
	[tilespmem:$0x17D00] =	vst v63  }
0x87: {  	p1 =	seq.s32 s29, $0x9800;
	_ =	swait.ge [sflag:s13], $0x400  }
0x88: {  	[sflag:s13] =	ssyncset.done $0x0  }
0x89: {  	[sflag:s13] =	ssyncadd.s32 $0xFFFFFC00  }
0x8a: {  	[spmem:s2] =	stream.indirect.scatter.add.f32 [tilespmem:s16], [sflag:$0x1], $0x80, s14, s15, $0xb8;
	[tilespmem:$0x17D00] =	vst v63  }
0x8b: {  	_ = 	snop  }
0x8c: {  	[spmem:s2] =	stream.indirect.scatter.add.f32 [tilespmem:s16], [sflag:$0x1], $0x80, s17, s15, $0xb8;
	[tilespmem:$0x17D00] =	vst v63  }
0x8d: {  	_ = 	snop  }
0x8e: {  	[spmem:s2] =	stream.indirect.scatter.add.f32 [tilespmem:s16], [sflag:$0x1], $0x80, s18, s15, $0xb8;
	[tilespmem:$0x17D00] =	vst v63  }
0x8f: {  	_ = 	snop  }
0x90: {  	[spmem:s2] =	stream.indirect.scatter.add.f32 [tilespmem:s16], [sflag:$0x1], $0x80, s19, s15, $0xb8;
	[tilespmem:$0x17D00] =	vst v63  }
0x91: {  	_ = 	snop  }
0x92: {  	[spmem:s2] =	stream.indirect.scatter.add.f32 [tilespmem:s16], [sflag:$0x1], $0x80, s20, s15, $0xb8;
	[tilespmem:$0x17D00] =	vst v63  }
0x93: {  	_ = 	snop  }
0x94: {  	[spmem:s2] =	stream.indirect.scatter.add.f32 [tilespmem:s16], [sflag:$0x1], $0x80, s21, s15, $0xb8;
	[tilespmem:$0x17D00] =	vst v63  }
0x95: {  	_ = 	snop  }
0x96: {  	[spmem:s2] =	stream.indirect.scatter.add.f32 [tilespmem:s16], [sflag:$0x1], $0x80, s22, s15, $0xb8;
	[tilespmem:$0x17D00] =	vst v63  }
0x97: {  	_ = 	snop  }
0x98: {  	[spmem:s2] =	stream.indirect.scatter.add.f32 [tilespmem:s16], [sflag:$0x1], $0x80, s23, s15, $0xb8;
	[tilespmem:$0x17D00] =	vst v63  }
0x99: {  	_ =	swait.ge [sflag:s24], $0x4000  }
0x9a: {  	[sflag:s24] =	ssyncset.done $0x0  }
0x9b: {  	[sflag:s24] =	ssyncadd.s32 $0xFFFFC000  }
0x9c: {  	_ =	swait.ge [sflag:s24], $0x4000  }
0x9d: {  	[sflag:s24] =	ssyncset.done $0x0  }
0x9e: {  	[sflag:s24] =	ssyncadd.s32 $0xFFFFC000  }
0x9f: {  	_ =	swait.ge [sflag:s24], $0x4000  }
0xa0: {  	[sflag:s24] =	ssyncset.done $0x0  }
0xa1: {  	[sflag:s24] =	ssyncadd.s32 $0xFFFFC000  }
0xa2: {  	_ =	swait.ge [sflag:s24], $0x4000  }
0xa3: {  	[sflag:s24] =	ssyncset.done $0x0  }
0xa4: {  	[sflag:s24] =	ssyncadd.s32 $0xFFFFC000  }
0xa5: {  	_ =	swait.ge [sflag:s24], $0x4000  }
0xa6: {  	[sflag:s24] =	ssyncset.done $0x0  }
0xa7: {  	[sflag:s24] =	ssyncadd.s32 $0xFFFFC000  }
0xa8: {  	_ =	swait.ge [sflag:s24], $0x4000  }
0xa9: {  	[sflag:s24] =	ssyncset.done $0x0  }
0xaa: {  	[sflag:s24] =	ssyncadd.s32 $0xFFFFC000  }
.Ltmp4:
0xab: {  	_ =	swait.ge [sflag:s24], $0x4000;
	(pc) =	sbr.rel @!p1 .LBB2_5-.Ltmp4, $4  }
0xac: {  	[sflag:s24] =	ssyncset.done $0x0  }
0xad: {  	[sflag:s24] =	ssyncadd.s32 $0xFFFFC000  }
0xae: {  	_ =	swait.ge [sflag:s24], $0x4000  }
0xaf: {  	s29 =	smov.u32 s28;
	[sflag:s24] =	ssyncset.done $0x0  }
0xb0: {  	s26 =	sadd.s32 s26, s11;
	[sflag:s24] =	ssyncadd.s32 $0xFFFFC000  }
0xb1: {  	[tilespmem:s14], [sflag:$0x2] =	stream.linear.gather [hbm4b:s26+s3], $0x400, $0x38;
	[tilespmem:$0x17D00] =	vst v63  }
0xb2: {  	_ =	swait.ge [sflag:s13], $0x400  }
0xb3: {  	[sflag:s13] =	ssyncset.done $0x0  }
0xb4: {  	[sflag:s13] =	ssyncadd.s32 $0xFFFFFC00  }
0xb5: {  	[spmem:s2] =	stream.indirect.scatter.add.f32 [tilespmem:s16], [sflag:$0x1], $0x80, s14, s15, $0xb8;
	[tilespmem:$0x17D00] =	vst v63  }
0xb6: {  	_ = 	snop  }
0xb7: {  	[spmem:s2] =	stream.indirect.scatter.add.f32 [tilespmem:s16], [sflag:$0x1], $0x80, s17, s15, $0xb8;
	[tilespmem:$0x17D00] =	vst v63  }
0xb8: {  	_ = 	snop  }
0xb9: {  	[spmem:s2] =	stream.indirect.scatter.add.f32 [tilespmem:s16], [sflag:$0x1], $0x80, s18, s15, $0xb8;
	[tilespmem:$0x17D00] =	vst v63  }
0xba: {  	_ = 	snop  }
0xbb: {  	[spmem:s2] =	stream.indirect.scatter.add.f32 [tilespmem:s16], [sflag:$0x1], $0x80, s19, s15, $0xb8;
	[tilespmem:$0x17D00] =	vst v63  }
0xbc: {  	_ = 	snop  }
0xbd: {  	[spmem:s2] =	stream.indirect.scatter.add.f32 [tilespmem:s16], [sflag:$0x1], $0x80, s20, s15, $0xb8;
	[tilespmem:$0x17D00] =	vst v63  }
0xbe: {  	_ = 	snop  }
0xbf: {  	[spmem:s2] =	stream.indirect.scatter.add.f32 [tilespmem:s16], [sflag:$0x1], $0x80, s21, s15, $0xb8;
	[tilespmem:$0x17D00] =	vst v63  }
0xc0: {  	_ = 	snop  }
0xc1: {  	[spmem:s2] =	stream.indirect.scatter.add.f32 [tilespmem:s16], [sflag:$0x1], $0x80, s22, s15, $0xb8;
	[tilespmem:$0x17D00] =	vst v63  }
0xc2: {  	_ = 	snop  }
0xc3: {  	[spmem:s2] =	stream.indirect.scatter.add.f32 [tilespmem:s16], [sflag:$0x1], $0x80, s23, s15, $0xb8;
	[tilespmem:$0x17D00] =	vst v63  }
0xc4: {  	_ =	swait.ge [sflag:s24], $0x4000  }
0xc5: {  	[sflag:s24] =	ssyncset.done $0x0  }
0xc6: {  	[sflag:s24] =	ssyncadd.s32 $0xFFFFC000  }
0xc7: {  	_ =	swait.ge [sflag:s24], $0x4000  }
0xc8: {  	[sflag:s24] =	ssyncset.done $0x0  }
0xc9: {  	[sflag:s24] =	ssyncadd.s32 $0xFFFFC000  }
0xca: {  	_ =	swait.ge [sflag:s24], $0x4000  }
0xcb: {  	[sflag:s24] =	ssyncset.done $0x0  }
0xcc: {  	[sflag:s24] =	ssyncadd.s32 $0xFFFFC000  }
0xcd: {  	_ =	swait.ge [sflag:s24], $0x4000  }
0xce: {  	[sflag:s24] =	ssyncset.done $0x0  }
0xcf: {  	[sflag:s24] =	ssyncadd.s32 $0xFFFFC000  }
0xd0: {  	_ =	swait.ge [sflag:s24], $0x4000  }
0xd1: {  	[sflag:s24] =	ssyncset.done $0x0  }
0xd2: {  	[sflag:s24] =	ssyncadd.s32 $0xFFFFC000  }
0xd3: {  	_ =	swait.ge [sflag:s24], $0x4000  }
0xd4: {  	[sflag:s24] =	ssyncset.done $0x0  }
0xd5: {  	[sflag:s24] =	ssyncadd.s32 $0xFFFFC000  }
0xd6: {  	_ =	swait.ge [sflag:s24], $0x4000  }
.Ltmp5:
0xd7: {  	[sflag:s24] =	ssyncset.done $0x0;
	(pc) =	sbr.rel .LBB2_10-.Ltmp5, $4  }
0xd8: {  	[sflag:s24] =	ssyncadd.s32 $0xFFFFC000  }
0xd9: {  	_ =	swait.ge [sflag:s24], $0x4000  }
0xda: {  	[sflag:s24] =	ssyncset.done $0x0  }
0xdb: {  	s26 =	smov.u32 s5;
	[sflag:s24] =	ssyncadd.s32 $0xFFFFC000  }
.LBB2_7:
0xdc: {  	s26 =	sadd.s32 $0x0, s10  }
0xdd: {  	[tilespmem:s14], [sflag:$0x2] =	stream.linear.gather [hbm4b:s26+s3], $0x400, $0x38;
	[tilespmem:$0x17D00] =	vst v63  }
0xde: {  	_ =	swait.ge [sflag:s13], $0x400  }
0xdf: {  	[sflag:s13] =	ssyncset.done $0x0  }
0xe0: {  	[sflag:s13] =	ssyncadd.s32 $0xFFFFFC00  }
0xe1: {  	[spmem:s2] =	stream.indirect.scatter.add.f32 [tilespmem:s16], [sflag:$0x1], $0x80, s14, s15, $0xb8;
	[tilespmem:$0x17D00] =	vst v63  }
0xe2: {  	_ = 	snop  }
0xe3: {  	[spmem:s2] =	stream.indirect.scatter.add.f32 [tilespmem:s16], [sflag:$0x1], $0x80, s17, s15, $0xb8;
	[tilespmem:$0x17D00] =	vst v63  }
0xe4: {  	_ = 	snop  }
0xe5: {  	[spmem:s2] =	stream.indirect.scatter.add.f32 [tilespmem:s16], [sflag:$0x1], $0x80, s18, s15, $0xb8;
	[tilespmem:$0x17D00] =	vst v63  }
0xe6: {  	_ = 	snop  }
0xe7: {  	[spmem:s2] =	stream.indirect.scatter.add.f32 [tilespmem:s16], [sflag:$0x1], $0x80, s19, s15, $0xb8;
	[tilespmem:$0x17D00] =	vst v63  }
0xe8: {  	_ = 	snop  }
0xe9: {  	[spmem:s2] =	stream.indirect.scatter.add.f32 [tilespmem:s16], [sflag:$0x1], $0x80, s20, s15, $0xb8;
	[tilespmem:$0x17D00] =	vst v63  }
0xea: {  	_ = 	snop  }
0xeb: {  	[spmem:s2] =	stream.indirect.scatter.add.f32 [tilespmem:s16], [sflag:$0x1], $0x80, s21, s15, $0xb8;
	[tilespmem:$0x17D00] =	vst v63  }
0xec: {  	_ = 	snop  }
0xed: {  	[spmem:s2] =	stream.indirect.scatter.add.f32 [tilespmem:s16], [sflag:$0x1], $0x80, s22, s15, $0xb8;
	[tilespmem:$0x17D00] =	vst v63  }
0xee: {  	_ = 	snop  }
0xef: {  	[spmem:s2] =	stream.indirect.scatter.add.f32 [tilespmem:s16], [sflag:$0x1], $0x80, s23, s15, $0xb8;
	[tilespmem:$0x17D00] =	vst v63  }
0xf0: {  	_ =	swait.ge [sflag:s24], $0x4000  }
0xf1: {  	[sflag:s24] =	ssyncset.done $0x0  }
0xf2: {  	[sflag:s24] =	ssyncadd.s32 $0xFFFFC000  }
0xf3: {  	_ =	swait.ge [sflag:s24], $0x4000  }
0xf4: {  	[sflag:s24] =	ssyncset.done $0x0  }
0xf5: {  	[sflag:s24] =	ssyncadd.s32 $0xFFFFC000  }
0xf6: {  	_ =	swait.ge [sflag:s24], $0x4000  }
0xf7: {  	[sflag:s24] =	ssyncset.done $0x0  }
0xf8: {  	[sflag:s24] =	ssyncadd.s32 $0xFFFFC000  }
0xf9: {  	_ =	swait.ge [sflag:s24], $0x4000  }
0xfa: {  	[sflag:s24] =	ssyncset.done $0x0  }
0xfb: {  	[sflag:s24] =	ssyncadd.s32 $0xFFFFC000  }
0xfc: {  	_ =	swait.ge [sflag:s24], $0x4000  }
0xfd: {  	[sflag:s24] =	ssyncset.done $0x0  }
0xfe: {  	[sflag:s24] =	ssyncadd.s32 $0xFFFFC000  }
0xff: {  	_ =	swait.ge [sflag:s24], $0x4000  }
0x100: {  	[sflag:s24] =	ssyncset.done $0x0  }
0x101: {  	[sflag:s24] =	ssyncadd.s32 $0xFFFFC000  }
0x102: {  	_ =	swait.ge [sflag:s24], $0x4000  }
0x103: {  	[sflag:s24] =	ssyncset.done $0x0  }
0x104: {  	[sflag:s24] =	ssyncadd.s32 $0xFFFFC000  }
0x105: {  	_ =	swait.ge [sflag:s24], $0x4000  }
0x106: {  	s29 =	simm.s32 $0x1000;
	s26 =	simm.s32 $0x800;
	[sflag:s24] =	ssyncset.done $0x0  }
.LBB2_8:
0x107: {  	s30 =	sadd.s32 s26, s10  }
0x108: {  	[sflag:s24] =	ssyncadd.s32 $0xFFFFC000;
	s26 =	smov.u32 s29;
	s28 =	sadd.s32 $0x800, s29  }
0x109: {  	[tilespmem:s14], [sflag:$0x2] =	stream.linear.gather [hbm4b:s30+s3], $0x400, $0x38;
	[tilespmem:$0x17D00] =	vst v63  }
0x10a: {  	p1 =	sne.s32 s29, $0x9800;
	_ =	swait.ge [sflag:s13], $0x400  }
0x10b: {  	[sflag:s13] =	ssyncset.done $0x0  }
0x10c: {  	[sflag:s13] =	ssyncadd.s32 $0xFFFFFC00  }
0x10d: {  	[spmem:s2] =	stream.indirect.scatter.add.f32 [tilespmem:s16], [sflag:$0x1], $0x80, s14, s15, $0xb8;
	[tilespmem:$0x17D00] =	vst v63  }
0x10e: {  	_ = 	snop  }
0x10f: {  	[spmem:s2] =	stream.indirect.scatter.add.f32 [tilespmem:s16], [sflag:$0x1], $0x80, s17, s15, $0xb8;
	[tilespmem:$0x17D00] =	vst v63  }
0x110: {  	_ = 	snop  }
0x111: {  	[spmem:s2] =	stream.indirect.scatter.add.f32 [tilespmem:s16], [sflag:$0x1], $0x80, s18, s15, $0xb8;
	[tilespmem:$0x17D00] =	vst v63  }
0x112: {  	_ = 	snop  }
0x113: {  	[spmem:s2] =	stream.indirect.scatter.add.f32 [tilespmem:s16], [sflag:$0x1], $0x80, s19, s15, $0xb8;
	[tilespmem:$0x17D00] =	vst v63  }
0x114: {  	_ = 	snop  }
0x115: {  	[spmem:s2] =	stream.indirect.scatter.add.f32 [tilespmem:s16], [sflag:$0x1], $0x80, s20, s15, $0xb8;
	[tilespmem:$0x17D00] =	vst v63  }
0x116: {  	_ = 	snop  }
0x117: {  	[spmem:s2] =	stream.indirect.scatter.add.f32 [tilespmem:s16], [sflag:$0x1], $0x80, s21, s15, $0xb8;
	[tilespmem:$0x17D00] =	vst v63  }
0x118: {  	_ = 	snop  }
0x119: {  	[spmem:s2] =	stream.indirect.scatter.add.f32 [tilespmem:s16], [sflag:$0x1], $0x80, s22, s15, $0xb8;
	[tilespmem:$0x17D00] =	vst v63  }
0x11a: {  	_ = 	snop  }
0x11b: {  	[spmem:s2] =	stream.indirect.scatter.add.f32 [tilespmem:s16], [sflag:$0x1], $0x80, s23, s15, $0xb8;
	[tilespmem:$0x17D00] =	vst v63  }
0x11c: {  	_ =	swait.ge [sflag:s24], $0x4000  }
0x11d: {  	[sflag:s24] =	ssyncset.done $0x0  }
0x11e: {  	[sflag:s24] =	ssyncadd.s32 $0xFFFFC000  }
0x11f: {  	_ =	swait.ge [sflag:s24], $0x4000  }
0x120: {  	[sflag:s24] =	ssyncset.done $0x0  }
0x121: {  	[sflag:s24] =	ssyncadd.s32 $0xFFFFC000  }
0x122: {  	_ =	swait.ge [sflag:s24], $0x4000  }
0x123: {  	[sflag:s24] =	ssyncset.done $0x0  }
0x124: {  	[sflag:s24] =	ssyncadd.s32 $0xFFFFC000  }
0x125: {  	_ =	swait.ge [sflag:s24], $0x4000  }
0x126: {  	[sflag:s24] =	ssyncset.done $0x0  }
0x127: {  	[sflag:s24] =	ssyncadd.s32 $0xFFFFC000  }
0x128: {  	_ =	swait.ge [sflag:s24], $0x4000  }
0x129: {  	[sflag:s24] =	ssyncset.done $0x0  }
0x12a: {  	[sflag:s24] =	ssyncadd.s32 $0xFFFFC000  }
0x12b: {  	_ =	swait.ge [sflag:s24], $0x4000  }
0x12c: {  	[sflag:s24] =	ssyncset.done $0x0  }
0x12d: {  	[sflag:s24] =	ssyncadd.s32 $0xFFFFC000  }
.Ltmp6:
0x12e: {  	_ =	swait.ge [sflag:s24], $0x4000;
	(pc) =	sbr.rel @p1 .LBB2_8-.Ltmp6, $4  }
0x12f: {  	[sflag:s24] =	ssyncset.done $0x0  }
0x130: {  	[sflag:s24] =	ssyncadd.s32 $0xFFFFC000  }
0x131: {  	_ =	swait.ge [sflag:s24], $0x4000  }
0x132: {  	s29 =	smov.u32 s28;
	[sflag:s24] =	ssyncset.done $0x0  }
.Ltmp7:
0x133: {  	_ = 	snop;
	(pc) =	sbr.rel .LBB2_9-.Ltmp7, $1  }
0x134: {  	_ =	sdelay $0x3  }
.LBB2_11:
0x135: {  	_ =	sfence.sel $0x180000  }
0x136: {  	[bflag:$0x0] =	sbarrier.arrive $0xFFFF  }
0x137: {  	p0 =	sne.s32 s1, $0x0;
	_ =	strace $0x9000004A  }
0x138: {  	s0 =	sadd.s32 @!p0 $0x100000, s0;
	[bflag:$0x2] =	sbarrier.arrive $0xFFFF  }
0x139: {  	[sflag:s0] =	ssyncadd.tile.s32 @!p0 $0x1;
	_ =	shalt  }
.Lfunc_end2:
_tile_overlayer_lowered:
.L_overlay_start_2:
0x13a: {  	(tag) =	ssettag $0x2  }
0x13b: {  	s0 =	rddreg [dreg:$0x0];
	s2 =	stileid.u32  }
0x13c: {  	s1 =	rddreg [dreg:$0x1];
	p0 =	sne.s32 s2, $0x0  }
0x13d: {  	s3 =	rddreg [dreg:$0x2];
	[bflag:$0x3] =	sbarrier.arrive $0xFFFF;
	s2 =	simm.s32 @!p0 $0x1C02  }
0x13e: {  	[timem:s3], [sflag:s2] =	dma.local @!p0 [hbm:s0], s1  }
0x13f: {  	s0 =	simm.s32 @!p0 $0x2  }
0x140: {  	_ =	swait.ge @!p0 [sflag:s0], s1  }
0x141: {  	s1 =	ssub.s32 @!p0 $0x0, s1;
	[sflag:s0] =	ssyncset.done @!p0 $0x0  }
0x142: {  	[sflag:s0] =	ssyncadd.s32 @!p0 s1  }
0x143: {  	[bflag:$0x3] =	sbarrier.arrive $0xFFFF  }
0x144: {  	_ =	shalt  }

// kernel: kernel.14.cloned.1.call-start
scs
__scs_entry_jumppad:
0x0: {  	(pc) =	sbr.rel $0x88, $3  }
0x1: {  	(tag) =	ssettag $0x0;
	lr =	simm.s32 $0x1  }
0x2: {  	[smem:$0x3F8A] =	sst lr;
	_ =	strace $0xD0000000  }
0x3: {  	_ = 	snop  }
0x4: {  	_ = 	snop  }
0x5: {  	_ = 	snop  }
0x6: {  	_ = 	snop  }
0x7: {  	_ = 	snop  }
__scs_overlays_trampoline_lowered:
0x8: {  	[smem:$0x3F99] =	sst s0  }
0x9: {  	[smem:$0x3F9A] =	sst s1  }
0xa: {  	[smem:$0x3F9B] =	sst s2  }
0xb: {  	[smem:$0x3F9C] =	sst s3  }
0xc: {  	[smem:$0x3F9D] =	sst s4  }
0xd: {  	[smem:$0x3F9E] =	sst s5  }
0xe: {  	[smem:$0x3F9F] =	sst s6  }
0xf: {  	[smem:$0x3FA0] =	sst s7  }
0x10: {  	[smem:$0x3FA1] =	sst s8  }
0x11: {  	[smem:$0x3FA2] =	sst s9;
	s0 =	simm.s32 @!p0 $0x0  }
0x12: {  	s1 =	sld [smem:$0x3F88];
	s0 =	simm.s32 @p0 $0x1  }
0x13: {  	[smem:$0x3FA3] =	sst s0;
	s0 =	simm.s32 @!p1 $0x0  }
0x14: {  	s2 =	sld [smem:$0x3F87];
	s0 =	simm.s32 @p1 $0x1  }
0x15: {  	[smem:$0x3FA4] =	sst s0;
	s0 =	simm.s32 @!p2 $0x0  }
0x16: {  	s3 =	sld [smem:$0x3FDB];
	s0 =	simm.s32 @p2 $0x1  }
0x17: {  	s4 =	simm.s32 $0x1BF5;
	[smem:$0x3FA6] =	sst s0  }
0x18: {  	s0 =	sld [smem:$0x3F89];
	_ =	swait.ge [sflag:s4], $0x0  }
0x19: {  	s7 =	sld [smem:$0x3F8A]  }
0x1a: {  	s8 =	sadd.s32 $0xFFFFE003, lr  }
0x1b: {  	s9 =	sadd.s32 $0xFFFFFEF7, lr;
	s5 =	simm.s32 $0xFFFFFFFF;
	p2 =	slt.u32 s8, $0xFFFFF086  }
0x1c: {  	p1 =	slt.u32 s9, $0xF7A;
	s5 =	simm.s32 @!p2 $0x0  }
0x1d: {  	s5 =	simm.s32 @p1 $0x1;
	p0 =	seq.s32 s7, s2  }
0x1e: {  	s7 =	smul.u32 @!p0 $0xF7A, s2;
	p2 =	seq.s32 @!p0 s5, $0x0  }
0x1f: {  	s9 =	smul.u32 $0xF7A, s1;
	s8 =	simm.s32 @!p0 $0x1BF5;
	p2 =	por !p2, p0  }
0x20: {  	[sflag:s8] =	ssyncset.s32 @!p0 $0xFFFFF086;
	s6 =	sadd.s32 @!p0 s3, s7;
	s7 =	simm.s32 @!p0 $0x108  }
0x21: {  	s3 =	sadd.s32 s3, s9;
	s6 =	sadd.s32 @!p0 $0x88, s6;
	s7 =	simm.s32 @p2 $0x1082  }
0x22: {  	[simem:s7], [sflag:s8] =	dma.local @!p0 [hbm:s6], $0xF7A  }
0x23: {  	s9 =	sor.u32 $0xD0000000, s2;
	s6 =	simm.s32 $0x108;
	_ =	swait.ge @!p0 [sflag:s8], $0x0  }
0x24: {  	s3 =	sadd.s32 $0x88, s3;
	s6 =	simm.s32 @!p1 $0x1082;
	[sflag:s4] =	ssyncset.s32 $0xFFFFF086  }
0x25: {  	[simem:s6], [sflag:s4] =	dma.local [hbm:s3], $0xF7A  }
0x26: {  	[smem:$0x3F8A] =	sst s1;
	(tag) =	ssettag s2;
	_ =	strace s9  }
0x27: {  	s1 =	sld [smem:$0x3F9A]  }
0x28: {  	s2 =	sld [smem:$0x3F9B]  }
0x29: {  	s4 =	sld [smem:$0x3F9D]  }
0x2a: {  	p0 =	seq.s32 s5, $0x0;
	s5 =	sld [smem:$0x3F9E]  }
0x2b: {  	s6 =	sld [smem:$0x3F9F]  }
0x2c: {  	s7 =	sld [smem:$0x3FA0]  }
0x2d: {  	s3 =	simm.s32 $0x108;
	s8 =	sld [smem:$0x3FA1]  }
0x2e: {  	s3 =	simm.s32 @!p0 $0x1082;
	s9 =	sld [smem:$0x3FA2]  }
0x2f: {  	lr =	sadd.s32 s0, s3;
	s0 =	sld [smem:$0x3F99]  }
0x30: {  	s3 =	sld [smem:$0x3F9C]  }
0x31: {  	[smem:$0x3FA5] =	sst s10  }
0x32: {  	s10 =	sld [smem:$0x3FA3];
	_ =	sdelay $0x3  }
0x33: {  	p0 =	seq.s32 s10, $0x1;
	s10 =	sld [smem:$0x3FA5];
	_ =	sdelay $0x3  }
0x34: {  	[smem:$0x3FA5] =	sst s10  }
0x35: {  	s10 =	sld [smem:$0x3FA4];
	_ =	sdelay $0x3  }
0x36: {  	p1 =	seq.s32 s10, $0x1;
	s10 =	sld [smem:$0x3FA5];
	_ =	sdelay $0x3  }
0x37: {  	[smem:$0x3FA5] =	sst s10  }
0x38: {  	s10 =	sld [smem:$0x3FA6]  }
0x39: {  	_ = 	snop;
	(pc) =	sbr.ind lr, $3  }
0x3a: {  	_ = 	snop  }
0x3b: {  	_ = 	snop  }
0x3c: {  	p2 =	seq.s32 s10, $0x1;
	s10 =	sld [smem:$0x3FA5]  }
0x3d: {  	_ =	shalt  }
0x3e: {  	_ =	shalt  }
0x3f: {  	_ =	shalt  }
0x40: {  	_ =	shalt  }
0x41: {  	_ =	shalt  }
0x42: {  	_ =	shalt  }
0x43: {  	_ =	shalt  }
0x44: {  	_ =	shalt  }
0x45: {  	_ =	shalt  }
0x46: {  	_ =	shalt  }
0x47: {  	_ =	shalt  }
0x48: {  	_ =	shalt  }
0x49: {  	_ =	shalt  }
0x4a: {  	_ =	shalt  }
0x4b: {  	_ =	shalt  }
0x4c: {  	_ =	shalt  }
0x4d: {  	_ =	shalt  }
0x4e: {  	_ =	shalt  }
0x4f: {  	_ =	shalt  }
0x50: {  	_ =	shalt  }
0x51: {  	_ =	shalt  }
0x52: {  	_ =	shalt  }
0x53: {  	_ =	shalt  }
0x54: {  	_ =	shalt  }
0x55: {  	_ =	shalt  }
0x56: {  	_ =	shalt  }
0x57: {  	_ =	shalt  }
0x58: {  	_ =	shalt  }
0x59: {  	_ =	shalt  }
0x5a: {  	_ =	shalt  }
0x5b: {  	_ =	shalt  }
0x5c: {  	_ =	shalt  }
0x5d: {  	_ =	shalt  }
0x5e: {  	_ =	shalt  }
0x5f: {  	_ =	shalt  }
0x60: {  	_ =	shalt  }
0x61: {  	_ =	shalt  }
0x62: {  	_ =	shalt  }
0x63: {  	_ =	shalt  }
0x64: {  	_ =	shalt  }
0x65: {  	_ =	shalt  }
0x66: {  	_ =	shalt  }
0x67: {  	_ =	shalt  }
0x68: {  	_ =	shalt  }
0x69: {  	_ =	shalt  }
0x6a: {  	_ =	shalt  }
0x6b: {  	_ =	shalt  }
0x6c: {  	_ =	shalt  }
0x6d: {  	_ =	shalt  }
0x6e: {  	_ =	shalt  }
0x6f: {  	_ =	shalt  }
0x70: {  	_ =	shalt  }
0x71: {  	_ =	shalt  }
0x72: {  	_ =	shalt  }
0x73: {  	_ =	shalt  }
0x74: {  	_ =	shalt  }
0x75: {  	_ =	shalt  }
0x76: {  	_ =	shalt  }
0x77: {  	_ =	shalt  }
0x78: {  	_ =	shalt  }
0x79: {  	_ =	shalt  }
0x7a: {  	_ =	shalt  }
0x7b: {  	_ =	shalt  }
0x7c: {  	_ =	shalt  }
0x7d: {  	_ =	shalt  }
0x7e: {  	_ =	shalt  }
0x7f: {  	_ =	shalt  }
0x80: {  	_ =	shalt  }
0x81: {  	_ =	shalt  }
0x82: {  	_ =	shalt  }
0x83: {  	_ =	shalt  }
0x84: {  	_ =	shalt  }
0x85: {  	_ =	shalt  }
0x86: {  	_ =	shalt  }
0x87: {  	_ =	shalt  }
.Lfunc_end0:
.L_simem_size_0:
called_computation.1_lowered:
.L_overlay_start_0:
0x88: {  	s2 =	sld [smem:$0x3FD9]  }
0x89: {  	s3 =	sld [smem:$0x3FFE];
	_ =	sdelay $0x1  }
0x8a: {  	s1 =	srdreg.scid  }
0x8b: {  	s0 =	sand.u32 $0x1, s1  }
0x8c: {  	s17 =	sshll.u32 s0, $0xA;
	s2 =	sadd.s32 s3, s2  }
0x8d: {  	s2 =	sadd.s32 s2, s17  }
0x8e: {  	[smem:$0x3FB1] =	sst s2  }
0x8f: {  	_ = 	snop  }
0x90: {  	s2 =	sld [smem:$0x3FC9];
	(tm) =	ssettm $0x1  }
0x91: {  	s18 =	sld [smem:$0x3FFB];
	_ =	sdelay $0x3  }
0x92: {  	_ =	strace s18  }
0x93: {  	s3 =	sld [smem:$0x3FFC];
	_ =	sdelay $0x3  }
0x94: {  	_ =	strace s3  }
0x95: {  	s3 =	sld [smem:$0x3FFD];
	_ =	sdelay $0x3  }
0x96: {  	_ =	strace s3  }
0x97: {  	_ =	strace $0x8FFFFFFF  }
0x98: {  	s19 =	sld [smem:$0x3FDB];
	_ =	sdelay $0x1  }
0x99: {  	s4 =	simm.s32 $_scs_section_size  }
0x9a: {  	s5 =	simm.s32 $_size__tile_overlayer_lowered;
	s6 =	simm.s32 $_tile_overlayer_lowered  }
0x9b: {  	s22 =	simm.s32 $0x1BFF;
	s21 =	sshll.u32 s6, $0x1;
	s3 =	sadd.s32 s4, s19  }
0x9c: {  	s7 =	simm.s32 $0x0;
	s20 =	sshll.u32 s5, $0x1;
	s5 =	sadd.s32 s21, s3  }
0x9d: {  	[timem:s7], [sflag:s22] =	dma.local [hbm:s5], s20  }
0x9e: {  	_ =	swait.ge [sflag:s22], s20  }
0x9f: {  	s4 =	ssub.s32 $0x0, s20;
	[sflag:s22] =	ssyncset.done $0x0  }
0xa0: {  	[sflag:s22] =	ssyncadd.s32 s4;
	_ =	sdelay $0x1  }
0xa1: {  	s23 =	simm.s32 $0x1B8B  }
0xa2: {  	_ =	swait.ge [sflag:s23], $0x1  }
0xa3: {  	[sflag:s23] =	ssyncset.done $0x0  }
0xa4: {  	s25 =	simm.s32 $0x1B8E;
	s24 =	sld [smem:$0x3FFE];
	[sflag:s23] =	ssyncadd.s32 $0xFFFFFFFF  }
0xa5: {  	s26 =	simm.s32 $execute0_lowered;
	[smem:$0x3FD2] =	sst s25  }
0xa6: {  	s5 =	sshll.u32 s26, $0x1;
	_ =	strace $0x80000046;
	[dreg:$0x1] =	wrdreg $0xFFFFFFFF  }
0xa7: {  	s28 =	simm.s32 $_size_execute0_lowered;
	s3 =	sadd.s32 s3, s5;
	[dreg:$0x0] =	wrdreg $0x0  }
0xa8: {  	s5 =	sshll.u32 s28, $0x1;
	[dreg:$0x2] =	wrdreg s3  }
0xa9: {  	[dreg:$0x3] =	wrdreg s5  }
0xaa: {  	[dreg:$0x4] =	wrdreg $0xC0  }
0xab: {  	_ =	task [dreg:s7], $0x5FFFF  }
0xac: {  	[dreg:$0x1] =	wrdreg $0xFFFFFFFF  }
0xad: {  	[dreg:$0x0] =	wrdreg $0x60  }
0xae: {  	[dreg:$0x2] =	wrdreg s2  }
0xaf: {  	[dreg:$0x3] =	wrdreg s24  }
0xb0: {  	[dreg:$0x4] =	wrdreg $0xA  }
0xb1: {  	_ =	task.clear_ibuf [dreg:s7], $0x5FFFF;
	_ =	strace $0x90000046  }
0xb2: {  	s29 =	simm.s32 $0xA;
	_ =	strace $0x80000048  }
0xb3: {  	_ =	swait.ge [sflag:s29], $0x1  }
0xb4: {  	[sflag:s29] =	ssyncadd.s32 $0xFFFFFFFF  }
0xb5: {  	_ =	strace $0x90000048  }
0xb6: {  	_ =	sfence  }
0xb7: {  	s30 =	sld [smem:$0x0];
	_ =	sdelay $0x2  }
0xb8: {  	s31 =	sshll.u32 s1, $0xD;
	s1 =	sshrl.u32 s1, $0x2  }
0xb9: {  	s3 =	sand.u32 $0x4000, s31;
	s1 =	sadd.s32 s1, s30  }
0xba: {  	s0 =	sor.u32 s3, s0;
	s1 =	sshll.u32 s1, $0x11  }
0xbb: {  	s0 =	sor.u32 s1, s0  }
0xbc: {  	s0 =	sadd.s32 $0x8F2B, s0  }
0xbd: {  	[sflag:s0] =	ssyncadd.remote.s32 $0x1  }
0xbe: {  	_ =	sfence.sel $0xFFFF  }
0xbf: {  	[dreg:$0x0] =	wrdreg $0xFFFFFFFF;
	(pc) =	sbr.abs _section_cstart, $3  }
0xc0: {  	[dreg:$0x1] =	wrdreg $0xFFFFFFFF  }
0xc1: {  	_ =	task.clear_ibuf [dreg:s7], $0x2FFFF;
	_ =	strace $0x9FFFFFFF  }
0xc2: {  	(tm) =	ssettm $0x7FFFFFFF  }
0xc3: {  	_ =	shalt  }
tec
execute0_lowered:
.L_overlay_start_1:
0x0: {  	(tag) =	ssettag $0x1  }
0x1: {  	s1 =	rddreg [dreg:$0x0]  }
0x2: {  	s3 =	rddreg [dreg:$0x1];
	s2 =	simm.s32 $0x0  }
0x3: {  	s4 =	srdreg.scid;
	s0 =	stileid.u32;
	s16 =	simm.s32 $0x3  }
0x4: {  	s17 =	simm.s32 $0x80;
	s18 =	simm.s32 $0x200;
	s19 =	simm.s32 $0x4200  }
0x5: {  	s20 =	simm.s32 $0x100;
	s21 =	simm.s32 $0x4;
	s22 =	simm.s32 $0x8200  }
0x6: {  	s23 =	simm.s32 $0x180;
	s24 =	simm.s32 $0xC200;
	s26 =	simm.s32 $0x2  }
0x7: {  	s28 =	simm.s32 $0x0;
	[smem:$0x7FF] =	sst s2;
	s9 =	sadd.s32 $0x5E00, s3  }
0x8: {  	s6 =	sand.u32 $0x1, s4;
	s11 =	sadd.s32 $0xFE00, s3;
	s4 =	sadd.s32 $0x2DE00, s3  }
0x9: {  	s5 =	sadd.s32 $0x50FE00, s3;
	s10 =	sshll.u32 s0, $0x5;
	s25 =	sor.u32 $0x4E0, s0  }
0xa: {  	s15 =	sshll.u32 s0, $0xC;
	_ =	strace $0x80000047;
	s7 =	ssub.s32 $0x2, s6  }
0xb: {  	p0 =	seq.s32 s6, $0x1;
	s6 =	sadd.s32 s9, s10;
	s12 =	sor.u32 $0x9E00, s10  }
.Ltmp0:
0xc: {  	s13 =	sadd.s32 s15, s4;
	s15 =	sadd.s32 s15, s5;
	(pc) =	sbr.rel .LBB2_1-.Ltmp0, $4  }
0xd: {  	p1 =	slt.u32 s25, $0x4E2;
	p2 =	sgt.u32 s25, $0x4E1;
	s8 =	sshrl.u32 s7, $0x1  }
0xe: {  	s9 =	sadd.s32 s9, s12;
	s8 =	ssub.s32 s7, s8;
	s7 =	sadd.s32 s11, s10  }
0xf: {  	s10 =	sshll.u32 s25, $0xC;
	s11 =	sadd.s32 s11, s12;
	s12 =	sadd.s32 $0x400, s6  }
0x10: {  	s25 =	simm.s32 $0x1;
	s8 =	smax.u32 s8, $0x1;
	s14 =	sadd.s32 $0x400, s7  }
.LBB2_8:
0x11: {  	s0 =	sadd.s32 s29, s10  }
0x12: {  	[hbm4b:s0+s2] =	stream.linear.scatter [tilespmem:s18], [sflag:$0x4], $0x8000, $0x38;
	[tilespmem:$0x10200] =	vst v63  }
0x13: {  	_ =	swait.ge [sflag:s21], $0x8000  }
0x14: {  	[sflag:s21] =	ssyncset.done $0x0  }
0x15: {  	[sflag:s21] =	ssyncadd.s32 $0xFFFF8000  }
.LBB2_9:
0x16: {  	s28 =	sadd.s32 $0x1, s28  }
0x17: {  	_ =	swait.ge [sflag:s26], $0x4000;
	p3 =	sne.s32 s28, s8  }
.Ltmp1:
0x18: {  	[sflag:s26] =	ssyncset.done $0x0;
	(pc) =	sbr.rel @!p3 .LBB2_10-.Ltmp1, $4  }
0x19: {  	[sflag:s26] =	ssyncadd.s32 $0xFFFFC000  }
0x1a: {  	_ =	swait.ge [sflag:s26], $0x4000  }
0x1b: {  	[sflag:s26] =	ssyncset.done $0x0  }
0x1c: {  	[sflag:s26] =	ssyncadd.s32 $0xFFFFC000  }
.LBB2_1:
.Ltmp2:
0x1d: {  	(pc) =	sbr.rel @!p0 .LBB2_2-.Ltmp2, $1  }
0x1e: {  	_ =	sdelay $0x3  }
0x1f: {  	s0 =	simm.s32 $0x0  }
0x20: {  	[tilespmem:s0], [sflag:$0x3] =	stream.linear.gather [hbm4b:s7+s0], $0x100, $0x38;
	[tilespmem:$0x10200] =	vst v63  }
0x21: {  	_ =	swait.ge [sflag:s16], $0x100  }
0x22: {  	[sflag:s16] =	ssyncset.done $0x0  }
0x23: {  	[sflag:s16] =	ssyncadd.s32 $0xFFFFFF00  }
0x24: {  	[tilespmem:s18], [sflag:$0x1] =	stream.indirect.gather [hbm4b:s1+s17], $0x80, s0, s17, $0xb8;
	[tilespmem:$0x10200] =	vst v63  }
0x25: {  	_ = 	snop  }
0x26: {  	[tilespmem:s19], [sflag:$0x1] =	stream.indirect.gather [hbm4b:s1+s17], $0x80, s17, s17, $0xb8;
	[tilespmem:$0x10200] =	vst v63  }
0x27: {  	s3 =	sadd.s32 $0xFFFFFE00, s14  }
0x28: {  	[tilespmem:s20], [sflag:$0x4] =	stream.linear.gather [hbm4b:s3+s2], $0x100, $0x38;
	[tilespmem:$0x10200] =	vst v63  }
0x29: {  	_ =	swait.ge [sflag:s21], $0x100  }
0x2a: {  	[sflag:s21] =	ssyncset.done $0x0  }
0x2b: {  	[sflag:s21] =	ssyncadd.s32 $0xFFFFFF00  }
0x2c: {  	[tilespmem:s22], [sflag:$0x2] =	stream.indirect.gather [hbm4b:s1+s17], $0x80, s20, s17, $0xb8;
	[tilespmem:$0x10200] =	vst v63  }
0x2d: {  	_ = 	snop  }
0x2e: {  	[tilespmem:s24], [sflag:$0x2] =	stream.indirect.gather [hbm4b:s1+s17], $0x80, s23, s17, $0xb8;
	[tilespmem:$0x10200] =	vst v63  }
0x2f: {  	_ =	swait.ge [sflag:s25], $0x4000  }
0x30: {  	[sflag:s25] =	ssyncset.done $0x0  }
0x31: {  	[sflag:s25] =	ssyncadd.s32 $0xFFFFC000  }
0x32: {  	_ =	swait.ge [sflag:s25], $0x4000  }
0x33: {  	[sflag:s25] =	ssyncset.done $0x0  }
0x34: {  	s3 =	sadd.s32 $0x0, s15;
	[sflag:s25] =	ssyncadd.s32 $0xFFFFC000  }
0x35: {  	[hbm4b:s3+s2] =	stream.linear.scatter [tilespmem:s18], [sflag:$0x4], $0x8000, $0x38;
	[tilespmem:$0x10200] =	vst v63  }
0x36: {  	_ =	swait.ge [sflag:s21], $0x8000  }
0x37: {  	[sflag:s21] =	ssyncset.done $0x0  }
0x38: {  	[sflag:s21] =	ssyncadd.s32 $0xFFFF8000  }
0x39: {  	[tilespmem:s2], [sflag:$0x4] =	stream.linear.gather [hbm4b:s14+s2], $0x100, $0x38;
	[tilespmem:$0x10200] =	vst v63  }
0x3a: {  	_ =	swait.ge [sflag:s21], $0x100  }
0x3b: {  	[sflag:s21] =	ssyncset.done $0x0  }
0x3c: {  	[sflag:s21] =	ssyncadd.s32 $0xFFFFFF00  }
0x3d: {  	[tilespmem:s18], [sflag:$0x1] =	stream.indirect.gather [hbm4b:s1+s17], $0x80, s2, s17, $0xb8;
	[tilespmem:$0x10200] =	vst v63  }
0x3e: {  	_ = 	snop  }
0x3f: {  	[tilespmem:s19], [sflag:$0x1] =	stream.indirect.gather [hbm4b:s1+s17], $0x80, s17, s17, $0xb8;
	[tilespmem:$0x10200] =	vst v63  }
0x40: {  	_ =	swait.ge [sflag:s26], $0x4000  }
0x41: {  	[sflag:s26] =	ssyncset.done $0x0  }
0x42: {  	[sflag:s26] =	ssyncadd.s32 $0xFFFFC000  }
0x43: {  	_ =	swait.ge [sflag:s26], $0x4000  }
0x44: {  	[sflag:s26] =	ssyncset.done $0x0  }
0x45: {  	s0 =	sadd.s32 $0x10000, s3;
	[sflag:s26] =	ssyncadd.s32 $0xFFFFC000  }
0x46: {  	[hbm4b:s0+s2] =	stream.linear.scatter [tilespmem:s22], [sflag:$0x3], $0x8000, $0x38;
	[tilespmem:$0x10200] =	vst v63  }
0x47: {  	s30 =	simm.s32 $0x20000;
	_ =	swait.ge [sflag:s16], $0x8000  }
0x48: {  	s31 =	simm.s32 $0x40000;
	s29 =	sadd.s32 $0x400, s14;
	[sflag:s16] =	ssyncset.done $0x0  }
.LBB2_6:
0x49: {  	p3 =	sne.s32 s31, $0x4C0000;
	s0 =	sadd.s32 $0xFFFFFE00, s29;
	[sflag:s16] =	ssyncadd.s32 $0xFFFF8000  }
0x4a: {  	[tilespmem:s20], [sflag:$0x4] =	stream.linear.gather [hbm4b:s0+s2], $0x100, $0x38;
	[tilespmem:$0x10200] =	vst v63  }
0x4b: {  	s0 =	smov.u32 s31;
	s31 =	sadd.s32 $0x20000, s31;
	_ =	swait.ge [sflag:s21], $0x100  }
0x4c: {  	[sflag:s21] =	ssyncset.done $0x0  }
0x4d: {  	[sflag:s21] =	ssyncadd.s32 $0xFFFFFF00  }
0x4e: {  	[tilespmem:s22], [sflag:$0x2] =	stream.indirect.gather [hbm4b:s1+s17], $0x80, s20, s17, $0xb8;
	[tilespmem:$0x10200] =	vst v63  }
0x4f: {  	_ = 	snop  }
0x50: {  	[tilespmem:s24], [sflag:$0x2] =	stream.indirect.gather [hbm4b:s1+s17], $0x80, s23, s17, $0xb8;
	[tilespmem:$0x10200] =	vst v63  }
0x51: {  	_ =	swait.ge [sflag:s25], $0x4000  }
0x52: {  	[sflag:s25] =	ssyncset.done $0x0  }
0x53: {  	[sflag:s25] =	ssyncadd.s32 $0xFFFFC000  }
0x54: {  	_ =	swait.ge [sflag:s25], $0x4000  }
0x55: {  	[sflag:s25] =	ssyncset.done $0x0  }
0x56: {  	s3 =	sadd.s32 s30, s15;
	s30 =	smov.u32 s0;
	[sflag:s25] =	ssyncadd.s32 $0xFFFFC000  }
0x57: {  	[hbm4b:s3+s2] =	stream.linear.scatter [tilespmem:s18], [sflag:$0x4], $0x8000, $0x38;
	[tilespmem:$0x10200] =	vst v63  }
0x58: {  	_ =	swait.ge [sflag:s21], $0x8000  }
0x59: {  	[sflag:s21] =	ssyncset.done $0x0  }
0x5a: {  	[sflag:s21] =	ssyncadd.s32 $0xFFFF8000  }
0x5b: {  	[tilespmem:s2], [sflag:$0x4] =	stream.linear.gather [hbm4b:s29+s2], $0x100, $0x38;
	[tilespmem:$0x10200] =	vst v63  }
0x5c: {  	_ =	swait.ge [sflag:s21], $0x100  }
0x5d: {  	[sflag:s21] =	ssyncset.done $0x0  }
0x5e: {  	[sflag:s21] =	ssyncadd.s32 $0xFFFFFF00  }
0x5f: {  	[tilespmem:s18], [sflag:$0x1] =	stream.indirect.gather [hbm4b:s1+s17], $0x80, s2, s17, $0xb8;
	[tilespmem:$0x10200] =	vst v63  }
0x60: {  	_ = 	snop  }
0x61: {  	[tilespmem:s19], [sflag:$0x1] =	stream.indirect.gather [hbm4b:s1+s17], $0x80, s17, s17, $0xb8;
	[tilespmem:$0x10200] =	vst v63  }
0x62: {  	_ =	swait.ge [sflag:s26], $0x4000  }
0x63: {  	[sflag:s26] =	ssyncset.done $0x0  }
0x64: {  	[sflag:s26] =	ssyncadd.s32 $0xFFFFC000  }
0x65: {  	_ =	swait.ge [sflag:s26], $0x4000  }
.Ltmp3:
0x66: {  	[sflag:s26] =	ssyncset.done $0x0;
	(pc) =	sbr.rel @p3 .LBB2_6-.Ltmp3, $4  }
0x67: {  	s0 =	sadd.s32 $0x10000, s3;
	[sflag:s26] =	ssyncadd.s32 $0xFFFFC000  }
0x68: {  	[hbm4b:s0+s2] =	stream.linear.scatter [tilespmem:s22], [sflag:$0x3], $0x8000, $0x38;
	[tilespmem:$0x10200] =	vst v63  }
0x69: {  	_ =	swait.ge [sflag:s16], $0x8000  }
0x6a: {  	s29 =	sadd.s32 $0x400, s29;
	[sflag:s16] =	ssyncset.done $0x0  }
0x6b: {  	s0 =	sadd.s32 $0xFFFFFE00, s29;
	[sflag:s16] =	ssyncadd.s32 $0xFFFF8000  }
0x6c: {  	[tilespmem:s20], [sflag:$0x4] =	stream.linear.gather [hbm4b:s0+s2], $0x100, $0x38;
	[tilespmem:$0x10200] =	vst v63  }
0x6d: {  	_ =	swait.ge [sflag:s21], $0x100  }
0x6e: {  	[sflag:s21] =	ssyncset.done $0x0  }
0x6f: {  	[sflag:s21] =	ssyncadd.s32 $0xFFFFFF00  }
0x70: {  	[tilespmem:s22], [sflag:$0x2] =	stream.indirect.gather [hbm4b:s1+s17], $0x80, s20, s17, $0xb8;
	[tilespmem:$0x10200] =	vst v63  }
0x71: {  	_ = 	snop  }
0x72: {  	[tilespmem:s24], [sflag:$0x2] =	stream.indirect.gather [hbm4b:s1+s17], $0x80, s23, s17, $0xb8;
	[tilespmem:$0x10200] =	vst v63  }
0x73: {  	_ =	swait.ge [sflag:s25], $0x4000  }
0x74: {  	[sflag:s25] =	ssyncset.done $0x0  }
0x75: {  	[sflag:s25] =	ssyncadd.s32 $0xFFFFC000  }
0x76: {  	_ =	swait.ge [sflag:s25], $0x4000  }
0x77: {  	[sflag:s25] =	ssyncset.done $0x0  }
0x78: {  	s31 =	sadd.s32 s30, s15;
	[sflag:s25] =	ssyncadd.s32 $0xFFFFC000  }
0x79: {  	[hbm4b:s31+s2] =	stream.linear.scatter [tilespmem:s18], [sflag:$0x4], $0x8000, $0x38;
	[tilespmem:$0x10200] =	vst v63  }
0x7a: {  	_ =	swait.ge [sflag:s21], $0x8000  }
0x7b: {  	[sflag:s21] =	ssyncset.done $0x0  }
0x7c: {  	[sflag:s21] =	ssyncadd.s32 $0xFFFF8000  }
0x7d: {  	[tilespmem:s2], [sflag:$0x4] =	stream.linear.gather [hbm4b:s29+s2], $0x100, $0x38;
	[tilespmem:$0x10200] =	vst v63  }
0x7e: {  	_ =	swait.ge [sflag:s21], $0x100  }
0x7f: {  	[sflag:s21] =	ssyncset.done $0x0  }
0x80: {  	[sflag:s21] =	ssyncadd.s32 $0xFFFFFF00  }
0x81: {  	[tilespmem:s18], [sflag:$0x1] =	stream.indirect.gather [hbm4b:s1+s17], $0x80, s2, s17, $0xb8;
	[tilespmem:$0x10200] =	vst v63  }
0x82: {  	_ = 	snop  }
0x83: {  	[tilespmem:s19], [sflag:$0x1] =	stream.indirect.gather [hbm4b:s1+s17], $0x80, s17, s17, $0xb8;
	[tilespmem:$0x10200] =	vst v63  }
0x84: {  	_ =	swait.ge [sflag:s26], $0x4000  }
0x85: {  	[sflag:s26] =	ssyncset.done $0x0  }
0x86: {  	[sflag:s26] =	ssyncadd.s32 $0xFFFFC000  }
0x87: {  	_ =	swait.ge [sflag:s26], $0x4000  }
0x88: {  	[sflag:s26] =	ssyncset.done $0x0  }
0x89: {  	s0 =	sadd.s32 $0x10000, s31;
	[sflag:s26] =	ssyncadd.s32 $0xFFFFC000  }
0x8a: {  	[hbm4b:s0+s2] =	stream.linear.scatter [tilespmem:s22], [sflag:$0x3], $0x8000, $0x38;
	[tilespmem:$0x10200] =	vst v63  }
0x8b: {  	_ =	swait.ge [sflag:s16], $0x8000  }
0x8c: {  	[sflag:s16] =	ssyncset.done $0x0  }
0x8d: {  	[sflag:s16] =	ssyncadd.s32 $0xFFFF8000  }
0x8e: {  	[tilespmem:s20], [sflag:$0x4] =	stream.linear.gather [hbm4b:s11+s2], $0x100, $0x38;
	[tilespmem:$0x10200] =	vst v63  }
0x8f: {  	_ =	swait.ge [sflag:s21], $0x100  }
0x90: {  	[sflag:s21] =	ssyncset.done $0x0  }
0x91: {  	[sflag:s21] =	ssyncadd.s32 $0xFFFFFF00  }
0x92: {  	[tilespmem:s22], [sflag:$0x2] =	stream.indirect.gather [hbm4b:s1+s17], $0x80, s20, s17, $0xb8;
	[tilespmem:$0x10200] =	vst v63  }
0x93: {  	_ = 	snop  }
0x94: {  	[tilespmem:s24], [sflag:$0x2] =	stream.indirect.gather [hbm4b:s1+s17], $0x80, s23, s17, $0xb8;
	[tilespmem:$0x10200] =	vst v63  }
0x95: {  	_ =	swait.ge [sflag:s25], $0x4000  }
.Ltmp4:
0x96: {  	[sflag:s25] =	ssyncset.done $0x0;
	(pc) =	sbr.rel @!p1 .LBB2_9-.Ltmp4, $4  }
.Ltmp5:
0x97: {  	[sflag:s25] =	ssyncadd.s32 $0xFFFFC000;
	(pc) =	sbr.rel @p1 .LBB2_8-.Ltmp5, $4  }
0x98: {  	_ =	swait.ge [sflag:s25], $0x4000  }
0x99: {  	[sflag:s25] =	ssyncset.done $0x0  }
0x9a: {  	s29 =	smov.u32 s5;
	[sflag:s25] =	ssyncadd.s32 $0xFFFFC000  }
0x9b: {  	_ = 	snop  }
.LBB2_2:
0x9c: {  	s29 =	simm.s32 $0x0  }
0x9d: {  	[tilespmem:s29], [sflag:$0x3] =	stream.linear.gather [hbm4b:s6+s29], $0x100, $0x38;
	[tilespmem:$0x10200] =	vst v63  }
0x9e: {  	_ =	swait.ge [sflag:s16], $0x100  }
0x9f: {  	[sflag:s16] =	ssyncset.done $0x0  }
0xa0: {  	[sflag:s16] =	ssyncadd.s32 $0xFFFFFF00  }
0xa1: {  	[tilespmem:s18], [sflag:$0x1] =	stream.indirect.gather [hbm4b:s1+s17], $0x80, s29, s17, $0xb8;
	[tilespmem:$0x10200] =	vst v63  }
0xa2: {  	_ = 	snop  }
0xa3: {  	[tilespmem:s19], [sflag:$0x1] =	stream.indirect.gather [hbm4b:s1+s17], $0x80, s17, s17, $0xb8;
	[tilespmem:$0x10200] =	vst v63  }
0xa4: {  	s29 =	sadd.s32 $0xFFFFFE00, s12  }
0xa5: {  	[tilespmem:s20], [sflag:$0x4] =	stream.linear.gather [hbm4b:s29+s2], $0x100, $0x38;
	[tilespmem:$0x10200] =	vst v63  }
0xa6: {  	_ =	swait.ge [sflag:s21], $0x100  }
0xa7: {  	[sflag:s21] =	ssyncset.done $0x0  }
0xa8: {  	[sflag:s21] =	ssyncadd.s32 $0xFFFFFF00  }
0xa9: {  	[tilespmem:s22], [sflag:$0x2] =	stream.indirect.gather [hbm4b:s1+s17], $0x80, s20, s17, $0xb8;
	[tilespmem:$0x10200] =	vst v63  }
0xaa: {  	_ = 	snop  }
0xab: {  	[tilespmem:s24], [sflag:$0x2] =	stream.indirect.gather [hbm4b:s1+s17], $0x80, s23, s17, $0xb8;
	[tilespmem:$0x10200] =	vst v63  }
0xac: {  	_ =	swait.ge [sflag:s25], $0x4000  }
0xad: {  	[sflag:s25] =	ssyncset.done $0x0  }
0xae: {  	[sflag:s25] =	ssyncadd.s32 $0xFFFFC000  }
0xaf: {  	_ =	swait.ge [sflag:s25], $0x4000  }
0xb0: {  	[sflag:s25] =	ssyncset.done $0x0  }
0xb1: {  	s29 =	sadd.s32 $0x0, s13;
	[sflag:s25] =	ssyncadd.s32 $0xFFFFC000  }
0xb2: {  	[hbm4b:s29+s2] =	stream.linear.scatter [tilespmem:s18], [sflag:$0x4], $0x8000, $0x38;
	[tilespmem:$0x10200] =	vst v63  }
0xb3: {  	_ =	swait.ge [sflag:s21], $0x8000  }
0xb4: {  	[sflag:s21] =	ssyncset.done $0x0  }
0xb5: {  	[sflag:s21] =	ssyncadd.s32 $0xFFFF8000  }
0xb6: {  	[tilespmem:s2], [sflag:$0x4] =	stream.linear.gather [hbm4b:s12+s2], $0x100, $0x38;
	[tilespmem:$0x10200] =	vst v63  }
0xb7: {  	_ =	swait.ge [sflag:s21], $0x100  }
0xb8: {  	[sflag:s21] =	ssyncset.done $0x0  }
0xb9: {  	[sflag:s21] =	ssyncadd.s32 $0xFFFFFF00  }
0xba: {  	[tilespmem:s18], [sflag:$0x1] =	stream.indirect.gather [hbm4b:s1+s17], $0x80, s2, s17, $0xb8;
	[tilespmem:$0x10200] =	vst v63  }
0xbb: {  	_ = 	snop  }
0xbc: {  	[tilespmem:s19], [sflag:$0x1] =	stream.indirect.gather [hbm4b:s1+s17], $0x80, s17, s17, $0xb8;
	[tilespmem:$0x10200] =	vst v63  }
0xbd: {  	_ =	swait.ge [sflag:s26], $0x4000  }
0xbe: {  	[sflag:s26] =	ssyncset.done $0x0  }
0xbf: {  	[sflag:s26] =	ssyncadd.s32 $0xFFFFC000  }
0xc0: {  	_ =	swait.ge [sflag:s26], $0x4000  }
0xc1: {  	[sflag:s26] =	ssyncset.done $0x0  }
0xc2: {  	s29 =	sadd.s32 $0x10000, s29;
	[sflag:s26] =	ssyncadd.s32 $0xFFFFC000  }
0xc3: {  	[hbm4b:s29+s2] =	stream.linear.scatter [tilespmem:s22], [sflag:$0x3], $0x8000, $0x38;
	[tilespmem:$0x10200] =	vst v63  }
0xc4: {  	s30 =	simm.s32 $0x20000;
	_ =	swait.ge [sflag:s16], $0x8000  }
0xc5: {  	s31 =	simm.s32 $0x40000;
	s29 =	sadd.s32 $0x400, s12;
	[sflag:s16] =	ssyncset.done $0x0  }
.LBB2_3:
0xc6: {  	p3 =	seq.s32 s31, $0x4C0000;
	s0 =	sadd.s32 $0xFFFFFE00, s29;
	[sflag:s16] =	ssyncadd.s32 $0xFFFF8000  }
0xc7: {  	[tilespmem:s20], [sflag:$0x4] =	stream.linear.gather [hbm4b:s0+s2], $0x100, $0x38;
	[tilespmem:$0x10200] =	vst v63  }
0xc8: {  	s0 =	smov.u32 s31;
	s31 =	sadd.s32 $0x20000, s31;
	_ =	swait.ge [sflag:s21], $0x100  }
0xc9: {  	[sflag:s21] =	ssyncset.done $0x0  }
0xca: {  	[sflag:s21] =	ssyncadd.s32 $0xFFFFFF00  }
0xcb: {  	[tilespmem:s22], [sflag:$0x2] =	stream.indirect.gather [hbm4b:s1+s17], $0x80, s20, s17, $0xb8;
	[tilespmem:$0x10200] =	vst v63  }
0xcc: {  	_ = 	snop  }
0xcd: {  	[tilespmem:s24], [sflag:$0x2] =	stream.indirect.gather [hbm4b:s1+s17], $0x80, s23, s17, $0xb8;
	[tilespmem:$0x10200] =	vst v63  }
0xce: {  	_ =	swait.ge [sflag:s25], $0x4000  }
0xcf: {  	[sflag:s25] =	ssyncset.done $0x0  }
0xd0: {  	[sflag:s25] =	ssyncadd.s32 $0xFFFFC000  }
0xd1: {  	_ =	swait.ge [sflag:s25], $0x4000  }
0xd2: {  	[sflag:s25] =	ssyncset.done $0x0  }
0xd3: {  	s3 =	sadd.s32 s30, s13;
	s30 =	smov.u32 s0;
	[sflag:s25] =	ssyncadd.s32 $0xFFFFC000  }
0xd4: {  	[hbm4b:s3+s2] =	stream.linear.scatter [tilespmem:s18], [sflag:$0x4], $0x8000, $0x38;
	[tilespmem:$0x10200] =	vst v63  }
0xd5: {  	_ =	swait.ge [sflag:s21], $0x8000  }
0xd6: {  	[sflag:s21] =	ssyncset.done $0x0  }
0xd7: {  	[sflag:s21] =	ssyncadd.s32 $0xFFFF8000  }
0xd8: {  	[tilespmem:s2], [sflag:$0x4] =	stream.linear.gather [hbm4b:s29+s2], $0x100, $0x38;
	[tilespmem:$0x10200] =	vst v63  }
0xd9: {  	_ =	swait.ge [sflag:s21], $0x100  }
0xda: {  	[sflag:s21] =	ssyncset.done $0x0  }
0xdb: {  	[sflag:s21] =	ssyncadd.s32 $0xFFFFFF00  }
0xdc: {  	[tilespmem:s18], [sflag:$0x1] =	stream.indirect.gather [hbm4b:s1+s17], $0x80, s2, s17, $0xb8;
	[tilespmem:$0x10200] =	vst v63  }
0xdd: {  	_ = 	snop  }
0xde: {  	[tilespmem:s19], [sflag:$0x1] =	stream.indirect.gather [hbm4b:s1+s17], $0x80, s17, s17, $0xb8;
	[tilespmem:$0x10200] =	vst v63  }
0xdf: {  	_ =	swait.ge [sflag:s26], $0x4000  }
0xe0: {  	[sflag:s26] =	ssyncset.done $0x0  }
0xe1: {  	[sflag:s26] =	ssyncadd.s32 $0xFFFFC000  }
0xe2: {  	_ =	swait.ge [sflag:s26], $0x4000  }
.Ltmp6:
0xe3: {  	[sflag:s26] =	ssyncset.done $0x0;
	(pc) =	sbr.rel @!p3 .LBB2_3-.Ltmp6, $4  }
0xe4: {  	s0 =	sadd.s32 $0x10000, s3;
	[sflag:s26] =	ssyncadd.s32 $0xFFFFC000  }
0xe5: {  	[hbm4b:s0+s2] =	stream.linear.scatter [tilespmem:s22], [sflag:$0x3], $0x8000, $0x38;
	[tilespmem:$0x10200] =	vst v63  }
0xe6: {  	_ =	swait.ge [sflag:s16], $0x8000  }
0xe7: {  	s29 =	sadd.s32 $0x400, s29;
	[sflag:s16] =	ssyncset.done $0x0  }
0xe8: {  	s0 =	sadd.s32 $0xFFFFFE00, s29;
	[sflag:s16] =	ssyncadd.s32 $0xFFFF8000  }
0xe9: {  	[tilespmem:s20], [sflag:$0x4] =	stream.linear.gather [hbm4b:s0+s2], $0x100, $0x38;
	[tilespmem:$0x10200] =	vst v63  }
0xea: {  	_ =	swait.ge [sflag:s21], $0x100  }
0xeb: {  	[sflag:s21] =	ssyncset.done $0x0  }
0xec: {  	[sflag:s21] =	ssyncadd.s32 $0xFFFFFF00  }
0xed: {  	[tilespmem:s22], [sflag:$0x2] =	stream.indirect.gather [hbm4b:s1+s17], $0x80, s20, s17, $0xb8;
	[tilespmem:$0x10200] =	vst v63  }
0xee: {  	_ = 	snop  }
0xef: {  	[tilespmem:s24], [sflag:$0x2] =	stream.indirect.gather [hbm4b:s1+s17], $0x80, s23, s17, $0xb8;
	[tilespmem:$0x10200] =	vst v63  }
0xf0: {  	_ =	swait.ge [sflag:s25], $0x4000  }
0xf1: {  	[sflag:s25] =	ssyncset.done $0x0  }
0xf2: {  	[sflag:s25] =	ssyncadd.s32 $0xFFFFC000  }
0xf3: {  	_ =	swait.ge [sflag:s25], $0x4000  }
0xf4: {  	[sflag:s25] =	ssyncset.done $0x0  }
0xf5: {  	s31 =	sadd.s32 s30, s13;
	[sflag:s25] =	ssyncadd.s32 $0xFFFFC000  }
0xf6: {  	[hbm4b:s31+s2] =	stream.linear.scatter [tilespmem:s18], [sflag:$0x4], $0x8000, $0x38;
	[tilespmem:$0x10200] =	vst v63  }
0xf7: {  	_ =	swait.ge [sflag:s21], $0x8000  }
0xf8: {  	[sflag:s21] =	ssyncset.done $0x0  }
0xf9: {  	[sflag:s21] =	ssyncadd.s32 $0xFFFF8000  }
0xfa: {  	[tilespmem:s2], [sflag:$0x4] =	stream.linear.gather [hbm4b:s29+s2], $0x100, $0x38;
	[tilespmem:$0x10200] =	vst v63  }
0xfb: {  	_ =	swait.ge [sflag:s21], $0x100  }
0xfc: {  	[sflag:s21] =	ssyncset.done $0x0  }
0xfd: {  	[sflag:s21] =	ssyncadd.s32 $0xFFFFFF00  }
0xfe: {  	[tilespmem:s18], [sflag:$0x1] =	stream.indirect.gather [hbm4b:s1+s17], $0x80, s2, s17, $0xb8;
	[tilespmem:$0x10200] =	vst v63  }
0xff: {  	_ = 	snop  }
0x100: {  	[tilespmem:s19], [sflag:$0x1] =	stream.indirect.gather [hbm4b:s1+s17], $0x80, s17, s17, $0xb8;
	[tilespmem:$0x10200] =	vst v63  }
0x101: {  	_ =	swait.ge [sflag:s26], $0x4000  }
0x102: {  	[sflag:s26] =	ssyncset.done $0x0  }
0x103: {  	[sflag:s26] =	ssyncadd.s32 $0xFFFFC000  }
0x104: {  	_ =	swait.ge [sflag:s26], $0x4000  }
0x105: {  	[sflag:s26] =	ssyncset.done $0x0  }
0x106: {  	s0 =	sadd.s32 $0x10000, s31;
	[sflag:s26] =	ssyncadd.s32 $0xFFFFC000  }
0x107: {  	[hbm4b:s0+s2] =	stream.linear.scatter [tilespmem:s22], [sflag:$0x3], $0x8000, $0x38;
	[tilespmem:$0x10200] =	vst v63  }
0x108: {  	_ =	swait.ge [sflag:s16], $0x8000  }
0x109: {  	[sflag:s16] =	ssyncset.done $0x0  }
0x10a: {  	[sflag:s16] =	ssyncadd.s32 $0xFFFF8000  }
0x10b: {  	[tilespmem:s20], [sflag:$0x4] =	stream.linear.gather [hbm4b:s9+s2], $0x100, $0x38;
	[tilespmem:$0x10200] =	vst v63  }
0x10c: {  	_ =	swait.ge [sflag:s21], $0x100  }
0x10d: {  	[sflag:s21] =	ssyncset.done $0x0  }
0x10e: {  	[sflag:s21] =	ssyncadd.s32 $0xFFFFFF00  }
0x10f: {  	[tilespmem:s22], [sflag:$0x2] =	stream.indirect.gather [hbm4b:s1+s17], $0x80, s20, s17, $0xb8;
	[tilespmem:$0x10200] =	vst v63  }
0x110: {  	_ = 	snop  }
0x111: {  	[tilespmem:s24], [sflag:$0x2] =	stream.indirect.gather [hbm4b:s1+s17], $0x80, s23, s17, $0xb8;
	[tilespmem:$0x10200] =	vst v63  }
0x112: {  	_ =	swait.ge [sflag:s25], $0x4000  }
.Ltmp7:
0x113: {  	[sflag:s25] =	ssyncset.done $0x0;
	(pc) =	sbr.rel @p2 .LBB2_9-.Ltmp7, $4  }
.Ltmp8:
0x114: {  	[sflag:s25] =	ssyncadd.s32 $0xFFFFC000;
	(pc) =	sbr.rel @!p2 .LBB2_8-.Ltmp8, $4  }
0x115: {  	_ =	swait.ge [sflag:s25], $0x4000  }
0x116: {  	[sflag:s25] =	ssyncset.done $0x0  }
0x117: {  	s29 =	smov.u32 s4;
	[sflag:s25] =	ssyncadd.s32 $0xFFFFC000  }
0x118: {  	_ = 	snop  }
.LBB2_10:
0x119: {  	_ =	sfence.sel $0x180000  }
0x11a: {  	[bflag:$0x0] =	sbarrier.arrive $0xFFFF  }
0x11b: {  	_ =	strace $0x90000047  }
0x11c: {  	s0 =	stileid.u32;
	[bflag:$0x2] =	sbarrier.arrive $0xFFFF  }
0x11d: {  	p0 =	sne.s32 s0, $0x0;
	s0 =	rddreg [dreg:$0x2]  }
0x11e: {  	s0 =	sadd.s32 @!p0 $0x100000, s0  }
0x11f: {  	[sflag:s0] =	ssyncadd.tile.s32 @!p0 $0x1;
	_ =	shalt  }
.Lfunc_end2:
_tile_overlayer_lowered:
.L_overlay_start_2:
0x120: {  	(tag) =	ssettag $0x2  }
0x121: {  	s0 =	rddreg [dreg:$0x0];
	s2 =	stileid.u32  }
0x122: {  	s1 =	rddreg [dreg:$0x1];
	p0 =	sne.s32 s2, $0x0  }
0x123: {  	s3 =	rddreg [dreg:$0x2];
	[bflag:$0x3] =	sbarrier.arrive $0xFFFF;
	s2 =	simm.s32 @!p0 $0x1C03  }
0x124: {  	[timem:s3], [sflag:s2] =	dma.local @!p0 [hbm:s0], s1  }
0x125: {  	s0 =	simm.s32 @!p0 $0x3  }
0x126: {  	_ =	swait.ge @!p0 [sflag:s0], s1  }
0x127: {  	s1 =	ssub.s32 @!p0 $0x0, s1;
	[sflag:s0] =	ssyncset.done @!p0 $0x0  }
0x128: {  	[sflag:s0] =	ssyncadd.s32 @!p0 s1  }
0x129: {  	[bflag:$0x3] =	sbarrier.arrive $0xFFFF  }
0x12a: {  	_ =	shalt  }

// kernel: kernel.17.cloned.1.call-start
scs
__scs_entry_jumppad:
0x0: {  	(pc) =	sbr.rel $0x88, $3  }
0x1: {  	(tag) =	ssettag $0x0;
	lr =	simm.s32 $0x1  }
0x2: {  	[smem:$0x3F8A] =	sst lr;
	_ =	strace $0xD0000000  }
0x3: {  	_ = 	snop  }
0x4: {  	_ = 	snop  }
0x5: {  	_ = 	snop  }
0x6: {  	_ = 	snop  }
0x7: {  	_ = 	snop  }
__scs_overlays_trampoline_lowered:
0x8: {  	[smem:$0x3F99] =	sst s0  }
0x9: {  	[smem:$0x3F9A] =	sst s1  }
0xa: {  	[smem:$0x3F9B] =	sst s2  }
0xb: {  	[smem:$0x3F9C] =	sst s3  }
0xc: {  	[smem:$0x3F9D] =	sst s4  }
0xd: {  	[smem:$0x3F9E] =	sst s5  }
0xe: {  	[smem:$0x3F9F] =	sst s6  }
0xf: {  	[smem:$0x3FA0] =	sst s7  }
0x10: {  	[smem:$0x3FA1] =	sst s8  }
0x11: {  	[smem:$0x3FA2] =	sst s9;
	s0 =	simm.s32 @!p0 $0x0  }
0x12: {  	s1 =	sld [smem:$0x3F88];
	s0 =	simm.s32 @p0 $0x1  }
0x13: {  	[smem:$0x3FA3] =	sst s0;
	s0 =	simm.s32 @!p1 $0x0  }
0x14: {  	s2 =	sld [smem:$0x3F87];
	s0 =	simm.s32 @p1 $0x1  }
0x15: {  	[smem:$0x3FA4] =	sst s0;
	s0 =	simm.s32 @!p2 $0x0  }
0x16: {  	s3 =	sld [smem:$0x3FDB];
	s0 =	simm.s32 @p2 $0x1  }
0x17: {  	s4 =	simm.s32 $0x1BF5;
	[smem:$0x3FA6] =	sst s0  }
0x18: {  	s0 =	sld [smem:$0x3F89];
	_ =	swait.ge [sflag:s4], $0x0  }
0x19: {  	s7 =	sld [smem:$0x3F8A]  }
0x1a: {  	s8 =	sadd.s32 $0xFFFFE003, lr  }
0x1b: {  	s9 =	sadd.s32 $0xFFFFFEF7, lr;
	s5 =	simm.s32 $0xFFFFFFFF;
	p2 =	slt.u32 s8, $0xFFFFF086  }
0x1c: {  	p1 =	slt.u32 s9, $0xF7A;
	s5 =	simm.s32 @!p2 $0x0  }
0x1d: {  	s5 =	simm.s32 @p1 $0x1;
	p0 =	seq.s32 s7, s2  }
0x1e: {  	s7 =	smul.u32 @!p0 $0xF7A, s2;
	p2 =	seq.s32 @!p0 s5, $0x0  }
0x1f: {  	s9 =	smul.u32 $0xF7A, s1;
	s8 =	simm.s32 @!p0 $0x1BF5;
	p2 =	por !p2, p0  }
0x20: {  	[sflag:s8] =	ssyncset.s32 @!p0 $0xFFFFF086;
	s6 =	sadd.s32 @!p0 s3, s7;
	s7 =	simm.s32 @!p0 $0x108  }
0x21: {  	s3 =	sadd.s32 s3, s9;
	s6 =	sadd.s32 @!p0 $0x88, s6;
	s7 =	simm.s32 @p2 $0x1082  }
0x22: {  	[simem:s7], [sflag:s8] =	dma.local @!p0 [hbm:s6], $0xF7A  }
0x23: {  	s9 =	sor.u32 $0xD0000000, s2;
	s6 =	simm.s32 $0x108;
	_ =	swait.ge @!p0 [sflag:s8], $0x0  }
0x24: {  	s3 =	sadd.s32 $0x88, s3;
	s6 =	simm.s32 @!p1 $0x1082;
	[sflag:s4] =	ssyncset.s32 $0xFFFFF086  }
0x25: {  	[simem:s6], [sflag:s4] =	dma.local [hbm:s3], $0xF7A  }
0x26: {  	[smem:$0x3F8A] =	sst s1;
	(tag) =	ssettag s2;
	_ =	strace s9  }
0x27: {  	s1 =	sld [smem:$0x3F9A]  }
0x28: {  	s2 =	sld [smem:$0x3F9B]  }
0x29: {  	s4 =	sld [smem:$0x3F9D]  }
0x2a: {  	p0 =	seq.s32 s5, $0x0;
	s5 =	sld [smem:$0x3F9E]  }
0x2b: {  	s6 =	sld [smem:$0x3F9F]  }
0x2c: {  	s7 =	sld [smem:$0x3FA0]  }
0x2d: {  	s3 =	simm.s32 $0x108;
	s8 =	sld [smem:$0x3FA1]  }
0x2e: {  	s3 =	simm.s32 @!p0 $0x1082;
	s9 =	sld [smem:$0x3FA2]  }
0x2f: {  	lr =	sadd.s32 s0, s3;
	s0 =	sld [smem:$0x3F99]  }
0x30: {  	s3 =	sld [smem:$0x3F9C]  }
0x31: {  	[smem:$0x3FA5] =	sst s10  }
0x32: {  	s10 =	sld [smem:$0x3FA3];
	_ =	sdelay $0x3  }
0x33: {  	p0 =	seq.s32 s10, $0x1;
	s10 =	sld [smem:$0x3FA5];
	_ =	sdelay $0x3  }
0x34: {  	[smem:$0x3FA5] =	sst s10  }
0x35: {  	s10 =	sld [smem:$0x3FA4];
	_ =	sdelay $0x3  }
0x36: {  	p1 =	seq.s32 s10, $0x1;
	s10 =	sld [smem:$0x3FA5];
	_ =	sdelay $0x3  }
0x37: {  	[smem:$0x3FA5] =	sst s10  }
0x38: {  	s10 =	sld [smem:$0x3FA6]  }
0x39: {  	_ = 	snop;
	(pc) =	sbr.ind lr, $3  }
0x3a: {  	_ = 	snop  }
0x3b: {  	_ = 	snop  }
0x3c: {  	p2 =	seq.s32 s10, $0x1;
	s10 =	sld [smem:$0x3FA5]  }
0x3d: {  	_ =	shalt  }
0x3e: {  	_ =	shalt  }
0x3f: {  	_ =	shalt  }
0x40: {  	_ =	shalt  }
0x41: {  	_ =	shalt  }
0x42: {  	_ =	shalt  }
0x43: {  	_ =	shalt  }
0x44: {  	_ =	shalt  }
0x45: {  	_ =	shalt  }
0x46: {  	_ =	shalt  }
0x47: {  	_ =	shalt  }
0x48: {  	_ =	shalt  }
0x49: {  	_ =	shalt  }
0x4a: {  	_ =	shalt  }
0x4b: {  	_ =	shalt  }
0x4c: {  	_ =	shalt  }
0x4d: {  	_ =	shalt  }
0x4e: {  	_ =	shalt  }
0x4f: {  	_ =	shalt  }
0x50: {  	_ =	shalt  }
0x51: {  	_ =	shalt  }
0x52: {  	_ =	shalt  }
0x53: {  	_ =	shalt  }
0x54: {  	_ =	shalt  }
0x55: {  	_ =	shalt  }
0x56: {  	_ =	shalt  }
0x57: {  	_ =	shalt  }
0x58: {  	_ =	shalt  }
0x59: {  	_ =	shalt  }
0x5a: {  	_ =	shalt  }
0x5b: {  	_ =	shalt  }
0x5c: {  	_ =	shalt  }
0x5d: {  	_ =	shalt  }
0x5e: {  	_ =	shalt  }
0x5f: {  	_ =	shalt  }
0x60: {  	_ =	shalt  }
0x61: {  	_ =	shalt  }
0x62: {  	_ =	shalt  }
0x63: {  	_ =	shalt  }
0x64: {  	_ =	shalt  }
0x65: {  	_ =	shalt  }
0x66: {  	_ =	shalt  }
0x67: {  	_ =	shalt  }
0x68: {  	_ =	shalt  }
0x69: {  	_ =	shalt  }
0x6a: {  	_ =	shalt  }
0x6b: {  	_ =	shalt  }
0x6c: {  	_ =	shalt  }
0x6d: {  	_ =	shalt  }
0x6e: {  	_ =	shalt  }
0x6f: {  	_ =	shalt  }
0x70: {  	_ =	shalt  }
0x71: {  	_ =	shalt  }
0x72: {  	_ =	shalt  }
0x73: {  	_ =	shalt  }
0x74: {  	_ =	shalt  }
0x75: {  	_ =	shalt  }
0x76: {  	_ =	shalt  }
0x77: {  	_ =	shalt  }
0x78: {  	_ =	shalt  }
0x79: {  	_ =	shalt  }
0x7a: {  	_ =	shalt  }
0x7b: {  	_ =	shalt  }
0x7c: {  	_ =	shalt  }
0x7d: {  	_ =	shalt  }
0x7e: {  	_ =	shalt  }
0x7f: {  	_ =	shalt  }
0x80: {  	_ =	shalt  }
0x81: {  	_ =	shalt  }
0x82: {  	_ =	shalt  }
0x83: {  	_ =	shalt  }
0x84: {  	_ =	shalt  }
0x85: {  	_ =	shalt  }
0x86: {  	_ =	shalt  }
0x87: {  	_ =	shalt  }
.Lfunc_end0:
.L_simem_size_0:
called_computation.2_lowered:
.L_overlay_start_0:
0x88: {  	s2 =	sld [smem:$0x3FD9]  }
0x89: {  	s3 =	sld [smem:$0x3FFE];
	_ =	sdelay $0x1  }
0x8a: {  	s1 =	srdreg.scid  }
0x8b: {  	s0 =	sand.u32 $0x1, s1  }
0x8c: {  	s17 =	sshll.u32 s0, $0xA;
	s2 =	sadd.s32 s3, s2  }
0x8d: {  	s2 =	sadd.s32 s2, s17  }
0x8e: {  	[smem:$0x3FB1] =	sst s2  }
0x8f: {  	_ = 	snop  }
0x90: {  	s18 =	sld [smem:$0x3FD0];
	(tm) =	ssettm $0x1  }
0x91: {  	s19 =	sld [smem:$0x3FFB];
	_ =	sdelay $0x3  }
0x92: {  	_ =	strace s19  }
0x93: {  	s2 =	sld [smem:$0x3FFC];
	_ =	sdelay $0x3  }
0x94: {  	_ =	strace s2  }
0x95: {  	s2 =	sld [smem:$0x3FFD];
	_ =	sdelay $0x3  }
0x96: {  	_ =	strace s2  }
0x97: {  	_ =	strace $0x8FFFFFFF  }
0x98: {  	s20 =	sld [smem:$0x3FDB];
	_ =	sdelay $0x1  }
0x99: {  	s4 =	simm.s32 $_scs_section_size  }
0x9a: {  	s5 =	simm.s32 $_size__tile_overlayer_lowered;
	s6 =	simm.s32 $_tile_overlayer_lowered  }
0x9b: {  	s7 =	simm.s32 $0x1BFF;
	s21 =	sshll.u32 s6, $0x1;
	s4 =	sadd.s32 s4, s20  }
0x9c: {  	s22 =	simm.s32 $0x0;
	s5 =	sshll.u32 s5, $0x1;
	s6 =	sadd.s32 s21, s4  }
0x9d: {  	[timem:s22], [sflag:s7] =	dma.local [hbm:s6], s5  }
0x9e: {  	_ =	swait.ge [sflag:s7], s5  }
0x9f: {  	s5 =	ssub.s32 $0x0, s5;
	[sflag:s7] =	ssyncset.done $0x0  }
0xa0: {  	[sflag:s7] =	ssyncadd.s32 s5;
	_ =	sdelay $0x1  }
0xa1: {  	s23 =	simm.s32 $0x1B8B  }
0xa2: {  	_ =	swait.ge [sflag:s23], $0x1  }
0xa3: {  	[sflag:s23] =	ssyncset.done $0x0  }
0xa4: {  	[sflag:s23] =	ssyncadd.s32 $0xFFFFFFFF  }
0xa5: {  	s5 =	sld [smem:$0x0]  }
0xa6: {  	s6 =	sand.u32 $0xFFFFFFFE, s1  }
0xa7: {  	p0 =	sne.s32 s1, s6  }
0xa8: {  	s6 =	sshll.u32 @p0 s6, $0xE  }
0xa9: {  	s6 =	sadd.s32 @p0 $0x11B8D, s6;
	s7 =	sshll.u32 @p0 s5, $0x11  }
0xaa: {  	s6 =	sor.u32 @p0 s7, s6  }
0xab: {  	[sflag:s6] =	ssyncadd.remote.s32 @p0 $0x1;
	_ =	sdelay $0x1  }
0xac: {  	s6 =	simm.s32 @p0 $0x1B8D  }
0xad: {  	_ =	swait.eq @p0 [sflag:s6], $0x1  }
0xae: {  	[sflag:s6] =	ssyncadd.s32 @p0 $0xFFFFFFFF  }
0xaf: {  	s7 =	sshll.u32 @!p0 s1, $0xE  }
0xb0: {  	s7 =	sor.u32 @!p0 $0x4000, s7;
	s6 =	simm.s32 @!p0 $0x1B8D  }
0xb1: {  	s5 =	sshll.u32 @!p0 s5, $0x11;
	s7 =	sadd.s32 @!p0 $0x11B8D, s7;
	_ =	swait.eq @!p0 [sflag:s6], $0x1  }
0xb2: {  	s5 =	sor.u32 @!p0 s5, s7;
	[sflag:s6] =	ssyncadd.s32 @!p0 $0xFFFFFFFF  }
0xb3: {  	s25 =	simm.s32 $0x1B8E;
	s24 =	sld [smem:$0x3FFE];
	[sflag:s5] =	ssyncadd.remote.s32 @!p0 $0x1  }
0xb4: {  	s26 =	simm.s32 $execute0_lowered;
	[smem:$0x3FD2] =	sst s25  }
0xb5: {  	s6 =	sshll.u32 s26, $0x1;
	_ =	strace $0x8000004C;
	[dreg:$0x1] =	wrdreg $0xFFFFFFFF  }
0xb6: {  	s28 =	simm.s32 $_size_execute0_lowered;
	s4 =	sadd.s32 s4, s6;
	[dreg:$0x0] =	wrdreg $0x0  }
0xb7: {  	s6 =	sshll.u32 s28, $0x1;
	[dreg:$0x2] =	wrdreg s4  }
0xb8: {  	[dreg:$0x3] =	wrdreg s6  }
0xb9: {  	[dreg:$0x4] =	wrdreg $0xC0  }
0xba: {  	_ =	task [dreg:s22], $0x5FFFF  }
0xbb: {  	[dreg:$0x1] =	wrdreg $0xFFFFFFFF  }
0xbc: {  	[dreg:$0x0] =	wrdreg $0x60  }
0xbd: {  	[dreg:$0x2] =	wrdreg s24  }
0xbe: {  	[dreg:$0x3] =	wrdreg s18  }
0xbf: {  	[dreg:$0x4] =	wrdreg $0x0  }
0xc0: {  	[dreg:$0x5] =	wrdreg $0xA  }
0xc1: {  	_ =	task.clear_ibuf [dreg:s22], $0x6FFFF;
	_ =	strace $0x9000004C  }
0xc2: {  	s29 =	simm.s32 $0xA;
	_ =	strace $0x8000004E  }
0xc3: {  	_ =	swait.ge [sflag:s29], $0x1  }
0xc4: {  	[sflag:s29] =	ssyncadd.s32 $0xFFFFFFFF  }
0xc5: {  	_ =	strace $0x9000004E  }
0xc6: {  	_ =	sfence  }
0xc7: {  	s30 =	sld [smem:$0x0];
	_ =	sdelay $0x2  }
0xc8: {  	s31 =	sshll.u32 s1, $0xD;
	s1 =	sshrl.u32 s1, $0x2  }
0xc9: {  	s4 =	sand.u32 $0x4000, s31;
	s1 =	sadd.s32 s1, s30  }
0xca: {  	s0 =	sor.u32 s4, s0;
	s1 =	sshll.u32 s1, $0x11  }
0xcb: {  	s0 =	sor.u32 s1, s0  }
0xcc: {  	s0 =	sadd.s32 $0x8F2B, s0  }
0xcd: {  	[sflag:s0] =	ssyncadd.remote.s32 $0x1  }
0xce: {  	_ =	sfence.sel $0xFFFF  }
0xcf: {  	[dreg:$0x0] =	wrdreg $0xFFFFFFFF;
	(pc) =	sbr.abs _section_cstart, $3  }
0xd0: {  	[dreg:$0x1] =	wrdreg $0xFFFFFFFF  }
0xd1: {  	_ =	task.clear_ibuf [dreg:s22], $0x2FFFF;
	_ =	strace $0x9FFFFFFF  }
0xd2: {  	(tm) =	ssettm $0x7FFFFFFF  }
0xd3: {  	_ =	shalt  }
tec
execute0_lowered:
.L_overlay_start_1:
0x0: {  	(tag) =	ssettag $0x1  }
0x1: {  	s0 =	rddreg [dreg:$0x0]  }
0x2: {  	s3 =	rddreg [dreg:$0x2];
	s4 =	simm.s32 $0x0  }
0x3: {  	s10 =	stileid.u32;
	s2 =	srdreg.scid;
	s19 =	simm.s32 $0x5  }
0x4: {  	s21 =	simm.s32 $0x13900;
	s18 =	simm.s32 $0x13920;
	s20 =	simm.s32 $0x14A00  }
0x5: {  	s28 =	simm.s32 $0x13960;
	s31 =	simm.s32 $0x13980;
	s1 =	smul.u32 $0xA00, s10  }
0x6: {  	[smem:$0x7FF] =	sst s4;
	s5 =	sadd.s32 $0xA42A00, s0;
	s8 =	smul.u32 $0x13880, s10  }
0x7: {  	s6 =	sadd.s32 $0xF24A00, s0;
	s2 =	sand.u32 $0x1, s2;
	s9 =	smul.u32 $0x50000, s10  }
0x8: {  	s7 =	sadd.s32 $0x9F1E00, s0;
	s24 =	sshll.u32 s10, $0x6;
	s25 =	smul.u32 $0xA0, s10  }
0x9: {  	_ =	strace $0x8000004D;
	[dreg:$0x4] =	wrdreg s7;
	s22 =	ssub.s32 $0x2, s2  }
0xa: {  	s16 =	sor.u32 $0x1C05, s24;
	p0 =	sne.s32 s2, $0x0;
	s24 =	simm.s32 $0x13A00  }
0xb: {  	s2 =	simm.s32 $0x3;
	s1 =	sadd.s32 s1, s0;
	s0 =	sadd.s32 $0x2DE00, s0  }
0xc: {  	s23 =	sshrl.u32 s22, $0x1;
	s11 =	sadd.s32 s8, s3;
	[dreg:$0x6] =	wrdreg s16  }
0xd: {  	s12 =	sadd.s32 s6, s9;
	s8 =	sshrl.u32 s8, $0x3;
	[dreg:$0x5] =	wrdreg s0  }
0xe: {  	s26 =	sadd.s32 s5, s9;
	s29 =	sor.u32 $0x1000, s9;
	[dreg:$0x7] =	wrdreg s12  }
0xf: {  	s30 =	sor.u32 $0x2, s25;
	s25 =	simm.s32 $0x13940;
	[dreg:$0x8] =	wrdreg s8  }
0x10: {  	s0 =	ssub.s32 s22, s23;
	s10 =	sadd.s32 $0x19E00, s1;
	[dreg:$0x9] =	wrdreg s26  }
.Ltmp0:
0x11: {  	s13 =	sadd.s32 $0x23E00, s1;
	[dreg:$0xb] =	wrdreg s29;
	(pc) =	sbr.rel .LBB2_1-.Ltmp0, $4  }
0x12: {  	[dreg:$0xc] =	wrdreg s30;
	s17 =	sshrl.u32 s11, $0x3;
	s22 =	simm.s32 $0x1  }
0x13: {  	s23 =	simm.s32 $0x20;
	s26 =	simm.s32 $0x15A00;
	s8 =	simm.s32 $0x16A00  }
0x14: {  	s1 =	simm.s32 $0x2;
	s0 =	smax.u32 s0, $0x1;
	[dreg:$0xd] =	wrdreg s17  }
0x15: {  	s11 =	simm.s32 $0x0;
	[dreg:$0xa] =	wrdreg s0;
	s0 =	simm.s32 $0x17A00  }
.LBB2_7:
0x16: {  	[spmem:s3] =	stream.indirect.scatter.add.f32 [tilespmem:s12], [sflag:$0x4], $0x80, s7, s23, $0xb8;
	[tilespmem:$0x1BA00] =	vst v63  }
0x17: {  	s9 =	rddreg [dreg:$0x5]  }
0x18: {  	s20 =	simm.s32 $0x14A00;
	s11 =	rddreg [dreg:$0xe]  }
0x19: {  	[spmem:s3] =	stream.indirect.scatter.add.f32 [tilespmem:s8], [sflag:$0x4], $0x80, s15, s23, $0xb8;
	[tilespmem:$0x1BA00] =	vst v63  }
.LBB2_8:
0x1a: {  	s7 =	simm.s32 $0x4  }
0x1b: {  	_ =	swait.ge [sflag:s7], $0x1000  }
0x1c: {  	[sflag:s7] =	ssyncset.done $0x0  }
0x1d: {  	[sflag:s7] =	ssyncadd.s32 $0xFFFFF000  }
0x1e: {  	_ =	swait.ge [sflag:s7], $0x1000  }
0x1f: {  	[sflag:s7] =	ssyncset.done $0x0  }
0x20: {  	[sflag:s7] =	ssyncadd.s32 $0xFFFFF000  }
0x21: {  	_ =	swait.ge [sflag:s7], $0x1000  }
0x22: {  	[sflag:s7] =	ssyncset.done $0x0  }
0x23: {  	[sflag:s7] =	ssyncadd.s32 $0xFFFFF000  }
0x24: {  	_ =	swait.ge [sflag:s7], $0x1000  }
0x25: {  	[sflag:s7] =	ssyncset.done $0x0  }
0x26: {  	[sflag:s7] =	ssyncadd.s32 $0xFFFFF000  }
0x27: {  	s16 =	rddreg [dreg:$0x8];
	[bflag:$0x0] =	sbarrier.arrive $0xFFFF  }
0x28: {  	s9 =	sadd.s32 s9, s16;
	s16 =	rddreg [dreg:$0x6]  }
0x29: {  	s17 =	rddreg [dreg:$0xd]  }
0x2a: {  	[hbm:s9], [sflag:s16] =	dma.local [spmem:s17], $0x2710  }
0x2b: {  	_ =	swait.ge [sflag:s19], $0x2710  }
0x2c: {  	s11 =	sadd.s32 $0x1, s11;
	s30 =	rddreg [dreg:$0xa]  }
0x2d: {  	p1 =	sne.s32 s11, s30  }
.Ltmp1:
0x2e: {  	_ = 	snop;
	(pc) =	sbr.rel @!p1 .LBB2_9-.Ltmp1, $4  }
0x2f: {  	_ = 	snop  }
0x30: {  	s18 =	simm.s32 $0x13920  }
0x31: {  	s25 =	simm.s32 $0x13940;
	s26 =	simm.s32 $0x15A00;
	[sflag:s19] =	ssyncset.done $0x0  }
0x32: {  	s28 =	simm.s32 $0x13960;
	s8 =	simm.s32 $0x16A00;
	[sflag:s19] =	ssyncadd.s32 $0xFFFFD8F0  }
.LBB2_1:
0x33: {  	[dreg:$0xe] =	wrdreg s11  }
0x34: {  	s9 =	rddreg [dreg:$0x4]  }
0x35: {  	[spmem:s17], [sflag:s16] =	dma.local [hbm:s9], $0x2710  }
.Ltmp2:
0x36: {  	_ =	swait.ge [sflag:s19], $0x2710;
	(pc) =	sbr.rel @p0 .LBB2_5-.Ltmp2, $4  }
0x37: {  	[sflag:s19] =	ssyncset.done $0x0  }
0x38: {  	[sflag:s19] =	ssyncadd.s32 $0xFFFFD8F0  }
0x39: {  	[bflag:$0x0] =	sbarrier.arrive $0xFFFF  }
0x3a: {  	s9 =	simm.s32 $0x0  }
0x3b: {  	[tilespmem:s21], [sflag:$0x5] =	stream.linear.gather [hbm4b:s13+s9], $0x80, $0x38;
	[tilespmem:$0x1BA00] =	vst v63  }
0x3c: {  	_ =	swait.ge [sflag:s19], $0x80  }
0x3d: {  	[sflag:s19] =	ssyncset.done $0x0  }
0x3e: {  	s16 =	rddreg [dreg:$0x9];
	[sflag:s19] =	ssyncadd.s32 $0xFFFFFF80  }
0x3f: {  	[tilespmem:s24], [sflag:$0x1] =	stream.linear.gather [hbm4b:s16+s9], $0x4000, $0x38;
	[tilespmem:$0x1BA00] =	vst v63  }
0x40: {  	_ =	swait.ge [sflag:s22], $0x4000  }
0x41: {  	[sflag:s22] =	ssyncset.done $0x0  }
0x42: {  	[sflag:s22] =	ssyncadd.s32 $0xFFFFC000  }
0x43: {  	[spmem:s3] =	stream.indirect.scatter.add.f32 [tilespmem:s24], [sflag:$0x3], $0x80, s21, s23, $0xb8;
	[tilespmem:$0x1BA00] =	vst v63  }
0x44: {  	_ = 	snop  }
0x45: {  	[spmem:s3] =	stream.indirect.scatter.add.f32 [tilespmem:s20], [sflag:$0x3], $0x80, s18, s23, $0xb8;
	[tilespmem:$0x1BA00] =	vst v63  }
0x46: {  	p1 =	por $0x1, $0x1  }
0x47: {  	[spmem:s3] =	stream.indirect.scatter.add.f32 [tilespmem:s26], [sflag:$0x3], $0x80, s25, s23, $0xb8;
	[tilespmem:$0x1BA00] =	vst v63  }
0x48: {  	s9 =	simm.s32 @!p1 $0x4  }
0x49: {  	[spmem:s3] =	stream.indirect.scatter.add.f32 [tilespmem:s8], [sflag:$0x3], $0x80, s28, s23, $0xb8;
	[tilespmem:$0x1BA00] =	vst v63  }
0x4a: {  	_ =	swait.ge @!p1 [sflag:s9], $0x1000  }
0x4b: {  	[sflag:s9] =	ssyncset.done @!p1 $0x0  }
0x4c: {  	[sflag:s9] =	ssyncadd.s32 @!p1 $0xFFFFF000  }
0x4d: {  	_ =	swait.ge @!p1 [sflag:s9], $0x1000  }
0x4e: {  	[sflag:s9] =	ssyncset.done @!p1 $0x0  }
0x4f: {  	[sflag:s9] =	ssyncadd.s32 @!p1 $0xFFFFF000  }
0x50: {  	_ =	swait.ge @!p1 [sflag:s9], $0x1000  }
0x51: {  	[sflag:s9] =	ssyncset.done @!p1 $0x0  }
0x52: {  	[sflag:s9] =	ssyncadd.s32 @!p1 $0xFFFFF000  }
0x53: {  	s14 =	sadd.s32 $0x0, s13;
	_ =	swait.ge @!p1 [sflag:s9], $0x1000  }
0x54: {  	s16 =	sadd.s32 $0x10, s14;
	[sflag:s9] =	ssyncset.done @!p1 $0x0;
	s20 =	rddreg [dreg:$0xc]  }
0x55: {  	s15 =	rddreg [dreg:$0xb];
	s17 =	sadd.s32 $0xFFFFFFFF, s20;
	[sflag:s9] =	ssyncadd.s32 @!p1 $0xFFFFF000  }
0x56: {  	[tilespmem:s31], [sflag:$0x5] =	stream.linear.gather [hbm4b:s16+s4], $0x80, $0x38;
	[tilespmem:$0x1BA00] =	vst v63  }
0x57: {  	s9 =	sadd.s32 $0xFFFFF800, s15;
	p1 =	slt.u32 s17, $0x9C4;
	_ =	swait.ge [sflag:s19], $0x80  }
0x58: {  	s9 =	simm.s32 @!p1 $0x0;
	[sflag:s19] =	ssyncset.done $0x0  }
0x59: {  	s9 =	sadd.s32 s5, s9;
	[sflag:s19] =	ssyncadd.s32 $0xFFFFFF80  }
0x5a: {  	[tilespmem:s0], [sflag:$0x2] =	stream.linear.gather [hbm4b:s9+s4], $0x4000, $0x38;
	[tilespmem:$0x1BA00] =	vst v63  }
0x5b: {  	_ =	swait.ge [sflag:s2], $0x1000  }
0x5c: {  	[sflag:s2] =	ssyncset.done $0x0  }
0x5d: {  	[sflag:s2] =	ssyncadd.s32 $0xFFFFF000  }
0x5e: {  	_ =	swait.ge [sflag:s2], $0x1000  }
0x5f: {  	[sflag:s2] =	ssyncset.done $0x0  }
0x60: {  	[sflag:s2] =	ssyncadd.s32 $0xFFFFF000  }
0x61: {  	_ =	swait.ge [sflag:s2], $0x1000  }
0x62: {  	[sflag:s2] =	ssyncset.done $0x0  }
0x63: {  	s29 =	simm.s32 $0x15A00;
	s30 =	simm.s32 $0x13960;
	[sflag:s2] =	ssyncadd.s32 $0xFFFFF000  }
0x64: {  	s11 =	simm.s32 $0x139A0;
	p1 =	por $0x0, $0x0;
	_ =	swait.ge [sflag:s2], $0x1000  }
0x65: {  	s16 =	simm.s32 @!p1 $0x0;
	s9 =	sadd.s32 @!p1 $0x0, s13;
	[sflag:s2] =	ssyncset.done $0x0  }
0x66: {  	s17 =	simm.s32 @!p1 $0x13900;
	s9 =	sadd.s32 @!p1 $0x20, s9;
	[sflag:s2] =	ssyncadd.s32 $0xFFFFF000  }
0x67: {  	[tilespmem:s17], [sflag:$0x5] =	stream.linear.gather @!p1 [hbm4b:s9+s16], $0x80, $0x38;
	[tilespmem:$0x1BA00] =	vst v63  }
0x68: {  	s7 =	simm.s32 $0x139C0;
	p2 =	slt.u32 @!p1 s20, $0x9C4;
	s9 =	simm.s32 @!p1 $0x5  }
0x69: {  	p2 =	por !p2, p1;
	s17 =	smov.u32 s15;
	_ =	swait.ge @!p1 [sflag:s9], $0x80  }
0x6a: {  	s12 =	simm.s32 $0x19A00;
	s17 =	simm.s32 @p2 $0x0;
	[sflag:s9] =	ssyncset.done @!p1 $0x0  }
0x6b: {  	[sflag:s9] =	ssyncadd.s32 @!p1 $0xFFFFFF80;
	s9 =	sadd.s32 @!p1 s5, s17;
	s17 =	simm.s32 @!p1 $0x13A00  }
0x6c: {  	[tilespmem:s17], [sflag:$0x1] =	stream.linear.gather @!p1 [hbm4b:s9+s16], $0x4000, $0x38;
	[tilespmem:$0x1BA00] =	vst v63  }
0x6d: {  	s14 =	simm.s32 $0x18A00;
	s26 =	simm.s32 $0x14A00;
	_ =	swait.ge [sflag:s1], $0x4000  }
0x6e: {  	s25 =	simm.s32 $0x13920;
	s28 =	simm.s32 $0x13940;
	[sflag:s1] =	ssyncset.done $0x0  }
0x6f: {  	s8 =	simm.s32 $0x1AA00;
	s17 =	simm.s32 $0x20;
	[sflag:s1] =	ssyncadd.s32 $0xFFFFC000  }
0x70: {  	[spmem:s3] =	stream.indirect.scatter.add.f32 [tilespmem:s0], [sflag:$0x4], $0x80, s31, s23, $0xb8;
	[tilespmem:$0x1BA00] =	vst v63  }
0x71: {  	s16 =	sadd.s32 $0x1000, s15;
	s9 =	sadd.s32 $0x2, s20;
	s15 =	simm.s32 $0x139E0  }
0x72: {  	[spmem:s3] =	stream.indirect.scatter.add.f32 [tilespmem:s14], [sflag:$0x4], $0x80, s11, s23, $0xb8;
	[tilespmem:$0x1BA00] =	vst v63  }
.LBB2_3:
0x73: {  	[spmem:s3] =	stream.indirect.scatter.add.f32 [tilespmem:s12], [sflag:$0x4], $0x80, s7, s23, $0xb8;
	[tilespmem:$0x1BA00] =	vst v63  }
0x74: {  	s18 =	smov.u32 s17;
	s17 =	sadd.s32 $0x20, s17  }
0x75: {  	[spmem:s3] =	stream.indirect.scatter.add.f32 [tilespmem:s8], [sflag:$0x4], $0x80, s15, s23, $0xb8;
	[tilespmem:$0x1BA00] =	vst v63  }
0x76: {  	p1 =	seq.s32 s17, $0xA00;
	_ =	swait.ge [sflag:s22], $0x4000  }
0x77: {  	[sflag:s22] =	ssyncset.done $0x0  }
0x78: {  	[sflag:s22] =	ssyncadd.s32 $0xFFFFC000  }
0x79: {  	[spmem:s3] =	stream.indirect.scatter.add.f32 [tilespmem:s24], [sflag:$0x3], $0x80, s21, s23, $0xb8;
	[tilespmem:$0x1BA00] =	vst v63  }
0x7a: {  	_ = 	snop  }
0x7b: {  	[spmem:s3] =	stream.indirect.scatter.add.f32 [tilespmem:s26], [sflag:$0x3], $0x80, s25, s23, $0xb8;
	[tilespmem:$0x1BA00] =	vst v63  }
0x7c: {  	_ = 	snop  }
0x7d: {  	[spmem:s3] =	stream.indirect.scatter.add.f32 [tilespmem:s29], [sflag:$0x3], $0x80, s28, s23, $0xb8;
	[tilespmem:$0x1BA00] =	vst v63  }
0x7e: {  	s20 =	simm.s32 $0x16A00;
	p2 =	seq.s32 s18, $0x0  }
0x7f: {  	[spmem:s3] =	stream.indirect.scatter.add.f32 [tilespmem:s20], [sflag:$0x3], $0x80, s30, s23, $0xb8;
	[tilespmem:$0x1BA00] =	vst v63  }
0x80: {  	s20 =	simm.s32 @!p2 $0x4  }
0x81: {  	_ =	swait.ge @!p2 [sflag:s20], $0x1000  }
0x82: {  	[sflag:s20] =	ssyncset.done @!p2 $0x0  }
0x83: {  	[sflag:s20] =	ssyncadd.s32 @!p2 $0xFFFFF000  }
0x84: {  	_ =	swait.ge @!p2 [sflag:s20], $0x1000  }
0x85: {  	[sflag:s20] =	ssyncset.done @!p2 $0x0  }
0x86: {  	[sflag:s20] =	ssyncadd.s32 @!p2 $0xFFFFF000  }
0x87: {  	_ =	swait.ge @!p2 [sflag:s20], $0x1000  }
0x88: {  	[sflag:s20] =	ssyncset.done @!p2 $0x0  }
0x89: {  	s21 =	sadd.s32 s18, s13;
	[sflag:s20] =	ssyncadd.s32 @!p2 $0xFFFFF000  }
0x8a: {  	s21 =	sadd.s32 $0x10, s21;
	_ =	swait.ge @!p2 [sflag:s20], $0x1000  }
0x8b: {  	s24 =	sadd.s32 $0xFFFFFFFF, s9;
	[sflag:s20] =	ssyncset.done @!p2 $0x0  }
0x8c: {  	[sflag:s20] =	ssyncadd.s32 @!p2 $0xFFFFF000;
	p2 =	slt.u32 s24, $0x9C4;
	s20 =	sadd.s32 $0xFFFFF800, s16  }
0x8d: {  	[tilespmem:s31], [sflag:$0x5] =	stream.linear.gather [hbm4b:s21+s4], $0x80, $0x38;
	[tilespmem:$0x1BA00] =	vst v63  }
0x8e: {  	s20 =	simm.s32 @!p2 $0x0;
	_ =	swait.ge [sflag:s19], $0x80  }
0x8f: {  	s20 =	sadd.s32 s5, s20;
	[sflag:s19] =	ssyncset.done $0x0  }
0x90: {  	[sflag:s19] =	ssyncadd.s32 $0xFFFFFF80  }
0x91: {  	[tilespmem:s0], [sflag:$0x2] =	stream.linear.gather [hbm4b:s20+s4], $0x4000, $0x38;
	[tilespmem:$0x1BA00] =	vst v63  }
0x92: {  	_ =	swait.ge [sflag:s2], $0x1000  }
0x93: {  	[sflag:s2] =	ssyncset.done $0x0  }
0x94: {  	[sflag:s2] =	ssyncadd.s32 $0xFFFFF000  }
0x95: {  	_ =	swait.ge [sflag:s2], $0x1000  }
0x96: {  	[sflag:s2] =	ssyncset.done $0x0  }
0x97: {  	[sflag:s2] =	ssyncadd.s32 $0xFFFFF000  }
0x98: {  	_ =	swait.ge [sflag:s2], $0x1000  }
0x99: {  	[sflag:s2] =	ssyncset.done $0x0  }
0x9a: {  	p2 =	seq.s32 s18, $0x9E0;
	[sflag:s2] =	ssyncadd.s32 $0xFFFFF000  }
0x9b: {  	s18 =	sadd.s32 @!p2 s18, s13;
	s20 =	simm.s32 @!p2 $0x5;
	_ =	swait.ge [sflag:s2], $0x1000  }
0x9c: {  	s21 =	simm.s32 @!p2 $0x0;
	s18 =	sadd.s32 @!p2 $0x20, s18;
	[sflag:s2] =	ssyncset.done $0x0  }
0x9d: {  	p3 =	slt.u32 @!p2 s9, $0x9C4;
	s24 =	simm.s32 @!p2 $0x13900;
	[sflag:s2] =	ssyncadd.s32 $0xFFFFF000  }
0x9e: {  	[tilespmem:s24], [sflag:$0x5] =	stream.linear.gather @!p2 [hbm4b:s18+s21], $0x80, $0x38;
	[tilespmem:$0x1BA00] =	vst v63  }
0x9f: {  	s24 =	simm.s32 $0x13A00  }
0xa0: {  	p3 =	por !p3, p2;
	s18 =	smov.u32 s16;
	_ =	swait.ge @!p2 [sflag:s20], $0x80  }
0xa1: {  	s18 =	simm.s32 @p3 $0x0;
	[sflag:s20] =	ssyncset.done @!p2 $0x0  }
0xa2: {  	s18 =	sadd.s32 @!p2 s5, s18;
	[sflag:s20] =	ssyncadd.s32 @!p2 $0xFFFFFF80;
	s20 =	simm.s32 @!p2 $0x13A00  }
0xa3: {  	[tilespmem:s20], [sflag:$0x1] =	stream.linear.gather @!p2 [hbm4b:s18+s21], $0x4000, $0x38;
	[tilespmem:$0x1BA00] =	vst v63  }
0xa4: {  	s21 =	simm.s32 $0x13900  }
0xa5: {  	_ =	swait.ge [sflag:s1], $0x4000  }
0xa6: {  	[sflag:s1] =	ssyncset.done $0x0  }
.Ltmp3:
0xa7: {  	[sflag:s1] =	ssyncadd.s32 $0xFFFFC000;
	(pc) =	sbr.rel @!p1 .LBB2_3-.Ltmp3, $4  }
0xa8: {  	[spmem:s3] =	stream.indirect.scatter.add.f32 [tilespmem:s0], [sflag:$0x4], $0x80, s31, s23, $0xb8;
	[tilespmem:$0x1BA00] =	vst v63  }
0xa9: {  	_ = 	snop  }
0xaa: {  	[spmem:s3] =	stream.indirect.scatter.add.f32 [tilespmem:s14], [sflag:$0x4], $0x80, s11, s23, $0xb8;
	[tilespmem:$0x1BA00] =	vst v63  }
0xab: {  	s9 =	sadd.s32 $0x2, s9;
	s16 =	sadd.s32 $0x1000, s16  }
.Ltmp4:
0xac: {  	(pc) =	sbr.rel .LBB2_8-.Ltmp4, $4  }
0xad: {  	[spmem:s3] =	stream.indirect.scatter.add.f32 [tilespmem:s12], [sflag:$0x4], $0x80, s7, s23, $0xb8;
	[tilespmem:$0x1BA00] =	vst v63  }
0xae: {  	s9 =	rddreg [dreg:$0x1]  }
0xaf: {  	s20 =	simm.s32 $0x14A00;
	s11 =	rddreg [dreg:$0xe]  }
0xb0: {  	[spmem:s3] =	stream.indirect.scatter.add.f32 [tilespmem:s8], [sflag:$0x4], $0x80, s15, s23, $0xb8;
	[tilespmem:$0x1BA00] =	vst v63  }
.LBB2_5:
0xb1: {  	[tilespmem:s21], [sflag:$0x5] =	stream.linear.gather [hbm4b:s10+s9], $0x80, $0x38;
	[tilespmem:$0x1BA00] =	vst v63  }
0xb2: {  	_ =	swait.ge [sflag:s19], $0x80  }
0xb3: {  	[sflag:s19] =	ssyncset.done $0x0  }
0xb4: {  	s16 =	rddreg [dreg:$0x7];
	[sflag:s19] =	ssyncadd.s32 $0xFFFFFF80  }
0xb5: {  	[tilespmem:s24], [sflag:$0x1] =	stream.linear.gather [hbm4b:s16+s9], $0x4000, $0x38;
	[tilespmem:$0x1BA00] =	vst v63  }
0xb6: {  	_ =	swait.ge [sflag:s22], $0x4000  }
0xb7: {  	[sflag:s22] =	ssyncset.done $0x0  }
0xb8: {  	[sflag:s22] =	ssyncadd.s32 $0xFFFFC000  }
0xb9: {  	[spmem:s3] =	stream.indirect.scatter.add.f32 [tilespmem:s24], [sflag:$0x3], $0x80, s21, s23, $0xb8;
	[tilespmem:$0x1BA00] =	vst v63  }
0xba: {  	_ = 	snop  }
0xbb: {  	[spmem:s3] =	stream.indirect.scatter.add.f32 [tilespmem:s20], [sflag:$0x3], $0x80, s18, s23, $0xb8;
	[tilespmem:$0x1BA00] =	vst v63  }
0xbc: {  	p1 =	por $0x1, $0x1  }
0xbd: {  	[spmem:s3] =	stream.indirect.scatter.add.f32 [tilespmem:s26], [sflag:$0x3], $0x80, s25, s23, $0xb8;
	[tilespmem:$0x1BA00] =	vst v63  }
0xbe: {  	s9 =	simm.s32 @!p1 $0x4  }
0xbf: {  	[spmem:s3] =	stream.indirect.scatter.add.f32 [tilespmem:s8], [sflag:$0x3], $0x80, s28, s23, $0xb8;
	[tilespmem:$0x1BA00] =	vst v63  }
0xc0: {  	_ =	swait.ge @!p1 [sflag:s9], $0x1000  }
0xc1: {  	[sflag:s9] =	ssyncset.done @!p1 $0x0  }
0xc2: {  	[sflag:s9] =	ssyncadd.s32 @!p1 $0xFFFFF000  }
0xc3: {  	_ =	swait.ge @!p1 [sflag:s9], $0x1000  }
0xc4: {  	[sflag:s9] =	ssyncset.done @!p1 $0x0  }
0xc5: {  	[sflag:s9] =	ssyncadd.s32 @!p1 $0xFFFFF000  }
0xc6: {  	_ =	swait.ge @!p1 [sflag:s9], $0x1000  }
0xc7: {  	[sflag:s9] =	ssyncset.done @!p1 $0x0  }
0xc8: {  	[sflag:s9] =	ssyncadd.s32 @!p1 $0xFFFFF000  }
0xc9: {  	s14 =	sadd.s32 $0x0, s10;
	_ =	swait.ge @!p1 [sflag:s9], $0x1000  }
0xca: {  	s16 =	sadd.s32 $0x10, s14;
	[sflag:s9] =	ssyncset.done @!p1 $0x0;
	s20 =	rddreg [dreg:$0xc]  }
0xcb: {  	s15 =	rddreg [dreg:$0xb];
	s17 =	sadd.s32 $0xFFFFFFFF, s20;
	[sflag:s9] =	ssyncadd.s32 @!p1 $0xFFFFF000  }
0xcc: {  	[tilespmem:s31], [sflag:$0x5] =	stream.linear.gather [hbm4b:s16+s4], $0x80, $0x38;
	[tilespmem:$0x1BA00] =	vst v63  }
0xcd: {  	s9 =	sadd.s32 $0xFFFFF800, s15;
	p1 =	slt.u32 s17, $0x9C4;
	_ =	swait.ge [sflag:s19], $0x80  }
0xce: {  	s9 =	simm.s32 @!p1 $0x0;
	[sflag:s19] =	ssyncset.done $0x0  }
0xcf: {  	s9 =	sadd.s32 s6, s9;
	[sflag:s19] =	ssyncadd.s32 $0xFFFFFF80  }
0xd0: {  	[tilespmem:s0], [sflag:$0x2] =	stream.linear.gather [hbm4b:s9+s4], $0x4000, $0x38;
	[tilespmem:$0x1BA00] =	vst v63  }
0xd1: {  	_ =	swait.ge [sflag:s2], $0x1000  }
0xd2: {  	[sflag:s2] =	ssyncset.done $0x0  }
0xd3: {  	[sflag:s2] =	ssyncadd.s32 $0xFFFFF000  }
0xd4: {  	_ =	swait.ge [sflag:s2], $0x1000  }
0xd5: {  	[sflag:s2] =	ssyncset.done $0x0  }
0xd6: {  	[sflag:s2] =	ssyncadd.s32 $0xFFFFF000  }
0xd7: {  	_ =	swait.ge [sflag:s2], $0x1000  }
0xd8: {  	[sflag:s2] =	ssyncset.done $0x0  }
0xd9: {  	s29 =	simm.s32 $0x15A00;
	s30 =	simm.s32 $0x13960;
	[sflag:s2] =	ssyncadd.s32 $0xFFFFF000  }
0xda: {  	s11 =	simm.s32 $0x139A0;
	p1 =	por $0x0, $0x0;
	_ =	swait.ge [sflag:s2], $0x1000  }
0xdb: {  	s16 =	simm.s32 @!p1 $0x0;
	s9 =	sadd.s32 @!p1 $0x0, s10;
	[sflag:s2] =	ssyncset.done $0x0  }
0xdc: {  	s17 =	simm.s32 @!p1 $0x13900;
	s9 =	sadd.s32 @!p1 $0x20, s9;
	[sflag:s2] =	ssyncadd.s32 $0xFFFFF000  }
0xdd: {  	[tilespmem:s17], [sflag:$0x5] =	stream.linear.gather @!p1 [hbm4b:s9+s16], $0x80, $0x38;
	[tilespmem:$0x1BA00] =	vst v63  }
0xde: {  	s7 =	simm.s32 $0x139C0;
	p2 =	slt.u32 @!p1 s20, $0x9C4;
	s9 =	simm.s32 @!p1 $0x5  }
0xdf: {  	p2 =	por !p2, p1;
	s17 =	smov.u32 s15;
	_ =	swait.ge @!p1 [sflag:s9], $0x80  }
0xe0: {  	s12 =	simm.s32 $0x19A00;
	s17 =	simm.s32 @p2 $0x0;
	[sflag:s9] =	ssyncset.done @!p1 $0x0  }
0xe1: {  	[sflag:s9] =	ssyncadd.s32 @!p1 $0xFFFFFF80;
	s9 =	sadd.s32 @!p1 s6, s17;
	s17 =	simm.s32 @!p1 $0x13A00  }
0xe2: {  	[tilespmem:s17], [sflag:$0x1] =	stream.linear.gather @!p1 [hbm4b:s9+s16], $0x4000, $0x38;
	[tilespmem:$0x1BA00] =	vst v63  }
0xe3: {  	s14 =	simm.s32 $0x18A00;
	s26 =	simm.s32 $0x14A00;
	_ =	swait.ge [sflag:s1], $0x4000  }
0xe4: {  	s25 =	simm.s32 $0x13920;
	s28 =	simm.s32 $0x13940;
	[sflag:s1] =	ssyncset.done $0x0  }
0xe5: {  	s8 =	simm.s32 $0x1AA00;
	s17 =	simm.s32 $0x20;
	[sflag:s1] =	ssyncadd.s32 $0xFFFFC000  }
0xe6: {  	[spmem:s3] =	stream.indirect.scatter.add.f32 [tilespmem:s0], [sflag:$0x4], $0x80, s31, s23, $0xb8;
	[tilespmem:$0x1BA00] =	vst v63  }
0xe7: {  	s16 =	sadd.s32 $0x1000, s15;
	s9 =	sadd.s32 $0x2, s20;
	s15 =	simm.s32 $0x139E0  }
0xe8: {  	[spmem:s3] =	stream.indirect.scatter.add.f32 [tilespmem:s14], [sflag:$0x4], $0x80, s11, s23, $0xb8;
	[tilespmem:$0x1BA00] =	vst v63  }
.LBB2_6:
0xe9: {  	[spmem:s3] =	stream.indirect.scatter.add.f32 [tilespmem:s12], [sflag:$0x4], $0x80, s7, s23, $0xb8;
	[tilespmem:$0x1BA00] =	vst v63  }
0xea: {  	s18 =	smov.u32 s17;
	s17 =	sadd.s32 $0x20, s17  }
0xeb: {  	[spmem:s3] =	stream.indirect.scatter.add.f32 [tilespmem:s8], [sflag:$0x4], $0x80, s15, s23, $0xb8;
	[tilespmem:$0x1BA00] =	vst v63  }
0xec: {  	p1 =	sne.s32 s17, $0xA00;
	_ =	swait.ge [sflag:s22], $0x4000  }
0xed: {  	[sflag:s22] =	ssyncset.done $0x0  }
0xee: {  	[sflag:s22] =	ssyncadd.s32 $0xFFFFC000  }
0xef: {  	[spmem:s3] =	stream.indirect.scatter.add.f32 [tilespmem:s24], [sflag:$0x3], $0x80, s21, s23, $0xb8;
	[tilespmem:$0x1BA00] =	vst v63  }
0xf0: {  	_ = 	snop  }
0xf1: {  	[spmem:s3] =	stream.indirect.scatter.add.f32 [tilespmem:s26], [sflag:$0x3], $0x80, s25, s23, $0xb8;
	[tilespmem:$0x1BA00] =	vst v63  }
0xf2: {  	_ = 	snop  }
0xf3: {  	[spmem:s3] =	stream.indirect.scatter.add.f32 [tilespmem:s29], [sflag:$0x3], $0x80, s28, s23, $0xb8;
	[tilespmem:$0x1BA00] =	vst v63  }
0xf4: {  	s20 =	simm.s32 $0x16A00;
	p2 =	seq.s32 s18, $0x0  }
0xf5: {  	[spmem:s3] =	stream.indirect.scatter.add.f32 [tilespmem:s20], [sflag:$0x3], $0x80, s30, s23, $0xb8;
	[tilespmem:$0x1BA00] =	vst v63  }
0xf6: {  	s20 =	simm.s32 @!p2 $0x4  }
0xf7: {  	_ =	swait.ge @!p2 [sflag:s20], $0x1000  }
0xf8: {  	[sflag:s20] =	ssyncset.done @!p2 $0x0  }
0xf9: {  	[sflag:s20] =	ssyncadd.s32 @!p2 $0xFFFFF000  }
0xfa: {  	_ =	swait.ge @!p2 [sflag:s20], $0x1000  }
0xfb: {  	[sflag:s20] =	ssyncset.done @!p2 $0x0  }
0xfc: {  	[sflag:s20] =	ssyncadd.s32 @!p2 $0xFFFFF000  }
0xfd: {  	_ =	swait.ge @!p2 [sflag:s20], $0x1000  }
0xfe: {  	[sflag:s20] =	ssyncset.done @!p2 $0x0  }
0xff: {  	s21 =	sadd.s32 s18, s10;
	[sflag:s20] =	ssyncadd.s32 @!p2 $0xFFFFF000  }
0x100: {  	s21 =	sadd.s32 $0x10, s21;
	_ =	swait.ge @!p2 [sflag:s20], $0x1000  }
0x101: {  	s24 =	sadd.s32 $0xFFFFFFFF, s9;
	[sflag:s20] =	ssyncset.done @!p2 $0x0  }
0x102: {  	[sflag:s20] =	ssyncadd.s32 @!p2 $0xFFFFF000;
	p2 =	slt.u32 s24, $0x9C4;
	s20 =	sadd.s32 $0xFFFFF800, s16  }
0x103: {  	[tilespmem:s31], [sflag:$0x5] =	stream.linear.gather [hbm4b:s21+s4], $0x80, $0x38;
	[tilespmem:$0x1BA00] =	vst v63  }
0x104: {  	s20 =	simm.s32 @!p2 $0x0;
	_ =	swait.ge [sflag:s19], $0x80  }
0x105: {  	s20 =	sadd.s32 s6, s20;
	[sflag:s19] =	ssyncset.done $0x0  }
0x106: {  	[sflag:s19] =	ssyncadd.s32 $0xFFFFFF80  }
0x107: {  	[tilespmem:s0], [sflag:$0x2] =	stream.linear.gather [hbm4b:s20+s4], $0x4000, $0x38;
	[tilespmem:$0x1BA00] =	vst v63  }
0x108: {  	_ =	swait.ge [sflag:s2], $0x1000  }
0x109: {  	[sflag:s2] =	ssyncset.done $0x0  }
0x10a: {  	[sflag:s2] =	ssyncadd.s32 $0xFFFFF000  }
0x10b: {  	_ =	swait.ge [sflag:s2], $0x1000  }
0x10c: {  	[sflag:s2] =	ssyncset.done $0x0  }
0x10d: {  	[sflag:s2] =	ssyncadd.s32 $0xFFFFF000  }
0x10e: {  	_ =	swait.ge [sflag:s2], $0x1000  }
0x10f: {  	[sflag:s2] =	ssyncset.done $0x0  }
0x110: {  	p2 =	seq.s32 s18, $0x9E0;
	[sflag:s2] =	ssyncadd.s32 $0xFFFFF000  }
0x111: {  	s18 =	sadd.s32 @!p2 s18, s10;
	s20 =	simm.s32 @!p2 $0x5;
	_ =	swait.ge [sflag:s2], $0x1000  }
0x112: {  	s21 =	simm.s32 @!p2 $0x0;
	s18 =	sadd.s32 @!p2 $0x20, s18;
	[sflag:s2] =	ssyncset.done $0x0  }
0x113: {  	p3 =	slt.u32 @!p2 s9, $0x9C4;
	s24 =	simm.s32 @!p2 $0x13900;
	[sflag:s2] =	ssyncadd.s32 $0xFFFFF000  }
0x114: {  	[tilespmem:s24], [sflag:$0x5] =	stream.linear.gather @!p2 [hbm4b:s18+s21], $0x80, $0x38;
	[tilespmem:$0x1BA00] =	vst v63  }
0x115: {  	s24 =	simm.s32 $0x13A00  }
0x116: {  	p3 =	por !p3, p2;
	s18 =	smov.u32 s16;
	_ =	swait.ge @!p2 [sflag:s20], $0x80  }
0x117: {  	s18 =	simm.s32 @p3 $0x0;
	[sflag:s20] =	ssyncset.done @!p2 $0x0  }
0x118: {  	s18 =	sadd.s32 @!p2 s6, s18;
	[sflag:s20] =	ssyncadd.s32 @!p2 $0xFFFFFF80;
	s20 =	simm.s32 @!p2 $0x13A00  }
0x119: {  	[tilespmem:s20], [sflag:$0x1] =	stream.linear.gather @!p2 [hbm4b:s18+s21], $0x4000, $0x38;
	[tilespmem:$0x1BA00] =	vst v63  }
0x11a: {  	s21 =	simm.s32 $0x13900  }
0x11b: {  	_ =	swait.ge [sflag:s1], $0x4000  }
0x11c: {  	[sflag:s1] =	ssyncset.done $0x0  }
.Ltmp5:
0x11d: {  	[sflag:s1] =	ssyncadd.s32 $0xFFFFC000;
	(pc) =	sbr.rel @p1 .LBB2_6-.Ltmp5, $4  }
0x11e: {  	[spmem:s3] =	stream.indirect.scatter.add.f32 [tilespmem:s0], [sflag:$0x4], $0x80, s31, s23, $0xb8;
	[tilespmem:$0x1BA00] =	vst v63  }
0x11f: {  	_ = 	snop  }
0x120: {  	[spmem:s3] =	stream.indirect.scatter.add.f32 [tilespmem:s14], [sflag:$0x4], $0x80, s11, s23, $0xb8;
	[tilespmem:$0x1BA00] =	vst v63  }
0x121: {  	s9 =	sadd.s32 $0x2, s9;
	s16 =	sadd.s32 $0x1000, s16  }
.Ltmp6:
0x122: {  	_ = 	snop;
	(pc) =	sbr.rel .LBB2_7-.Ltmp6, $1  }
0x123: {  	_ =	sdelay $0x3  }
.LBB2_9:
0x124: {  	_ =	sfence.sel $0x180000  }
0x125: {  	[bflag:$0x0] =	sbarrier.arrive $0xFFFF  }
0x126: {  	_ =	strace $0x9000004D  }
0x127: {  	s0 =	stileid.u32;
	[bflag:$0x2] =	sbarrier.arrive $0xFFFF  }
0x128: {  	p0 =	sne.s32 s0, $0x0;
	s0 =	rddreg [dreg:$0x3]  }
0x129: {  	s0 =	sadd.s32 @!p0 $0x100000, s0  }
0x12a: {  	[sflag:s0] =	ssyncadd.tile.s32 @!p0 $0x1;
	_ =	shalt  }
.Lfunc_end2:
_tile_overlayer_lowered:
.L_overlay_start_2:
0x12b: {  	(tag) =	ssettag $0x2  }
0x12c: {  	s0 =	rddreg [dreg:$0x0];
	s2 =	stileid.u32  }
0x12d: {  	s1 =	rddreg [dreg:$0x1];
	p0 =	sne.s32 s2, $0x0  }
0x12e: {  	s3 =	rddreg [dreg:$0x2];
	[bflag:$0x3] =	sbarrier.arrive $0xFFFF;
	s2 =	simm.s32 @!p0 $0x1C05  }
0x12f: {  	[timem:s3], [sflag:s2] =	dma.local @!p0 [hbm:s0], s1  }
0x130: {  	s0 =	simm.s32 @!p0 $0x5  }
0x131: {  	_ =	swait.ge @!p0 [sflag:s0], s1  }
0x132: {  	s1 =	ssub.s32 @!p0 $0x0, s1;
	[sflag:s0] =	ssyncset.done @!p0 $0x0  }
0x133: {  	[sflag:s0] =	ssyncadd.s32 @!p0 s1  }
0x134: {  	[bflag:$0x3] =	sbarrier.arrive $0xFFFF  }
0x135: {  	_ =	shalt  }

// kernel: kernel.20.cloned.1.call-start
scs
__scs_entry_jumppad:
0x0: {  	(pc) =	sbr.rel $0x88, $3  }
0x1: {  	(tag) =	ssettag $0x0;
	lr =	simm.s32 $0x1  }
0x2: {  	[smem:$0x3F8A] =	sst lr;
	_ =	strace $0xD0000000  }
0x3: {  	_ = 	snop  }
0x4: {  	_ = 	snop  }
0x5: {  	_ = 	snop  }
0x6: {  	_ = 	snop  }
0x7: {  	_ = 	snop  }
__scs_overlays_trampoline_lowered:
0x8: {  	[smem:$0x3F99] =	sst s0  }
0x9: {  	[smem:$0x3F9A] =	sst s1  }
0xa: {  	[smem:$0x3F9B] =	sst s2  }
0xb: {  	[smem:$0x3F9C] =	sst s3  }
0xc: {  	[smem:$0x3F9D] =	sst s4  }
0xd: {  	[smem:$0x3F9E] =	sst s5  }
0xe: {  	[smem:$0x3F9F] =	sst s6  }
0xf: {  	[smem:$0x3FA0] =	sst s7  }
0x10: {  	[smem:$0x3FA1] =	sst s8  }
0x11: {  	[smem:$0x3FA2] =	sst s9;
	s0 =	simm.s32 @!p0 $0x0  }
0x12: {  	s1 =	sld [smem:$0x3F88];
	s0 =	simm.s32 @p0 $0x1  }
0x13: {  	[smem:$0x3FA3] =	sst s0;
	s0 =	simm.s32 @!p1 $0x0  }
0x14: {  	s2 =	sld [smem:$0x3F87];
	s0 =	simm.s32 @p1 $0x1  }
0x15: {  	[smem:$0x3FA4] =	sst s0;
	s0 =	simm.s32 @!p2 $0x0  }
0x16: {  	s3 =	sld [smem:$0x3FDB];
	s0 =	simm.s32 @p2 $0x1  }
0x17: {  	s4 =	simm.s32 $0x1BF5;
	[smem:$0x3FA6] =	sst s0  }
0x18: {  	s0 =	sld [smem:$0x3F89];
	_ =	swait.ge [sflag:s4], $0x0  }
0x19: {  	s7 =	sld [smem:$0x3F8A]  }
0x1a: {  	s8 =	sadd.s32 $0xFFFFE003, lr  }
0x1b: {  	s9 =	sadd.s32 $0xFFFFFEF7, lr;
	s5 =	simm.s32 $0xFFFFFFFF;
	p2 =	slt.u32 s8, $0xFFFFF086  }
0x1c: {  	p1 =	slt.u32 s9, $0xF7A;
	s5 =	simm.s32 @!p2 $0x0  }
0x1d: {  	s5 =	simm.s32 @p1 $0x1;
	p0 =	seq.s32 s7, s2  }
0x1e: {  	s7 =	smul.u32 @!p0 $0xF7A, s2;
	p2 =	seq.s32 @!p0 s5, $0x0  }
0x1f: {  	s9 =	smul.u32 $0xF7A, s1;
	s8 =	simm.s32 @!p0 $0x1BF5;
	p2 =	por !p2, p0  }
0x20: {  	[sflag:s8] =	ssyncset.s32 @!p0 $0xFFFFF086;
	s6 =	sadd.s32 @!p0 s3, s7;
	s7 =	simm.s32 @!p0 $0x108  }
0x21: {  	s3 =	sadd.s32 s3, s9;
	s6 =	sadd.s32 @!p0 $0x88, s6;
	s7 =	simm.s32 @p2 $0x1082  }
0x22: {  	[simem:s7], [sflag:s8] =	dma.local @!p0 [hbm:s6], $0xF7A  }
0x23: {  	s9 =	sor.u32 $0xD0000000, s2;
	s6 =	simm.s32 $0x108;
	_ =	swait.ge @!p0 [sflag:s8], $0x0  }
0x24: {  	s3 =	sadd.s32 $0x88, s3;
	s6 =	simm.s32 @!p1 $0x1082;
	[sflag:s4] =	ssyncset.s32 $0xFFFFF086  }
0x25: {  	[simem:s6], [sflag:s4] =	dma.local [hbm:s3], $0xF7A  }
0x26: {  	[smem:$0x3F8A] =	sst s1;
	(tag) =	ssettag s2;
	_ =	strace s9  }
0x27: {  	s1 =	sld [smem:$0x3F9A]  }
0x28: {  	s2 =	sld [smem:$0x3F9B]  }
0x29: {  	s4 =	sld [smem:$0x3F9D]  }
0x2a: {  	p0 =	seq.s32 s5, $0x0;
	s5 =	sld [smem:$0x3F9E]  }
0x2b: {  	s6 =	sld [smem:$0x3F9F]  }
0x2c: {  	s7 =	sld [smem:$0x3FA0]  }
0x2d: {  	s3 =	simm.s32 $0x108;
	s8 =	sld [smem:$0x3FA1]  }
0x2e: {  	s3 =	simm.s32 @!p0 $0x1082;
	s9 =	sld [smem:$0x3FA2]  }
0x2f: {  	lr =	sadd.s32 s0, s3;
	s0 =	sld [smem:$0x3F99]  }
0x30: {  	s3 =	sld [smem:$0x3F9C]  }
0x31: {  	[smem:$0x3FA5] =	sst s10  }
0x32: {  	s10 =	sld [smem:$0x3FA3];
	_ =	sdelay $0x3  }
0x33: {  	p0 =	seq.s32 s10, $0x1;
	s10 =	sld [smem:$0x3FA5];
	_ =	sdelay $0x3  }
0x34: {  	[smem:$0x3FA5] =	sst s10  }
0x35: {  	s10 =	sld [smem:$0x3FA4];
	_ =	sdelay $0x3  }
0x36: {  	p1 =	seq.s32 s10, $0x1;
	s10 =	sld [smem:$0x3FA5];
	_ =	sdelay $0x3  }
0x37: {  	[smem:$0x3FA5] =	sst s10  }
0x38: {  	s10 =	sld [smem:$0x3FA6]  }
0x39: {  	_ = 	snop;
	(pc) =	sbr.ind lr, $3  }
0x3a: {  	_ = 	snop  }
0x3b: {  	_ = 	snop  }
0x3c: {  	p2 =	seq.s32 s10, $0x1;
	s10 =	sld [smem:$0x3FA5]  }
0x3d: {  	_ =	shalt  }
0x3e: {  	_ =	shalt  }
0x3f: {  	_ =	shalt  }
0x40: {  	_ =	shalt  }
0x41: {  	_ =	shalt  }
0x42: {  	_ =	shalt  }
0x43: {  	_ =	shalt  }
0x44: {  	_ =	shalt  }
0x45: {  	_ =	shalt  }
0x46: {  	_ =	shalt  }
0x47: {  	_ =	shalt  }
0x48: {  	_ =	shalt  }
0x49: {  	_ =	shalt  }
0x4a: {  	_ =	shalt  }
0x4b: {  	_ =	shalt  }
0x4c: {  	_ =	shalt  }
0x4d: {  	_ =	shalt  }
0x4e: {  	_ =	shalt  }
0x4f: {  	_ =	shalt  }
0x50: {  	_ =	shalt  }
0x51: {  	_ =	shalt  }
0x52: {  	_ =	shalt  }
0x53: {  	_ =	shalt  }
0x54: {  	_ =	shalt  }
0x55: {  	_ =	shalt  }
0x56: {  	_ =	shalt  }
0x57: {  	_ =	shalt  }
0x58: {  	_ =	shalt  }
0x59: {  	_ =	shalt  }
0x5a: {  	_ =	shalt  }
0x5b: {  	_ =	shalt  }
0x5c: {  	_ =	shalt  }
0x5d: {  	_ =	shalt  }
0x5e: {  	_ =	shalt  }
0x5f: {  	_ =	shalt  }
0x60: {  	_ =	shalt  }
0x61: {  	_ =	shalt  }
0x62: {  	_ =	shalt  }
0x63: {  	_ =	shalt  }
0x64: {  	_ =	shalt  }
0x65: {  	_ =	shalt  }
0x66: {  	_ =	shalt  }
0x67: {  	_ =	shalt  }
0x68: {  	_ =	shalt  }
0x69: {  	_ =	shalt  }
0x6a: {  	_ =	shalt  }
0x6b: {  	_ =	shalt  }
0x6c: {  	_ =	shalt  }
0x6d: {  	_ =	shalt  }
0x6e: {  	_ =	shalt  }
0x6f: {  	_ =	shalt  }
0x70: {  	_ =	shalt  }
0x71: {  	_ =	shalt  }
0x72: {  	_ =	shalt  }
0x73: {  	_ =	shalt  }
0x74: {  	_ =	shalt  }
0x75: {  	_ =	shalt  }
0x76: {  	_ =	shalt  }
0x77: {  	_ =	shalt  }
0x78: {  	_ =	shalt  }
0x79: {  	_ =	shalt  }
0x7a: {  	_ =	shalt  }
0x7b: {  	_ =	shalt  }
0x7c: {  	_ =	shalt  }
0x7d: {  	_ =	shalt  }
0x7e: {  	_ =	shalt  }
0x7f: {  	_ =	shalt  }
0x80: {  	_ =	shalt  }
0x81: {  	_ =	shalt  }
0x82: {  	_ =	shalt  }
0x83: {  	_ =	shalt  }
0x84: {  	_ =	shalt  }
0x85: {  	_ =	shalt  }
0x86: {  	_ =	shalt  }
0x87: {  	_ =	shalt  }
.Lfunc_end0:
.L_simem_size_0:
called_computation.3_lowered:
.L_overlay_start_0:
0x88: {  	s2 =	sld [smem:$0x3FD9]  }
0x89: {  	s3 =	sld [smem:$0x3FFE];
	_ =	sdelay $0x1  }
0x8a: {  	s1 =	srdreg.scid  }
0x8b: {  	s0 =	sand.u32 $0x1, s1  }
0x8c: {  	s17 =	sshll.u32 s0, $0xA;
	s2 =	sadd.s32 s3, s2  }
0x8d: {  	s2 =	sadd.s32 s2, s17  }
0x8e: {  	[smem:$0x3FB1] =	sst s2  }
0x8f: {  	_ = 	snop  }
0x90: {  	s2 =	sld [smem:$0x3FD0];
	(tm) =	ssettm $0x1  }
0x91: {  	s18 =	sld [smem:$0x3FFB];
	_ =	sdelay $0x3  }
0x92: {  	_ =	strace s18  }
0x93: {  	s3 =	sld [smem:$0x3FFC];
	_ =	sdelay $0x3  }
0x94: {  	_ =	strace s3  }
0x95: {  	s3 =	sld [smem:$0x3FFD];
	_ =	sdelay $0x3  }
0x96: {  	_ =	strace s3  }
0x97: {  	_ =	strace $0x8FFFFFFF  }
0x98: {  	s19 =	sld [smem:$0x3FDB];
	_ =	sdelay $0x1  }
0x99: {  	s4 =	simm.s32 $_scs_section_size  }
0x9a: {  	s5 =	simm.s32 $_size__tile_overlayer_lowered;
	s6 =	simm.s32 $_tile_overlayer_lowered  }
0x9b: {  	s22 =	simm.s32 $0x1BFF;
	s21 =	sshll.u32 s6, $0x1;
	s3 =	sadd.s32 s4, s19  }
0x9c: {  	s7 =	simm.s32 $0x0;
	s20 =	sshll.u32 s5, $0x1;
	s5 =	sadd.s32 s21, s3  }
0x9d: {  	[timem:s7], [sflag:s22] =	dma.local [hbm:s5], s20  }
0x9e: {  	_ =	swait.ge [sflag:s22], s20  }
0x9f: {  	s4 =	ssub.s32 $0x0, s20;
	[sflag:s22] =	ssyncset.done $0x0  }
0xa0: {  	[sflag:s22] =	ssyncadd.s32 s4;
	_ =	sdelay $0x1  }
0xa1: {  	s23 =	simm.s32 $0x1B8B  }
0xa2: {  	_ =	swait.ge [sflag:s23], $0x1  }
0xa3: {  	[sflag:s23] =	ssyncset.done $0x0  }
0xa4: {  	s25 =	simm.s32 $0x1B8E;
	s24 =	sld [smem:$0x3FFE];
	[sflag:s23] =	ssyncadd.s32 $0xFFFFFFFF  }
0xa5: {  	s26 =	simm.s32 $execute0_lowered;
	[smem:$0x3FD2] =	sst s25  }
0xa6: {  	s5 =	sshll.u32 s26, $0x1;
	_ =	strace $0x8000004F;
	[dreg:$0x1] =	wrdreg $0xFFFFFFFF  }
0xa7: {  	s28 =	simm.s32 $_size_execute0_lowered;
	s3 =	sadd.s32 s3, s5;
	[dreg:$0x0] =	wrdreg $0x0  }
0xa8: {  	s5 =	sshll.u32 s28, $0x1;
	[dreg:$0x2] =	wrdreg s3  }
0xa9: {  	[dreg:$0x3] =	wrdreg s5  }
0xaa: {  	[dreg:$0x4] =	wrdreg $0xC0  }
0xab: {  	_ =	task [dreg:s7], $0x5FFFF  }
0xac: {  	[dreg:$0x1] =	wrdreg $0xFFFFFFFF  }
0xad: {  	[dreg:$0x0] =	wrdreg $0x60  }
0xae: {  	[dreg:$0x2] =	wrdreg s2  }
0xaf: {  	[dreg:$0x3] =	wrdreg s24  }
0xb0: {  	[dreg:$0x4] =	wrdreg $0x9  }
0xb1: {  	_ =	task.clear_ibuf [dreg:s7], $0x5FFFF;
	_ =	strace $0x9000004F  }
0xb2: {  	s29 =	simm.s32 $0x9;
	_ =	strace $0x80000051  }
0xb3: {  	_ =	swait.ge [sflag:s29], $0x1  }
0xb4: {  	[sflag:s29] =	ssyncadd.s32 $0xFFFFFFFF  }
0xb5: {  	_ =	strace $0x90000051  }
0xb6: {  	_ =	sfence  }
0xb7: {  	s30 =	sld [smem:$0x0];
	_ =	sdelay $0x2  }
0xb8: {  	s31 =	sshll.u32 s1, $0xD;
	s1 =	sshrl.u32 s1, $0x2  }
0xb9: {  	s3 =	sand.u32 $0x4000, s31;
	s1 =	sadd.s32 s1, s30  }
0xba: {  	s0 =	sor.u32 s3, s0;
	s1 =	sshll.u32 s1, $0x11  }
0xbb: {  	s0 =	sor.u32 s1, s0  }
0xbc: {  	s0 =	sadd.s32 $0x8F2B, s0  }
0xbd: {  	[sflag:s0] =	ssyncadd.remote.s32 $0x1  }
0xbe: {  	_ =	sfence.sel $0xFFFF  }
0xbf: {  	[dreg:$0x0] =	wrdreg $0xFFFFFFFF;
	(pc) =	sbr.abs _section_cstart, $3  }
0xc0: {  	[dreg:$0x1] =	wrdreg $0xFFFFFFFF  }
0xc1: {  	_ =	task.clear_ibuf [dreg:s7], $0x2FFFF;
	_ =	strace $0x9FFFFFFF  }
0xc2: {  	(tm) =	ssettm $0x7FFFFFFF  }
0xc3: {  	_ =	shalt  }
tec
execute0_lowered:
.L_overlay_start_1:
0x0: {  	(tag) =	ssettag $0x1  }
0x1: {  	s1 =	rddreg [dreg:$0x0]  }
0x2: {  	s3 =	rddreg [dreg:$0x1];
	s2 =	simm.s32 $0x0  }
0x3: {  	s4 =	srdreg.scid;
	s0 =	stileid.u32;
	s16 =	simm.s32 $0x3  }
0x4: {  	s17 =	simm.s32 $0x80;
	s18 =	simm.s32 $0x200;
	s19 =	simm.s32 $0x4200  }
0x5: {  	s20 =	simm.s32 $0x100;
	s21 =	simm.s32 $0x4;
	s22 =	simm.s32 $0x8200  }
0x6: {  	s23 =	simm.s32 $0x180;
	s24 =	simm.s32 $0xC200;
	s26 =	simm.s32 $0x2  }
0x7: {  	s28 =	simm.s32 $0x0;
	[smem:$0x7FF] =	sst s2;
	s9 =	sadd.s32 $0x5E00, s3  }
0x8: {  	s6 =	sand.u32 $0x1, s4;
	s11 =	sadd.s32 $0xFE00, s3;
	s4 =	sadd.s32 $0x2DE00, s3  }
0x9: {  	s5 =	sadd.s32 $0x50FE00, s3;
	s10 =	sshll.u32 s0, $0x5;
	s25 =	sor.u32 $0x4E0, s0  }
0xa: {  	s15 =	sshll.u32 s0, $0xC;
	_ =	strace $0x80000050;
	s7 =	ssub.s32 $0x2, s6  }
0xb: {  	p0 =	seq.s32 s6, $0x1;
	s6 =	sadd.s32 s9, s10;
	s12 =	sor.u32 $0x9E00, s10  }
.Ltmp0:
0xc: {  	s13 =	sadd.s32 s15, s4;
	s15 =	sadd.s32 s15, s5;
	(pc) =	sbr.rel .LBB2_1-.Ltmp0, $4  }
0xd: {  	p1 =	slt.u32 s25, $0x4E2;
	p2 =	sgt.u32 s25, $0x4E1;
	s8 =	sshrl.u32 s7, $0x1  }
0xe: {  	s9 =	sadd.s32 s9, s12;
	s8 =	ssub.s32 s7, s8;
	s7 =	sadd.s32 s11, s10  }
0xf: {  	s10 =	sshll.u32 s25, $0xC;
	s11 =	sadd.s32 s11, s12;
	s12 =	sadd.s32 $0x400, s6  }
0x10: {  	s25 =	simm.s32 $0x1;
	s8 =	smax.u32 s8, $0x1;
	s14 =	sadd.s32 $0x400, s7  }
.LBB2_8:
0x11: {  	s0 =	sadd.s32 s29, s10  }
0x12: {  	[hbm4b:s0+s2] =	stream.linear.scatter [tilespmem:s18], [sflag:$0x4], $0x8000, $0x38;
	[tilespmem:$0x10200] =	vst v63  }
0x13: {  	_ =	swait.ge [sflag:s21], $0x8000  }
0x14: {  	[sflag:s21] =	ssyncset.done $0x0  }
0x15: {  	[sflag:s21] =	ssyncadd.s32 $0xFFFF8000  }
.LBB2_9:
0x16: {  	s28 =	sadd.s32 $0x1, s28  }
0x17: {  	_ =	swait.ge [sflag:s26], $0x4000;
	p3 =	sne.s32 s28, s8  }
.Ltmp1:
0x18: {  	[sflag:s26] =	ssyncset.done $0x0;
	(pc) =	sbr.rel @!p3 .LBB2_10-.Ltmp1, $4  }
0x19: {  	[sflag:s26] =	ssyncadd.s32 $0xFFFFC000  }
0x1a: {  	_ =	swait.ge [sflag:s26], $0x4000  }
0x1b: {  	[sflag:s26] =	ssyncset.done $0x0  }
0x1c: {  	[sflag:s26] =	ssyncadd.s32 $0xFFFFC000  }
.LBB2_1:
.Ltmp2:
0x1d: {  	(pc) =	sbr.rel @!p0 .LBB2_2-.Ltmp2, $1  }
0x1e: {  	_ =	sdelay $0x3  }
0x1f: {  	s0 =	simm.s32 $0x0  }
0x20: {  	[tilespmem:s0], [sflag:$0x3] =	stream.linear.gather [hbm4b:s7+s0], $0x100, $0x38;
	[tilespmem:$0x10200] =	vst v63  }
0x21: {  	_ =	swait.ge [sflag:s16], $0x100  }
0x22: {  	[sflag:s16] =	ssyncset.done $0x0  }
0x23: {  	[sflag:s16] =	ssyncadd.s32 $0xFFFFFF00  }
0x24: {  	[tilespmem:s18], [sflag:$0x1] =	stream.indirect.gather [hbm4b:s1+s17], $0x80, s0, s17, $0xb8;
	[tilespmem:$0x10200] =	vst v63  }
0x25: {  	_ = 	snop  }
0x26: {  	[tilespmem:s19], [sflag:$0x1] =	stream.indirect.gather [hbm4b:s1+s17], $0x80, s17, s17, $0xb8;
	[tilespmem:$0x10200] =	vst v63  }
0x27: {  	s3 =	sadd.s32 $0xFFFFFE00, s14  }
0x28: {  	[tilespmem:s20], [sflag:$0x4] =	stream.linear.gather [hbm4b:s3+s2], $0x100, $0x38;
	[tilespmem:$0x10200] =	vst v63  }
0x29: {  	_ =	swait.ge [sflag:s21], $0x100  }
0x2a: {  	[sflag:s21] =	ssyncset.done $0x0  }
0x2b: {  	[sflag:s21] =	ssyncadd.s32 $0xFFFFFF00  }
0x2c: {  	[tilespmem:s22], [sflag:$0x2] =	stream.indirect.gather [hbm4b:s1+s17], $0x80, s20, s17, $0xb8;
	[tilespmem:$0x10200] =	vst v63  }
0x2d: {  	_ = 	snop  }
0x2e: {  	[tilespmem:s24], [sflag:$0x2] =	stream.indirect.gather [hbm4b:s1+s17], $0x80, s23, s17, $0xb8;
	[tilespmem:$0x10200] =	vst v63  }
0x2f: {  	_ =	swait.ge [sflag:s25], $0x4000  }
0x30: {  	[sflag:s25] =	ssyncset.done $0x0  }
0x31: {  	[sflag:s25] =	ssyncadd.s32 $0xFFFFC000  }
0x32: {  	_ =	swait.ge [sflag:s25], $0x4000  }
0x33: {  	[sflag:s25] =	ssyncset.done $0x0  }
0x34: {  	s3 =	sadd.s32 $0x0, s15;
	[sflag:s25] =	ssyncadd.s32 $0xFFFFC000  }
0x35: {  	[hbm4b:s3+s2] =	stream.linear.scatter [tilespmem:s18], [sflag:$0x4], $0x8000, $0x38;
	[tilespmem:$0x10200] =	vst v63  }
0x36: {  	_ =	swait.ge [sflag:s21], $0x8000  }
0x37: {  	[sflag:s21] =	ssyncset.done $0x0  }
0x38: {  	[sflag:s21] =	ssyncadd.s32 $0xFFFF8000  }
0x39: {  	[tilespmem:s2], [sflag:$0x4] =	stream.linear.gather [hbm4b:s14+s2], $0x100, $0x38;
	[tilespmem:$0x10200] =	vst v63  }
0x3a: {  	_ =	swait.ge [sflag:s21], $0x100  }
0x3b: {  	[sflag:s21] =	ssyncset.done $0x0  }
0x3c: {  	[sflag:s21] =	ssyncadd.s32 $0xFFFFFF00  }
0x3d: {  	[tilespmem:s18], [sflag:$0x1] =	stream.indirect.gather [hbm4b:s1+s17], $0x80, s2, s17, $0xb8;
	[tilespmem:$0x10200] =	vst v63  }
0x3e: {  	_ = 	snop  }
0x3f: {  	[tilespmem:s19], [sflag:$0x1] =	stream.indirect.gather [hbm4b:s1+s17], $0x80, s17, s17, $0xb8;
	[tilespmem:$0x10200] =	vst v63  }
0x40: {  	_ =	swait.ge [sflag:s26], $0x4000  }
0x41: {  	[sflag:s26] =	ssyncset.done $0x0  }
0x42: {  	[sflag:s26] =	ssyncadd.s32 $0xFFFFC000  }
0x43: {  	_ =	swait.ge [sflag:s26], $0x4000  }
0x44: {  	[sflag:s26] =	ssyncset.done $0x0  }
0x45: {  	s0 =	sadd.s32 $0x10000, s3;
	[sflag:s26] =	ssyncadd.s32 $0xFFFFC000  }
0x46: {  	[hbm4b:s0+s2] =	stream.linear.scatter [tilespmem:s22], [sflag:$0x3], $0x8000, $0x38;
	[tilespmem:$0x10200] =	vst v63  }
0x47: {  	s30 =	simm.s32 $0x20000;
	_ =	swait.ge [sflag:s16], $0x8000  }
0x48: {  	s31 =	simm.s32 $0x40000;
	s29 =	sadd.s32 $0x400, s14;
	[sflag:s16] =	ssyncset.done $0x0  }
.LBB2_6:
0x49: {  	p3 =	sne.s32 s31, $0x4C0000;
	s0 =	sadd.s32 $0xFFFFFE00, s29;
	[sflag:s16] =	ssyncadd.s32 $0xFFFF8000  }
0x4a: {  	[tilespmem:s20], [sflag:$0x4] =	stream.linear.gather [hbm4b:s0+s2], $0x100, $0x38;
	[tilespmem:$0x10200] =	vst v63  }
0x4b: {  	s0 =	smov.u32 s31;
	s31 =	sadd.s32 $0x20000, s31;
	_ =	swait.ge [sflag:s21], $0x100  }
0x4c: {  	[sflag:s21] =	ssyncset.done $0x0  }
0x4d: {  	[sflag:s21] =	ssyncadd.s32 $0xFFFFFF00  }
0x4e: {  	[tilespmem:s22], [sflag:$0x2] =	stream.indirect.gather [hbm4b:s1+s17], $0x80, s20, s17, $0xb8;
	[tilespmem:$0x10200] =	vst v63  }
0x4f: {  	_ = 	snop  }
0x50: {  	[tilespmem:s24], [sflag:$0x2] =	stream.indirect.gather [hbm4b:s1+s17], $0x80, s23, s17, $0xb8;
	[tilespmem:$0x10200] =	vst v63  }
0x51: {  	_ =	swait.ge [sflag:s25], $0x4000  }
0x52: {  	[sflag:s25] =	ssyncset.done $0x0  }
0x53: {  	[sflag:s25] =	ssyncadd.s32 $0xFFFFC000  }
0x54: {  	_ =	swait.ge [sflag:s25], $0x4000  }
0x55: {  	[sflag:s25] =	ssyncset.done $0x0  }
0x56: {  	s3 =	sadd.s32 s30, s15;
	s30 =	smov.u32 s0;
	[sflag:s25] =	ssyncadd.s32 $0xFFFFC000  }
0x57: {  	[hbm4b:s3+s2] =	stream.linear.scatter [tilespmem:s18], [sflag:$0x4], $0x8000, $0x38;
	[tilespmem:$0x10200] =	vst v63  }
0x58: {  	_ =	swait.ge [sflag:s21], $0x8000  }
0x59: {  	[sflag:s21] =	ssyncset.done $0x0  }
0x5a: {  	[sflag:s21] =	ssyncadd.s32 $0xFFFF8000  }
0x5b: {  	[tilespmem:s2], [sflag:$0x4] =	stream.linear.gather [hbm4b:s29+s2], $0x100, $0x38;
	[tilespmem:$0x10200] =	vst v63  }
0x5c: {  	_ =	swait.ge [sflag:s21], $0x100  }
0x5d: {  	[sflag:s21] =	ssyncset.done $0x0  }
0x5e: {  	[sflag:s21] =	ssyncadd.s32 $0xFFFFFF00  }
0x5f: {  	[tilespmem:s18], [sflag:$0x1] =	stream.indirect.gather [hbm4b:s1+s17], $0x80, s2, s17, $0xb8;
	[tilespmem:$0x10200] =	vst v63  }
0x60: {  	_ = 	snop  }
0x61: {  	[tilespmem:s19], [sflag:$0x1] =	stream.indirect.gather [hbm4b:s1+s17], $0x80, s17, s17, $0xb8;
	[tilespmem:$0x10200] =	vst v63  }
0x62: {  	_ =	swait.ge [sflag:s26], $0x4000  }
0x63: {  	[sflag:s26] =	ssyncset.done $0x0  }
0x64: {  	[sflag:s26] =	ssyncadd.s32 $0xFFFFC000  }
0x65: {  	_ =	swait.ge [sflag:s26], $0x4000  }
.Ltmp3:
0x66: {  	[sflag:s26] =	ssyncset.done $0x0;
	(pc) =	sbr.rel @p3 .LBB2_6-.Ltmp3, $4  }
0x67: {  	s0 =	sadd.s32 $0x10000, s3;
	[sflag:s26] =	ssyncadd.s32 $0xFFFFC000  }
0x68: {  	[hbm4b:s0+s2] =	stream.linear.scatter [tilespmem:s22], [sflag:$0x3], $0x8000, $0x38;
	[tilespmem:$0x10200] =	vst v63  }
0x69: {  	_ =	swait.ge [sflag:s16], $0x8000  }
0x6a: {  	s29 =	sadd.s32 $0x400, s29;
	[sflag:s16] =	ssyncset.done $0x0  }
0x6b: {  	s0 =	sadd.s32 $0xFFFFFE00, s29;
	[sflag:s16] =	ssyncadd.s32 $0xFFFF8000  }
0x6c: {  	[tilespmem:s20], [sflag:$0x4] =	stream.linear.gather [hbm4b:s0+s2], $0x100, $0x38;
	[tilespmem:$0x10200] =	vst v63  }
0x6d: {  	_ =	swait.ge [sflag:s21], $0x100  }
0x6e: {  	[sflag:s21] =	ssyncset.done $0x0  }
0x6f: {  	[sflag:s21] =	ssyncadd.s32 $0xFFFFFF00  }
0x70: {  	[tilespmem:s22], [sflag:$0x2] =	stream.indirect.gather [hbm4b:s1+s17], $0x80, s20, s17, $0xb8;
	[tilespmem:$0x10200] =	vst v63  }
0x71: {  	_ = 	snop  }
0x72: {  	[tilespmem:s24], [sflag:$0x2] =	stream.indirect.gather [hbm4b:s1+s17], $0x80, s23, s17, $0xb8;
	[tilespmem:$0x10200] =	vst v63  }
0x73: {  	_ =	swait.ge [sflag:s25], $0x4000  }
0x74: {  	[sflag:s25] =	ssyncset.done $0x0  }
0x75: {  	[sflag:s25] =	ssyncadd.s32 $0xFFFFC000  }
0x76: {  	_ =	swait.ge [sflag:s25], $0x4000  }
0x77: {  	[sflag:s25] =	ssyncset.done $0x0  }
0x78: {  	s31 =	sadd.s32 s30, s15;
	[sflag:s25] =	ssyncadd.s32 $0xFFFFC000  }
0x79: {  	[hbm4b:s31+s2] =	stream.linear.scatter [tilespmem:s18], [sflag:$0x4], $0x8000, $0x38;
	[tilespmem:$0x10200] =	vst v63  }
0x7a: {  	_ =	swait.ge [sflag:s21], $0x8000  }
0x7b: {  	[sflag:s21] =	ssyncset.done $0x0  }
0x7c: {  	[sflag:s21] =	ssyncadd.s32 $0xFFFF8000  }
0x7d: {  	[tilespmem:s2], [sflag:$0x4] =	stream.linear.gather [hbm4b:s29+s2], $0x100, $0x38;
	[tilespmem:$0x10200] =	vst v63  }
0x7e: {  	_ =	swait.ge [sflag:s21], $0x100  }
0x7f: {  	[sflag:s21] =	ssyncset.done $0x0  }
0x80: {  	[sflag:s21] =	ssyncadd.s32 $0xFFFFFF00  }
0x81: {  	[tilespmem:s18], [sflag:$0x1] =	stream.indirect.gather [hbm4b:s1+s17], $0x80, s2, s17, $0xb8;
	[tilespmem:$0x10200] =	vst v63  }
0x82: {  	_ = 	snop  }
0x83: {  	[tilespmem:s19], [sflag:$0x1] =	stream.indirect.gather [hbm4b:s1+s17], $0x80, s17, s17, $0xb8;
	[tilespmem:$0x10200] =	vst v63  }
0x84: {  	_ =	swait.ge [sflag:s26], $0x4000  }
0x85: {  	[sflag:s26] =	ssyncset.done $0x0  }
0x86: {  	[sflag:s26] =	ssyncadd.s32 $0xFFFFC000  }
0x87: {  	_ =	swait.ge [sflag:s26], $0x4000  }
0x88: {  	[sflag:s26] =	ssyncset.done $0x0  }
0x89: {  	s0 =	sadd.s32 $0x10000, s31;
	[sflag:s26] =	ssyncadd.s32 $0xFFFFC000  }
0x8a: {  	[hbm4b:s0+s2] =	stream.linear.scatter [tilespmem:s22], [sflag:$0x3], $0x8000, $0x38;
	[tilespmem:$0x10200] =	vst v63  }
0x8b: {  	_ =	swait.ge [sflag:s16], $0x8000  }
0x8c: {  	[sflag:s16] =	ssyncset.done $0x0  }
0x8d: {  	[sflag:s16] =	ssyncadd.s32 $0xFFFF8000  }
0x8e: {  	[tilespmem:s20], [sflag:$0x4] =	stream.linear.gather [hbm4b:s11+s2], $0x100, $0x38;
	[tilespmem:$0x10200] =	vst v63  }
0x8f: {  	_ =	swait.ge [sflag:s21], $0x100  }
0x90: {  	[sflag:s21] =	ssyncset.done $0x0  }
0x91: {  	[sflag:s21] =	ssyncadd.s32 $0xFFFFFF00  }
0x92: {  	[tilespmem:s22], [sflag:$0x2] =	stream.indirect.gather [hbm4b:s1+s17], $0x80, s20, s17, $0xb8;
	[tilespmem:$0x10200] =	vst v63  }
0x93: {  	_ = 	snop  }
0x94: {  	[tilespmem:s24], [sflag:$0x2] =	stream.indirect.gather [hbm4b:s1+s17], $0x80, s23, s17, $0xb8;
	[tilespmem:$0x10200] =	vst v63  }
0x95: {  	_ =	swait.ge [sflag:s25], $0x4000  }
.Ltmp4:
0x96: {  	[sflag:s25] =	ssyncset.done $0x0;
	(pc) =	sbr.rel @!p1 .LBB2_9-.Ltmp4, $4  }
.Ltmp5:
0x97: {  	[sflag:s25] =	ssyncadd.s32 $0xFFFFC000;
	(pc) =	sbr.rel @p1 .LBB2_8-.Ltmp5, $4  }
0x98: {  	_ =	swait.ge [sflag:s25], $0x4000  }
0x99: {  	[sflag:s25] =	ssyncset.done $0x0  }
0x9a: {  	s29 =	smov.u32 s5;
	[sflag:s25] =	ssyncadd.s32 $0xFFFFC000  }
0x9b: {  	_ = 	snop  }
.LBB2_2:
0x9c: {  	s29 =	simm.s32 $0x0  }
0x9d: {  	[tilespmem:s29], [sflag:$0x3] =	stream.linear.gather [hbm4b:s6+s29], $0x100, $0x38;
	[tilespmem:$0x10200] =	vst v63  }
0x9e: {  	_ =	swait.ge [sflag:s16], $0x100  }
0x9f: {  	[sflag:s16] =	ssyncset.done $0x0  }
0xa0: {  	[sflag:s16] =	ssyncadd.s32 $0xFFFFFF00  }
0xa1: {  	[tilespmem:s18], [sflag:$0x1] =	stream.indirect.gather [hbm4b:s1+s17], $0x80, s29, s17, $0xb8;
	[tilespmem:$0x10200] =	vst v63  }
0xa2: {  	_ = 	snop  }
0xa3: {  	[tilespmem:s19], [sflag:$0x1] =	stream.indirect.gather [hbm4b:s1+s17], $0x80, s17, s17, $0xb8;
	[tilespmem:$0x10200] =	vst v63  }
0xa4: {  	s29 =	sadd.s32 $0xFFFFFE00, s12  }
0xa5: {  	[tilespmem:s20], [sflag:$0x4] =	stream.linear.gather [hbm4b:s29+s2], $0x100, $0x38;
	[tilespmem:$0x10200] =	vst v63  }
0xa6: {  	_ =	swait.ge [sflag:s21], $0x100  }
0xa7: {  	[sflag:s21] =	ssyncset.done $0x0  }
0xa8: {  	[sflag:s21] =	ssyncadd.s32 $0xFFFFFF00  }
0xa9: {  	[tilespmem:s22], [sflag:$0x2] =	stream.indirect.gather [hbm4b:s1+s17], $0x80, s20, s17, $0xb8;
	[tilespmem:$0x10200] =	vst v63  }
0xaa: {  	_ = 	snop  }
0xab: {  	[tilespmem:s24], [sflag:$0x2] =	stream.indirect.gather [hbm4b:s1+s17], $0x80, s23, s17, $0xb8;
	[tilespmem:$0x10200] =	vst v63  }
0xac: {  	_ =	swait.ge [sflag:s25], $0x4000  }
0xad: {  	[sflag:s25] =	ssyncset.done $0x0  }
0xae: {  	[sflag:s25] =	ssyncadd.s32 $0xFFFFC000  }
0xaf: {  	_ =	swait.ge [sflag:s25], $0x4000  }
0xb0: {  	[sflag:s25] =	ssyncset.done $0x0  }
0xb1: {  	s29 =	sadd.s32 $0x0, s13;
	[sflag:s25] =	ssyncadd.s32 $0xFFFFC000  }
0xb2: {  	[hbm4b:s29+s2] =	stream.linear.scatter [tilespmem:s18], [sflag:$0x4], $0x8000, $0x38;
	[tilespmem:$0x10200] =	vst v63  }
0xb3: {  	_ =	swait.ge [sflag:s21], $0x8000  }
0xb4: {  	[sflag:s21] =	ssyncset.done $0x0  }
0xb5: {  	[sflag:s21] =	ssyncadd.s32 $0xFFFF8000  }
0xb6: {  	[tilespmem:s2], [sflag:$0x4] =	stream.linear.gather [hbm4b:s12+s2], $0x100, $0x38;
	[tilespmem:$0x10200] =	vst v63  }
0xb7: {  	_ =	swait.ge [sflag:s21], $0x100  }
0xb8: {  	[sflag:s21] =	ssyncset.done $0x0  }
0xb9: {  	[sflag:s21] =	ssyncadd.s32 $0xFFFFFF00  }
0xba: {  	[tilespmem:s18], [sflag:$0x1] =	stream.indirect.gather [hbm4b:s1+s17], $0x80, s2, s17, $0xb8;
	[tilespmem:$0x10200] =	vst v63  }
0xbb: {  	_ = 	snop  }
0xbc: {  	[tilespmem:s19], [sflag:$0x1] =	stream.indirect.gather [hbm4b:s1+s17], $0x80, s17, s17, $0xb8;
	[tilespmem:$0x10200] =	vst v63  }
0xbd: {  	_ =	swait.ge [sflag:s26], $0x4000  }
0xbe: {  	[sflag:s26] =	ssyncset.done $0x0  }
0xbf: {  	[sflag:s26] =	ssyncadd.s32 $0xFFFFC000  }
0xc0: {  	_ =	swait.ge [sflag:s26], $0x4000  }
0xc1: {  	[sflag:s26] =	ssyncset.done $0x0  }
0xc2: {  	s29 =	sadd.s32 $0x10000, s29;
	[sflag:s26] =	ssyncadd.s32 $0xFFFFC000  }
0xc3: {  	[hbm4b:s29+s2] =	stream.linear.scatter [tilespmem:s22], [sflag:$0x3], $0x8000, $0x38;
	[tilespmem:$0x10200] =	vst v63  }
0xc4: {  	s30 =	simm.s32 $0x20000;
	_ =	swait.ge [sflag:s16], $0x8000  }
0xc5: {  	s31 =	simm.s32 $0x40000;
	s29 =	sadd.s32 $0x400, s12;
	[sflag:s16] =	ssyncset.done $0x0  }
.LBB2_3:
0xc6: {  	p3 =	seq.s32 s31, $0x4C0000;
	s0 =	sadd.s32 $0xFFFFFE00, s29;
	[sflag:s16] =	ssyncadd.s32 $0xFFFF8000  }
0xc7: {  	[tilespmem:s20], [sflag:$0x4] =	stream.linear.gather [hbm4b:s0+s2], $0x100, $0x38;
	[tilespmem:$0x10200] =	vst v63  }
0xc8: {  	s0 =	smov.u32 s31;
	s31 =	sadd.s32 $0x20000, s31;
	_ =	swait.ge [sflag:s21], $0x100  }
0xc9: {  	[sflag:s21] =	ssyncset.done $0x0  }
0xca: {  	[sflag:s21] =	ssyncadd.s32 $0xFFFFFF00  }
0xcb: {  	[tilespmem:s22], [sflag:$0x2] =	stream.indirect.gather [hbm4b:s1+s17], $0x80, s20, s17, $0xb8;
	[tilespmem:$0x10200] =	vst v63  }
0xcc: {  	_ = 	snop  }
0xcd: {  	[tilespmem:s24], [sflag:$0x2] =	stream.indirect.gather [hbm4b:s1+s17], $0x80, s23, s17, $0xb8;
	[tilespmem:$0x10200] =	vst v63  }
0xce: {  	_ =	swait.ge [sflag:s25], $0x4000  }
0xcf: {  	[sflag:s25] =	ssyncset.done $0x0  }
0xd0: {  	[sflag:s25] =	ssyncadd.s32 $0xFFFFC000  }
0xd1: {  	_ =	swait.ge [sflag:s25], $0x4000  }
0xd2: {  	[sflag:s25] =	ssyncset.done $0x0  }
0xd3: {  	s3 =	sadd.s32 s30, s13;
	s30 =	smov.u32 s0;
	[sflag:s25] =	ssyncadd.s32 $0xFFFFC000  }
0xd4: {  	[hbm4b:s3+s2] =	stream.linear.scatter [tilespmem:s18], [sflag:$0x4], $0x8000, $0x38;
	[tilespmem:$0x10200] =	vst v63  }
0xd5: {  	_ =	swait.ge [sflag:s21], $0x8000  }
0xd6: {  	[sflag:s21] =	ssyncset.done $0x0  }
0xd7: {  	[sflag:s21] =	ssyncadd.s32 $0xFFFF8000  }
0xd8: {  	[tilespmem:s2], [sflag:$0x4] =	stream.linear.gather [hbm4b:s29+s2], $0x100, $0x38;
	[tilespmem:$0x10200] =	vst v63  }
0xd9: {  	_ =	swait.ge [sflag:s21], $0x100  }
0xda: {  	[sflag:s21] =	ssyncset.done $0x0  }
0xdb: {  	[sflag:s21] =	ssyncadd.s32 $0xFFFFFF00  }
0xdc: {  	[tilespmem:s18], [sflag:$0x1] =	stream.indirect.gather [hbm4b:s1+s17], $0x80, s2, s17, $0xb8;
	[tilespmem:$0x10200] =	vst v63  }
0xdd: {  	_ = 	snop  }
0xde: {  	[tilespmem:s19], [sflag:$0x1] =	stream.indirect.gather [hbm4b:s1+s17], $0x80, s17, s17, $0xb8;
	[tilespmem:$0x10200] =	vst v63  }
0xdf: {  	_ =	swait.ge [sflag:s26], $0x4000  }
0xe0: {  	[sflag:s26] =	ssyncset.done $0x0  }
0xe1: {  	[sflag:s26] =	ssyncadd.s32 $0xFFFFC000  }
0xe2: {  	_ =	swait.ge [sflag:s26], $0x4000  }
.Ltmp6:
0xe3: {  	[sflag:s26] =	ssyncset.done $0x0;
	(pc) =	sbr.rel @!p3 .LBB2_3-.Ltmp6, $4  }
0xe4: {  	s0 =	sadd.s32 $0x10000, s3;
	[sflag:s26] =	ssyncadd.s32 $0xFFFFC000  }
0xe5: {  	[hbm4b:s0+s2] =	stream.linear.scatter [tilespmem:s22], [sflag:$0x3], $0x8000, $0x38;
	[tilespmem:$0x10200] =	vst v63  }
0xe6: {  	_ =	swait.ge [sflag:s16], $0x8000  }
0xe7: {  	s29 =	sadd.s32 $0x400, s29;
	[sflag:s16] =	ssyncset.done $0x0  }
0xe8: {  	s0 =	sadd.s32 $0xFFFFFE00, s29;
	[sflag:s16] =	ssyncadd.s32 $0xFFFF8000  }
0xe9: {  	[tilespmem:s20], [sflag:$0x4] =	stream.linear.gather [hbm4b:s0+s2], $0x100, $0x38;
	[tilespmem:$0x10200] =	vst v63  }
0xea: {  	_ =	swait.ge [sflag:s21], $0x100  }
0xeb: {  	[sflag:s21] =	ssyncset.done $0x0  }
0xec: {  	[sflag:s21] =	ssyncadd.s32 $0xFFFFFF00  }
0xed: {  	[tilespmem:s22], [sflag:$0x2] =	stream.indirect.gather [hbm4b:s1+s17], $0x80, s20, s17, $0xb8;
	[tilespmem:$0x10200] =	vst v63  }
0xee: {  	_ = 	snop  }
0xef: {  	[tilespmem:s24], [sflag:$0x2] =	stream.indirect.gather [hbm4b:s1+s17], $0x80, s23, s17, $0xb8;
	[tilespmem:$0x10200] =	vst v63  }
0xf0: {  	_ =	swait.ge [sflag:s25], $0x4000  }
0xf1: {  	[sflag:s25] =	ssyncset.done $0x0  }
0xf2: {  	[sflag:s25] =	ssyncadd.s32 $0xFFFFC000  }
0xf3: {  	_ =	swait.ge [sflag:s25], $0x4000  }
0xf4: {  	[sflag:s25] =	ssyncset.done $0x0  }
0xf5: {  	s31 =	sadd.s32 s30, s13;
	[sflag:s25] =	ssyncadd.s32 $0xFFFFC000  }
0xf6: {  	[hbm4b:s31+s2] =	stream.linear.scatter [tilespmem:s18], [sflag:$0x4], $0x8000, $0x38;
	[tilespmem:$0x10200] =	vst v63  }
0xf7: {  	_ =	swait.ge [sflag:s21], $0x8000  }
0xf8: {  	[sflag:s21] =	ssyncset.done $0x0  }
0xf9: {  	[sflag:s21] =	ssyncadd.s32 $0xFFFF8000  }
0xfa: {  	[tilespmem:s2], [sflag:$0x4] =	stream.linear.gather [hbm4b:s29+s2], $0x100, $0x38;
	[tilespmem:$0x10200] =	vst v63  }
0xfb: {  	_ =	swait.ge [sflag:s21], $0x100  }
0xfc: {  	[sflag:s21] =	ssyncset.done $0x0  }
0xfd: {  	[sflag:s21] =	ssyncadd.s32 $0xFFFFFF00  }
0xfe: {  	[tilespmem:s18], [sflag:$0x1] =	stream.indirect.gather [hbm4b:s1+s17], $0x80, s2, s17, $0xb8;
	[tilespmem:$0x10200] =	vst v63  }
0xff: {  	_ = 	snop  }
0x100: {  	[tilespmem:s19], [sflag:$0x1] =	stream.indirect.gather [hbm4b:s1+s17], $0x80, s17, s17, $0xb8;
	[tilespmem:$0x10200] =	vst v63  }
0x101: {  	_ =	swait.ge [sflag:s26], $0x4000  }
0x102: {  	[sflag:s26] =	ssyncset.done $0x0  }
0x103: {  	[sflag:s26] =	ssyncadd.s32 $0xFFFFC000  }
0x104: {  	_ =	swait.ge [sflag:s26], $0x4000  }
0x105: {  	[sflag:s26] =	ssyncset.done $0x0  }
0x106: {  	s0 =	sadd.s32 $0x10000, s31;
	[sflag:s26] =	ssyncadd.s32 $0xFFFFC000  }
0x107: {  	[hbm4b:s0+s2] =	stream.linear.scatter [tilespmem:s22], [sflag:$0x3], $0x8000, $0x38;
	[tilespmem:$0x10200] =	vst v63  }
0x108: {  	_ =	swait.ge [sflag:s16], $0x8000  }
0x109: {  	[sflag:s16] =	ssyncset.done $0x0  }
0x10a: {  	[sflag:s16] =	ssyncadd.s32 $0xFFFF8000  }
0x10b: {  	[tilespmem:s20], [sflag:$0x4] =	stream.linear.gather [hbm4b:s9+s2], $0x100, $0x38;
	[tilespmem:$0x10200] =	vst v63  }
0x10c: {  	_ =	swait.ge [sflag:s21], $0x100  }
0x10d: {  	[sflag:s21] =	ssyncset.done $0x0  }
0x10e: {  	[sflag:s21] =	ssyncadd.s32 $0xFFFFFF00  }
0x10f: {  	[tilespmem:s22], [sflag:$0x2] =	stream.indirect.gather [hbm4b:s1+s17], $0x80, s20, s17, $0xb8;
	[tilespmem:$0x10200] =	vst v63  }
0x110: {  	_ = 	snop  }
0x111: {  	[tilespmem:s24], [sflag:$0x2] =	stream.indirect.gather [hbm4b:s1+s17], $0x80, s23, s17, $0xb8;
	[tilespmem:$0x10200] =	vst v63  }
0x112: {  	_ =	swait.ge [sflag:s25], $0x4000  }
.Ltmp7:
0x113: {  	[sflag:s25] =	ssyncset.done $0x0;
	(pc) =	sbr.rel @p2 .LBB2_9-.Ltmp7, $4  }
.Ltmp8:
0x114: {  	[sflag:s25] =	ssyncadd.s32 $0xFFFFC000;
	(pc) =	sbr.rel @!p2 .LBB2_8-.Ltmp8, $4  }
0x115: {  	_ =	swait.ge [sflag:s25], $0x4000  }
0x116: {  	[sflag:s25] =	ssyncset.done $0x0  }
0x117: {  	s29 =	smov.u32 s4;
	[sflag:s25] =	ssyncadd.s32 $0xFFFFC000  }
0x118: {  	_ = 	snop  }
.LBB2_10:
0x119: {  	_ =	sfence.sel $0x180000  }
0x11a: {  	[bflag:$0x0] =	sbarrier.arrive $0xFFFF  }
0x11b: {  	_ =	strace $0x90000050  }
0x11c: {  	s0 =	stileid.u32;
	[bflag:$0x2] =	sbarrier.arrive $0xFFFF  }
0x11d: {  	p0 =	sne.s32 s0, $0x0;
	s0 =	rddreg [dreg:$0x2]  }
0x11e: {  	s0 =	sadd.s32 @!p0 $0x100000, s0  }
0x11f: {  	[sflag:s0] =	ssyncadd.tile.s32 @!p0 $0x1;
	_ =	shalt  }
.Lfunc_end2:
_tile_overlayer_lowered:
.L_overlay_start_2:
0x120: {  	(tag) =	ssettag $0x2  }
0x121: {  	s0 =	rddreg [dreg:$0x0];
	s2 =	stileid.u32  }
0x122: {  	s1 =	rddreg [dreg:$0x1];
	p0 =	sne.s32 s2, $0x0  }
0x123: {  	s3 =	rddreg [dreg:$0x2];
	[bflag:$0x3] =	sbarrier.arrive $0xFFFF;
	s2 =	simm.s32 @!p0 $0x1C03  }
0x124: {  	[timem:s3], [sflag:s2] =	dma.local @!p0 [hbm:s0], s1  }
0x125: {  	s0 =	simm.s32 @!p0 $0x3  }
0x126: {  	_ =	swait.ge @!p0 [sflag:s0], s1  }
0x127: {  	s1 =	ssub.s32 @!p0 $0x0, s1;
	[sflag:s0] =	ssyncset.done @!p0 $0x0  }
0x128: {  	[sflag:s0] =	ssyncadd.s32 @!p0 s1  }
0x129: {  	[bflag:$0x3] =	sbarrier.arrive $0xFFFF  }
0x12a: {  	_ =	shalt  }

// kernel: kernel.23.cloned.1.call-start
scs
__scs_entry_jumppad:
0x0: {  	(pc) =	sbr.rel $0x88, $3  }
0x1: {  	(tag) =	ssettag $0x0;
	lr =	simm.s32 $0x1  }
0x2: {  	[smem:$0x3F8A] =	sst lr;
	_ =	strace $0xD0000000  }
0x3: {  	_ = 	snop  }
0x4: {  	_ = 	snop  }
0x5: {  	_ = 	snop  }
0x6: {  	_ = 	snop  }
0x7: {  	_ = 	snop  }
__scs_overlays_trampoline_lowered:
0x8: {  	[smem:$0x3F99] =	sst s0  }
0x9: {  	[smem:$0x3F9A] =	sst s1  }
0xa: {  	[smem:$0x3F9B] =	sst s2  }
0xb: {  	[smem:$0x3F9C] =	sst s3  }
0xc: {  	[smem:$0x3F9D] =	sst s4  }
0xd: {  	[smem:$0x3F9E] =	sst s5  }
0xe: {  	[smem:$0x3F9F] =	sst s6  }
0xf: {  	[smem:$0x3FA0] =	sst s7  }
0x10: {  	[smem:$0x3FA1] =	sst s8  }
0x11: {  	[smem:$0x3FA2] =	sst s9;
	s0 =	simm.s32 @!p0 $0x0  }
0x12: {  	s1 =	sld [smem:$0x3F88];
	s0 =	simm.s32 @p0 $0x1  }
0x13: {  	[smem:$0x3FA3] =	sst s0;
	s0 =	simm.s32 @!p1 $0x0  }
0x14: {  	s2 =	sld [smem:$0x3F87];
	s0 =	simm.s32 @p1 $0x1  }
0x15: {  	[smem:$0x3FA4] =	sst s0;
	s0 =	simm.s32 @!p2 $0x0  }
0x16: {  	s3 =	sld [smem:$0x3FDB];
	s0 =	simm.s32 @p2 $0x1  }
0x17: {  	s4 =	simm.s32 $0x1BF5;
	[smem:$0x3FA6] =	sst s0  }
0x18: {  	s0 =	sld [smem:$0x3F89];
	_ =	swait.ge [sflag:s4], $0x0  }
0x19: {  	s7 =	sld [smem:$0x3F8A]  }
0x1a: {  	s8 =	sadd.s32 $0xFFFFE003, lr  }
0x1b: {  	s9 =	sadd.s32 $0xFFFFFEF7, lr;
	s5 =	simm.s32 $0xFFFFFFFF;
	p2 =	slt.u32 s8, $0xFFFFF086  }
0x1c: {  	p1 =	slt.u32 s9, $0xF7A;
	s5 =	simm.s32 @!p2 $0x0  }
0x1d: {  	s5 =	simm.s32 @p1 $0x1;
	p0 =	seq.s32 s7, s2  }
0x1e: {  	s7 =	smul.u32 @!p0 $0xF7A, s2;
	p2 =	seq.s32 @!p0 s5, $0x0  }
0x1f: {  	s9 =	smul.u32 $0xF7A, s1;
	s8 =	simm.s32 @!p0 $0x1BF5;
	p2 =	por !p2, p0  }
0x20: {  	[sflag:s8] =	ssyncset.s32 @!p0 $0xFFFFF086;
	s6 =	sadd.s32 @!p0 s3, s7;
	s7 =	simm.s32 @!p0 $0x108  }
0x21: {  	s3 =	sadd.s32 s3, s9;
	s6 =	sadd.s32 @!p0 $0x88, s6;
	s7 =	simm.s32 @p2 $0x1082  }
0x22: {  	[simem:s7], [sflag:s8] =	dma.local @!p0 [hbm:s6], $0xF7A  }
0x23: {  	s9 =	sor.u32 $0xD0000000, s2;
	s6 =	simm.s32 $0x108;
	_ =	swait.ge @!p0 [sflag:s8], $0x0  }
0x24: {  	s3 =	sadd.s32 $0x88, s3;
	s6 =	simm.s32 @!p1 $0x1082;
	[sflag:s4] =	ssyncset.s32 $0xFFFFF086  }
0x25: {  	[simem:s6], [sflag:s4] =	dma.local [hbm:s3], $0xF7A  }
0x26: {  	[smem:$0x3F8A] =	sst s1;
	(tag) =	ssettag s2;
	_ =	strace s9  }
0x27: {  	s1 =	sld [smem:$0x3F9A]  }
0x28: {  	s2 =	sld [smem:$0x3F9B]  }
0x29: {  	s4 =	sld [smem:$0x3F9D]  }
0x2a: {  	p0 =	seq.s32 s5, $0x0;
	s5 =	sld [smem:$0x3F9E]  }
0x2b: {  	s6 =	sld [smem:$0x3F9F]  }
0x2c: {  	s7 =	sld [smem:$0x3FA0]  }
0x2d: {  	s3 =	simm.s32 $0x108;
	s8 =	sld [smem:$0x3FA1]  }
0x2e: {  	s3 =	simm.s32 @!p0 $0x1082;
	s9 =	sld [smem:$0x3FA2]  }
0x2f: {  	lr =	sadd.s32 s0, s3;
	s0 =	sld [smem:$0x3F99]  }
0x30: {  	s3 =	sld [smem:$0x3F9C]  }
0x31: {  	[smem:$0x3FA5] =	sst s10  }
0x32: {  	s10 =	sld [smem:$0x3FA3];
	_ =	sdelay $0x3  }
0x33: {  	p0 =	seq.s32 s10, $0x1;
	s10 =	sld [smem:$0x3FA5];
	_ =	sdelay $0x3  }
0x34: {  	[smem:$0x3FA5] =	sst s10  }
0x35: {  	s10 =	sld [smem:$0x3FA4];
	_ =	sdelay $0x3  }
0x36: {  	p1 =	seq.s32 s10, $0x1;
	s10 =	sld [smem:$0x3FA5];
	_ =	sdelay $0x3  }
0x37: {  	[smem:$0x3FA5] =	sst s10  }
0x38: {  	s10 =	sld [smem:$0x3FA6]  }
0x39: {  	_ = 	snop;
	(pc) =	sbr.ind lr, $3  }
0x3a: {  	_ = 	snop  }
0x3b: {  	_ = 	snop  }
0x3c: {  	p2 =	seq.s32 s10, $0x1;
	s10 =	sld [smem:$0x3FA5]  }
0x3d: {  	_ =	shalt  }
0x3e: {  	_ =	shalt  }
0x3f: {  	_ =	shalt  }
0x40: {  	_ =	shalt  }
0x41: {  	_ =	shalt  }
0x42: {  	_ =	shalt  }
0x43: {  	_ =	shalt  }
0x44: {  	_ =	shalt  }
0x45: {  	_ =	shalt  }
0x46: {  	_ =	shalt  }
0x47: {  	_ =	shalt  }
0x48: {  	_ =	shalt  }
0x49: {  	_ =	shalt  }
0x4a: {  	_ =	shalt  }
0x4b: {  	_ =	shalt  }
0x4c: {  	_ =	shalt  }
0x4d: {  	_ =	shalt  }
0x4e: {  	_ =	shalt  }
0x4f: {  	_ =	shalt  }
0x50: {  	_ =	shalt  }
0x51: {  	_ =	shalt  }
0x52: {  	_ =	shalt  }
0x53: {  	_ =	shalt  }
0x54: {  	_ =	shalt  }
0x55: {  	_ =	shalt  }
0x56: {  	_ =	shalt  }
0x57: {  	_ =	shalt  }
0x58: {  	_ =	shalt  }
0x59: {  	_ =	shalt  }
0x5a: {  	_ =	shalt  }
0x5b: {  	_ =	shalt  }
0x5c: {  	_ =	shalt  }
0x5d: {  	_ =	shalt  }
0x5e: {  	_ =	shalt  }
0x5f: {  	_ =	shalt  }
0x60: {  	_ =	shalt  }
0x61: {  	_ =	shalt  }
0x62: {  	_ =	shalt  }
0x63: {  	_ =	shalt  }
0x64: {  	_ =	shalt  }
0x65: {  	_ =	shalt  }
0x66: {  	_ =	shalt  }
0x67: {  	_ =	shalt  }
0x68: {  	_ =	shalt  }
0x69: {  	_ =	shalt  }
0x6a: {  	_ =	shalt  }
0x6b: {  	_ =	shalt  }
0x6c: {  	_ =	shalt  }
0x6d: {  	_ =	shalt  }
0x6e: {  	_ =	shalt  }
0x6f: {  	_ =	shalt  }
0x70: {  	_ =	shalt  }
0x71: {  	_ =	shalt  }
0x72: {  	_ =	shalt  }
0x73: {  	_ =	shalt  }
0x74: {  	_ =	shalt  }
0x75: {  	_ =	shalt  }
0x76: {  	_ =	shalt  }
0x77: {  	_ =	shalt  }
0x78: {  	_ =	shalt  }
0x79: {  	_ =	shalt  }
0x7a: {  	_ =	shalt  }
0x7b: {  	_ =	shalt  }
0x7c: {  	_ =	shalt  }
0x7d: {  	_ =	shalt  }
0x7e: {  	_ =	shalt  }
0x7f: {  	_ =	shalt  }
0x80: {  	_ =	shalt  }
0x81: {  	_ =	shalt  }
0x82: {  	_ =	shalt  }
0x83: {  	_ =	shalt  }
0x84: {  	_ =	shalt  }
0x85: {  	_ =	shalt  }
0x86: {  	_ =	shalt  }
0x87: {  	_ =	shalt  }
.Lfunc_end0:
.L_simem_size_0:
called_computation.4_lowered:
.L_overlay_start_0:
0x88: {  	s2 =	sld [smem:$0x3FD9]  }
0x89: {  	s3 =	sld [smem:$0x3FFE];
	_ =	sdelay $0x1  }
0x8a: {  	s1 =	srdreg.scid  }
0x8b: {  	s0 =	sand.u32 $0x1, s1  }
0x8c: {  	s16 =	sshll.u32 s0, $0xA;
	s2 =	sadd.s32 s3, s2  }
0x8d: {  	s2 =	sadd.s32 s2, s16  }
0x8e: {  	[smem:$0x3FB1] =	sst s2  }
0x8f: {  	_ = 	snop  }
0x90: {  	(tm) =	ssettm $0x1  }
0x91: {  	s17 =	sld [smem:$0x3FFB];
	_ =	sdelay $0x3  }
0x92: {  	_ =	strace s17  }
0x93: {  	s2 =	sld [smem:$0x3FFC];
	_ =	sdelay $0x3  }
0x94: {  	_ =	strace s2  }
0x95: {  	s2 =	sld [smem:$0x3FFD];
	_ =	sdelay $0x3  }
0x96: {  	_ =	strace s2  }
0x97: {  	_ =	strace $0x8FFFFFFF  }
0x98: {  	s18 =	sld [smem:$0x3FDB];
	_ =	sdelay $0x1  }
0x99: {  	s19 =	simm.s32 $_scs_section_size  }
0x9a: {  	s4 =	simm.s32 $_size__tile_overlayer_lowered;
	s5 =	simm.s32 $_tile_overlayer_lowered  }
0x9b: {  	s22 =	simm.s32 $0x1BFF;
	s21 =	sshll.u32 s5, $0x1;
	s2 =	sadd.s32 s19, s18  }
0x9c: {  	s6 =	simm.s32 $0x0;
	s20 =	sshll.u32 s4, $0x1;
	s4 =	sadd.s32 s21, s2  }
0x9d: {  	[timem:s6], [sflag:s22] =	dma.local [hbm:s4], s20  }
0x9e: {  	_ =	swait.ge [sflag:s22], s20  }
0x9f: {  	s3 =	ssub.s32 $0x0, s20;
	[sflag:s22] =	ssyncset.done $0x0  }
0xa0: {  	[sflag:s22] =	ssyncadd.s32 s3;
	_ =	sdelay $0x1  }
0xa1: {  	s23 =	simm.s32 $0x1B8B  }
0xa2: {  	_ =	swait.ge [sflag:s23], $0x1  }
0xa3: {  	[sflag:s23] =	ssyncset.done $0x0  }
0xa4: {  	s25 =	simm.s32 $0x1B8E;
	s24 =	sld [smem:$0x3FFE];
	[sflag:s23] =	ssyncadd.s32 $0xFFFFFFFF  }
0xa5: {  	s26 =	simm.s32 $execute0_lowered;
	[smem:$0x3FD2] =	sst s25  }
0xa6: {  	s4 =	sshll.u32 s26, $0x1;
	_ =	strace $0x80000052;
	[dreg:$0x1] =	wrdreg $0xFFFFFFFF  }
0xa7: {  	s28 =	simm.s32 $_size_execute0_lowered;
	s2 =	sadd.s32 s2, s4;
	[dreg:$0x0] =	wrdreg $0x0  }
0xa8: {  	s4 =	sshll.u32 s28, $0x1;
	[dreg:$0x2] =	wrdreg s2  }
0xa9: {  	[dreg:$0x3] =	wrdreg s4  }
0xaa: {  	[dreg:$0x4] =	wrdreg $0xC0  }
0xab: {  	_ =	task [dreg:s6], $0x5FFFF  }
0xac: {  	[dreg:$0x1] =	wrdreg $0xFFFFFFFF  }
0xad: {  	[dreg:$0x0] =	wrdreg $0x60  }
0xae: {  	[dreg:$0x2] =	wrdreg s24  }
0xaf: {  	[dreg:$0x3] =	wrdreg $0x0  }
0xb0: {  	[dreg:$0x4] =	wrdreg $0x9  }
0xb1: {  	_ =	task.clear_ibuf [dreg:s6], $0x5FFFF;
	_ =	strace $0x90000052  }
0xb2: {  	s29 =	simm.s32 $0x9;
	_ =	strace $0x80000054  }
0xb3: {  	_ =	swait.ge [sflag:s29], $0x1  }
0xb4: {  	[sflag:s29] =	ssyncadd.s32 $0xFFFFFFFF  }
0xb5: {  	_ =	strace $0x90000054  }
0xb6: {  	_ =	sfence  }
0xb7: {  	s30 =	sld [smem:$0x0];
	_ =	sdelay $0x2  }
0xb8: {  	s31 =	sshll.u32 s1, $0xD;
	s1 =	sshrl.u32 s1, $0x2  }
0xb9: {  	s3 =	sand.u32 $0x4000, s31;
	s1 =	sadd.s32 s1, s30  }
0xba: {  	s0 =	sor.u32 s3, s0;
	s1 =	sshll.u32 s1, $0x11  }
0xbb: {  	s0 =	sor.u32 s1, s0  }
0xbc: {  	s0 =	sadd.s32 $0x8F2B, s0  }
0xbd: {  	[sflag:s0] =	ssyncadd.remote.s32 $0x1  }
0xbe: {  	_ =	sfence.sel $0xFFFF  }
0xbf: {  	[dreg:$0x0] =	wrdreg $0xFFFFFFFF;
	(pc) =	sbr.abs _section_cstart, $3  }
0xc0: {  	[dreg:$0x1] =	wrdreg $0xFFFFFFFF  }
0xc1: {  	_ =	task.clear_ibuf [dreg:s6], $0x2FFFF;
	_ =	strace $0x9FFFFFFF  }
0xc2: {  	(tm) =	ssettm $0x7FFFFFFF  }
0xc3: {  	_ =	shalt  }
tec
execute0_lowered:
.L_overlay_start_1:
0x0: {  	(tag) =	ssettag $0x1  }
0x1: {  	s0 =	rddreg [dreg:$0x0]  }
0x2: {  	s2 =	rddreg [dreg:$0x1]  }
0x3: {  	s3 =	simm.s32 $0x0;
	s10 =	stileid.u32;
	s6 =	srdreg.scid  }
0x4: {  	s18 =	simm.s32 $0x13920;
	s20 =	simm.s32 $0x14A00;
	s28 =	simm.s32 $0x13960  }
0x5: {  	s31 =	simm.s32 $0x13980;
	[smem:$0x7FF] =	sst s3;
	s1 =	smul.u32 $0xA00, s10  }
0x6: {  	s19 =	simm.s32 $0x5;
	s4 =	sadd.s32 $0xF24A00, s0;
	s5 =	sadd.s32 $0x18E8A00, s0  }
0x7: {  	s6 =	sand.u32 $0x1, s6;
	s7 =	sadd.s32 $0x9F1E00, s0;
	s8 =	smul.u32 $0x13880, s10  }
0x8: {  	s21 =	sadd.s32 $0xA42A00, s0;
	s24 =	sshll.u32 s10, $0x6;
	s9 =	smul.u32 $0x50000, s10  }
0x9: {  	s25 =	smul.u32 $0xA0, s10;
	_ =	strace $0x80000053;
	[dreg:$0x3] =	wrdreg s7  }
0xa: {  	[dreg:$0x4] =	wrdreg s21;
	s22 =	ssub.s32 $0x2, s6;
	s16 =	sor.u32 $0x1C05, s24  }
0xb: {  	p0 =	sne.s32 s6, $0x0;
	s21 =	simm.s32 $0x13900;
	s24 =	simm.s32 $0x13A00  }
0xc: {  	s7 =	simm.s32 $0x2;
	s1 =	sadd.s32 s1, s0;
	s0 =	sadd.s32 $0xA69C00, s0  }
0xd: {  	s23 =	sshrl.u32 s22, $0x1;
	s11 =	sadd.s32 s8, s2;
	[dreg:$0x6] =	wrdreg s16  }
0xe: {  	s12 =	sadd.s32 s5, s9;
	s8 =	sshrl.u32 s8, $0x3;
	[dreg:$0x5] =	wrdreg s0  }
0xf: {  	s26 =	sadd.s32 s4, s9;
	s29 =	sor.u32 $0x1000, s9;
	[dreg:$0x7] =	wrdreg s12  }
0x10: {  	s30 =	sor.u32 $0x2, s25;
	s25 =	simm.s32 $0x13940;
	[dreg:$0x8] =	wrdreg s8  }
0x11: {  	s0 =	ssub.s32 s22, s23;
	s10 =	sadd.s32 $0x19E00, s1;
	[dreg:$0x9] =	wrdreg s26  }
.Ltmp0:
0x12: {  	s13 =	sadd.s32 $0x23E00, s1;
	[dreg:$0xb] =	wrdreg s29;
	(pc) =	sbr.rel .LBB2_1-.Ltmp0, $4  }
0x13: {  	[dreg:$0xc] =	wrdreg s30;
	s17 =	sshrl.u32 s11, $0x3;
	s22 =	simm.s32 $0x1  }
0x14: {  	s23 =	simm.s32 $0x20;
	s26 =	simm.s32 $0x15A00;
	s8 =	simm.s32 $0x16A00  }
0x15: {  	s1 =	simm.s32 $0x3;
	s0 =	smax.u32 s0, $0x1;
	[dreg:$0xd] =	wrdreg s17  }
0x16: {  	s11 =	simm.s32 $0x0;
	[dreg:$0xa] =	wrdreg s0;
	s0 =	simm.s32 $0x17A00  }
.LBB2_7:
0x17: {  	[spmem:s2] =	stream.indirect.scatter.add.f32 [tilespmem:s12], [sflag:$0x4], $0x80, s6, s23, $0xb8;
	[tilespmem:$0x1BA00] =	vst v63  }
0x18: {  	s9 =	rddreg [dreg:$0x5]  }
0x19: {  	s20 =	simm.s32 $0x14A00;
	s11 =	rddreg [dreg:$0xe]  }
0x1a: {  	[spmem:s2] =	stream.indirect.scatter.add.f32 [tilespmem:s8], [sflag:$0x4], $0x80, s15, s23, $0xb8;
	[tilespmem:$0x1BA00] =	vst v63  }
.LBB2_8:
0x1b: {  	s6 =	simm.s32 $0x4  }
0x1c: {  	_ =	swait.ge [sflag:s6], $0x1000  }
0x1d: {  	[sflag:s6] =	ssyncset.done $0x0  }
0x1e: {  	[sflag:s6] =	ssyncadd.s32 $0xFFFFF000  }
0x1f: {  	_ =	swait.ge [sflag:s6], $0x1000  }
0x20: {  	[sflag:s6] =	ssyncset.done $0x0  }
0x21: {  	[sflag:s6] =	ssyncadd.s32 $0xFFFFF000  }
0x22: {  	_ =	swait.ge [sflag:s6], $0x1000  }
0x23: {  	[sflag:s6] =	ssyncset.done $0x0  }
0x24: {  	[sflag:s6] =	ssyncadd.s32 $0xFFFFF000  }
0x25: {  	_ =	swait.ge [sflag:s6], $0x1000  }
0x26: {  	[sflag:s6] =	ssyncset.done $0x0  }
0x27: {  	[sflag:s6] =	ssyncadd.s32 $0xFFFFF000  }
0x28: {  	s16 =	rddreg [dreg:$0x8];
	[bflag:$0x0] =	sbarrier.arrive $0xFFFF  }
0x29: {  	s9 =	sadd.s32 s9, s16;
	s16 =	rddreg [dreg:$0x6]  }
0x2a: {  	s17 =	rddreg [dreg:$0xd]  }
0x2b: {  	[hbm:s9], [sflag:s16] =	dma.local [spmem:s17], $0x2710  }
0x2c: {  	_ =	swait.ge [sflag:s19], $0x2710  }
0x2d: {  	s11 =	sadd.s32 $0x1, s11;
	s30 =	rddreg [dreg:$0xa]  }
0x2e: {  	p1 =	sne.s32 s11, s30  }
.Ltmp1:
0x2f: {  	_ = 	snop;
	(pc) =	sbr.rel @!p1 .LBB2_9-.Ltmp1, $4  }
0x30: {  	_ = 	snop  }
0x31: {  	s18 =	simm.s32 $0x13920  }
0x32: {  	s25 =	simm.s32 $0x13940;
	s26 =	simm.s32 $0x15A00;
	[sflag:s19] =	ssyncset.done $0x0  }
0x33: {  	s28 =	simm.s32 $0x13960;
	s8 =	simm.s32 $0x16A00;
	[sflag:s19] =	ssyncadd.s32 $0xFFFFD8F0  }
.LBB2_1:
0x34: {  	[dreg:$0xe] =	wrdreg s11  }
0x35: {  	s9 =	rddreg [dreg:$0x3]  }
0x36: {  	[spmem:s17], [sflag:s16] =	dma.local [hbm:s9], $0x2710  }
.Ltmp2:
0x37: {  	_ =	swait.ge [sflag:s19], $0x2710;
	(pc) =	sbr.rel @p0 .LBB2_5-.Ltmp2, $4  }
0x38: {  	[sflag:s19] =	ssyncset.done $0x0  }
0x39: {  	[sflag:s19] =	ssyncadd.s32 $0xFFFFD8F0  }
0x3a: {  	[bflag:$0x0] =	sbarrier.arrive $0xFFFF  }
0x3b: {  	s9 =	simm.s32 $0x0  }
0x3c: {  	[tilespmem:s21], [sflag:$0x5] =	stream.linear.gather [hbm4b:s13+s9], $0x80, $0x38;
	[tilespmem:$0x1BA00] =	vst v63  }
0x3d: {  	_ =	swait.ge [sflag:s19], $0x80  }
0x3e: {  	[sflag:s19] =	ssyncset.done $0x0  }
0x3f: {  	s16 =	rddreg [dreg:$0x9];
	[sflag:s19] =	ssyncadd.s32 $0xFFFFFF80  }
0x40: {  	[tilespmem:s24], [sflag:$0x1] =	stream.linear.gather [hbm4b:s16+s9], $0x4000, $0x38;
	[tilespmem:$0x1BA00] =	vst v63  }
0x41: {  	_ =	swait.ge [sflag:s22], $0x4000  }
0x42: {  	[sflag:s22] =	ssyncset.done $0x0  }
0x43: {  	[sflag:s22] =	ssyncadd.s32 $0xFFFFC000  }
0x44: {  	[spmem:s2] =	stream.indirect.scatter.add.f32 [tilespmem:s24], [sflag:$0x3], $0x80, s21, s23, $0xb8;
	[tilespmem:$0x1BA00] =	vst v63  }
0x45: {  	_ = 	snop  }
0x46: {  	[spmem:s2] =	stream.indirect.scatter.add.f32 [tilespmem:s20], [sflag:$0x3], $0x80, s18, s23, $0xb8;
	[tilespmem:$0x1BA00] =	vst v63  }
0x47: {  	p1 =	por $0x1, $0x1  }
0x48: {  	[spmem:s2] =	stream.indirect.scatter.add.f32 [tilespmem:s26], [sflag:$0x3], $0x80, s25, s23, $0xb8;
	[tilespmem:$0x1BA00] =	vst v63  }
0x49: {  	s9 =	simm.s32 @!p1 $0x4  }
0x4a: {  	[spmem:s2] =	stream.indirect.scatter.add.f32 [tilespmem:s8], [sflag:$0x3], $0x80, s28, s23, $0xb8;
	[tilespmem:$0x1BA00] =	vst v63  }
0x4b: {  	_ =	swait.ge @!p1 [sflag:s9], $0x1000  }
0x4c: {  	[sflag:s9] =	ssyncset.done @!p1 $0x0  }
0x4d: {  	[sflag:s9] =	ssyncadd.s32 @!p1 $0xFFFFF000  }
0x4e: {  	_ =	swait.ge @!p1 [sflag:s9], $0x1000  }
0x4f: {  	[sflag:s9] =	ssyncset.done @!p1 $0x0  }
0x50: {  	[sflag:s9] =	ssyncadd.s32 @!p1 $0xFFFFF000  }
0x51: {  	_ =	swait.ge @!p1 [sflag:s9], $0x1000  }
0x52: {  	[sflag:s9] =	ssyncset.done @!p1 $0x0  }
0x53: {  	[sflag:s9] =	ssyncadd.s32 @!p1 $0xFFFFF000  }
0x54: {  	s14 =	sadd.s32 $0x0, s13;
	_ =	swait.ge @!p1 [sflag:s9], $0x1000  }
0x55: {  	s16 =	sadd.s32 $0x10, s14;
	[sflag:s9] =	ssyncset.done @!p1 $0x0;
	s20 =	rddreg [dreg:$0xc]  }
0x56: {  	s15 =	rddreg [dreg:$0xb];
	s17 =	sadd.s32 $0xFFFFFFFF, s20;
	[sflag:s9] =	ssyncadd.s32 @!p1 $0xFFFFF000  }
0x57: {  	[tilespmem:s31], [sflag:$0x5] =	stream.linear.gather [hbm4b:s16+s3], $0x80, $0x38;
	[tilespmem:$0x1BA00] =	vst v63  }
0x58: {  	s9 =	sadd.s32 $0xFFFFF800, s15;
	p1 =	slt.u32 s17, $0x9C4;
	_ =	swait.ge [sflag:s19], $0x80  }
0x59: {  	s9 =	simm.s32 @!p1 $0x0;
	[sflag:s19] =	ssyncset.done $0x0  }
0x5a: {  	s9 =	sadd.s32 s4, s9;
	[sflag:s19] =	ssyncadd.s32 $0xFFFFFF80  }
0x5b: {  	[tilespmem:s0], [sflag:$0x2] =	stream.linear.gather [hbm4b:s9+s3], $0x4000, $0x38;
	[tilespmem:$0x1BA00] =	vst v63  }
0x5c: {  	_ =	swait.ge [sflag:s1], $0x1000  }
0x5d: {  	[sflag:s1] =	ssyncset.done $0x0  }
0x5e: {  	[sflag:s1] =	ssyncadd.s32 $0xFFFFF000  }
0x5f: {  	_ =	swait.ge [sflag:s1], $0x1000  }
0x60: {  	[sflag:s1] =	ssyncset.done $0x0  }
0x61: {  	[sflag:s1] =	ssyncadd.s32 $0xFFFFF000  }
0x62: {  	_ =	swait.ge [sflag:s1], $0x1000  }
0x63: {  	[sflag:s1] =	ssyncset.done $0x0  }
0x64: {  	s29 =	simm.s32 $0x15A00;
	s30 =	simm.s32 $0x13960;
	[sflag:s1] =	ssyncadd.s32 $0xFFFFF000  }
0x65: {  	s11 =	simm.s32 $0x139A0;
	p1 =	por $0x0, $0x0;
	_ =	swait.ge [sflag:s1], $0x1000  }
0x66: {  	s16 =	simm.s32 @!p1 $0x0;
	s9 =	sadd.s32 @!p1 $0x0, s13;
	[sflag:s1] =	ssyncset.done $0x0  }
0x67: {  	s17 =	simm.s32 @!p1 $0x13900;
	s9 =	sadd.s32 @!p1 $0x20, s9;
	[sflag:s1] =	ssyncadd.s32 $0xFFFFF000  }
0x68: {  	[tilespmem:s17], [sflag:$0x5] =	stream.linear.gather @!p1 [hbm4b:s9+s16], $0x80, $0x38;
	[tilespmem:$0x1BA00] =	vst v63  }
0x69: {  	s6 =	simm.s32 $0x139C0;
	p2 =	slt.u32 @!p1 s20, $0x9C4;
	s9 =	simm.s32 @!p1 $0x5  }
0x6a: {  	p2 =	por !p2, p1;
	s17 =	smov.u32 s15;
	_ =	swait.ge @!p1 [sflag:s9], $0x80  }
0x6b: {  	s12 =	simm.s32 $0x19A00;
	s17 =	simm.s32 @p2 $0x0;
	[sflag:s9] =	ssyncset.done @!p1 $0x0  }
0x6c: {  	[sflag:s9] =	ssyncadd.s32 @!p1 $0xFFFFFF80;
	s9 =	sadd.s32 @!p1 s4, s17;
	s17 =	simm.s32 @!p1 $0x13A00  }
0x6d: {  	[tilespmem:s17], [sflag:$0x1] =	stream.linear.gather @!p1 [hbm4b:s9+s16], $0x4000, $0x38;
	[tilespmem:$0x1BA00] =	vst v63  }
0x6e: {  	s14 =	simm.s32 $0x18A00;
	s26 =	simm.s32 $0x14A00;
	_ =	swait.ge [sflag:s7], $0x4000  }
0x6f: {  	s25 =	simm.s32 $0x13920;
	s28 =	simm.s32 $0x13940;
	[sflag:s7] =	ssyncset.done $0x0  }
0x70: {  	s8 =	simm.s32 $0x1AA00;
	s17 =	simm.s32 $0x20;
	[sflag:s7] =	ssyncadd.s32 $0xFFFFC000  }
0x71: {  	[spmem:s2] =	stream.indirect.scatter.add.f32 [tilespmem:s0], [sflag:$0x4], $0x80, s31, s23, $0xb8;
	[tilespmem:$0x1BA00] =	vst v63  }
0x72: {  	s16 =	sadd.s32 $0x1000, s15;
	s9 =	sadd.s32 $0x2, s20;
	s15 =	simm.s32 $0x139E0  }
0x73: {  	[spmem:s2] =	stream.indirect.scatter.add.f32 [tilespmem:s14], [sflag:$0x4], $0x80, s11, s23, $0xb8;
	[tilespmem:$0x1BA00] =	vst v63  }
.LBB2_3:
0x74: {  	[spmem:s2] =	stream.indirect.scatter.add.f32 [tilespmem:s12], [sflag:$0x4], $0x80, s6, s23, $0xb8;
	[tilespmem:$0x1BA00] =	vst v63  }
0x75: {  	s18 =	smov.u32 s17;
	s17 =	sadd.s32 $0x20, s17  }
0x76: {  	[spmem:s2] =	stream.indirect.scatter.add.f32 [tilespmem:s8], [sflag:$0x4], $0x80, s15, s23, $0xb8;
	[tilespmem:$0x1BA00] =	vst v63  }
0x77: {  	p1 =	seq.s32 s17, $0xA00;
	_ =	swait.ge [sflag:s22], $0x4000  }
0x78: {  	[sflag:s22] =	ssyncset.done $0x0  }
0x79: {  	[sflag:s22] =	ssyncadd.s32 $0xFFFFC000  }
0x7a: {  	[spmem:s2] =	stream.indirect.scatter.add.f32 [tilespmem:s24], [sflag:$0x3], $0x80, s21, s23, $0xb8;
	[tilespmem:$0x1BA00] =	vst v63  }
0x7b: {  	_ = 	snop  }
0x7c: {  	[spmem:s2] =	stream.indirect.scatter.add.f32 [tilespmem:s26], [sflag:$0x3], $0x80, s25, s23, $0xb8;
	[tilespmem:$0x1BA00] =	vst v63  }
0x7d: {  	_ = 	snop  }
0x7e: {  	[spmem:s2] =	stream.indirect.scatter.add.f32 [tilespmem:s29], [sflag:$0x3], $0x80, s28, s23, $0xb8;
	[tilespmem:$0x1BA00] =	vst v63  }
0x7f: {  	s20 =	simm.s32 $0x16A00;
	p2 =	seq.s32 s18, $0x0  }
0x80: {  	[spmem:s2] =	stream.indirect.scatter.add.f32 [tilespmem:s20], [sflag:$0x3], $0x80, s30, s23, $0xb8;
	[tilespmem:$0x1BA00] =	vst v63  }
0x81: {  	s20 =	simm.s32 @!p2 $0x4  }
0x82: {  	_ =	swait.ge @!p2 [sflag:s20], $0x1000  }
0x83: {  	[sflag:s20] =	ssyncset.done @!p2 $0x0  }
0x84: {  	[sflag:s20] =	ssyncadd.s32 @!p2 $0xFFFFF000  }
0x85: {  	_ =	swait.ge @!p2 [sflag:s20], $0x1000  }
0x86: {  	[sflag:s20] =	ssyncset.done @!p2 $0x0  }
0x87: {  	[sflag:s20] =	ssyncadd.s32 @!p2 $0xFFFFF000  }
0x88: {  	_ =	swait.ge @!p2 [sflag:s20], $0x1000  }
0x89: {  	[sflag:s20] =	ssyncset.done @!p2 $0x0  }
0x8a: {  	s21 =	sadd.s32 s18, s13;
	[sflag:s20] =	ssyncadd.s32 @!p2 $0xFFFFF000  }
0x8b: {  	s21 =	sadd.s32 $0x10, s21;
	_ =	swait.ge @!p2 [sflag:s20], $0x1000  }
0x8c: {  	s24 =	sadd.s32 $0xFFFFFFFF, s9;
	[sflag:s20] =	ssyncset.done @!p2 $0x0  }
0x8d: {  	[sflag:s20] =	ssyncadd.s32 @!p2 $0xFFFFF000;
	p2 =	slt.u32 s24, $0x9C4;
	s20 =	sadd.s32 $0xFFFFF800, s16  }
0x8e: {  	[tilespmem:s31], [sflag:$0x5] =	stream.linear.gather [hbm4b:s21+s3], $0x80, $0x38;
	[tilespmem:$0x1BA00] =	vst v63  }
0x8f: {  	s20 =	simm.s32 @!p2 $0x0;
	_ =	swait.ge [sflag:s19], $0x80  }
0x90: {  	s20 =	sadd.s32 s4, s20;
	[sflag:s19] =	ssyncset.done $0x0  }
0x91: {  	[sflag:s19] =	ssyncadd.s32 $0xFFFFFF80  }
0x92: {  	[tilespmem:s0], [sflag:$0x2] =	stream.linear.gather [hbm4b:s20+s3], $0x4000, $0x38;
	[tilespmem:$0x1BA00] =	vst v63  }
0x93: {  	_ =	swait.ge [sflag:s1], $0x1000  }
0x94: {  	[sflag:s1] =	ssyncset.done $0x0  }
0x95: {  	[sflag:s1] =	ssyncadd.s32 $0xFFFFF000  }
0x96: {  	_ =	swait.ge [sflag:s1], $0x1000  }
0x97: {  	[sflag:s1] =	ssyncset.done $0x0  }
0x98: {  	[sflag:s1] =	ssyncadd.s32 $0xFFFFF000  }
0x99: {  	_ =	swait.ge [sflag:s1], $0x1000  }
0x9a: {  	[sflag:s1] =	ssyncset.done $0x0  }
0x9b: {  	p2 =	seq.s32 s18, $0x9E0;
	[sflag:s1] =	ssyncadd.s32 $0xFFFFF000  }
0x9c: {  	s18 =	sadd.s32 @!p2 s18, s13;
	s20 =	simm.s32 @!p2 $0x5;
	_ =	swait.ge [sflag:s1], $0x1000  }
0x9d: {  	s21 =	simm.s32 @!p2 $0x0;
	s18 =	sadd.s32 @!p2 $0x20, s18;
	[sflag:s1] =	ssyncset.done $0x0  }
0x9e: {  	p3 =	slt.u32 @!p2 s9, $0x9C4;
	s24 =	simm.s32 @!p2 $0x13900;
	[sflag:s1] =	ssyncadd.s32 $0xFFFFF000  }
0x9f: {  	[tilespmem:s24], [sflag:$0x5] =	stream.linear.gather @!p2 [hbm4b:s18+s21], $0x80, $0x38;
	[tilespmem:$0x1BA00] =	vst v63  }
0xa0: {  	s24 =	simm.s32 $0x13A00  }
0xa1: {  	p3 =	por !p3, p2;
	s18 =	smov.u32 s16;
	_ =	swait.ge @!p2 [sflag:s20], $0x80  }
0xa2: {  	s18 =	simm.s32 @p3 $0x0;
	[sflag:s20] =	ssyncset.done @!p2 $0x0  }
0xa3: {  	s18 =	sadd.s32 @!p2 s4, s18;
	[sflag:s20] =	ssyncadd.s32 @!p2 $0xFFFFFF80;
	s20 =	simm.s32 @!p2 $0x13A00  }
0xa4: {  	[tilespmem:s20], [sflag:$0x1] =	stream.linear.gather @!p2 [hbm4b:s18+s21], $0x4000, $0x38;
	[tilespmem:$0x1BA00] =	vst v63  }
0xa5: {  	s21 =	simm.s32 $0x13900  }
0xa6: {  	_ =	swait.ge [sflag:s7], $0x4000  }
0xa7: {  	[sflag:s7] =	ssyncset.done $0x0  }
.Ltmp3:
0xa8: {  	[sflag:s7] =	ssyncadd.s32 $0xFFFFC000;
	(pc) =	sbr.rel @!p1 .LBB2_3-.Ltmp3, $4  }
0xa9: {  	[spmem:s2] =	stream.indirect.scatter.add.f32 [tilespmem:s0], [sflag:$0x4], $0x80, s31, s23, $0xb8;
	[tilespmem:$0x1BA00] =	vst v63  }
0xaa: {  	_ = 	snop  }
0xab: {  	[spmem:s2] =	stream.indirect.scatter.add.f32 [tilespmem:s14], [sflag:$0x4], $0x80, s11, s23, $0xb8;
	[tilespmem:$0x1BA00] =	vst v63  }
0xac: {  	s9 =	sadd.s32 $0x2, s9;
	s16 =	sadd.s32 $0x1000, s16  }
.Ltmp4:
0xad: {  	(pc) =	sbr.rel .LBB2_8-.Ltmp4, $4  }
0xae: {  	[spmem:s2] =	stream.indirect.scatter.add.f32 [tilespmem:s12], [sflag:$0x4], $0x80, s6, s23, $0xb8;
	[tilespmem:$0x1BA00] =	vst v63  }
0xaf: {  	s9 =	rddreg [dreg:$0x4]  }
0xb0: {  	s20 =	simm.s32 $0x14A00;
	s11 =	rddreg [dreg:$0xe]  }
0xb1: {  	[spmem:s2] =	stream.indirect.scatter.add.f32 [tilespmem:s8], [sflag:$0x4], $0x80, s15, s23, $0xb8;
	[tilespmem:$0x1BA00] =	vst v63  }
.LBB2_5:
0xb2: {  	[tilespmem:s21], [sflag:$0x5] =	stream.linear.gather [hbm4b:s10+s9], $0x80, $0x38;
	[tilespmem:$0x1BA00] =	vst v63  }
0xb3: {  	_ =	swait.ge [sflag:s19], $0x80  }
0xb4: {  	[sflag:s19] =	ssyncset.done $0x0  }
0xb5: {  	s16 =	rddreg [dreg:$0x7];
	[sflag:s19] =	ssyncadd.s32 $0xFFFFFF80  }
0xb6: {  	[tilespmem:s24], [sflag:$0x1] =	stream.linear.gather [hbm4b:s16+s9], $0x4000, $0x38;
	[tilespmem:$0x1BA00] =	vst v63  }
0xb7: {  	_ =	swait.ge [sflag:s22], $0x4000  }
0xb8: {  	[sflag:s22] =	ssyncset.done $0x0  }
0xb9: {  	[sflag:s22] =	ssyncadd.s32 $0xFFFFC000  }
0xba: {  	[spmem:s2] =	stream.indirect.scatter.add.f32 [tilespmem:s24], [sflag:$0x3], $0x80, s21, s23, $0xb8;
	[tilespmem:$0x1BA00] =	vst v63  }
0xbb: {  	_ = 	snop  }
0xbc: {  	[spmem:s2] =	stream.indirect.scatter.add.f32 [tilespmem:s20], [sflag:$0x3], $0x80, s18, s23, $0xb8;
	[tilespmem:$0x1BA00] =	vst v63  }
0xbd: {  	p1 =	por $0x1, $0x1  }
0xbe: {  	[spmem:s2] =	stream.indirect.scatter.add.f32 [tilespmem:s26], [sflag:$0x3], $0x80, s25, s23, $0xb8;
	[tilespmem:$0x1BA00] =	vst v63  }
0xbf: {  	s9 =	simm.s32 @!p1 $0x4  }
0xc0: {  	[spmem:s2] =	stream.indirect.scatter.add.f32 [tilespmem:s8], [sflag:$0x3], $0x80, s28, s23, $0xb8;
	[tilespmem:$0x1BA00] =	vst v63  }
0xc1: {  	_ =	swait.ge @!p1 [sflag:s9], $0x1000  }
0xc2: {  	[sflag:s9] =	ssyncset.done @!p1 $0x0  }
0xc3: {  	[sflag:s9] =	ssyncadd.s32 @!p1 $0xFFFFF000  }
0xc4: {  	_ =	swait.ge @!p1 [sflag:s9], $0x1000  }
0xc5: {  	[sflag:s9] =	ssyncset.done @!p1 $0x0  }
0xc6: {  	[sflag:s9] =	ssyncadd.s32 @!p1 $0xFFFFF000  }
0xc7: {  	_ =	swait.ge @!p1 [sflag:s9], $0x1000  }
0xc8: {  	[sflag:s9] =	ssyncset.done @!p1 $0x0  }
0xc9: {  	[sflag:s9] =	ssyncadd.s32 @!p1 $0xFFFFF000  }
0xca: {  	s14 =	sadd.s32 $0x0, s10;
	_ =	swait.ge @!p1 [sflag:s9], $0x1000  }
0xcb: {  	s16 =	sadd.s32 $0x10, s14;
	[sflag:s9] =	ssyncset.done @!p1 $0x0;
	s20 =	rddreg [dreg:$0xc]  }
0xcc: {  	s15 =	rddreg [dreg:$0xb];
	s17 =	sadd.s32 $0xFFFFFFFF, s20;
	[sflag:s9] =	ssyncadd.s32 @!p1 $0xFFFFF000  }
0xcd: {  	[tilespmem:s31], [sflag:$0x5] =	stream.linear.gather [hbm4b:s16+s3], $0x80, $0x38;
	[tilespmem:$0x1BA00] =	vst v63  }
0xce: {  	s9 =	sadd.s32 $0xFFFFF800, s15;
	p1 =	slt.u32 s17, $0x9C4;
	_ =	swait.ge [sflag:s19], $0x80  }
0xcf: {  	s9 =	simm.s32 @!p1 $0x0;
	[sflag:s19] =	ssyncset.done $0x0  }
0xd0: {  	s9 =	sadd.s32 s5, s9;
	[sflag:s19] =	ssyncadd.s32 $0xFFFFFF80  }
0xd1: {  	[tilespmem:s0], [sflag:$0x2] =	stream.linear.gather [hbm4b:s9+s3], $0x4000, $0x38;
	[tilespmem:$0x1BA00] =	vst v63  }
0xd2: {  	_ =	swait.ge [sflag:s1], $0x1000  }
0xd3: {  	[sflag:s1] =	ssyncset.done $0x0  }
0xd4: {  	[sflag:s1] =	ssyncadd.s32 $0xFFFFF000  }
0xd5: {  	_ =	swait.ge [sflag:s1], $0x1000  }
0xd6: {  	[sflag:s1] =	ssyncset.done $0x0  }
0xd7: {  	[sflag:s1] =	ssyncadd.s32 $0xFFFFF000  }
0xd8: {  	_ =	swait.ge [sflag:s1], $0x1000  }
0xd9: {  	[sflag:s1] =	ssyncset.done $0x0  }
0xda: {  	s29 =	simm.s32 $0x15A00;
	s30 =	simm.s32 $0x13960;
	[sflag:s1] =	ssyncadd.s32 $0xFFFFF000  }
0xdb: {  	s11 =	simm.s32 $0x139A0;
	p1 =	por $0x0, $0x0;
	_ =	swait.ge [sflag:s1], $0x1000  }
0xdc: {  	s16 =	simm.s32 @!p1 $0x0;
	s9 =	sadd.s32 @!p1 $0x0, s10;
	[sflag:s1] =	ssyncset.done $0x0  }
0xdd: {  	s17 =	simm.s32 @!p1 $0x13900;
	s9 =	sadd.s32 @!p1 $0x20, s9;
	[sflag:s1] =	ssyncadd.s32 $0xFFFFF000  }
0xde: {  	[tilespmem:s17], [sflag:$0x5] =	stream.linear.gather @!p1 [hbm4b:s9+s16], $0x80, $0x38;
	[tilespmem:$0x1BA00] =	vst v63  }
0xdf: {  	s6 =	simm.s32 $0x139C0;
	p2 =	slt.u32 @!p1 s20, $0x9C4;
	s9 =	simm.s32 @!p1 $0x5  }
0xe0: {  	p2 =	por !p2, p1;
	s17 =	smov.u32 s15;
	_ =	swait.ge @!p1 [sflag:s9], $0x80  }
0xe1: {  	s12 =	simm.s32 $0x19A00;
	s17 =	simm.s32 @p2 $0x0;
	[sflag:s9] =	ssyncset.done @!p1 $0x0  }
0xe2: {  	[sflag:s9] =	ssyncadd.s32 @!p1 $0xFFFFFF80;
	s9 =	sadd.s32 @!p1 s5, s17;
	s17 =	simm.s32 @!p1 $0x13A00  }
0xe3: {  	[tilespmem:s17], [sflag:$0x1] =	stream.linear.gather @!p1 [hbm4b:s9+s16], $0x4000, $0x38;
	[tilespmem:$0x1BA00] =	vst v63  }
0xe4: {  	s14 =	simm.s32 $0x18A00;
	s26 =	simm.s32 $0x14A00;
	_ =	swait.ge [sflag:s7], $0x4000  }
0xe5: {  	s25 =	simm.s32 $0x13920;
	s28 =	simm.s32 $0x13940;
	[sflag:s7] =	ssyncset.done $0x0  }
0xe6: {  	s8 =	simm.s32 $0x1AA00;
	s17 =	simm.s32 $0x20;
	[sflag:s7] =	ssyncadd.s32 $0xFFFFC000  }
0xe7: {  	[spmem:s2] =	stream.indirect.scatter.add.f32 [tilespmem:s0], [sflag:$0x4], $0x80, s31, s23, $0xb8;
	[tilespmem:$0x1BA00] =	vst v63  }
0xe8: {  	s16 =	sadd.s32 $0x1000, s15;
	s9 =	sadd.s32 $0x2, s20;
	s15 =	simm.s32 $0x139E0  }
0xe9: {  	[spmem:s2] =	stream.indirect.scatter.add.f32 [tilespmem:s14], [sflag:$0x4], $0x80, s11, s23, $0xb8;
	[tilespmem:$0x1BA00] =	vst v63  }
.LBB2_6:
0xea: {  	[spmem:s2] =	stream.indirect.scatter.add.f32 [tilespmem:s12], [sflag:$0x4], $0x80, s6, s23, $0xb8;
	[tilespmem:$0x1BA00] =	vst v63  }
0xeb: {  	s18 =	smov.u32 s17;
	s17 =	sadd.s32 $0x20, s17  }
0xec: {  	[spmem:s2] =	stream.indirect.scatter.add.f32 [tilespmem:s8], [sflag:$0x4], $0x80, s15, s23, $0xb8;
	[tilespmem:$0x1BA00] =	vst v63  }
0xed: {  	p1 =	sne.s32 s17, $0xA00;
	_ =	swait.ge [sflag:s22], $0x4000  }
0xee: {  	[sflag:s22] =	ssyncset.done $0x0  }
0xef: {  	[sflag:s22] =	ssyncadd.s32 $0xFFFFC000  }
0xf0: {  	[spmem:s2] =	stream.indirect.scatter.add.f32 [tilespmem:s24], [sflag:$0x3], $0x80, s21, s23, $0xb8;
	[tilespmem:$0x1BA00] =	vst v63  }
0xf1: {  	_ = 	snop  }
0xf2: {  	[spmem:s2] =	stream.indirect.scatter.add.f32 [tilespmem:s26], [sflag:$0x3], $0x80, s25, s23, $0xb8;
	[tilespmem:$0x1BA00] =	vst v63  }
0xf3: {  	_ = 	snop  }
0xf4: {  	[spmem:s2] =	stream.indirect.scatter.add.f32 [tilespmem:s29], [sflag:$0x3], $0x80, s28, s23, $0xb8;
	[tilespmem:$0x1BA00] =	vst v63  }
0xf5: {  	s20 =	simm.s32 $0x16A00;
	p2 =	seq.s32 s18, $0x0  }
0xf6: {  	[spmem:s2] =	stream.indirect.scatter.add.f32 [tilespmem:s20], [sflag:$0x3], $0x80, s30, s23, $0xb8;
	[tilespmem:$0x1BA00] =	vst v63  }
0xf7: {  	s20 =	simm.s32 @!p2 $0x4  }
0xf8: {  	_ =	swait.ge @!p2 [sflag:s20], $0x1000  }
0xf9: {  	[sflag:s20] =	ssyncset.done @!p2 $0x0  }
0xfa: {  	[sflag:s20] =	ssyncadd.s32 @!p2 $0xFFFFF000  }
0xfb: {  	_ =	swait.ge @!p2 [sflag:s20], $0x1000  }
0xfc: {  	[sflag:s20] =	ssyncset.done @!p2 $0x0  }
0xfd: {  	[sflag:s20] =	ssyncadd.s32 @!p2 $0xFFFFF000  }
0xfe: {  	_ =	swait.ge @!p2 [sflag:s20], $0x1000  }
0xff: {  	[sflag:s20] =	ssyncset.done @!p2 $0x0  }
0x100: {  	s21 =	sadd.s32 s18, s10;
	[sflag:s20] =	ssyncadd.s32 @!p2 $0xFFFFF000  }
0x101: {  	s21 =	sadd.s32 $0x10, s21;
	_ =	swait.ge @!p2 [sflag:s20], $0x1000  }
0x102: {  	s24 =	sadd.s32 $0xFFFFFFFF, s9;
	[sflag:s20] =	ssyncset.done @!p2 $0x0  }
0x103: {  	[sflag:s20] =	ssyncadd.s32 @!p2 $0xFFFFF000;
	p2 =	slt.u32 s24, $0x9C4;
	s20 =	sadd.s32 $0xFFFFF800, s16  }
0x104: {  	[tilespmem:s31], [sflag:$0x5] =	stream.linear.gather [hbm4b:s21+s3], $0x80, $0x38;
	[tilespmem:$0x1BA00] =	vst v63  }
0x105: {  	s20 =	simm.s32 @!p2 $0x0;
	_ =	swait.ge [sflag:s19], $0x80  }
0x106: {  	s20 =	sadd.s32 s5, s20;
	[sflag:s19] =	ssyncset.done $0x0  }
0x107: {  	[sflag:s19] =	ssyncadd.s32 $0xFFFFFF80  }
0x108: {  	[tilespmem:s0], [sflag:$0x2] =	stream.linear.gather [hbm4b:s20+s3], $0x4000, $0x38;
	[tilespmem:$0x1BA00] =	vst v63  }
0x109: {  	_ =	swait.ge [sflag:s1], $0x1000  }
0x10a: {  	[sflag:s1] =	ssyncset.done $0x0  }
0x10b: {  	[sflag:s1] =	ssyncadd.s32 $0xFFFFF000  }
0x10c: {  	_ =	swait.ge [sflag:s1], $0x1000  }
0x10d: {  	[sflag:s1] =	ssyncset.done $0x0  }
0x10e: {  	[sflag:s1] =	ssyncadd.s32 $0xFFFFF000  }
0x10f: {  	_ =	swait.ge [sflag:s1], $0x1000  }
0x110: {  	[sflag:s1] =	ssyncset.done $0x0  }
0x111: {  	p2 =	seq.s32 s18, $0x9E0;
	[sflag:s1] =	ssyncadd.s32 $0xFFFFF000  }
0x112: {  	s18 =	sadd.s32 @!p2 s18, s10;
	s20 =	simm.s32 @!p2 $0x5;
	_ =	swait.ge [sflag:s1], $0x1000  }
0x113: {  	s21 =	simm.s32 @!p2 $0x0;
	s18 =	sadd.s32 @!p2 $0x20, s18;
	[sflag:s1] =	ssyncset.done $0x0  }
0x114: {  	p3 =	slt.u32 @!p2 s9, $0x9C4;
	s24 =	simm.s32 @!p2 $0x13900;
	[sflag:s1] =	ssyncadd.s32 $0xFFFFF000  }
0x115: {  	[tilespmem:s24], [sflag:$0x5] =	stream.linear.gather @!p2 [hbm4b:s18+s21], $0x80, $0x38;
	[tilespmem:$0x1BA00] =	vst v63  }
0x116: {  	s24 =	simm.s32 $0x13A00  }
0x117: {  	p3 =	por !p3, p2;
	s18 =	smov.u32 s16;
	_ =	swait.ge @!p2 [sflag:s20], $0x80  }
0x118: {  	s18 =	simm.s32 @p3 $0x0;
	[sflag:s20] =	ssyncset.done @!p2 $0x0  }
0x119: {  	s18 =	sadd.s32 @!p2 s5, s18;
	[sflag:s20] =	ssyncadd.s32 @!p2 $0xFFFFFF80;
	s20 =	simm.s32 @!p2 $0x13A00  }
0x11a: {  	[tilespmem:s20], [sflag:$0x1] =	stream.linear.gather @!p2 [hbm4b:s18+s21], $0x4000, $0x38;
	[tilespmem:$0x1BA00] =	vst v63  }
0x11b: {  	s21 =	simm.s32 $0x13900  }
0x11c: {  	_ =	swait.ge [sflag:s7], $0x4000  }
0x11d: {  	[sflag:s7] =	ssyncset.done $0x0  }
.Ltmp5:
0x11e: {  	[sflag:s7] =	ssyncadd.s32 $0xFFFFC000;
	(pc) =	sbr.rel @p1 .LBB2_6-.Ltmp5, $4  }
0x11f: {  	[spmem:s2] =	stream.indirect.scatter.add.f32 [tilespmem:s0], [sflag:$0x4], $0x80, s31, s23, $0xb8;
	[tilespmem:$0x1BA00] =	vst v63  }
0x120: {  	_ = 	snop  }
0x121: {  	[spmem:s2] =	stream.indirect.scatter.add.f32 [tilespmem:s14], [sflag:$0x4], $0x80, s11, s23, $0xb8;
	[tilespmem:$0x1BA00] =	vst v63  }
0x122: {  	s9 =	sadd.s32 $0x2, s9;
	s16 =	sadd.s32 $0x1000, s16  }
.Ltmp6:
0x123: {  	_ = 	snop;
	(pc) =	sbr.rel .LBB2_7-.Ltmp6, $1  }
0x124: {  	_ =	sdelay $0x3  }
.LBB2_9:
0x125: {  	_ =	sfence.sel $0x180000  }
0x126: {  	[bflag:$0x0] =	sbarrier.arrive $0xFFFF  }
0x127: {  	_ =	strace $0x90000053  }
0x128: {  	s0 =	stileid.u32;
	[bflag:$0x2] =	sbarrier.arrive $0xFFFF  }
0x129: {  	p0 =	sne.s32 s0, $0x0;
	s0 =	rddreg [dreg:$0x2]  }
0x12a: {  	s0 =	sadd.s32 @!p0 $0x100000, s0  }
0x12b: {  	[sflag:s0] =	ssyncadd.tile.s32 @!p0 $0x1;
	_ =	shalt  }
.Lfunc_end2:
_tile_overlayer_lowered:
.L_overlay_start_2:
0x12c: {  	(tag) =	ssettag $0x2  }
0x12d: {  	s0 =	rddreg [dreg:$0x0];
	s2 =	stileid.u32  }
0x12e: {  	s1 =	rddreg [dreg:$0x1];
	p0 =	sne.s32 s2, $0x0  }
0x12f: {  	s3 =	rddreg [dreg:$0x2];
	[bflag:$0x3] =	sbarrier.arrive $0xFFFF;
	s2 =	simm.s32 @!p0 $0x1C05  }
0x130: {  	[timem:s3], [sflag:s2] =	dma.local @!p0 [hbm:s0], s1  }
0x131: {  	s0 =	simm.s32 @!p0 $0x5  }
0x132: {  	_ =	swait.ge @!p0 [sflag:s0], s1  }
0x133: {  	s1 =	ssub.s32 @!p0 $0x0, s1;
	[sflag:s0] =	ssyncset.done @!p0 $0x0  }
0x134: {  	[sflag:s0] =	ssyncadd.s32 @!p0 s1  }
0x135: {  	[bflag:$0x3] =	sbarrier.arrive $0xFFFF  }
0x136: {  	_ =	shalt  }

</sc_bundles>
